<compile_context>
chip_gen: v7x
topology: tpu7x:2x2x1
jax: 0.10.2.dev20260603
libtpu: 0.0.44.dev20260713+nightly
codegen_flags: <defaults>
</compile_context>

<pallas_src>
import functools

import jax
import jax.numpy as jnp
from jax import lax
from jax.experimental import pallas as pl
from jax.experimental.pallas import tpu as pltpu
from jax.experimental.pallas import tpu_sc as plsc

N = 10000
H = 128
E = 320000
LAYERS = 3

NC = 2
NS = 16
NW = NC * NS
CH = 56
NCHUNK = 180
EPT = NCHUNK * CH
E_PAD = NW * EPT
NBUF = 4
NPHASE = 3
HALF = NCHUNK // NPHASE
NGROUP = HALF // NBUF
N_ACC = N + 8
RPT = 624
TAIL_OFF = NS * RPT
ZTAIL = N_ACC - TAIL_OFF
OTAIL = N - TAIL_OFF

_SC_MESH = plsc.VectorSubcoreMesh(core_axis_name="c", subcore_axis_name="s")


@functools.partial(
    pl.kernel,
    mesh=_SC_MESH,
    out_type=jax.ShapeDtypeStruct((NC, N, H), jnp.float32),
    scratch_types=[
        pltpu.VMEM((HALF, CH), jnp.int32),
        pltpu.VMEM((HALF, CH), jnp.int32),
        [pltpu.VMEM((CH, H), jnp.float32)] * NBUF,
        pltpu.VMEM_SHARED((N_ACC, H), jnp.float32),
        [pltpu.SemaphoreType.DMA] * NBUF,
        [pltpu.SemaphoreType.DMA] * NBUF,
    ],
)
def _sc_scatter(m_hbm, src_hbm, dst_hbm, zeros_hbm, out_hbm,
                src_v, dst_v, rows, agg_sh, sg, ss):
    c = lax.axis_index("c")
    s = lax.axis_index("s")
    wid = c * NS + s
    pltpu.sync_copy(src_hbm.at[wid, 0], src_v)
    pltpu.sync_copy(dst_hbm.at[wid, 0], dst_v)
    for b in range(NBUF):
        pltpu.async_copy(m_hbm.at[src_v.at[b]], rows[b], sg[b])
    pltpu.sync_copy(zeros_hbm.at[pl.ds(0, RPT)],
                    agg_sh.at[pl.ds(s * RPT, RPT)])

    @pl.when(s == NS - 1)
    def _zero_tail():
        pltpu.sync_copy(zeros_hbm.at[pl.ds(0, ZTAIL)],
                        agg_sh.at[pl.ds(TAIL_OFF, ZTAIL)])
    plsc.subcore_barrier()

    for ph in range(NPHASE):
        if ph > 0:
            pltpu.sync_copy(src_hbm.at[wid, ph], src_v)
            pltpu.sync_copy(dst_hbm.at[wid, ph], dst_v)
            for b in range(NBUF):
                pltpu.async_copy(m_hbm.at[src_v.at[b]], rows[b], sg[b])

        def group(g, carry):
            base = g * NBUF
            for b in range(NBUF):
                j = base + b
                pltpu.make_async_copy(m_hbm.at[src_v.at[j]], rows[b],
                                      sg[b]).wait()
                pltpu.async_copy(rows[b], agg_sh.at[dst_v.at[j]], ss[b],
                                 add=True)

            @pl.when(g < NGROUP - 1)
            def _prefetch():
                for b in range(NBUF):
                    j = base + b
                    pltpu.make_async_copy(rows[b], agg_sh.at[dst_v.at[j]],
                                          ss[b]).wait()
                    pltpu.async_copy(m_hbm.at[src_v.at[j + NBUF]], rows[b],
                                     sg[b])
            return carry

        lax.fori_loop(0, NGROUP, group, 0)
        for b in range(NBUF):
            j = (NGROUP - 1) * NBUF + b
            pltpu.make_async_copy(rows[b], agg_sh.at[dst_v.at[j]],
                                  ss[b]).wait()
    plsc.subcore_barrier()
    pltpu.sync_copy(agg_sh.at[pl.ds(s * RPT, RPT)],
                    out_hbm.at[c, pl.ds(s * RPT, RPT)])

    @pl.when(s == NS - 1)
    def _out_tail():
        pltpu.sync_copy(agg_sh.at[pl.ds(TAIL_OFF, OTAIL)],
                        out_hbm.at[c, pl.ds(TAIL_OFF, OTAIL)])


_RB = 5000
_GRID = N // _RB


def _mm_body(x_ref, w_ref, o_ref):
    o_ref[...] = jnp.dot(x_ref[...], w_ref[...],
                         preferred_element_type=jnp.float32)


_mm = pl.pallas_call(
    _mm_body,
    grid=(_GRID,),
    in_specs=[
        pl.BlockSpec((_RB, H), lambda i: (i, 0)),
        pl.BlockSpec((H, H), lambda i: (0, 0)),
    ],
    out_specs=pl.BlockSpec((_RB, H), lambda i: (i, 0)),
    out_shape=jax.ShapeDtypeStruct((N, H), jnp.float32),
)


def _gru_math(parts_ref, x_ref, wih_ref, whh_ref, bih_ref, bhh_ref):
    agg = parts_ref[0] + parts_ref[1]
    x = x_ref[...]
    gi = jnp.dot(agg, wih_ref[...], preferred_element_type=jnp.float32) \
        + bih_ref[...]
    gh = jnp.dot(x, whh_ref[...], preferred_element_type=jnp.float32) \
        + bhh_ref[...]
    r = jax.nn.sigmoid(gi[:, :H] + gh[:, :H])
    zg = jax.nn.sigmoid(gi[:, H:2 * H] + gh[:, H:2 * H])
    n = jnp.tanh(gi[:, 2 * H:] + r * gh[:, 2 * H:])
    return (1.0 - zg) * n + zg * x


def _gru_body(parts_ref, x_ref, wn_ref, wih_ref, whh_ref, bih_ref, bhh_ref,
              xo_ref, mo_ref):
    xn = _gru_math(parts_ref, x_ref, wih_ref, whh_ref, bih_ref, bhh_ref)
    xo_ref[...] = xn
    mo_ref[...] = jnp.dot(xn, wn_ref[...], preferred_element_type=jnp.float32)


def _gru_last_body(parts_ref, x_ref, wih_ref, whh_ref, bih_ref, bhh_ref,
                   xo_ref):
    xo_ref[...] = _gru_math(parts_ref, x_ref, wih_ref, whh_ref, bih_ref,
                            bhh_ref)


_GRU_IN_SPECS = [
    pl.BlockSpec((NC, _RB, H), lambda i: (0, i, 0)),
    pl.BlockSpec((_RB, H), lambda i: (i, 0)),
]
_W_SPECS = [
    pl.BlockSpec((H, 3 * H), lambda i: (0, 0)),
    pl.BlockSpec((H, 3 * H), lambda i: (0, 0)),
    pl.BlockSpec((1, 3 * H), lambda i: (0, 0)),
    pl.BlockSpec((1, 3 * H), lambda i: (0, 0)),
]

_gru = pl.pallas_call(
    _gru_body,
    grid=(_GRID,),
    in_specs=_GRU_IN_SPECS + [pl.BlockSpec((H, H), lambda i: (0, 0))]
    + _W_SPECS,
    out_specs=[
        pl.BlockSpec((_RB, H), lambda i: (i, 0)),
        pl.BlockSpec((_RB, H), lambda i: (i, 0)),
    ],
    out_shape=[
        jax.ShapeDtypeStruct((N, H), jnp.float32),
        jax.ShapeDtypeStruct((N, H), jnp.float32),
    ],
)

_gru_last = pl.pallas_call(
    _gru_last_body,
    grid=(_GRID,),
    in_specs=_GRU_IN_SPECS + _W_SPECS,
    out_specs=pl.BlockSpec((_RB, H), lambda i: (i, 0)),
    out_shape=jax.ShapeDtypeStruct((N, H), jnp.float32),
)


def kernel(z, edge_index, weight, W_ih, W_hh, b_ih, b_hh):
    pad = E_PAD - E
    pad_src = (jnp.arange(pad, dtype=jnp.int32) * 127) % N
    pad_dst = N + (jnp.arange(pad, dtype=jnp.int32) % (N_ACC - N))
    src = jnp.concatenate(
        [edge_index[0].astype(jnp.int32), pad_src]).reshape(
            NW, NPHASE, HALF, CH)
    dst = jnp.concatenate(
        [edge_index[1].astype(jnp.int32), pad_dst]).reshape(
            NW, NPHASE, HALF, CH)
    W_ihT = W_ih.T.astype(jnp.float32)
    W_hhT = W_hh.T.astype(jnp.float32)
    b_ih2 = b_ih.reshape(1, 3 * H)
    b_hh2 = b_hh.reshape(1, 3 * H)
    zeros = jnp.zeros((RPT, H), jnp.float32)

    x = z
    m = _mm(x, weight[0])
    for i in range(LAYERS):
        parts = _sc_scatter(m, src, dst, zeros)
        if i < LAYERS - 1:
            x, m = _gru(parts, x, weight[i + 1], W_ihT, W_hhT, b_ih2, b_hh2)
        else:
            x = _gru_last(parts, x, W_ihT, W_hhT, b_ih2, b_hh2)
    return x

# --- scband reference (transcript-rebuilt; emitter-appended) ---
"""Pipeline reference for scband-mpnnp-43748536877306 (READ-ONLY COPY).

The authoritative reference and input builder live on the scoring server;
editing this copy changes nothing except your own understanding.
"""

import jax, jax.numpy as jnp
import numpy as np

N_NODES = 10000
N_EDGES = 320000
HIDDEN = 128
N_LAYERS = 3


def setup_inputs(seed: int = 0) -> dict:
    key = jax.random.key(seed)
    ks = jax.random.split(key, 8)
    z = jax.random.normal(ks[0], (N_NODES, HIDDEN), dtype=jnp.float32)
    edge_index = jax.random.randint(ks[1], (2, N_EDGES), 0, N_NODES, dtype=jnp.int64)
    # GatedGraphConv parameters
    scale = 1.0 / np.sqrt(HIDDEN)
    weight = jax.random.uniform(ks[2], (N_LAYERS, HIDDEN, HIDDEN), dtype=jnp.float32, minval=-scale, maxval=scale)
    # GRUCell parameters (torch layout: [3*H, H])
    W_ih = jax.random.uniform(ks[3], (3 * HIDDEN, HIDDEN), dtype=jnp.float32, minval=-scale, maxval=scale)
    W_hh = jax.random.uniform(ks[4], (3 * HIDDEN, HIDDEN), dtype=jnp.float32, minval=-scale, maxval=scale)
    b_ih = jax.random.uniform(ks[5], (3 * HIDDEN,), dtype=jnp.float32, minval=-scale, maxval=scale)
    b_hh = jax.random.uniform(ks[6], (3 * HIDDEN,), dtype=jnp.float32, minval=-scale, maxval=scale)
    return {"z": z, "edge_index": edge_index, "weight": weight, "W_ih": W_ih, "W_hh": W_hh, "b_ih": b_ih, "b_hh": b_hh}


def gru_cell(inp, h, W_ih, W_hh, b_ih, b_hh):
    gi = inp @ W_ih.T + b_ih
    gh = h @ W_hh.T + b_hh
    i_r, i_z, i_n = jnp.split(gi, 3, axis=1)
    h_r, h_z, h_n = jnp.split(gh, 3, axis=1)
    r = jax.nn.sigmoid(i_r + h_r)
    zg = jax.nn.sigmoid(i_z + h_z)
    n = jnp.tanh(i_n + r * h_n)
    return (1.0 - zg) * n + zg * h


def reference(z, edge_index, weight, W_ih, W_hh, b_ih, b_hh):
    # GatedGraphConv(out_channels=HIDDEN, num_layers=N_LAYERS, aggr='add')
    src = edge_index[0]
    dst = edge_index[1]
    x = z  # in_channels == out_channels, no padding needed
    for i in range(N_LAYERS):
        m = x @ weight[i]
        # message: m_j gathered from src, scatter-add to dst
        agg = jnp.zeros_like(x).at[dst].add(m[src])
        x = gru_cell(agg, x, W_ih, W_hh, b_ih, b_hh)
    return x

if __name__ == "__main__":
    import jax
    _d = setup_inputs()
    print(jax.jit(kernel)(*tuple(_d.values())))

</pallas_src>

<mosaic_0001>
#map = affine_map<(d0, d1) -> (0, 0)>
#map1 = affine_map<(d0, d1) -> (0, 0, 0, 0)>
#map2 = affine_map<(d0, d1) -> (0, 0, 0)>
module attributes {stable_mosaic.version = 14 : i64} {
  func.func @_sc_scatter(%arg0: i32, %arg1: i32, %arg2: memref<10000x128xf32, #tpu.memory_space<hbm>>, %arg3: memref<32x3x60x56xi32, #tpu.memory_space<hbm>>, %arg4: memref<32x3x60x56xi32, #tpu.memory_space<hbm>>, %arg5: memref<624x128xf32, #tpu.memory_space<hbm>>, %arg6: memref<2x10000x128xf32, #tpu.memory_space<hbm>>, %arg7: memref<60x56xi32, #tpu.memory_space<vmem>>, %arg8: memref<60x56xi32, #tpu.memory_space<vmem>>, %arg9: memref<56x128xf32, #tpu.memory_space<vmem>>, %arg10: memref<56x128xf32, #tpu.memory_space<vmem>>, %arg11: memref<56x128xf32, #tpu.memory_space<vmem>>, %arg12: memref<56x128xf32, #tpu.memory_space<vmem>>, %arg13: memref<10008x128xf32, #tpu.memory_space<vmem_shared>>, %arg14: memref<!tpu.dma_semaphore, #tpu.memory_space<semaphore_mem>>, %arg15: memref<!tpu.dma_semaphore, #tpu.memory_space<semaphore_mem>>, %arg16: memref<!tpu.dma_semaphore, #tpu.memory_space<semaphore_mem>>, %arg17: memref<!tpu.dma_semaphore, #tpu.memory_space<semaphore_mem>>, %arg18: memref<!tpu.dma_semaphore, #tpu.memory_space<semaphore_mem>>, %arg19: memref<!tpu.dma_semaphore, #tpu.memory_space<semaphore_mem>>, %arg20: memref<!tpu.dma_semaphore, #tpu.memory_space<semaphore_mem>>, %arg21: memref<!tpu.dma_semaphore, #tpu.memory_space<semaphore_mem>>) attributes {dimension_semantics = [#tpu.dimension_semantics<core_parallel>, #tpu.dimension_semantics<subcore_parallel>], iteration_bounds = array<i64: 2, 16>, scalar_prefetch = 0 : i64, scratch_operands = 15 : i64, tpu.core_type = #tpu.core_type<sc_vector_subcore>, window_params = [{transform_indices = #map}, {transform_indices = #map1}, {transform_indices = #map1}, {transform_indices = #map}, {transform_indices = #map2}]} {
    %mul3A = arith.constant 16 : i32
    %mul3A_0 = arith.muli %arg0, %mul3A : i32
    %add3A = arith.addi %mul3A_0, %arg1 : i32
    %run_scoped3A = arith.constant 0 : i32
    "tpu.region"() ({
      %run_scoped3A_203 = tpu.sem_alloc : memref<!tpu.dma_semaphore, #tpu.memory_space<semaphore_mem>>
      %dma_start3A_204 = arith.constant 0 : i32
      %dma_start3A_205 = arith.constant 0 : i32
      %dma_start3A_206 = tpu.memref_slice %arg3[%add3A, %run_scoped3A, %dma_start3A_204, %dma_start3A_205] : memref<32x3x60x56xi32, #tpu.memory_space<hbm>> -> memref<1x1x60x56xi32, #tpu.memory_space<hbm>>
      %dma_start3A_207 = tpu.memref_squeeze %dma_start3A_206 : memref<1x1x60x56xi32, #tpu.memory_space<hbm>> -> memref<60x56xi32, #tpu.memory_space<hbm>>
      %dma_start3A_208 = arith.constant 0 : i32
      %dma_start3A_209 = arith.constant 0 : i32
      %dma_start3A_210 = tpu.memref_slice %arg3[%add3A, %run_scoped3A, %dma_start3A_208, %dma_start3A_209] : memref<32x3x60x56xi32, #tpu.memory_space<hbm>> -> memref<1x1x60x56xi32, #tpu.memory_space<hbm>>
      %dma_start3A_211 = tpu.memref_squeeze %dma_start3A_210 : memref<1x1x60x56xi32, #tpu.memory_space<hbm>> -> memref<60x56xi32, #tpu.memory_space<hbm>>
      tpu.enqueue_dma source(%dma_start3A_211 : memref<60x56xi32, #tpu.memory_space<hbm>>) target(%arg7 : memref<60x56xi32, #tpu.memory_space<vmem>>) target_semaphore(%run_scoped3A_203 : memref<!tpu.dma_semaphore, #tpu.memory_space<semaphore_mem>>)
      %dma_wait3A_212 = arith.constant 0 : i32
      %dma_wait3A_213 = arith.constant 0 : i32
      %dma_wait3A_214 = tpu.memref_slice %arg3[%add3A, %run_scoped3A, %dma_wait3A_212, %dma_wait3A_213] : memref<32x3x60x56xi32, #tpu.memory_space<hbm>> -> memref<1x1x60x56xi32, #tpu.memory_space<hbm>>
      %dma_wait3A_215 = tpu.memref_squeeze %dma_wait3A_214 : memref<1x1x60x56xi32, #tpu.memory_space<hbm>> -> memref<60x56xi32, #tpu.memory_space<hbm>>
      %dma_wait3A_216 = arith.constant 0 : i32
      %dma_wait3A_217 = arith.constant 0 : i32
      %dma_wait3A_218 = tpu.memref_slice %arg3[%add3A, %run_scoped3A, %dma_wait3A_216, %dma_wait3A_217] : memref<32x3x60x56xi32, #tpu.memory_space<hbm>> -> memref<1x1x60x56xi32, #tpu.memory_space<hbm>>
      %dma_wait3A_219 = tpu.memref_squeeze %dma_wait3A_218 : memref<1x1x60x56xi32, #tpu.memory_space<hbm>> -> memref<60x56xi32, #tpu.memory_space<hbm>>
      tpu.wait_dma2 semaphore(%run_scoped3A_203 : memref<!tpu.dma_semaphore, #tpu.memory_space<semaphore_mem>>) src(%dma_wait3A_219 : memref<60x56xi32, #tpu.memory_space<hbm>>) dst(%arg7 : memref<60x56xi32, #tpu.memory_space<vmem>>)
      tpu.yield
    }) : () -> ()
    %run_scoped3A_1 = arith.constant 0 : i32
    "tpu.region"() ({
      %run_scoped3A_203 = tpu.sem_alloc : memref<!tpu.dma_semaphore, #tpu.memory_space<semaphore_mem>>
      %dma_start3A_204 = arith.constant 0 : i32
      %dma_start3A_205 = arith.constant 0 : i32
      %dma_start3A_206 = tpu.memref_slice %arg4[%add3A, %run_scoped3A_1, %dma_start3A_204, %dma_start3A_205] : memref<32x3x60x56xi32, #tpu.memory_space<hbm>> -> memref<1x1x60x56xi32, #tpu.memory_space<hbm>>
      %dma_start3A_207 = tpu.memref_squeeze %dma_start3A_206 : memref<1x1x60x56xi32, #tpu.memory_space<hbm>> -> memref<60x56xi32, #tpu.memory_space<hbm>>
      %dma_start3A_208 = arith.constant 0 : i32
      %dma_start3A_209 = arith.constant 0 : i32
      %dma_start3A_210 = tpu.memref_slice %arg4[%add3A, %run_scoped3A_1, %dma_start3A_208, %dma_start3A_209] : memref<32x3x60x56xi32, #tpu.memory_space<hbm>> -> memref<1x1x60x56xi32, #tpu.memory_space<hbm>>
      %dma_start3A_211 = tpu.memref_squeeze %dma_start3A_210 : memref<1x1x60x56xi32, #tpu.memory_space<hbm>> -> memref<60x56xi32, #tpu.memory_space<hbm>>
      tpu.enqueue_dma source(%dma_start3A_211 : memref<60x56xi32, #tpu.memory_space<hbm>>) target(%arg8 : memref<60x56xi32, #tpu.memory_space<vmem>>) target_semaphore(%run_scoped3A_203 : memref<!tpu.dma_semaphore, #tpu.memory_space<semaphore_mem>>)
      %dma_wait3A_212 = arith.constant 0 : i32
      %dma_wait3A_213 = arith.constant 0 : i32
      %dma_wait3A_214 = tpu.memref_slice %arg4[%add3A, %run_scoped3A_1, %dma_wait3A_212, %dma_wait3A_213] : memref<32x3x60x56xi32, #tpu.memory_space<hbm>> -> memref<1x1x60x56xi32, #tpu.memory_space<hbm>>
      %dma_wait3A_215 = tpu.memref_squeeze %dma_wait3A_214 : memref<1x1x60x56xi32, #tpu.memory_space<hbm>> -> memref<60x56xi32, #tpu.memory_space<hbm>>
      %dma_wait3A_216 = arith.constant 0 : i32
      %dma_wait3A_217 = arith.constant 0 : i32
      %dma_wait3A_218 = tpu.memref_slice %arg4[%add3A, %run_scoped3A_1, %dma_wait3A_216, %dma_wait3A_217] : memref<32x3x60x56xi32, #tpu.memory_space<hbm>> -> memref<1x1x60x56xi32, #tpu.memory_space<hbm>>
      %dma_wait3A_219 = tpu.memref_squeeze %dma_wait3A_218 : memref<1x1x60x56xi32, #tpu.memory_space<hbm>> -> memref<60x56xi32, #tpu.memory_space<hbm>>
      tpu.wait_dma2 semaphore(%run_scoped3A_203 : memref<!tpu.dma_semaphore, #tpu.memory_space<semaphore_mem>>) src(%dma_wait3A_219 : memref<60x56xi32, #tpu.memory_space<hbm>>) dst(%arg8 : memref<60x56xi32, #tpu.memory_space<vmem>>)
      tpu.yield
    }) : () -> ()
    %dma_start3A = arith.constant 0 : i32
    %dma_start3A_2 = arith.constant 0 : i32
    %dma_start3A_3 = tpu.memref_slice %arg7[%dma_start3A, %dma_start3A_2] : memref<60x56xi32, #tpu.memory_space<vmem>> -> memref<1x56xi32, #tpu.memory_space<vmem>>
    %dma_start3A_4 = tpu.memref_squeeze %dma_start3A_3 : memref<1x56xi32, #tpu.memory_space<vmem>> -> memref<56xi32, #tpu.memory_space<vmem>>
    %dma_start3A_5 = arith.constant 0 : i32
    %dma_start3A_6 = arith.constant 0 : i32
    %dma_start3A_7 = tpu.memref_slice %arg2[%dma_start3A_5, %dma_start3A_6] : memref<10000x128xf32, #tpu.memory_space<hbm>> -> memref<10000x128xf32, #tpu.memory_space<hbm>>
    tpu.enqueue_indirect_dma source(%dma_start3A_7 : memref<10000x128xf32, #tpu.memory_space<hbm>>) target(%arg9 : memref<56x128xf32, #tpu.memory_space<vmem>>) offsets(%dma_start3A_4 : memref<56xi32, #tpu.memory_space<vmem>>) semaphore(%arg14 : memref<!tpu.dma_semaphore, #tpu.memory_space<semaphore_mem>>)
    %dma_start3A_8 = arith.constant 1 : i32
    %dma_start3A_9 = arith.constant 0 : i32
    %dma_start3A_10 = tpu.memref_slice %arg7[%dma_start3A_8, %dma_start3A_9] : memref<60x56xi32, #tpu.memory_space<vmem>> -> memref<1x56xi32, #tpu.memory_space<vmem>>
    %dma_start3A_11 = tpu.memref_squeeze %dma_start3A_10 : memref<1x56xi32, #tpu.memory_space<vmem>> -> memref<56xi32, #tpu.memory_space<vmem>>
    %dma_start3A_12 = arith.constant 0 : i32
    %dma_start3A_13 = arith.constant 0 : i32
    %dma_start3A_14 = tpu.memref_slice %arg2[%dma_start3A_12, %dma_start3A_13] : memref<10000x128xf32, #tpu.memory_space<hbm>> -> memref<10000x128xf32, #tpu.memory_space<hbm>>
    tpu.enqueue_indirect_dma source(%dma_start3A_14 : memref<10000x128xf32, #tpu.memory_space<hbm>>) target(%arg10 : memref<56x128xf32, #tpu.memory_space<vmem>>) offsets(%dma_start3A_11 : memref<56xi32, #tpu.memory_space<vmem>>) semaphore(%arg15 : memref<!tpu.dma_semaphore, #tpu.memory_space<semaphore_mem>>)
    %dma_start3A_15 = arith.constant 2 : i32
    %dma_start3A_16 = arith.constant 0 : i32
    %dma_start3A_17 = tpu.memref_slice %arg7[%dma_start3A_15, %dma_start3A_16] : memref<60x56xi32, #tpu.memory_space<vmem>> -> memref<1x56xi32, #tpu.memory_space<vmem>>
    %dma_start3A_18 = tpu.memref_squeeze %dma_start3A_17 : memref<1x56xi32, #tpu.memory_space<vmem>> -> memref<56xi32, #tpu.memory_space<vmem>>
    %dma_start3A_19 = arith.constant 0 : i32
    %dma_start3A_20 = arith.constant 0 : i32
    %dma_start3A_21 = tpu.memref_slice %arg2[%dma_start3A_19, %dma_start3A_20] : memref<10000x128xf32, #tpu.memory_space<hbm>> -> memref<10000x128xf32, #tpu.memory_space<hbm>>
    tpu.enqueue_indirect_dma source(%dma_start3A_21 : memref<10000x128xf32, #tpu.memory_space<hbm>>) target(%arg11 : memref<56x128xf32, #tpu.memory_space<vmem>>) offsets(%dma_start3A_18 : memref<56xi32, #tpu.memory_space<vmem>>) semaphore(%arg16 : memref<!tpu.dma_semaphore, #tpu.memory_space<semaphore_mem>>)
    %dma_start3A_22 = arith.constant 3 : i32
    %dma_start3A_23 = arith.constant 0 : i32
    %dma_start3A_24 = tpu.memref_slice %arg7[%dma_start3A_22, %dma_start3A_23] : memref<60x56xi32, #tpu.memory_space<vmem>> -> memref<1x56xi32, #tpu.memory_space<vmem>>
    %dma_start3A_25 = tpu.memref_squeeze %dma_start3A_24 : memref<1x56xi32, #tpu.memory_space<vmem>> -> memref<56xi32, #tpu.memory_space<vmem>>
    %dma_start3A_26 = arith.constant 0 : i32
    %dma_start3A_27 = arith.constant 0 : i32
    %dma_start3A_28 = tpu.memref_slice %arg2[%dma_start3A_26, %dma_start3A_27] : memref<10000x128xf32, #tpu.memory_space<hbm>> -> memref<10000x128xf32, #tpu.memory_space<hbm>>
    tpu.enqueue_indirect_dma source(%dma_start3A_28 : memref<10000x128xf32, #tpu.memory_space<hbm>>) target(%arg12 : memref<56x128xf32, #tpu.memory_space<vmem>>) offsets(%dma_start3A_25 : memref<56xi32, #tpu.memory_space<vmem>>) semaphore(%arg17 : memref<!tpu.dma_semaphore, #tpu.memory_space<semaphore_mem>>)
    %mul3A_29 = arith.constant 624 : i32
    %mul3A_30 = arith.muli %arg1, %mul3A_29 : i32
    "tpu.region"() ({
      %run_scoped3A_203 = tpu.sem_alloc : memref<!tpu.dma_semaphore, #tpu.memory_space<semaphore_mem>>
      %dma_start3A_204 = arith.constant 0 : i32
      %dma_start3A_205 = tpu.memref_slice %arg13[%mul3A_30, %dma_start3A_204] : memref<10008x128xf32, #tpu.memory_space<vmem_shared>> -> memref<624x128xf32, #tpu.memory_space<vmem_shared>>
      %dma_start3A_206 = arith.constant 0 : i32
      %dma_start3A_207 = arith.constant 0 : i32
      %dma_start3A_208 = tpu.memref_slice %arg5[%dma_start3A_206, %dma_start3A_207] : memref<624x128xf32, #tpu.memory_space<hbm>> -> memref<624x128xf32, #tpu.memory_space<hbm>>
      tpu.enqueue_dma source(%dma_start3A_208 : memref<624x128xf32, #tpu.memory_space<hbm>>) target(%dma_start3A_205 : memref<624x128xf32, #tpu.memory_space<vmem_shared>>) target_semaphore(%run_scoped3A_203 : memref<!tpu.dma_semaphore, #tpu.memory_space<semaphore_mem>>)
      %dma_wait3A_209 = arith.constant 0 : i32
      %dma_wait3A_210 = tpu.memref_slice %arg13[%mul3A_30, %dma_wait3A_209] : memref<10008x128xf32, #tpu.memory_space<vmem_shared>> -> memref<624x128xf32, #tpu.memory_space<vmem_shared>>
      %dma_wait3A_211 = arith.constant 0 : i32
      %dma_wait3A_212 = arith.constant 0 : i32
      %dma_wait3A_213 = tpu.memref_slice %arg5[%dma_wait3A_211, %dma_wait3A_212] : memref<624x128xf32, #tpu.memory_space<hbm>> -> memref<624x128xf32, #tpu.memory_space<hbm>>
      tpu.wait_dma2 semaphore(%run_scoped3A_203 : memref<!tpu.dma_semaphore, #tpu.memory_space<semaphore_mem>>) src(%dma_wait3A_213 : memref<624x128xf32, #tpu.memory_space<hbm>>) dst(%dma_wait3A_210 : memref<624x128xf32, #tpu.memory_space<vmem_shared>>)
      tpu.yield
    }) : () -> ()
    %eq3A = arith.constant 15 : i32
    %eq3A_31 = arith.cmpi eq, %arg1, %eq3A : i32
    %convert_element_type3A = arith.extui %eq3A_31 : i1 to i32
    %cond3A = arith.constant 0 : i32
    %cond3A_32 = arith.cmpi ne, %convert_element_type3A, %cond3A : i32
    scf.if %cond3A_32 {
      "tpu.region"() ({
        %run_scoped3A_203 = tpu.sem_alloc : memref<!tpu.dma_semaphore, #tpu.memory_space<semaphore_mem>>
        %dma_start3A_204 = arith.constant 9984 : i32
        %dma_start3A_205 = arith.constant 0 : i32
        %dma_start3A_206 = tpu.memref_slice %arg13[%dma_start3A_204, %dma_start3A_205] : memref<10008x128xf32, #tpu.memory_space<vmem_shared>> -> memref<24x128xf32, #tpu.memory_space<vmem_shared>>
        %dma_start3A_207 = arith.constant 0 : i32
        %dma_start3A_208 = arith.constant 0 : i32
        %dma_start3A_209 = tpu.memref_slice %arg5[%dma_start3A_207, %dma_start3A_208] : memref<624x128xf32, #tpu.memory_space<hbm>> -> memref<24x128xf32, #tpu.memory_space<hbm>>
        tpu.enqueue_dma source(%dma_start3A_209 : memref<24x128xf32, #tpu.memory_space<hbm>>) target(%dma_start3A_206 : memref<24x128xf32, #tpu.memory_space<vmem_shared>>) target_semaphore(%run_scoped3A_203 : memref<!tpu.dma_semaphore, #tpu.memory_space<semaphore_mem>>)
        %dma_wait3A_210 = arith.constant 9984 : i32
        %dma_wait3A_211 = arith.constant 0 : i32
        %dma_wait3A_212 = tpu.memref_slice %arg13[%dma_wait3A_210, %dma_wait3A_211] : memref<10008x128xf32, #tpu.memory_space<vmem_shared>> -> memref<24x128xf32, #tpu.memory_space<vmem_shared>>
        %dma_wait3A_213 = arith.constant 0 : i32
        %dma_wait3A_214 = arith.constant 0 : i32
        %dma_wait3A_215 = tpu.memref_slice %arg5[%dma_wait3A_213, %dma_wait3A_214] : memref<624x128xf32, #tpu.memory_space<hbm>> -> memref<24x128xf32, #tpu.memory_space<hbm>>
        tpu.wait_dma2 semaphore(%run_scoped3A_203 : memref<!tpu.dma_semaphore, #tpu.memory_space<semaphore_mem>>) src(%dma_wait3A_215 : memref<24x128xf32, #tpu.memory_space<hbm>>) dst(%dma_wait3A_212 : memref<24x128xf32, #tpu.memory_space<vmem_shared>>)
        tpu.yield
      }) : () -> ()
    } else {
    }
    %barrier3A = arith.constant 0 : index
    tpu.barrier barrier_id(%barrier3A)
    %scan3A = arith.constant 0 : i32
    %scan3A_33 = arith.constant 0 : i32
    %scan3A_34 = arith.constant 15 : i32
    %scan3A_35 = arith.addi %scan3A_33, %scan3A_34 : i32
    %scan3A_36 = arith.constant 1 : i32
    scf.for %scan3A_203 = %scan3A_33 to %scan3A_35 step %scan3A_36  : i32 {
      %mul3A_204 = arith.constant 4 : i32
      %mul3A_205 = arith.muli %scan3A_203, %mul3A_204 : i32
      %add3A_206 = arith.constant 0 : i32
      %add3A_207 = arith.addi %mul3A_205, %add3A_206 : i32
      %dma_wait3A_208 = arith.constant 0 : i32
      %dma_wait3A_209 = tpu.memref_slice %arg7[%add3A_207, %dma_wait3A_208] : memref<60x56xi32, #tpu.memory_space<vmem>> -> memref<1x56xi32, #tpu.memory_space<vmem>>
      %dma_wait3A_210 = tpu.memref_squeeze %dma_wait3A_209 : memref<1x56xi32, #tpu.memory_space<vmem>> -> memref<56xi32, #tpu.memory_space<vmem>>
      %dma_wait3A_211 = arith.constant 0 : i32
      %dma_wait3A_212 = arith.constant 0 : i32
      %dma_wait3A_213 = tpu.memref_slice %arg2[%dma_wait3A_211, %dma_wait3A_212] : memref<10000x128xf32, #tpu.memory_space<hbm>> -> memref<10000x128xf32, #tpu.memory_space<hbm>>
      tpu.wait_indirect_dma semaphore(%arg14 : memref<!tpu.dma_semaphore, #tpu.memory_space<semaphore_mem>>) src(%dma_wait3A_213 : memref<10000x128xf32, #tpu.memory_space<hbm>>) dst(%arg9 : memref<56x128xf32, #tpu.memory_space<vmem>>)
      %dma_start3A_214 = arith.constant 0 : i32
      %dma_start3A_215 = tpu.memref_slice %arg8[%add3A_207, %dma_start3A_214] : memref<60x56xi32, #tpu.memory_space<vmem>> -> memref<1x56xi32, #tpu.memory_space<vmem>>
      %dma_start3A_216 = tpu.memref_squeeze %dma_start3A_215 : memref<1x56xi32, #tpu.memory_space<vmem>> -> memref<56xi32, #tpu.memory_space<vmem>>
      %dma_start3A_217 = arith.constant 0 : i32
      %dma_start3A_218 = arith.constant 0 : i32
      %dma_start3A_219 = tpu.memref_slice %arg13[%dma_start3A_217, %dma_start3A_218] : memref<10008x128xf32, #tpu.memory_space<vmem_shared>> -> memref<10008x128xf32, #tpu.memory_space<vmem_shared>>
      tpu.enqueue_indirect_dma source(%arg9 : memref<56x128xf32, #tpu.memory_space<vmem>>) target(%dma_start3A_219 : memref<10008x128xf32, #tpu.memory_space<vmem_shared>>) offsets(%dma_start3A_216 : memref<56xi32, #tpu.memory_space<vmem>>) semaphore(%arg18 : memref<!tpu.dma_semaphore, #tpu.memory_space<semaphore_mem>>) {add = true}
      %add3A_220 = arith.constant 1 : i32
      %add3A_221 = arith.addi %mul3A_205, %add3A_220 : i32
      %dma_wait3A_222 = arith.constant 0 : i32
      %dma_wait3A_223 = tpu.memref_slice %arg7[%add3A_221, %dma_wait3A_222] : memref<60x56xi32, #tpu.memory_space<vmem>> -> memref<1x56xi32, #tpu.memory_space<vmem>>
      %dma_wait3A_224 = tpu.memref_squeeze %dma_wait3A_223 : memref<1x56xi32, #tpu.memory_space<vmem>> -> memref<56xi32, #tpu.memory_space<vmem>>
      %dma_wait3A_225 = arith.constant 0 : i32
      %dma_wait3A_226 = arith.constant 0 : i32
      %dma_wait3A_227 = tpu.memref_slice %arg2[%dma_wait3A_225, %dma_wait3A_226] : memref<10000x128xf32, #tpu.memory_space<hbm>> -> memref<10000x128xf32, #tpu.memory_space<hbm>>
      tpu.wait_indirect_dma semaphore(%arg15 : memref<!tpu.dma_semaphore, #tpu.memory_space<semaphore_mem>>) src(%dma_wait3A_227 : memref<10000x128xf32, #tpu.memory_space<hbm>>) dst(%arg10 : memref<56x128xf32, #tpu.memory_space<vmem>>)
      %dma_start3A_228 = arith.constant 0 : i32
      %dma_start3A_229 = tpu.memref_slice %arg8[%add3A_221, %dma_start3A_228] : memref<60x56xi32, #tpu.memory_space<vmem>> -> memref<1x56xi32, #tpu.memory_space<vmem>>
      %dma_start3A_230 = tpu.memref_squeeze %dma_start3A_229 : memref<1x56xi32, #tpu.memory_space<vmem>> -> memref<56xi32, #tpu.memory_space<vmem>>
      %dma_start3A_231 = arith.constant 0 : i32
      %dma_start3A_232 = arith.constant 0 : i32
      %dma_start3A_233 = tpu.memref_slice %arg13[%dma_start3A_231, %dma_start3A_232] : memref<10008x128xf32, #tpu.memory_space<vmem_shared>> -> memref<10008x128xf32, #tpu.memory_space<vmem_shared>>
      tpu.enqueue_indirect_dma source(%arg10 : memref<56x128xf32, #tpu.memory_space<vmem>>) target(%dma_start3A_233 : memref<10008x128xf32, #tpu.memory_space<vmem_shared>>) offsets(%dma_start3A_230 : memref<56xi32, #tpu.memory_space<vmem>>) semaphore(%arg19 : memref<!tpu.dma_semaphore, #tpu.memory_space<semaphore_mem>>) {add = true}
      %add3A_234 = arith.constant 2 : i32
      %add3A_235 = arith.addi %mul3A_205, %add3A_234 : i32
      %dma_wait3A_236 = arith.constant 0 : i32
      %dma_wait3A_237 = tpu.memref_slice %arg7[%add3A_235, %dma_wait3A_236] : memref<60x56xi32, #tpu.memory_space<vmem>> -> memref<1x56xi32, #tpu.memory_space<vmem>>
      %dma_wait3A_238 = tpu.memref_squeeze %dma_wait3A_237 : memref<1x56xi32, #tpu.memory_space<vmem>> -> memref<56xi32, #tpu.memory_space<vmem>>
      %dma_wait3A_239 = arith.constant 0 : i32
      %dma_wait3A_240 = arith.constant 0 : i32
      %dma_wait3A_241 = tpu.memref_slice %arg2[%dma_wait3A_239, %dma_wait3A_240] : memref<10000x128xf32, #tpu.memory_space<hbm>> -> memref<10000x128xf32, #tpu.memory_space<hbm>>
      tpu.wait_indirect_dma semaphore(%arg16 : memref<!tpu.dma_semaphore, #tpu.memory_space<semaphore_mem>>) src(%dma_wait3A_241 : memref<10000x128xf32, #tpu.memory_space<hbm>>) dst(%arg11 : memref<56x128xf32, #tpu.memory_space<vmem>>)
      %dma_start3A_242 = arith.constant 0 : i32
      %dma_start3A_243 = tpu.memref_slice %arg8[%add3A_235, %dma_start3A_242] : memref<60x56xi32, #tpu.memory_space<vmem>> -> memref<1x56xi32, #tpu.memory_space<vmem>>
      %dma_start3A_244 = tpu.memref_squeeze %dma_start3A_243 : memref<1x56xi32, #tpu.memory_space<vmem>> -> memref<56xi32, #tpu.memory_space<vmem>>
      %dma_start3A_245 = arith.constant 0 : i32
      %dma_start3A_246 = arith.constant 0 : i32
      %dma_start3A_247 = tpu.memref_slice %arg13[%dma_start3A_245, %dma_start3A_246] : memref<10008x128xf32, #tpu.memory_space<vmem_shared>> -> memref<10008x128xf32, #tpu.memory_space<vmem_shared>>
      tpu.enqueue_indirect_dma source(%arg11 : memref<56x128xf32, #tpu.memory_space<vmem>>) target(%dma_start3A_247 : memref<10008x128xf32, #tpu.memory_space<vmem_shared>>) offsets(%dma_start3A_244 : memref<56xi32, #tpu.memory_space<vmem>>) semaphore(%arg20 : memref<!tpu.dma_semaphore, #tpu.memory_space<semaphore_mem>>) {add = true}
      %add3A_248 = arith.constant 3 : i32
      %add3A_249 = arith.addi %mul3A_205, %add3A_248 : i32
      %dma_wait3A_250 = arith.constant 0 : i32
      %dma_wait3A_251 = tpu.memref_slice %arg7[%add3A_249, %dma_wait3A_250] : memref<60x56xi32, #tpu.memory_space<vmem>> -> memref<1x56xi32, #tpu.memory_space<vmem>>
      %dma_wait3A_252 = tpu.memref_squeeze %dma_wait3A_251 : memref<1x56xi32, #tpu.memory_space<vmem>> -> memref<56xi32, #tpu.memory_space<vmem>>
      %dma_wait3A_253 = arith.constant 0 : i32
      %dma_wait3A_254 = arith.constant 0 : i32
      %dma_wait3A_255 = tpu.memref_slice %arg2[%dma_wait3A_253, %dma_wait3A_254] : memref<10000x128xf32, #tpu.memory_space<hbm>> -> memref<10000x128xf32, #tpu.memory_space<hbm>>
      tpu.wait_indirect_dma semaphore(%arg17 : memref<!tpu.dma_semaphore, #tpu.memory_space<semaphore_mem>>) src(%dma_wait3A_255 : memref<10000x128xf32, #tpu.memory_space<hbm>>) dst(%arg12 : memref<56x128xf32, #tpu.memory_space<vmem>>)
      %dma_start3A_256 = arith.constant 0 : i32
      %dma_start3A_257 = tpu.memref_slice %arg8[%add3A_249, %dma_start3A_256] : memref<60x56xi32, #tpu.memory_space<vmem>> -> memref<1x56xi32, #tpu.memory_space<vmem>>
      %dma_start3A_258 = tpu.memref_squeeze %dma_start3A_257 : memref<1x56xi32, #tpu.memory_space<vmem>> -> memref<56xi32, #tpu.memory_space<vmem>>
      %dma_start3A_259 = arith.constant 0 : i32
      %dma_start3A_260 = arith.constant 0 : i32
      %dma_start3A_261 = tpu.memref_slice %arg13[%dma_start3A_259, %dma_start3A_260] : memref<10008x128xf32, #tpu.memory_space<vmem_shared>> -> memref<10008x128xf32, #tpu.memory_space<vmem_shared>>
      tpu.enqueue_indirect_dma source(%arg12 : memref<56x128xf32, #tpu.memory_space<vmem>>) target(%dma_start3A_261 : memref<10008x128xf32, #tpu.memory_space<vmem_shared>>) offsets(%dma_start3A_258 : memref<56xi32, #tpu.memory_space<vmem>>) semaphore(%arg21 : memref<!tpu.dma_semaphore, #tpu.memory_space<semaphore_mem>>) {add = true}
      %lt3A = arith.constant 14 : i32
      %lt3A_262 = arith.cmpi slt, %scan3A_203, %lt3A : i32
      %convert_element_type3A_263 = arith.extui %lt3A_262 : i1 to i32
      %cond3A_264 = arith.constant 0 : i32
      %cond3A_265 = arith.cmpi ne, %convert_element_type3A_263, %cond3A_264 : i32
      scf.if %cond3A_265 {
        %add3A_266 = arith.constant 0 : i32
        %add3A_267 = arith.addi %mul3A_205, %add3A_266 : i32
        %dma_wait3A_268 = arith.constant 0 : i32
        %dma_wait3A_269 = tpu.memref_slice %arg8[%add3A_267, %dma_wait3A_268] : memref<60x56xi32, #tpu.memory_space<vmem>> -> memref<1x56xi32, #tpu.memory_space<vmem>>
        %dma_wait3A_270 = tpu.memref_squeeze %dma_wait3A_269 : memref<1x56xi32, #tpu.memory_space<vmem>> -> memref<56xi32, #tpu.memory_space<vmem>>
        %dma_wait3A_271 = arith.constant 0 : i32
        %dma_wait3A_272 = arith.constant 0 : i32
        %dma_wait3A_273 = tpu.memref_slice %arg13[%dma_wait3A_271, %dma_wait3A_272] : memref<10008x128xf32, #tpu.memory_space<vmem_shared>> -> memref<10008x128xf32, #tpu.memory_space<vmem_shared>>
        tpu.wait_indirect_dma semaphore(%arg18 : memref<!tpu.dma_semaphore, #tpu.memory_space<semaphore_mem>>) src(%arg9 : memref<56x128xf32, #tpu.memory_space<vmem>>) dst(%dma_wait3A_273 : memref<10008x128xf32, #tpu.memory_space<vmem_shared>>)
        %add3A_274 = arith.constant 4 : i32
        %add3A_275 = arith.addi %add3A_267, %add3A_274 : i32
        %dma_start3A_276 = arith.constant 0 : i32
        %dma_start3A_277 = tpu.memref_slice %arg7[%add3A_275, %dma_start3A_276] : memref<60x56xi32, #tpu.memory_space<vmem>> -> memref<1x56xi32, #tpu.memory_space<vmem>>
        %dma_start3A_278 = tpu.memref_squeeze %dma_start3A_277 : memref<1x56xi32, #tpu.memory_space<vmem>> -> memref<56xi32, #tpu.memory_space<vmem>>
        %dma_start3A_279 = arith.constant 0 : i32
        %dma_start3A_280 = arith.constant 0 : i32
        %dma_start3A_281 = tpu.memref_slice %arg2[%dma_start3A_279, %dma_start3A_280] : memref<10000x128xf32, #tpu.memory_space<hbm>> -> memref<10000x128xf32, #tpu.memory_space<hbm>>
        tpu.enqueue_indirect_dma source(%dma_start3A_281 : memref<10000x128xf32, #tpu.memory_space<hbm>>) target(%arg9 : memref<56x128xf32, #tpu.memory_space<vmem>>) offsets(%dma_start3A_278 : memref<56xi32, #tpu.memory_space<vmem>>) semaphore(%arg14 : memref<!tpu.dma_semaphore, #tpu.memory_space<semaphore_mem>>)
        %add3A_282 = arith.constant 1 : i32
        %add3A_283 = arith.addi %mul3A_205, %add3A_282 : i32
        %dma_wait3A_284 = arith.constant 0 : i32
        %dma_wait3A_285 = tpu.memref_slice %arg8[%add3A_283, %dma_wait3A_284] : memref<60x56xi32, #tpu.memory_space<vmem>> -> memref<1x56xi32, #tpu.memory_space<vmem>>
        %dma_wait3A_286 = tpu.memref_squeeze %dma_wait3A_285 : memref<1x56xi32, #tpu.memory_space<vmem>> -> memref<56xi32, #tpu.memory_space<vmem>>
        %dma_wait3A_287 = arith.constant 0 : i32
        %dma_wait3A_288 = arith.constant 0 : i32
        %dma_wait3A_289 = tpu.memref_slice %arg13[%dma_wait3A_287, %dma_wait3A_288] : memref<10008x128xf32, #tpu.memory_space<vmem_shared>> -> memref<10008x128xf32, #tpu.memory_space<vmem_shared>>
        tpu.wait_indirect_dma semaphore(%arg19 : memref<!tpu.dma_semaphore, #tpu.memory_space<semaphore_mem>>) src(%arg10 : memref<56x128xf32, #tpu.memory_space<vmem>>) dst(%dma_wait3A_289 : memref<10008x128xf32, #tpu.memory_space<vmem_shared>>)
        %add3A_290 = arith.constant 4 : i32
        %add3A_291 = arith.addi %add3A_283, %add3A_290 : i32
        %dma_start3A_292 = arith.constant 0 : i32
        %dma_start3A_293 = tpu.memref_slice %arg7[%add3A_291, %dma_start3A_292] : memref<60x56xi32, #tpu.memory_space<vmem>> -> memref<1x56xi32, #tpu.memory_space<vmem>>
        %dma_start3A_294 = tpu.memref_squeeze %dma_start3A_293 : memref<1x56xi32, #tpu.memory_space<vmem>> -> memref<56xi32, #tpu.memory_space<vmem>>
        %dma_start3A_295 = arith.constant 0 : i32
        %dma_start3A_296 = arith.constant 0 : i32
        %dma_start3A_297 = tpu.memref_slice %arg2[%dma_start3A_295, %dma_start3A_296] : memref<10000x128xf32, #tpu.memory_space<hbm>> -> memref<10000x128xf32, #tpu.memory_space<hbm>>
        tpu.enqueue_indirect_dma source(%dma_start3A_297 : memref<10000x128xf32, #tpu.memory_space<hbm>>) target(%arg10 : memref<56x128xf32, #tpu.memory_space<vmem>>) offsets(%dma_start3A_294 : memref<56xi32, #tpu.memory_space<vmem>>) semaphore(%arg15 : memref<!tpu.dma_semaphore, #tpu.memory_space<semaphore_mem>>)
        %add3A_298 = arith.constant 2 : i32
        %add3A_299 = arith.addi %mul3A_205, %add3A_298 : i32
        %dma_wait3A_300 = arith.constant 0 : i32
        %dma_wait3A_301 = tpu.memref_slice %arg8[%add3A_299, %dma_wait3A_300] : memref<60x56xi32, #tpu.memory_space<vmem>> -> memref<1x56xi32, #tpu.memory_space<vmem>>
        %dma_wait3A_302 = tpu.memref_squeeze %dma_wait3A_301 : memref<1x56xi32, #tpu.memory_space<vmem>> -> memref<56xi32, #tpu.memory_space<vmem>>
        %dma_wait3A_303 = arith.constant 0 : i32
        %dma_wait3A_304 = arith.constant 0 : i32
        %dma_wait3A_305 = tpu.memref_slice %arg13[%dma_wait3A_303, %dma_wait3A_304] : memref<10008x128xf32, #tpu.memory_space<vmem_shared>> -> memref<10008x128xf32, #tpu.memory_space<vmem_shared>>
        tpu.wait_indirect_dma semaphore(%arg20 : memref<!tpu.dma_semaphore, #tpu.memory_space<semaphore_mem>>) src(%arg11 : memref<56x128xf32, #tpu.memory_space<vmem>>) dst(%dma_wait3A_305 : memref<10008x128xf32, #tpu.memory_space<vmem_shared>>)
        %add3A_306 = arith.constant 4 : i32
        %add3A_307 = arith.addi %add3A_299, %add3A_306 : i32
        %dma_start3A_308 = arith.constant 0 : i32
        %dma_start3A_309 = tpu.memref_slice %arg7[%add3A_307, %dma_start3A_308] : memref<60x56xi32, #tpu.memory_space<vmem>> -> memref<1x56xi32, #tpu.memory_space<vmem>>
        %dma_start3A_310 = tpu.memref_squeeze %dma_start3A_309 : memref<1x56xi32, #tpu.memory_space<vmem>> -> memref<56xi32, #tpu.memory_space<vmem>>
        %dma_start3A_311 = arith.constant 0 : i32
        %dma_start3A_312 = arith.constant 0 : i32
        %dma_start3A_313 = tpu.memref_slice %arg2[%dma_start3A_311, %dma_start3A_312] : memref<10000x128xf32, #tpu.memory_space<hbm>> -> memref<10000x128xf32, #tpu.memory_space<hbm>>
        tpu.enqueue_indirect_dma source(%dma_start3A_313 : memref<10000x128xf32, #tpu.memory_space<hbm>>) target(%arg11 : memref<56x128xf32, #tpu.memory_space<vmem>>) offsets(%dma_start3A_310 : memref<56xi32, #tpu.memory_space<vmem>>) semaphore(%arg16 : memref<!tpu.dma_semaphore, #tpu.memory_space<semaphore_mem>>)
        %add3A_314 = arith.constant 3 : i32
        %add3A_315 = arith.addi %mul3A_205, %add3A_314 : i32
        %dma_wait3A_316 = arith.constant 0 : i32
        %dma_wait3A_317 = tpu.memref_slice %arg8[%add3A_315, %dma_wait3A_316] : memref<60x56xi32, #tpu.memory_space<vmem>> -> memref<1x56xi32, #tpu.memory_space<vmem>>
        %dma_wait3A_318 = tpu.memref_squeeze %dma_wait3A_317 : memref<1x56xi32, #tpu.memory_space<vmem>> -> memref<56xi32, #tpu.memory_space<vmem>>
        %dma_wait3A_319 = arith.constant 0 : i32
        %dma_wait3A_320 = arith.constant 0 : i32
        %dma_wait3A_321 = tpu.memref_slice %arg13[%dma_wait3A_319, %dma_wait3A_320] : memref<10008x128xf32, #tpu.memory_space<vmem_shared>> -> memref<10008x128xf32, #tpu.memory_space<vmem_shared>>
        tpu.wait_indirect_dma semaphore(%arg21 : memref<!tpu.dma_semaphore, #tpu.memory_space<semaphore_mem>>) src(%arg12 : memref<56x128xf32, #tpu.memory_space<vmem>>) dst(%dma_wait3A_321 : memref<10008x128xf32, #tpu.memory_space<vmem_shared>>)
        %add3A_322 = arith.constant 4 : i32
        %add3A_323 = arith.addi %add3A_315, %add3A_322 : i32
        %dma_start3A_324 = arith.constant 0 : i32
        %dma_start3A_325 = tpu.memref_slice %arg7[%add3A_323, %dma_start3A_324] : memref<60x56xi32, #tpu.memory_space<vmem>> -> memref<1x56xi32, #tpu.memory_space<vmem>>
        %dma_start3A_326 = tpu.memref_squeeze %dma_start3A_325 : memref<1x56xi32, #tpu.memory_space<vmem>> -> memref<56xi32, #tpu.memory_space<vmem>>
        %dma_start3A_327 = arith.constant 0 : i32
        %dma_start3A_328 = arith.constant 0 : i32
        %dma_start3A_329 = tpu.memref_slice %arg2[%dma_start3A_327, %dma_start3A_328] : memref<10000x128xf32, #tpu.memory_space<hbm>> -> memref<10000x128xf32, #tpu.memory_space<hbm>>
        tpu.enqueue_indirect_dma source(%dma_start3A_329 : memref<10000x128xf32, #tpu.memory_space<hbm>>) target(%arg12 : memref<56x128xf32, #tpu.memory_space<vmem>>) offsets(%dma_start3A_326 : memref<56xi32, #tpu.memory_space<vmem>>) semaphore(%arg17 : memref<!tpu.dma_semaphore, #tpu.memory_space<semaphore_mem>>)
      } else {
      }
    }
    %scan3A_37 = arith.constant 15 : i32
    %dma_wait3A = arith.constant 56 : i32
    %dma_wait3A_38 = arith.constant 0 : i32
    %dma_wait3A_39 = tpu.memref_slice %arg8[%dma_wait3A, %dma_wait3A_38] : memref<60x56xi32, #tpu.memory_space<vmem>> -> memref<1x56xi32, #tpu.memory_space<vmem>>
    %dma_wait3A_40 = tpu.memref_squeeze %dma_wait3A_39 : memref<1x56xi32, #tpu.memory_space<vmem>> -> memref<56xi32, #tpu.memory_space<vmem>>
    %dma_wait3A_41 = arith.constant 0 : i32
    %dma_wait3A_42 = arith.constant 0 : i32
    %dma_wait3A_43 = tpu.memref_slice %arg13[%dma_wait3A_41, %dma_wait3A_42] : memref<10008x128xf32, #tpu.memory_space<vmem_shared>> -> memref<10008x128xf32, #tpu.memory_space<vmem_shared>>
    tpu.wait_indirect_dma semaphore(%arg18 : memref<!tpu.dma_semaphore, #tpu.memory_space<semaphore_mem>>) src(%arg9 : memref<56x128xf32, #tpu.memory_space<vmem>>) dst(%dma_wait3A_43 : memref<10008x128xf32, #tpu.memory_space<vmem_shared>>)
    %dma_wait3A_44 = arith.constant 57 : i32
    %dma_wait3A_45 = arith.constant 0 : i32
    %dma_wait3A_46 = tpu.memref_slice %arg8[%dma_wait3A_44, %dma_wait3A_45] : memref<60x56xi32, #tpu.memory_space<vmem>> -> memref<1x56xi32, #tpu.memory_space<vmem>>
    %dma_wait3A_47 = tpu.memref_squeeze %dma_wait3A_46 : memref<1x56xi32, #tpu.memory_space<vmem>> -> memref<56xi32, #tpu.memory_space<vmem>>
    %dma_wait3A_48 = arith.constant 0 : i32
    %dma_wait3A_49 = arith.constant 0 : i32
    %dma_wait3A_50 = tpu.memref_slice %arg13[%dma_wait3A_48, %dma_wait3A_49] : memref<10008x128xf32, #tpu.memory_space<vmem_shared>> -> memref<10008x128xf32, #tpu.memory_space<vmem_shared>>
    tpu.wait_indirect_dma semaphore(%arg19 : memref<!tpu.dma_semaphore, #tpu.memory_space<semaphore_mem>>) src(%arg10 : memref<56x128xf32, #tpu.memory_space<vmem>>) dst(%dma_wait3A_50 : memref<10008x128xf32, #tpu.memory_space<vmem_shared>>)
    %dma_wait3A_51 = arith.constant 58 : i32
    %dma_wait3A_52 = arith.constant 0 : i32
    %dma_wait3A_53 = tpu.memref_slice %arg8[%dma_wait3A_51, %dma_wait3A_52] : memref<60x56xi32, #tpu.memory_space<vmem>> -> memref<1x56xi32, #tpu.memory_space<vmem>>
    %dma_wait3A_54 = tpu.memref_squeeze %dma_wait3A_53 : memref<1x56xi32, #tpu.memory_space<vmem>> -> memref<56xi32, #tpu.memory_space<vmem>>
    %dma_wait3A_55 = arith.constant 0 : i32
    %dma_wait3A_56 = arith.constant 0 : i32
    %dma_wait3A_57 = tpu.memref_slice %arg13[%dma_wait3A_55, %dma_wait3A_56] : memref<10008x128xf32, #tpu.memory_space<vmem_shared>> -> memref<10008x128xf32, #tpu.memory_space<vmem_shared>>
    tpu.wait_indirect_dma semaphore(%arg20 : memref<!tpu.dma_semaphore, #tpu.memory_space<semaphore_mem>>) src(%arg11 : memref<56x128xf32, #tpu.memory_space<vmem>>) dst(%dma_wait3A_57 : memref<10008x128xf32, #tpu.memory_space<vmem_shared>>)
    %dma_wait3A_58 = arith.constant 59 : i32
    %dma_wait3A_59 = arith.constant 0 : i32
    %dma_wait3A_60 = tpu.memref_slice %arg8[%dma_wait3A_58, %dma_wait3A_59] : memref<60x56xi32, #tpu.memory_space<vmem>> -> memref<1x56xi32, #tpu.memory_space<vmem>>
    %dma_wait3A_61 = tpu.memref_squeeze %dma_wait3A_60 : memref<1x56xi32, #tpu.memory_space<vmem>> -> memref<56xi32, #tpu.memory_space<vmem>>
    %dma_wait3A_62 = arith.constant 0 : i32
    %dma_wait3A_63 = arith.constant 0 : i32
    %dma_wait3A_64 = tpu.memref_slice %arg13[%dma_wait3A_62, %dma_wait3A_63] : memref<10008x128xf32, #tpu.memory_space<vmem_shared>> -> memref<10008x128xf32, #tpu.memory_space<vmem_shared>>
    tpu.wait_indirect_dma semaphore(%arg21 : memref<!tpu.dma_semaphore, #tpu.memory_space<semaphore_mem>>) src(%arg12 : memref<56x128xf32, #tpu.memory_space<vmem>>) dst(%dma_wait3A_64 : memref<10008x128xf32, #tpu.memory_space<vmem_shared>>)
    %run_scoped3A_65 = arith.constant 1 : i32
    "tpu.region"() ({
      %run_scoped3A_203 = tpu.sem_alloc : memref<!tpu.dma_semaphore, #tpu.memory_space<semaphore_mem>>
      %dma_start3A_204 = arith.constant 0 : i32
      %dma_start3A_205 = arith.constant 0 : i32
      %dma_start3A_206 = tpu.memref_slice %arg3[%add3A, %run_scoped3A_65, %dma_start3A_204, %dma_start3A_205] : memref<32x3x60x56xi32, #tpu.memory_space<hbm>> -> memref<1x1x60x56xi32, #tpu.memory_space<hbm>>
      %dma_start3A_207 = tpu.memref_squeeze %dma_start3A_206 : memref<1x1x60x56xi32, #tpu.memory_space<hbm>> -> memref<60x56xi32, #tpu.memory_space<hbm>>
      %dma_start3A_208 = arith.constant 0 : i32
      %dma_start3A_209 = arith.constant 0 : i32
      %dma_start3A_210 = tpu.memref_slice %arg3[%add3A, %run_scoped3A_65, %dma_start3A_208, %dma_start3A_209] : memref<32x3x60x56xi32, #tpu.memory_space<hbm>> -> memref<1x1x60x56xi32, #tpu.memory_space<hbm>>
      %dma_start3A_211 = tpu.memref_squeeze %dma_start3A_210 : memref<1x1x60x56xi32, #tpu.memory_space<hbm>> -> memref<60x56xi32, #tpu.memory_space<hbm>>
      tpu.enqueue_dma source(%dma_start3A_211 : memref<60x56xi32, #tpu.memory_space<hbm>>) target(%arg7 : memref<60x56xi32, #tpu.memory_space<vmem>>) target_semaphore(%run_scoped3A_203 : memref<!tpu.dma_semaphore, #tpu.memory_space<semaphore_mem>>)
      %dma_wait3A_212 = arith.constant 0 : i32
      %dma_wait3A_213 = arith.constant 0 : i32
      %dma_wait3A_214 = tpu.memref_slice %arg3[%add3A, %run_scoped3A_65, %dma_wait3A_212, %dma_wait3A_213] : memref<32x3x60x56xi32, #tpu.memory_space<hbm>> -> memref<1x1x60x56xi32, #tpu.memory_space<hbm>>
      %dma_wait3A_215 = tpu.memref_squeeze %dma_wait3A_214 : memref<1x1x60x56xi32, #tpu.memory_space<hbm>> -> memref<60x56xi32, #tpu.memory_space<hbm>>
      %dma_wait3A_216 = arith.constant 0 : i32
      %dma_wait3A_217 = arith.constant 0 : i32
      %dma_wait3A_218 = tpu.memref_slice %arg3[%add3A, %run_scoped3A_65, %dma_wait3A_216, %dma_wait3A_217] : memref<32x3x60x56xi32, #tpu.memory_space<hbm>> -> memref<1x1x60x56xi32, #tpu.memory_space<hbm>>
      %dma_wait3A_219 = tpu.memref_squeeze %dma_wait3A_218 : memref<1x1x60x56xi32, #tpu.memory_space<hbm>> -> memref<60x56xi32, #tpu.memory_space<hbm>>
      tpu.wait_dma2 semaphore(%run_scoped3A_203 : memref<!tpu.dma_semaphore, #tpu.memory_space<semaphore_mem>>) src(%dma_wait3A_219 : memref<60x56xi32, #tpu.memory_space<hbm>>) dst(%arg7 : memref<60x56xi32, #tpu.memory_space<vmem>>)
      tpu.yield
    }) : () -> ()
    %run_scoped3A_66 = arith.constant 1 : i32
    "tpu.region"() ({
      %run_scoped3A_203 = tpu.sem_alloc : memref<!tpu.dma_semaphore, #tpu.memory_space<semaphore_mem>>
      %dma_start3A_204 = arith.constant 0 : i32
      %dma_start3A_205 = arith.constant 0 : i32
      %dma_start3A_206 = tpu.memref_slice %arg4[%add3A, %run_scoped3A_66, %dma_start3A_204, %dma_start3A_205] : memref<32x3x60x56xi32, #tpu.memory_space<hbm>> -> memref<1x1x60x56xi32, #tpu.memory_space<hbm>>
      %dma_start3A_207 = tpu.memref_squeeze %dma_start3A_206 : memref<1x1x60x56xi32, #tpu.memory_space<hbm>> -> memref<60x56xi32, #tpu.memory_space<hbm>>
      %dma_start3A_208 = arith.constant 0 : i32
      %dma_start3A_209 = arith.constant 0 : i32
      %dma_start3A_210 = tpu.memref_slice %arg4[%add3A, %run_scoped3A_66, %dma_start3A_208, %dma_start3A_209] : memref<32x3x60x56xi32, #tpu.memory_space<hbm>> -> memref<1x1x60x56xi32, #tpu.memory_space<hbm>>
      %dma_start3A_211 = tpu.memref_squeeze %dma_start3A_210 : memref<1x1x60x56xi32, #tpu.memory_space<hbm>> -> memref<60x56xi32, #tpu.memory_space<hbm>>
      tpu.enqueue_dma source(%dma_start3A_211 : memref<60x56xi32, #tpu.memory_space<hbm>>) target(%arg8 : memref<60x56xi32, #tpu.memory_space<vmem>>) target_semaphore(%run_scoped3A_203 : memref<!tpu.dma_semaphore, #tpu.memory_space<semaphore_mem>>)
      %dma_wait3A_212 = arith.constant 0 : i32
      %dma_wait3A_213 = arith.constant 0 : i32
      %dma_wait3A_214 = tpu.memref_slice %arg4[%add3A, %run_scoped3A_66, %dma_wait3A_212, %dma_wait3A_213] : memref<32x3x60x56xi32, #tpu.memory_space<hbm>> -> memref<1x1x60x56xi32, #tpu.memory_space<hbm>>
      %dma_wait3A_215 = tpu.memref_squeeze %dma_wait3A_214 : memref<1x1x60x56xi32, #tpu.memory_space<hbm>> -> memref<60x56xi32, #tpu.memory_space<hbm>>
      %dma_wait3A_216 = arith.constant 0 : i32
      %dma_wait3A_217 = arith.constant 0 : i32
      %dma_wait3A_218 = tpu.memref_slice %arg4[%add3A, %run_scoped3A_66, %dma_wait3A_216, %dma_wait3A_217] : memref<32x3x60x56xi32, #tpu.memory_space<hbm>> -> memref<1x1x60x56xi32, #tpu.memory_space<hbm>>
      %dma_wait3A_219 = tpu.memref_squeeze %dma_wait3A_218 : memref<1x1x60x56xi32, #tpu.memory_space<hbm>> -> memref<60x56xi32, #tpu.memory_space<hbm>>
      tpu.wait_dma2 semaphore(%run_scoped3A_203 : memref<!tpu.dma_semaphore, #tpu.memory_space<semaphore_mem>>) src(%dma_wait3A_219 : memref<60x56xi32, #tpu.memory_space<hbm>>) dst(%arg8 : memref<60x56xi32, #tpu.memory_space<vmem>>)
      tpu.yield
    }) : () -> ()
    %dma_start3A_67 = arith.constant 0 : i32
    %dma_start3A_68 = arith.constant 0 : i32
    %dma_start3A_69 = tpu.memref_slice %arg7[%dma_start3A_67, %dma_start3A_68] : memref<60x56xi32, #tpu.memory_space<vmem>> -> memref<1x56xi32, #tpu.memory_space<vmem>>
    %dma_start3A_70 = tpu.memref_squeeze %dma_start3A_69 : memref<1x56xi32, #tpu.memory_space<vmem>> -> memref<56xi32, #tpu.memory_space<vmem>>
    %dma_start3A_71 = arith.constant 0 : i32
    %dma_start3A_72 = arith.constant 0 : i32
    %dma_start3A_73 = tpu.memref_slice %arg2[%dma_start3A_71, %dma_start3A_72] : memref<10000x128xf32, #tpu.memory_space<hbm>> -> memref<10000x128xf32, #tpu.memory_space<hbm>>
    tpu.enqueue_indirect_dma source(%dma_start3A_73 : memref<10000x128xf32, #tpu.memory_space<hbm>>) target(%arg9 : memref<56x128xf32, #tpu.memory_space<vmem>>) offsets(%dma_start3A_70 : memref<56xi32, #tpu.memory_space<vmem>>) semaphore(%arg14 : memref<!tpu.dma_semaphore, #tpu.memory_space<semaphore_mem>>)
    %dma_start3A_74 = arith.constant 1 : i32
    %dma_start3A_75 = arith.constant 0 : i32
    %dma_start3A_76 = tpu.memref_slice %arg7[%dma_start3A_74, %dma_start3A_75] : memref<60x56xi32, #tpu.memory_space<vmem>> -> memref<1x56xi32, #tpu.memory_space<vmem>>
    %dma_start3A_77 = tpu.memref_squeeze %dma_start3A_76 : memref<1x56xi32, #tpu.memory_space<vmem>> -> memref<56xi32, #tpu.memory_space<vmem>>
    %dma_start3A_78 = arith.constant 0 : i32
    %dma_start3A_79 = arith.constant 0 : i32
    %dma_start3A_80 = tpu.memref_slice %arg2[%dma_start3A_78, %dma_start3A_79] : memref<10000x128xf32, #tpu.memory_space<hbm>> -> memref<10000x128xf32, #tpu.memory_space<hbm>>
    tpu.enqueue_indirect_dma source(%dma_start3A_80 : memref<10000x128xf32, #tpu.memory_space<hbm>>) target(%arg10 : memref<56x128xf32, #tpu.memory_space<vmem>>) offsets(%dma_start3A_77 : memref<56xi32, #tpu.memory_space<vmem>>) semaphore(%arg15 : memref<!tpu.dma_semaphore, #tpu.memory_space<semaphore_mem>>)
    %dma_start3A_81 = arith.constant 2 : i32
    %dma_start3A_82 = arith.constant 0 : i32
    %dma_start3A_83 = tpu.memref_slice %arg7[%dma_start3A_81, %dma_start3A_82] : memref<60x56xi32, #tpu.memory_space<vmem>> -> memref<1x56xi32, #tpu.memory_space<vmem>>
    %dma_start3A_84 = tpu.memref_squeeze %dma_start3A_83 : memref<1x56xi32, #tpu.memory_space<vmem>> -> memref<56xi32, #tpu.memory_space<vmem>>
    %dma_start3A_85 = arith.constant 0 : i32
    %dma_start3A_86 = arith.constant 0 : i32
    %dma_start3A_87 = tpu.memref_slice %arg2[%dma_start3A_85, %dma_start3A_86] : memref<10000x128xf32, #tpu.memory_space<hbm>> -> memref<10000x128xf32, #tpu.memory_space<hbm>>
    tpu.enqueue_indirect_dma source(%dma_start3A_87 : memref<10000x128xf32, #tpu.memory_space<hbm>>) target(%arg11 : memref<56x128xf32, #tpu.memory_space<vmem>>) offsets(%dma_start3A_84 : memref<56xi32, #tpu.memory_space<vmem>>) semaphore(%arg16 : memref<!tpu.dma_semaphore, #tpu.memory_space<semaphore_mem>>)
    %dma_start3A_88 = arith.constant 3 : i32
    %dma_start3A_89 = arith.constant 0 : i32
    %dma_start3A_90 = tpu.memref_slice %arg7[%dma_start3A_88, %dma_start3A_89] : memref<60x56xi32, #tpu.memory_space<vmem>> -> memref<1x56xi32, #tpu.memory_space<vmem>>
    %dma_start3A_91 = tpu.memref_squeeze %dma_start3A_90 : memref<1x56xi32, #tpu.memory_space<vmem>> -> memref<56xi32, #tpu.memory_space<vmem>>
    %dma_start3A_92 = arith.constant 0 : i32
    %dma_start3A_93 = arith.constant 0 : i32
    %dma_start3A_94 = tpu.memref_slice %arg2[%dma_start3A_92, %dma_start3A_93] : memref<10000x128xf32, #tpu.memory_space<hbm>> -> memref<10000x128xf32, #tpu.memory_space<hbm>>
    tpu.enqueue_indirect_dma source(%dma_start3A_94 : memref<10000x128xf32, #tpu.memory_space<hbm>>) target(%arg12 : memref<56x128xf32, #tpu.memory_space<vmem>>) offsets(%dma_start3A_91 : memref<56xi32, #tpu.memory_space<vmem>>) semaphore(%arg17 : memref<!tpu.dma_semaphore, #tpu.memory_space<semaphore_mem>>)
    %scan3A_95 = arith.constant 0 : i32
    %scan3A_96 = arith.constant 0 : i32
    %scan3A_97 = arith.constant 15 : i32
    %scan3A_98 = arith.addi %scan3A_96, %scan3A_97 : i32
    %scan3A_99 = arith.constant 1 : i32
    scf.for %scan3A_203 = %scan3A_96 to %scan3A_98 step %scan3A_99  : i32 {
      %mul3A_204 = arith.constant 4 : i32
      %mul3A_205 = arith.muli %scan3A_203, %mul3A_204 : i32
      %add3A_206 = arith.constant 0 : i32
      %add3A_207 = arith.addi %mul3A_205, %add3A_206 : i32
      %dma_wait3A_208 = arith.constant 0 : i32
      %dma_wait3A_209 = tpu.memref_slice %arg7[%add3A_207, %dma_wait3A_208] : memref<60x56xi32, #tpu.memory_space<vmem>> -> memref<1x56xi32, #tpu.memory_space<vmem>>
      %dma_wait3A_210 = tpu.memref_squeeze %dma_wait3A_209 : memref<1x56xi32, #tpu.memory_space<vmem>> -> memref<56xi32, #tpu.memory_space<vmem>>
      %dma_wait3A_211 = arith.constant 0 : i32
      %dma_wait3A_212 = arith.constant 0 : i32
      %dma_wait3A_213 = tpu.memref_slice %arg2[%dma_wait3A_211, %dma_wait3A_212] : memref<10000x128xf32, #tpu.memory_space<hbm>> -> memref<10000x128xf32, #tpu.memory_space<hbm>>
      tpu.wait_indirect_dma semaphore(%arg14 : memref<!tpu.dma_semaphore, #tpu.memory_space<semaphore_mem>>) src(%dma_wait3A_213 : memref<10000x128xf32, #tpu.memory_space<hbm>>) dst(%arg9 : memref<56x128xf32, #tpu.memory_space<vmem>>)
      %dma_start3A_214 = arith.constant 0 : i32
      %dma_start3A_215 = tpu.memref_slice %arg8[%add3A_207, %dma_start3A_214] : memref<60x56xi32, #tpu.memory_space<vmem>> -> memref<1x56xi32, #tpu.memory_space<vmem>>
      %dma_start3A_216 = tpu.memref_squeeze %dma_start3A_215 : memref<1x56xi32, #tpu.memory_space<vmem>> -> memref<56xi32, #tpu.memory_space<vmem>>
      %dma_start3A_217 = arith.constant 0 : i32
      %dma_start3A_218 = arith.constant 0 : i32
      %dma_start3A_219 = tpu.memref_slice %arg13[%dma_start3A_217, %dma_start3A_218] : memref<10008x128xf32, #tpu.memory_space<vmem_shared>> -> memref<10008x128xf32, #tpu.memory_space<vmem_shared>>
      tpu.enqueue_indirect_dma source(%arg9 : memref<56x128xf32, #tpu.memory_space<vmem>>) target(%dma_start3A_219 : memref<10008x128xf32, #tpu.memory_space<vmem_shared>>) offsets(%dma_start3A_216 : memref<56xi32, #tpu.memory_space<vmem>>) semaphore(%arg18 : memref<!tpu.dma_semaphore, #tpu.memory_space<semaphore_mem>>) {add = true}
      %add3A_220 = arith.constant 1 : i32
      %add3A_221 = arith.addi %mul3A_205, %add3A_220 : i32
      %dma_wait3A_222 = arith.constant 0 : i32
      %dma_wait3A_223 = tpu.memref_slice %arg7[%add3A_221, %dma_wait3A_222] : memref<60x56xi32, #tpu.memory_space<vmem>> -> memref<1x56xi32, #tpu.memory_space<vmem>>
      %dma_wait3A_224 = tpu.memref_squeeze %dma_wait3A_223 : memref<1x56xi32, #tpu.memory_space<vmem>> -> memref<56xi32, #tpu.memory_space<vmem>>
      %dma_wait3A_225 = arith.constant 0 : i32
      %dma_wait3A_226 = arith.constant 0 : i32
      %dma_wait3A_227 = tpu.memref_slice %arg2[%dma_wait3A_225, %dma_wait3A_226] : memref<10000x128xf32, #tpu.memory_space<hbm>> -> memref<10000x128xf32, #tpu.memory_space<hbm>>
      tpu.wait_indirect_dma semaphore(%arg15 : memref<!tpu.dma_semaphore, #tpu.memory_space<semaphore_mem>>) src(%dma_wait3A_227 : memref<10000x128xf32, #tpu.memory_space<hbm>>) dst(%arg10 : memref<56x128xf32, #tpu.memory_space<vmem>>)
      %dma_start3A_228 = arith.constant 0 : i32
      %dma_start3A_229 = tpu.memref_slice %arg8[%add3A_221, %dma_start3A_228] : memref<60x56xi32, #tpu.memory_space<vmem>> -> memref<1x56xi32, #tpu.memory_space<vmem>>
      %dma_start3A_230 = tpu.memref_squeeze %dma_start3A_229 : memref<1x56xi32, #tpu.memory_space<vmem>> -> memref<56xi32, #tpu.memory_space<vmem>>
      %dma_start3A_231 = arith.constant 0 : i32
      %dma_start3A_232 = arith.constant 0 : i32
      %dma_start3A_233 = tpu.memref_slice %arg13[%dma_start3A_231, %dma_start3A_232] : memref<10008x128xf32, #tpu.memory_space<vmem_shared>> -> memref<10008x128xf32, #tpu.memory_space<vmem_shared>>
      tpu.enqueue_indirect_dma source(%arg10 : memref<56x128xf32, #tpu.memory_space<vmem>>) target(%dma_start3A_233 : memref<10008x128xf32, #tpu.memory_space<vmem_shared>>) offsets(%dma_start3A_230 : memref<56xi32, #tpu.memory_space<vmem>>) semaphore(%arg19 : memref<!tpu.dma_semaphore, #tpu.memory_space<semaphore_mem>>) {add = true}
      %add3A_234 = arith.constant 2 : i32
      %add3A_235 = arith.addi %mul3A_205, %add3A_234 : i32
      %dma_wait3A_236 = arith.constant 0 : i32
      %dma_wait3A_237 = tpu.memref_slice %arg7[%add3A_235, %dma_wait3A_236] : memref<60x56xi32, #tpu.memory_space<vmem>> -> memref<1x56xi32, #tpu.memory_space<vmem>>
      %dma_wait3A_238 = tpu.memref_squeeze %dma_wait3A_237 : memref<1x56xi32, #tpu.memory_space<vmem>> -> memref<56xi32, #tpu.memory_space<vmem>>
      %dma_wait3A_239 = arith.constant 0 : i32
      %dma_wait3A_240 = arith.constant 0 : i32
      %dma_wait3A_241 = tpu.memref_slice %arg2[%dma_wait3A_239, %dma_wait3A_240] : memref<10000x128xf32, #tpu.memory_space<hbm>> -> memref<10000x128xf32, #tpu.memory_space<hbm>>
      tpu.wait_indirect_dma semaphore(%arg16 : memref<!tpu.dma_semaphore, #tpu.memory_space<semaphore_mem>>) src(%dma_wait3A_241 : memref<10000x128xf32, #tpu.memory_space<hbm>>) dst(%arg11 : memref<56x128xf32, #tpu.memory_space<vmem>>)
      %dma_start3A_242 = arith.constant 0 : i32
      %dma_start3A_243 = tpu.memref_slice %arg8[%add3A_235, %dma_start3A_242] : memref<60x56xi32, #tpu.memory_space<vmem>> -> memref<1x56xi32, #tpu.memory_space<vmem>>
      %dma_start3A_244 = tpu.memref_squeeze %dma_start3A_243 : memref<1x56xi32, #tpu.memory_space<vmem>> -> memref<56xi32, #tpu.memory_space<vmem>>
      %dma_start3A_245 = arith.constant 0 : i32
      %dma_start3A_246 = arith.constant 0 : i32
      %dma_start3A_247 = tpu.memref_slice %arg13[%dma_start3A_245, %dma_start3A_246] : memref<10008x128xf32, #tpu.memory_space<vmem_shared>> -> memref<10008x128xf32, #tpu.memory_space<vmem_shared>>
      tpu.enqueue_indirect_dma source(%arg11 : memref<56x128xf32, #tpu.memory_space<vmem>>) target(%dma_start3A_247 : memref<10008x128xf32, #tpu.memory_space<vmem_shared>>) offsets(%dma_start3A_244 : memref<56xi32, #tpu.memory_space<vmem>>) semaphore(%arg20 : memref<!tpu.dma_semaphore, #tpu.memory_space<semaphore_mem>>) {add = true}
      %add3A_248 = arith.constant 3 : i32
      %add3A_249 = arith.addi %mul3A_205, %add3A_248 : i32
      %dma_wait3A_250 = arith.constant 0 : i32
      %dma_wait3A_251 = tpu.memref_slice %arg7[%add3A_249, %dma_wait3A_250] : memref<60x56xi32, #tpu.memory_space<vmem>> -> memref<1x56xi32, #tpu.memory_space<vmem>>
      %dma_wait3A_252 = tpu.memref_squeeze %dma_wait3A_251 : memref<1x56xi32, #tpu.memory_space<vmem>> -> memref<56xi32, #tpu.memory_space<vmem>>
      %dma_wait3A_253 = arith.constant 0 : i32
      %dma_wait3A_254 = arith.constant 0 : i32
      %dma_wait3A_255 = tpu.memref_slice %arg2[%dma_wait3A_253, %dma_wait3A_254] : memref<10000x128xf32, #tpu.memory_space<hbm>> -> memref<10000x128xf32, #tpu.memory_space<hbm>>
      tpu.wait_indirect_dma semaphore(%arg17 : memref<!tpu.dma_semaphore, #tpu.memory_space<semaphore_mem>>) src(%dma_wait3A_255 : memref<10000x128xf32, #tpu.memory_space<hbm>>) dst(%arg12 : memref<56x128xf32, #tpu.memory_space<vmem>>)
      %dma_start3A_256 = arith.constant 0 : i32
      %dma_start3A_257 = tpu.memref_slice %arg8[%add3A_249, %dma_start3A_256] : memref<60x56xi32, #tpu.memory_space<vmem>> -> memref<1x56xi32, #tpu.memory_space<vmem>>
      %dma_start3A_258 = tpu.memref_squeeze %dma_start3A_257 : memref<1x56xi32, #tpu.memory_space<vmem>> -> memref<56xi32, #tpu.memory_space<vmem>>
      %dma_start3A_259 = arith.constant 0 : i32
      %dma_start3A_260 = arith.constant 0 : i32
      %dma_start3A_261 = tpu.memref_slice %arg13[%dma_start3A_259, %dma_start3A_260] : memref<10008x128xf32, #tpu.memory_space<vmem_shared>> -> memref<10008x128xf32, #tpu.memory_space<vmem_shared>>
      tpu.enqueue_indirect_dma source(%arg12 : memref<56x128xf32, #tpu.memory_space<vmem>>) target(%dma_start3A_261 : memref<10008x128xf32, #tpu.memory_space<vmem_shared>>) offsets(%dma_start3A_258 : memref<56xi32, #tpu.memory_space<vmem>>) semaphore(%arg21 : memref<!tpu.dma_semaphore, #tpu.memory_space<semaphore_mem>>) {add = true}
      %lt3A = arith.constant 14 : i32
      %lt3A_262 = arith.cmpi slt, %scan3A_203, %lt3A : i32
      %convert_element_type3A_263 = arith.extui %lt3A_262 : i1 to i32
      %cond3A_264 = arith.constant 0 : i32
      %cond3A_265 = arith.cmpi ne, %convert_element_type3A_263, %cond3A_264 : i32
      scf.if %cond3A_265 {
        %add3A_266 = arith.constant 0 : i32
        %add3A_267 = arith.addi %mul3A_205, %add3A_266 : i32
        %dma_wait3A_268 = arith.constant 0 : i32
        %dma_wait3A_269 = tpu.memref_slice %arg8[%add3A_267, %dma_wait3A_268] : memref<60x56xi32, #tpu.memory_space<vmem>> -> memref<1x56xi32, #tpu.memory_space<vmem>>
        %dma_wait3A_270 = tpu.memref_squeeze %dma_wait3A_269 : memref<1x56xi32, #tpu.memory_space<vmem>> -> memref<56xi32, #tpu.memory_space<vmem>>
        %dma_wait3A_271 = arith.constant 0 : i32
        %dma_wait3A_272 = arith.constant 0 : i32
        %dma_wait3A_273 = tpu.memref_slice %arg13[%dma_wait3A_271, %dma_wait3A_272] : memref<10008x128xf32, #tpu.memory_space<vmem_shared>> -> memref<10008x128xf32, #tpu.memory_space<vmem_shared>>
        tpu.wait_indirect_dma semaphore(%arg18 : memref<!tpu.dma_semaphore, #tpu.memory_space<semaphore_mem>>) src(%arg9 : memref<56x128xf32, #tpu.memory_space<vmem>>) dst(%dma_wait3A_273 : memref<10008x128xf32, #tpu.memory_space<vmem_shared>>)
        %add3A_274 = arith.constant 4 : i32
        %add3A_275 = arith.addi %add3A_267, %add3A_274 : i32
        %dma_start3A_276 = arith.constant 0 : i32
        %dma_start3A_277 = tpu.memref_slice %arg7[%add3A_275, %dma_start3A_276] : memref<60x56xi32, #tpu.memory_space<vmem>> -> memref<1x56xi32, #tpu.memory_space<vmem>>
        %dma_start3A_278 = tpu.memref_squeeze %dma_start3A_277 : memref<1x56xi32, #tpu.memory_space<vmem>> -> memref<56xi32, #tpu.memory_space<vmem>>
        %dma_start3A_279 = arith.constant 0 : i32
        %dma_start3A_280 = arith.constant 0 : i32
        %dma_start3A_281 = tpu.memref_slice %arg2[%dma_start3A_279, %dma_start3A_280] : memref<10000x128xf32, #tpu.memory_space<hbm>> -> memref<10000x128xf32, #tpu.memory_space<hbm>>
        tpu.enqueue_indirect_dma source(%dma_start3A_281 : memref<10000x128xf32, #tpu.memory_space<hbm>>) target(%arg9 : memref<56x128xf32, #tpu.memory_space<vmem>>) offsets(%dma_start3A_278 : memref<56xi32, #tpu.memory_space<vmem>>) semaphore(%arg14 : memref<!tpu.dma_semaphore, #tpu.memory_space<semaphore_mem>>)
        %add3A_282 = arith.constant 1 : i32
        %add3A_283 = arith.addi %mul3A_205, %add3A_282 : i32
        %dma_wait3A_284 = arith.constant 0 : i32
        %dma_wait3A_285 = tpu.memref_slice %arg8[%add3A_283, %dma_wait3A_284] : memref<60x56xi32, #tpu.memory_space<vmem>> -> memref<1x56xi32, #tpu.memory_space<vmem>>
        %dma_wait3A_286 = tpu.memref_squeeze %dma_wait3A_285 : memref<1x56xi32, #tpu.memory_space<vmem>> -> memref<56xi32, #tpu.memory_space<vmem>>
        %dma_wait3A_287 = arith.constant 0 : i32
        %dma_wait3A_288 = arith.constant 0 : i32
        %dma_wait3A_289 = tpu.memref_slice %arg13[%dma_wait3A_287, %dma_wait3A_288] : memref<10008x128xf32, #tpu.memory_space<vmem_shared>> -> memref<10008x128xf32, #tpu.memory_space<vmem_shared>>
        tpu.wait_indirect_dma semaphore(%arg19 : memref<!tpu.dma_semaphore, #tpu.memory_space<semaphore_mem>>) src(%arg10 : memref<56x128xf32, #tpu.memory_space<vmem>>) dst(%dma_wait3A_289 : memref<10008x128xf32, #tpu.memory_space<vmem_shared>>)
        %add3A_290 = arith.constant 4 : i32
        %add3A_291 = arith.addi %add3A_283, %add3A_290 : i32
        %dma_start3A_292 = arith.constant 0 : i32
        %dma_start3A_293 = tpu.memref_slice %arg7[%add3A_291, %dma_start3A_292] : memref<60x56xi32, #tpu.memory_space<vmem>> -> memref<1x56xi32, #tpu.memory_space<vmem>>
        %dma_start3A_294 = tpu.memref_squeeze %dma_start3A_293 : memref<1x56xi32, #tpu.memory_space<vmem>> -> memref<56xi32, #tpu.memory_space<vmem>>
        %dma_start3A_295 = arith.constant 0 : i32
        %dma_start3A_296 = arith.constant 0 : i32
        %dma_start3A_297 = tpu.memref_slice %arg2[%dma_start3A_295, %dma_start3A_296] : memref<10000x128xf32, #tpu.memory_space<hbm>> -> memref<10000x128xf32, #tpu.memory_space<hbm>>
        tpu.enqueue_indirect_dma source(%dma_start3A_297 : memref<10000x128xf32, #tpu.memory_space<hbm>>) target(%arg10 : memref<56x128xf32, #tpu.memory_space<vmem>>) offsets(%dma_start3A_294 : memref<56xi32, #tpu.memory_space<vmem>>) semaphore(%arg15 : memref<!tpu.dma_semaphore, #tpu.memory_space<semaphore_mem>>)
        %add3A_298 = arith.constant 2 : i32
        %add3A_299 = arith.addi %mul3A_205, %add3A_298 : i32
        %dma_wait3A_300 = arith.constant 0 : i32
        %dma_wait3A_301 = tpu.memref_slice %arg8[%add3A_299, %dma_wait3A_300] : memref<60x56xi32, #tpu.memory_space<vmem>> -> memref<1x56xi32, #tpu.memory_space<vmem>>
        %dma_wait3A_302 = tpu.memref_squeeze %dma_wait3A_301 : memref<1x56xi32, #tpu.memory_space<vmem>> -> memref<56xi32, #tpu.memory_space<vmem>>
        %dma_wait3A_303 = arith.constant 0 : i32
        %dma_wait3A_304 = arith.constant 0 : i32
        %dma_wait3A_305 = tpu.memref_slice %arg13[%dma_wait3A_303, %dma_wait3A_304] : memref<10008x128xf32, #tpu.memory_space<vmem_shared>> -> memref<10008x128xf32, #tpu.memory_space<vmem_shared>>
        tpu.wait_indirect_dma semaphore(%arg20 : memref<!tpu.dma_semaphore, #tpu.memory_space<semaphore_mem>>) src(%arg11 : memref<56x128xf32, #tpu.memory_space<vmem>>) dst(%dma_wait3A_305 : memref<10008x128xf32, #tpu.memory_space<vmem_shared>>)
        %add3A_306 = arith.constant 4 : i32
        %add3A_307 = arith.addi %add3A_299, %add3A_306 : i32
        %dma_start3A_308 = arith.constant 0 : i32
        %dma_start3A_309 = tpu.memref_slice %arg7[%add3A_307, %dma_start3A_308] : memref<60x56xi32, #tpu.memory_space<vmem>> -> memref<1x56xi32, #tpu.memory_space<vmem>>
        %dma_start3A_310 = tpu.memref_squeeze %dma_start3A_309 : memref<1x56xi32, #tpu.memory_space<vmem>> -> memref<56xi32, #tpu.memory_space<vmem>>
        %dma_start3A_311 = arith.constant 0 : i32
        %dma_start3A_312 = arith.constant 0 : i32
        %dma_start3A_313 = tpu.memref_slice %arg2[%dma_start3A_311, %dma_start3A_312] : memref<10000x128xf32, #tpu.memory_space<hbm>> -> memref<10000x128xf32, #tpu.memory_space<hbm>>
        tpu.enqueue_indirect_dma source(%dma_start3A_313 : memref<10000x128xf32, #tpu.memory_space<hbm>>) target(%arg11 : memref<56x128xf32, #tpu.memory_space<vmem>>) offsets(%dma_start3A_310 : memref<56xi32, #tpu.memory_space<vmem>>) semaphore(%arg16 : memref<!tpu.dma_semaphore, #tpu.memory_space<semaphore_mem>>)
        %add3A_314 = arith.constant 3 : i32
        %add3A_315 = arith.addi %mul3A_205, %add3A_314 : i32
        %dma_wait3A_316 = arith.constant 0 : i32
        %dma_wait3A_317 = tpu.memref_slice %arg8[%add3A_315, %dma_wait3A_316] : memref<60x56xi32, #tpu.memory_space<vmem>> -> memref<1x56xi32, #tpu.memory_space<vmem>>
        %dma_wait3A_318 = tpu.memref_squeeze %dma_wait3A_317 : memref<1x56xi32, #tpu.memory_space<vmem>> -> memref<56xi32, #tpu.memory_space<vmem>>
        %dma_wait3A_319 = arith.constant 0 : i32
        %dma_wait3A_320 = arith.constant 0 : i32
        %dma_wait3A_321 = tpu.memref_slice %arg13[%dma_wait3A_319, %dma_wait3A_320] : memref<10008x128xf32, #tpu.memory_space<vmem_shared>> -> memref<10008x128xf32, #tpu.memory_space<vmem_shared>>
        tpu.wait_indirect_dma semaphore(%arg21 : memref<!tpu.dma_semaphore, #tpu.memory_space<semaphore_mem>>) src(%arg12 : memref<56x128xf32, #tpu.memory_space<vmem>>) dst(%dma_wait3A_321 : memref<10008x128xf32, #tpu.memory_space<vmem_shared>>)
        %add3A_322 = arith.constant 4 : i32
        %add3A_323 = arith.addi %add3A_315, %add3A_322 : i32
        %dma_start3A_324 = arith.constant 0 : i32
        %dma_start3A_325 = tpu.memref_slice %arg7[%add3A_323, %dma_start3A_324] : memref<60x56xi32, #tpu.memory_space<vmem>> -> memref<1x56xi32, #tpu.memory_space<vmem>>
        %dma_start3A_326 = tpu.memref_squeeze %dma_start3A_325 : memref<1x56xi32, #tpu.memory_space<vmem>> -> memref<56xi32, #tpu.memory_space<vmem>>
        %dma_start3A_327 = arith.constant 0 : i32
        %dma_start3A_328 = arith.constant 0 : i32
        %dma_start3A_329 = tpu.memref_slice %arg2[%dma_start3A_327, %dma_start3A_328] : memref<10000x128xf32, #tpu.memory_space<hbm>> -> memref<10000x128xf32, #tpu.memory_space<hbm>>
        tpu.enqueue_indirect_dma source(%dma_start3A_329 : memref<10000x128xf32, #tpu.memory_space<hbm>>) target(%arg12 : memref<56x128xf32, #tpu.memory_space<vmem>>) offsets(%dma_start3A_326 : memref<56xi32, #tpu.memory_space<vmem>>) semaphore(%arg17 : memref<!tpu.dma_semaphore, #tpu.memory_space<semaphore_mem>>)
      } else {
      }
    }
    %scan3A_100 = arith.constant 15 : i32
    %dma_wait3A_101 = arith.constant 56 : i32
    %dma_wait3A_102 = arith.constant 0 : i32
    %dma_wait3A_103 = tpu.memref_slice %arg8[%dma_wait3A_101, %dma_wait3A_102] : memref<60x56xi32, #tpu.memory_space<vmem>> -> memref<1x56xi32, #tpu.memory_space<vmem>>
    %dma_wait3A_104 = tpu.memref_squeeze %dma_wait3A_103 : memref<1x56xi32, #tpu.memory_space<vmem>> -> memref<56xi32, #tpu.memory_space<vmem>>
    %dma_wait3A_105 = arith.constant 0 : i32
    %dma_wait3A_106 = arith.constant 0 : i32
    %dma_wait3A_107 = tpu.memref_slice %arg13[%dma_wait3A_105, %dma_wait3A_106] : memref<10008x128xf32, #tpu.memory_space<vmem_shared>> -> memref<10008x128xf32, #tpu.memory_space<vmem_shared>>
    tpu.wait_indirect_dma semaphore(%arg18 : memref<!tpu.dma_semaphore, #tpu.memory_space<semaphore_mem>>) src(%arg9 : memref<56x128xf32, #tpu.memory_space<vmem>>) dst(%dma_wait3A_107 : memref<10008x128xf32, #tpu.memory_space<vmem_shared>>)
    %dma_wait3A_108 = arith.constant 57 : i32
    %dma_wait3A_109 = arith.constant 0 : i32
    %dma_wait3A_110 = tpu.memref_slice %arg8[%dma_wait3A_108, %dma_wait3A_109] : memref<60x56xi32, #tpu.memory_space<vmem>> -> memref<1x56xi32, #tpu.memory_space<vmem>>
    %dma_wait3A_111 = tpu.memref_squeeze %dma_wait3A_110 : memref<1x56xi32, #tpu.memory_space<vmem>> -> memref<56xi32, #tpu.memory_space<vmem>>
    %dma_wait3A_112 = arith.constant 0 : i32
    %dma_wait3A_113 = arith.constant 0 : i32
    %dma_wait3A_114 = tpu.memref_slice %arg13[%dma_wait3A_112, %dma_wait3A_113] : memref<10008x128xf32, #tpu.memory_space<vmem_shared>> -> memref<10008x128xf32, #tpu.memory_space<vmem_shared>>
    tpu.wait_indirect_dma semaphore(%arg19 : memref<!tpu.dma_semaphore, #tpu.memory_space<semaphore_mem>>) src(%arg10 : memref<56x128xf32, #tpu.memory_space<vmem>>) dst(%dma_wait3A_114 : memref<10008x128xf32, #tpu.memory_space<vmem_shared>>)
    %dma_wait3A_115 = arith.constant 58 : i32
    %dma_wait3A_116 = arith.constant 0 : i32
    %dma_wait3A_117 = tpu.memref_slice %arg8[%dma_wait3A_115, %dma_wait3A_116] : memref<60x56xi32, #tpu.memory_space<vmem>> -> memref<1x56xi32, #tpu.memory_space<vmem>>
    %dma_wait3A_118 = tpu.memref_squeeze %dma_wait3A_117 : memref<1x56xi32, #tpu.memory_space<vmem>> -> memref<56xi32, #tpu.memory_space<vmem>>
    %dma_wait3A_119 = arith.constant 0 : i32
    %dma_wait3A_120 = arith.constant 0 : i32
    %dma_wait3A_121 = tpu.memref_slice %arg13[%dma_wait3A_119, %dma_wait3A_120] : memref<10008x128xf32, #tpu.memory_space<vmem_shared>> -> memref<10008x128xf32, #tpu.memory_space<vmem_shared>>
    tpu.wait_indirect_dma semaphore(%arg20 : memref<!tpu.dma_semaphore, #tpu.memory_space<semaphore_mem>>) src(%arg11 : memref<56x128xf32, #tpu.memory_space<vmem>>) dst(%dma_wait3A_121 : memref<10008x128xf32, #tpu.memory_space<vmem_shared>>)
    %dma_wait3A_122 = arith.constant 59 : i32
    %dma_wait3A_123 = arith.constant 0 : i32
    %dma_wait3A_124 = tpu.memref_slice %arg8[%dma_wait3A_122, %dma_wait3A_123] : memref<60x56xi32, #tpu.memory_space<vmem>> -> memref<1x56xi32, #tpu.memory_space<vmem>>
    %dma_wait3A_125 = tpu.memref_squeeze %dma_wait3A_124 : memref<1x56xi32, #tpu.memory_space<vmem>> -> memref<56xi32, #tpu.memory_space<vmem>>
    %dma_wait3A_126 = arith.constant 0 : i32
    %dma_wait3A_127 = arith.constant 0 : i32
    %dma_wait3A_128 = tpu.memref_slice %arg13[%dma_wait3A_126, %dma_wait3A_127] : memref<10008x128xf32, #tpu.memory_space<vmem_shared>> -> memref<10008x128xf32, #tpu.memory_space<vmem_shared>>
    tpu.wait_indirect_dma semaphore(%arg21 : memref<!tpu.dma_semaphore, #tpu.memory_space<semaphore_mem>>) src(%arg12 : memref<56x128xf32, #tpu.memory_space<vmem>>) dst(%dma_wait3A_128 : memref<10008x128xf32, #tpu.memory_space<vmem_shared>>)
    %run_scoped3A_129 = arith.constant 2 : i32
    "tpu.region"() ({
      %run_scoped3A_203 = tpu.sem_alloc : memref<!tpu.dma_semaphore, #tpu.memory_space<semaphore_mem>>
      %dma_start3A_204 = arith.constant 0 : i32
      %dma_start3A_205 = arith.constant 0 : i32
      %dma_start3A_206 = tpu.memref_slice %arg3[%add3A, %run_scoped3A_129, %dma_start3A_204, %dma_start3A_205] : memref<32x3x60x56xi32, #tpu.memory_space<hbm>> -> memref<1x1x60x56xi32, #tpu.memory_space<hbm>>
      %dma_start3A_207 = tpu.memref_squeeze %dma_start3A_206 : memref<1x1x60x56xi32, #tpu.memory_space<hbm>> -> memref<60x56xi32, #tpu.memory_space<hbm>>
      %dma_start3A_208 = arith.constant 0 : i32
      %dma_start3A_209 = arith.constant 0 : i32
      %dma_start3A_210 = tpu.memref_slice %arg3[%add3A, %run_scoped3A_129, %dma_start3A_208, %dma_start3A_209] : memref<32x3x60x56xi32, #tpu.memory_space<hbm>> -> memref<1x1x60x56xi32, #tpu.memory_space<hbm>>
      %dma_start3A_211 = tpu.memref_squeeze %dma_start3A_210 : memref<1x1x60x56xi32, #tpu.memory_space<hbm>> -> memref<60x56xi32, #tpu.memory_space<hbm>>
      tpu.enqueue_dma source(%dma_start3A_211 : memref<60x56xi32, #tpu.memory_space<hbm>>) target(%arg7 : memref<60x56xi32, #tpu.memory_space<vmem>>) target_semaphore(%run_scoped3A_203 : memref<!tpu.dma_semaphore, #tpu.memory_space<semaphore_mem>>)
      %dma_wait3A_212 = arith.constant 0 : i32
      %dma_wait3A_213 = arith.constant 0 : i32
      %dma_wait3A_214 = tpu.memref_slice %arg3[%add3A, %run_scoped3A_129, %dma_wait3A_212, %dma_wait3A_213] : memref<32x3x60x56xi32, #tpu.memory_space<hbm>> -> memref<1x1x60x56xi32, #tpu.memory_space<hbm>>
      %dma_wait3A_215 = tpu.memref_squeeze %dma_wait3A_214 : memref<1x1x60x56xi32, #tpu.memory_space<hbm>> -> memref<60x56xi32, #tpu.memory_space<hbm>>
      %dma_wait3A_216 = arith.constant 0 : i32
      %dma_wait3A_217 = arith.constant 0 : i32
      %dma_wait3A_218 = tpu.memref_slice %arg3[%add3A, %run_scoped3A_129, %dma_wait3A_216, %dma_wait3A_217] : memref<32x3x60x56xi32, #tpu.memory_space<hbm>> -> memref<1x1x60x56xi32, #tpu.memory_space<hbm>>
      %dma_wait3A_219 = tpu.memref_squeeze %dma_wait3A_218 : memref<1x1x60x56xi32, #tpu.memory_space<hbm>> -> memref<60x56xi32, #tpu.memory_space<hbm>>
      tpu.wait_dma2 semaphore(%run_scoped3A_203 : memref<!tpu.dma_semaphore, #tpu.memory_space<semaphore_mem>>) src(%dma_wait3A_219 : memref<60x56xi32, #tpu.memory_space<hbm>>) dst(%arg7 : memref<60x56xi32, #tpu.memory_space<vmem>>)
      tpu.yield
    }) : () -> ()
    %run_scoped3A_130 = arith.constant 2 : i32
    "tpu.region"() ({
      %run_scoped3A_203 = tpu.sem_alloc : memref<!tpu.dma_semaphore, #tpu.memory_space<semaphore_mem>>
      %dma_start3A_204 = arith.constant 0 : i32
      %dma_start3A_205 = arith.constant 0 : i32
      %dma_start3A_206 = tpu.memref_slice %arg4[%add3A, %run_scoped3A_130, %dma_start3A_204, %dma_start3A_205] : memref<32x3x60x56xi32, #tpu.memory_space<hbm>> -> memref<1x1x60x56xi32, #tpu.memory_space<hbm>>
      %dma_start3A_207 = tpu.memref_squeeze %dma_start3A_206 : memref<1x1x60x56xi32, #tpu.memory_space<hbm>> -> memref<60x56xi32, #tpu.memory_space<hbm>>
      %dma_start3A_208 = arith.constant 0 : i32
      %dma_start3A_209 = arith.constant 0 : i32
      %dma_start3A_210 = tpu.memref_slice %arg4[%add3A, %run_scoped3A_130, %dma_start3A_208, %dma_start3A_209] : memref<32x3x60x56xi32, #tpu.memory_space<hbm>> -> memref<1x1x60x56xi32, #tpu.memory_space<hbm>>
      %dma_start3A_211 = tpu.memref_squeeze %dma_start3A_210 : memref<1x1x60x56xi32, #tpu.memory_space<hbm>> -> memref<60x56xi32, #tpu.memory_space<hbm>>
      tpu.enqueue_dma source(%dma_start3A_211 : memref<60x56xi32, #tpu.memory_space<hbm>>) target(%arg8 : memref<60x56xi32, #tpu.memory_space<vmem>>) target_semaphore(%run_scoped3A_203 : memref<!tpu.dma_semaphore, #tpu.memory_space<semaphore_mem>>)
      %dma_wait3A_212 = arith.constant 0 : i32
      %dma_wait3A_213 = arith.constant 0 : i32
      %dma_wait3A_214 = tpu.memref_slice %arg4[%add3A, %run_scoped3A_130, %dma_wait3A_212, %dma_wait3A_213] : memref<32x3x60x56xi32, #tpu.memory_space<hbm>> -> memref<1x1x60x56xi32, #tpu.memory_space<hbm>>
      %dma_wait3A_215 = tpu.memref_squeeze %dma_wait3A_214 : memref<1x1x60x56xi32, #tpu.memory_space<hbm>> -> memref<60x56xi32, #tpu.memory_space<hbm>>
      %dma_wait3A_216 = arith.constant 0 : i32
      %dma_wait3A_217 = arith.constant 0 : i32
      %dma_wait3A_218 = tpu.memref_slice %arg4[%add3A, %run_scoped3A_130, %dma_wait3A_216, %dma_wait3A_217] : memref<32x3x60x56xi32, #tpu.memory_space<hbm>> -> memref<1x1x60x56xi32, #tpu.memory_space<hbm>>
      %dma_wait3A_219 = tpu.memref_squeeze %dma_wait3A_218 : memref<1x1x60x56xi32, #tpu.memory_space<hbm>> -> memref<60x56xi32, #tpu.memory_space<hbm>>
      tpu.wait_dma2 semaphore(%run_scoped3A_203 : memref<!tpu.dma_semaphore, #tpu.memory_space<semaphore_mem>>) src(%dma_wait3A_219 : memref<60x56xi32, #tpu.memory_space<hbm>>) dst(%arg8 : memref<60x56xi32, #tpu.memory_space<vmem>>)
      tpu.yield
    }) : () -> ()
    %dma_start3A_131 = arith.constant 0 : i32
    %dma_start3A_132 = arith.constant 0 : i32
    %dma_start3A_133 = tpu.memref_slice %arg7[%dma_start3A_131, %dma_start3A_132] : memref<60x56xi32, #tpu.memory_space<vmem>> -> memref<1x56xi32, #tpu.memory_space<vmem>>
    %dma_start3A_134 = tpu.memref_squeeze %dma_start3A_133 : memref<1x56xi32, #tpu.memory_space<vmem>> -> memref<56xi32, #tpu.memory_space<vmem>>
    %dma_start3A_135 = arith.constant 0 : i32
    %dma_start3A_136 = arith.constant 0 : i32
    %dma_start3A_137 = tpu.memref_slice %arg2[%dma_start3A_135, %dma_start3A_136] : memref<10000x128xf32, #tpu.memory_space<hbm>> -> memref<10000x128xf32, #tpu.memory_space<hbm>>
    tpu.enqueue_indirect_dma source(%dma_start3A_137 : memref<10000x128xf32, #tpu.memory_space<hbm>>) target(%arg9 : memref<56x128xf32, #tpu.memory_space<vmem>>) offsets(%dma_start3A_134 : memref<56xi32, #tpu.memory_space<vmem>>) semaphore(%arg14 : memref<!tpu.dma_semaphore, #tpu.memory_space<semaphore_mem>>)
    %dma_start3A_138 = arith.constant 1 : i32
    %dma_start3A_139 = arith.constant 0 : i32
    %dma_start3A_140 = tpu.memref_slice %arg7[%dma_start3A_138, %dma_start3A_139] : memref<60x56xi32, #tpu.memory_space<vmem>> -> memref<1x56xi32, #tpu.memory_space<vmem>>
    %dma_start3A_141 = tpu.memref_squeeze %dma_start3A_140 : memref<1x56xi32, #tpu.memory_space<vmem>> -> memref<56xi32, #tpu.memory_space<vmem>>
    %dma_start3A_142 = arith.constant 0 : i32
    %dma_start3A_143 = arith.constant 0 : i32
    %dma_start3A_144 = tpu.memref_slice %arg2[%dma_start3A_142, %dma_start3A_143] : memref<10000x128xf32, #tpu.memory_space<hbm>> -> memref<10000x128xf32, #tpu.memory_space<hbm>>
    tpu.enqueue_indirect_dma source(%dma_start3A_144 : memref<10000x128xf32, #tpu.memory_space<hbm>>) target(%arg10 : memref<56x128xf32, #tpu.memory_space<vmem>>) offsets(%dma_start3A_141 : memref<56xi32, #tpu.memory_space<vmem>>) semaphore(%arg15 : memref<!tpu.dma_semaphore, #tpu.memory_space<semaphore_mem>>)
    %dma_start3A_145 = arith.constant 2 : i32
    %dma_start3A_146 = arith.constant 0 : i32
    %dma_start3A_147 = tpu.memref_slice %arg7[%dma_start3A_145, %dma_start3A_146] : memref<60x56xi32, #tpu.memory_space<vmem>> -> memref<1x56xi32, #tpu.memory_space<vmem>>
    %dma_start3A_148 = tpu.memref_squeeze %dma_start3A_147 : memref<1x56xi32, #tpu.memory_space<vmem>> -> memref<56xi32, #tpu.memory_space<vmem>>
    %dma_start3A_149 = arith.constant 0 : i32
    %dma_start3A_150 = arith.constant 0 : i32
    %dma_start3A_151 = tpu.memref_slice %arg2[%dma_start3A_149, %dma_start3A_150] : memref<10000x128xf32, #tpu.memory_space<hbm>> -> memref<10000x128xf32, #tpu.memory_space<hbm>>
    tpu.enqueue_indirect_dma source(%dma_start3A_151 : memref<10000x128xf32, #tpu.memory_space<hbm>>) target(%arg11 : memref<56x128xf32, #tpu.memory_space<vmem>>) offsets(%dma_start3A_148 : memref<56xi32, #tpu.memory_space<vmem>>) semaphore(%arg16 : memref<!tpu.dma_semaphore, #tpu.memory_space<semaphore_mem>>)
    %dma_start3A_152 = arith.constant 3 : i32
    %dma_start3A_153 = arith.constant 0 : i32
    %dma_start3A_154 = tpu.memref_slice %arg7[%dma_start3A_152, %dma_start3A_153] : memref<60x56xi32, #tpu.memory_space<vmem>> -> memref<1x56xi32, #tpu.memory_space<vmem>>
    %dma_start3A_155 = tpu.memref_squeeze %dma_start3A_154 : memref<1x56xi32, #tpu.memory_space<vmem>> -> memref<56xi32, #tpu.memory_space<vmem>>
    %dma_start3A_156 = arith.constant 0 : i32
    %dma_start3A_157 = arith.constant 0 : i32
    %dma_start3A_158 = tpu.memref_slice %arg2[%dma_start3A_156, %dma_start3A_157] : memref<10000x128xf32, #tpu.memory_space<hbm>> -> memref<10000x128xf32, #tpu.memory_space<hbm>>
    tpu.enqueue_indirect_dma source(%dma_start3A_158 : memref<10000x128xf32, #tpu.memory_space<hbm>>) target(%arg12 : memref<56x128xf32, #tpu.memory_space<vmem>>) offsets(%dma_start3A_155 : memref<56xi32, #tpu.memory_space<vmem>>) semaphore(%arg17 : memref<!tpu.dma_semaphore, #tpu.memory_space<semaphore_mem>>)
    %scan3A_159 = arith.constant 0 : i32
    %scan3A_160 = arith.constant 0 : i32
    %scan3A_161 = arith.constant 15 : i32
    %scan3A_162 = arith.addi %scan3A_160, %scan3A_161 : i32
    %scan3A_163 = arith.constant 1 : i32
    scf.for %scan3A_203 = %scan3A_160 to %scan3A_162 step %scan3A_163  : i32 {
      %mul3A_204 = arith.constant 4 : i32
      %mul3A_205 = arith.muli %scan3A_203, %mul3A_204 : i32
      %add3A_206 = arith.constant 0 : i32
      %add3A_207 = arith.addi %mul3A_205, %add3A_206 : i32
      %dma_wait3A_208 = arith.constant 0 : i32
      %dma_wait3A_209 = tpu.memref_slice %arg7[%add3A_207, %dma_wait3A_208] : memref<60x56xi32, #tpu.memory_space<vmem>> -> memref<1x56xi32, #tpu.memory_space<vmem>>
      %dma_wait3A_210 = tpu.memref_squeeze %dma_wait3A_209 : memref<1x56xi32, #tpu.memory_space<vmem>> -> memref<56xi32, #tpu.memory_space<vmem>>
      %dma_wait3A_211 = arith.constant 0 : i32
      %dma_wait3A_212 = arith.constant 0 : i32
      %dma_wait3A_213 = tpu.memref_slice %arg2[%dma_wait3A_211, %dma_wait3A_212] : memref<10000x128xf32, #tpu.memory_space<hbm>> -> memref<10000x128xf32, #tpu.memory_space<hbm>>
      tpu.wait_indirect_dma semaphore(%arg14 : memref<!tpu.dma_semaphore, #tpu.memory_space<semaphore_mem>>) src(%dma_wait3A_213 : memref<10000x128xf32, #tpu.memory_space<hbm>>) dst(%arg9 : memref<56x128xf32, #tpu.memory_space<vmem>>)
      %dma_start3A_214 = arith.constant 0 : i32
      %dma_start3A_215 = tpu.memref_slice %arg8[%add3A_207, %dma_start3A_214] : memref<60x56xi32, #tpu.memory_space<vmem>> -> memref<1x56xi32, #tpu.memory_space<vmem>>
      %dma_start3A_216 = tpu.memref_squeeze %dma_start3A_215 : memref<1x56xi32, #tpu.memory_space<vmem>> -> memref<56xi32, #tpu.memory_space<vmem>>
      %dma_start3A_217 = arith.constant 0 : i32
      %dma_start3A_218 = arith.constant 0 : i32
      %dma_start3A_219 = tpu.memref_slice %arg13[%dma_start3A_217, %dma_start3A_218] : memref<10008x128xf32, #tpu.memory_space<vmem_shared>> -> memref<10008x128xf32, #tpu.memory_space<vmem_shared>>
      tpu.enqueue_indirect_dma source(%arg9 : memref<56x128xf32, #tpu.memory_space<vmem>>) target(%dma_start3A_219 : memref<10008x128xf32, #tpu.memory_space<vmem_shared>>) offsets(%dma_start3A_216 : memref<56xi32, #tpu.memory_space<vmem>>) semaphore(%arg18 : memref<!tpu.dma_semaphore, #tpu.memory_space<semaphore_mem>>) {add = true}
      %add3A_220 = arith.constant 1 : i32
      %add3A_221 = arith.addi %mul3A_205, %add3A_220 : i32
      %dma_wait3A_222 = arith.constant 0 : i32
      %dma_wait3A_223 = tpu.memref_slice %arg7[%add3A_221, %dma_wait3A_222] : memref<60x56xi32, #tpu.memory_space<vmem>> -> memref<1x56xi32, #tpu.memory_space<vmem>>
      %dma_wait3A_224 = tpu.memref_squeeze %dma_wait3A_223 : memref<1x56xi32, #tpu.memory_space<vmem>> -> memref<56xi32, #tpu.memory_space<vmem>>
      %dma_wait3A_225 = arith.constant 0 : i32
      %dma_wait3A_226 = arith.constant 0 : i32
      %dma_wait3A_227 = tpu.memref_slice %arg2[%dma_wait3A_225, %dma_wait3A_226] : memref<10000x128xf32, #tpu.memory_space<hbm>> -> memref<10000x128xf32, #tpu.memory_space<hbm>>
      tpu.wait_indirect_dma semaphore(%arg15 : memref<!tpu.dma_semaphore, #tpu.memory_space<semaphore_mem>>) src(%dma_wait3A_227 : memref<10000x128xf32, #tpu.memory_space<hbm>>) dst(%arg10 : memref<56x128xf32, #tpu.memory_space<vmem>>)
      %dma_start3A_228 = arith.constant 0 : i32
      %dma_start3A_229 = tpu.memref_slice %arg8[%add3A_221, %dma_start3A_228] : memref<60x56xi32, #tpu.memory_space<vmem>> -> memref<1x56xi32, #tpu.memory_space<vmem>>
      %dma_start3A_230 = tpu.memref_squeeze %dma_start3A_229 : memref<1x56xi32, #tpu.memory_space<vmem>> -> memref<56xi32, #tpu.memory_space<vmem>>
      %dma_start3A_231 = arith.constant 0 : i32
      %dma_start3A_232 = arith.constant 0 : i32
      %dma_start3A_233 = tpu.memref_slice %arg13[%dma_start3A_231, %dma_start3A_232] : memref<10008x128xf32, #tpu.memory_space<vmem_shared>> -> memref<10008x128xf32, #tpu.memory_space<vmem_shared>>
      tpu.enqueue_indirect_dma source(%arg10 : memref<56x128xf32, #tpu.memory_space<vmem>>) target(%dma_start3A_233 : memref<10008x128xf32, #tpu.memory_space<vmem_shared>>) offsets(%dma_start3A_230 : memref<56xi32, #tpu.memory_space<vmem>>) semaphore(%arg19 : memref<!tpu.dma_semaphore, #tpu.memory_space<semaphore_mem>>) {add = true}
      %add3A_234 = arith.constant 2 : i32
      %add3A_235 = arith.addi %mul3A_205, %add3A_234 : i32
      %dma_wait3A_236 = arith.constant 0 : i32
      %dma_wait3A_237 = tpu.memref_slice %arg7[%add3A_235, %dma_wait3A_236] : memref<60x56xi32, #tpu.memory_space<vmem>> -> memref<1x56xi32, #tpu.memory_space<vmem>>
      %dma_wait3A_238 = tpu.memref_squeeze %dma_wait3A_237 : memref<1x56xi32, #tpu.memory_space<vmem>> -> memref<56xi32, #tpu.memory_space<vmem>>
      %dma_wait3A_239 = arith.constant 0 : i32
      %dma_wait3A_240 = arith.constant 0 : i32
      %dma_wait3A_241 = tpu.memref_slice %arg2[%dma_wait3A_239, %dma_wait3A_240] : memref<10000x128xf32, #tpu.memory_space<hbm>> -> memref<10000x128xf32, #tpu.memory_space<hbm>>
      tpu.wait_indirect_dma semaphore(%arg16 : memref<!tpu.dma_semaphore, #tpu.memory_space<semaphore_mem>>) src(%dma_wait3A_241 : memref<10000x128xf32, #tpu.memory_space<hbm>>) dst(%arg11 : memref<56x128xf32, #tpu.memory_space<vmem>>)
      %dma_start3A_242 = arith.constant 0 : i32
      %dma_start3A_243 = tpu.memref_slice %arg8[%add3A_235, %dma_start3A_242] : memref<60x56xi32, #tpu.memory_space<vmem>> -> memref<1x56xi32, #tpu.memory_space<vmem>>
      %dma_start3A_244 = tpu.memref_squeeze %dma_start3A_243 : memref<1x56xi32, #tpu.memory_space<vmem>> -> memref<56xi32, #tpu.memory_space<vmem>>
      %dma_start3A_245 = arith.constant 0 : i32
      %dma_start3A_246 = arith.constant 0 : i32
      %dma_start3A_247 = tpu.memref_slice %arg13[%dma_start3A_245, %dma_start3A_246] : memref<10008x128xf32, #tpu.memory_space<vmem_shared>> -> memref<10008x128xf32, #tpu.memory_space<vmem_shared>>
      tpu.enqueue_indirect_dma source(%arg11 : memref<56x128xf32, #tpu.memory_space<vmem>>) target(%dma_start3A_247 : memref<10008x128xf32, #tpu.memory_space<vmem_shared>>) offsets(%dma_start3A_244 : memref<56xi32, #tpu.memory_space<vmem>>) semaphore(%arg20 : memref<!tpu.dma_semaphore, #tpu.memory_space<semaphore_mem>>) {add = true}
      %add3A_248 = arith.constant 3 : i32
      %add3A_249 = arith.addi %mul3A_205, %add3A_248 : i32
      %dma_wait3A_250 = arith.constant 0 : i32
      %dma_wait3A_251 = tpu.memref_slice %arg7[%add3A_249, %dma_wait3A_250] : memref<60x56xi32, #tpu.memory_space<vmem>> -> memref<1x56xi32, #tpu.memory_space<vmem>>
      %dma_wait3A_252 = tpu.memref_squeeze %dma_wait3A_251 : memref<1x56xi32, #tpu.memory_space<vmem>> -> memref<56xi32, #tpu.memory_space<vmem>>
      %dma_wait3A_253 = arith.constant 0 : i32
      %dma_wait3A_254 = arith.constant 0 : i32
      %dma_wait3A_255 = tpu.memref_slice %arg2[%dma_wait3A_253, %dma_wait3A_254] : memref<10000x128xf32, #tpu.memory_space<hbm>> -> memref<10000x128xf32, #tpu.memory_space<hbm>>
      tpu.wait_indirect_dma semaphore(%arg17 : memref<!tpu.dma_semaphore, #tpu.memory_space<semaphore_mem>>) src(%dma_wait3A_255 : memref<10000x128xf32, #tpu.memory_space<hbm>>) dst(%arg12 : memref<56x128xf32, #tpu.memory_space<vmem>>)
      %dma_start3A_256 = arith.constant 0 : i32
      %dma_start3A_257 = tpu.memref_slice %arg8[%add3A_249, %dma_start3A_256] : memref<60x56xi32, #tpu.memory_space<vmem>> -> memref<1x56xi32, #tpu.memory_space<vmem>>
      %dma_start3A_258 = tpu.memref_squeeze %dma_start3A_257 : memref<1x56xi32, #tpu.memory_space<vmem>> -> memref<56xi32, #tpu.memory_space<vmem>>
      %dma_start3A_259 = arith.constant 0 : i32
      %dma_start3A_260 = arith.constant 0 : i32
      %dma_start3A_261 = tpu.memref_slice %arg13[%dma_start3A_259, %dma_start3A_260] : memref<10008x128xf32, #tpu.memory_space<vmem_shared>> -> memref<10008x128xf32, #tpu.memory_space<vmem_shared>>
      tpu.enqueue_indirect_dma source(%arg12 : memref<56x128xf32, #tpu.memory_space<vmem>>) target(%dma_start3A_261 : memref<10008x128xf32, #tpu.memory_space<vmem_shared>>) offsets(%dma_start3A_258 : memref<56xi32, #tpu.memory_space<vmem>>) semaphore(%arg21 : memref<!tpu.dma_semaphore, #tpu.memory_space<semaphore_mem>>) {add = true}
      %lt3A = arith.constant 14 : i32
      %lt3A_262 = arith.cmpi slt, %scan3A_203, %lt3A : i32
      %convert_element_type3A_263 = arith.extui %lt3A_262 : i1 to i32
      %cond3A_264 = arith.constant 0 : i32
      %cond3A_265 = arith.cmpi ne, %convert_element_type3A_263, %cond3A_264 : i32
      scf.if %cond3A_265 {
        %add3A_266 = arith.constant 0 : i32
        %add3A_267 = arith.addi %mul3A_205, %add3A_266 : i32
        %dma_wait3A_268 = arith.constant 0 : i32
        %dma_wait3A_269 = tpu.memref_slice %arg8[%add3A_267, %dma_wait3A_268] : memref<60x56xi32, #tpu.memory_space<vmem>> -> memref<1x56xi32, #tpu.memory_space<vmem>>
        %dma_wait3A_270 = tpu.memref_squeeze %dma_wait3A_269 : memref<1x56xi32, #tpu.memory_space<vmem>> -> memref<56xi32, #tpu.memory_space<vmem>>
        %dma_wait3A_271 = arith.constant 0 : i32
        %dma_wait3A_272 = arith.constant 0 : i32
        %dma_wait3A_273 = tpu.memref_slice %arg13[%dma_wait3A_271, %dma_wait3A_272] : memref<10008x128xf32, #tpu.memory_space<vmem_shared>> -> memref<10008x128xf32, #tpu.memory_space<vmem_shared>>
        tpu.wait_indirect_dma semaphore(%arg18 : memref<!tpu.dma_semaphore, #tpu.memory_space<semaphore_mem>>) src(%arg9 : memref<56x128xf32, #tpu.memory_space<vmem>>) dst(%dma_wait3A_273 : memref<10008x128xf32, #tpu.memory_space<vmem_shared>>)
        %add3A_274 = arith.constant 4 : i32
        %add3A_275 = arith.addi %add3A_267, %add3A_274 : i32
        %dma_start3A_276 = arith.constant 0 : i32
        %dma_start3A_277 = tpu.memref_slice %arg7[%add3A_275, %dma_start3A_276] : memref<60x56xi32, #tpu.memory_space<vmem>> -> memref<1x56xi32, #tpu.memory_space<vmem>>
        %dma_start3A_278 = tpu.memref_squeeze %dma_start3A_277 : memref<1x56xi32, #tpu.memory_space<vmem>> -> memref<56xi32, #tpu.memory_space<vmem>>
        %dma_start3A_279 = arith.constant 0 : i32
        %dma_start3A_280 = arith.constant 0 : i32
        %dma_start3A_281 = tpu.memref_slice %arg2[%dma_start3A_279, %dma_start3A_280] : memref<10000x128xf32, #tpu.memory_space<hbm>> -> memref<10000x128xf32, #tpu.memory_space<hbm>>
        tpu.enqueue_indirect_dma source(%dma_start3A_281 : memref<10000x128xf32, #tpu.memory_space<hbm>>) target(%arg9 : memref<56x128xf32, #tpu.memory_space<vmem>>) offsets(%dma_start3A_278 : memref<56xi32, #tpu.memory_space<vmem>>) semaphore(%arg14 : memref<!tpu.dma_semaphore, #tpu.memory_space<semaphore_mem>>)
        %add3A_282 = arith.constant 1 : i32
        %add3A_283 = arith.addi %mul3A_205, %add3A_282 : i32
        %dma_wait3A_284 = arith.constant 0 : i32
        %dma_wait3A_285 = tpu.memref_slice %arg8[%add3A_283, %dma_wait3A_284] : memref<60x56xi32, #tpu.memory_space<vmem>> -> memref<1x56xi32, #tpu.memory_space<vmem>>
        %dma_wait3A_286 = tpu.memref_squeeze %dma_wait3A_285 : memref<1x56xi32, #tpu.memory_space<vmem>> -> memref<56xi32, #tpu.memory_space<vmem>>
        %dma_wait3A_287 = arith.constant 0 : i32
        %dma_wait3A_288 = arith.constant 0 : i32
        %dma_wait3A_289 = tpu.memref_slice %arg13[%dma_wait3A_287, %dma_wait3A_288] : memref<10008x128xf32, #tpu.memory_space<vmem_shared>> -> memref<10008x128xf32, #tpu.memory_space<vmem_shared>>
        tpu.wait_indirect_dma semaphore(%arg19 : memref<!tpu.dma_semaphore, #tpu.memory_space<semaphore_mem>>) src(%arg10 : memref<56x128xf32, #tpu.memory_space<vmem>>) dst(%dma_wait3A_289 : memref<10008x128xf32, #tpu.memory_space<vmem_shared>>)
        %add3A_290 = arith.constant 4 : i32
        %add3A_291 = arith.addi %add3A_283, %add3A_290 : i32
        %dma_start3A_292 = arith.constant 0 : i32
        %dma_start3A_293 = tpu.memref_slice %arg7[%add3A_291, %dma_start3A_292] : memref<60x56xi32, #tpu.memory_space<vmem>> -> memref<1x56xi32, #tpu.memory_space<vmem>>
        %dma_start3A_294 = tpu.memref_squeeze %dma_start3A_293 : memref<1x56xi32, #tpu.memory_space<vmem>> -> memref<56xi32, #tpu.memory_space<vmem>>
        %dma_start3A_295 = arith.constant 0 : i32
        %dma_start3A_296 = arith.constant 0 : i32
        %dma_start3A_297 = tpu.memref_slice %arg2[%dma_start3A_295, %dma_start3A_296] : memref<10000x128xf32, #tpu.memory_space<hbm>> -> memref<10000x128xf32, #tpu.memory_space<hbm>>
        tpu.enqueue_indirect_dma source(%dma_start3A_297 : memref<10000x128xf32, #tpu.memory_space<hbm>>) target(%arg10 : memref<56x128xf32, #tpu.memory_space<vmem>>) offsets(%dma_start3A_294 : memref<56xi32, #tpu.memory_space<vmem>>) semaphore(%arg15 : memref<!tpu.dma_semaphore, #tpu.memory_space<semaphore_mem>>)
        %add3A_298 = arith.constant 2 : i32
        %add3A_299 = arith.addi %mul3A_205, %add3A_298 : i32
        %dma_wait3A_300 = arith.constant 0 : i32
        %dma_wait3A_301 = tpu.memref_slice %arg8[%add3A_299, %dma_wait3A_300] : memref<60x56xi32, #tpu.memory_space<vmem>> -> memref<1x56xi32, #tpu.memory_space<vmem>>
        %dma_wait3A_302 = tpu.memref_squeeze %dma_wait3A_301 : memref<1x56xi32, #tpu.memory_space<vmem>> -> memref<56xi32, #tpu.memory_space<vmem>>
        %dma_wait3A_303 = arith.constant 0 : i32
        %dma_wait3A_304 = arith.constant 0 : i32
        %dma_wait3A_305 = tpu.memref_slice %arg13[%dma_wait3A_303, %dma_wait3A_304] : memref<10008x128xf32, #tpu.memory_space<vmem_shared>> -> memref<10008x128xf32, #tpu.memory_space<vmem_shared>>
        tpu.wait_indirect_dma semaphore(%arg20 : memref<!tpu.dma_semaphore, #tpu.memory_space<semaphore_mem>>) src(%arg11 : memref<56x128xf32, #tpu.memory_space<vmem>>) dst(%dma_wait3A_305 : memref<10008x128xf32, #tpu.memory_space<vmem_shared>>)
        %add3A_306 = arith.constant 4 : i32
        %add3A_307 = arith.addi %add3A_299, %add3A_306 : i32
        %dma_start3A_308 = arith.constant 0 : i32
        %dma_start3A_309 = tpu.memref_slice %arg7[%add3A_307, %dma_start3A_308] : memref<60x56xi32, #tpu.memory_space<vmem>> -> memref<1x56xi32, #tpu.memory_space<vmem>>
        %dma_start3A_310 = tpu.memref_squeeze %dma_start3A_309 : memref<1x56xi32, #tpu.memory_space<vmem>> -> memref<56xi32, #tpu.memory_space<vmem>>
        %dma_start3A_311 = arith.constant 0 : i32
        %dma_start3A_312 = arith.constant 0 : i32
        %dma_start3A_313 = tpu.memref_slice %arg2[%dma_start3A_311, %dma_start3A_312] : memref<10000x128xf32, #tpu.memory_space<hbm>> -> memref<10000x128xf32, #tpu.memory_space<hbm>>
        tpu.enqueue_indirect_dma source(%dma_start3A_313 : memref<10000x128xf32, #tpu.memory_space<hbm>>) target(%arg11 : memref<56x128xf32, #tpu.memory_space<vmem>>) offsets(%dma_start3A_310 : memref<56xi32, #tpu.memory_space<vmem>>) semaphore(%arg16 : memref<!tpu.dma_semaphore, #tpu.memory_space<semaphore_mem>>)
        %add3A_314 = arith.constant 3 : i32
        %add3A_315 = arith.addi %mul3A_205, %add3A_314 : i32
        %dma_wait3A_316 = arith.constant 0 : i32
        %dma_wait3A_317 = tpu.memref_slice %arg8[%add3A_315, %dma_wait3A_316] : memref<60x56xi32, #tpu.memory_space<vmem>> -> memref<1x56xi32, #tpu.memory_space<vmem>>
        %dma_wait3A_318 = tpu.memref_squeeze %dma_wait3A_317 : memref<1x56xi32, #tpu.memory_space<vmem>> -> memref<56xi32, #tpu.memory_space<vmem>>
        %dma_wait3A_319 = arith.constant 0 : i32
        %dma_wait3A_320 = arith.constant 0 : i32
        %dma_wait3A_321 = tpu.memref_slice %arg13[%dma_wait3A_319, %dma_wait3A_320] : memref<10008x128xf32, #tpu.memory_space<vmem_shared>> -> memref<10008x128xf32, #tpu.memory_space<vmem_shared>>
        tpu.wait_indirect_dma semaphore(%arg21 : memref<!tpu.dma_semaphore, #tpu.memory_space<semaphore_mem>>) src(%arg12 : memref<56x128xf32, #tpu.memory_space<vmem>>) dst(%dma_wait3A_321 : memref<10008x128xf32, #tpu.memory_space<vmem_shared>>)
        %add3A_322 = arith.constant 4 : i32
        %add3A_323 = arith.addi %add3A_315, %add3A_322 : i32
        %dma_start3A_324 = arith.constant 0 : i32
        %dma_start3A_325 = tpu.memref_slice %arg7[%add3A_323, %dma_start3A_324] : memref<60x56xi32, #tpu.memory_space<vmem>> -> memref<1x56xi32, #tpu.memory_space<vmem>>
        %dma_start3A_326 = tpu.memref_squeeze %dma_start3A_325 : memref<1x56xi32, #tpu.memory_space<vmem>> -> memref<56xi32, #tpu.memory_space<vmem>>
        %dma_start3A_327 = arith.constant 0 : i32
        %dma_start3A_328 = arith.constant 0 : i32
        %dma_start3A_329 = tpu.memref_slice %arg2[%dma_start3A_327, %dma_start3A_328] : memref<10000x128xf32, #tpu.memory_space<hbm>> -> memref<10000x128xf32, #tpu.memory_space<hbm>>
        tpu.enqueue_indirect_dma source(%dma_start3A_329 : memref<10000x128xf32, #tpu.memory_space<hbm>>) target(%arg12 : memref<56x128xf32, #tpu.memory_space<vmem>>) offsets(%dma_start3A_326 : memref<56xi32, #tpu.memory_space<vmem>>) semaphore(%arg17 : memref<!tpu.dma_semaphore, #tpu.memory_space<semaphore_mem>>)
      } else {
      }
    }
    %scan3A_164 = arith.constant 15 : i32
    %dma_wait3A_165 = arith.constant 56 : i32
    %dma_wait3A_166 = arith.constant 0 : i32
    %dma_wait3A_167 = tpu.memref_slice %arg8[%dma_wait3A_165, %dma_wait3A_166] : memref<60x56xi32, #tpu.memory_space<vmem>> -> memref<1x56xi32, #tpu.memory_space<vmem>>
    %dma_wait3A_168 = tpu.memref_squeeze %dma_wait3A_167 : memref<1x56xi32, #tpu.memory_space<vmem>> -> memref<56xi32, #tpu.memory_space<vmem>>
    %dma_wait3A_169 = arith.constant 0 : i32
    %dma_wait3A_170 = arith.constant 0 : i32
    %dma_wait3A_171 = tpu.memref_slice %arg13[%dma_wait3A_169, %dma_wait3A_170] : memref<10008x128xf32, #tpu.memory_space<vmem_shared>> -> memref<10008x128xf32, #tpu.memory_space<vmem_shared>>
    tpu.wait_indirect_dma semaphore(%arg18 : memref<!tpu.dma_semaphore, #tpu.memory_space<semaphore_mem>>) src(%arg9 : memref<56x128xf32, #tpu.memory_space<vmem>>) dst(%dma_wait3A_171 : memref<10008x128xf32, #tpu.memory_space<vmem_shared>>)
    %dma_wait3A_172 = arith.constant 57 : i32
    %dma_wait3A_173 = arith.constant 0 : i32
    %dma_wait3A_174 = tpu.memref_slice %arg8[%dma_wait3A_172, %dma_wait3A_173] : memref<60x56xi32, #tpu.memory_space<vmem>> -> memref<1x56xi32, #tpu.memory_space<vmem>>
    %dma_wait3A_175 = tpu.memref_squeeze %dma_wait3A_174 : memref<1x56xi32, #tpu.memory_space<vmem>> -> memref<56xi32, #tpu.memory_space<vmem>>
    %dma_wait3A_176 = arith.constant 0 : i32
    %dma_wait3A_177 = arith.constant 0 : i32
    %dma_wait3A_178 = tpu.memref_slice %arg13[%dma_wait3A_176, %dma_wait3A_177] : memref<10008x128xf32, #tpu.memory_space<vmem_shared>> -> memref<10008x128xf32, #tpu.memory_space<vmem_shared>>
    tpu.wait_indirect_dma semaphore(%arg19 : memref<!tpu.dma_semaphore, #tpu.memory_space<semaphore_mem>>) src(%arg10 : memref<56x128xf32, #tpu.memory_space<vmem>>) dst(%dma_wait3A_178 : memref<10008x128xf32, #tpu.memory_space<vmem_shared>>)
    %dma_wait3A_179 = arith.constant 58 : i32
    %dma_wait3A_180 = arith.constant 0 : i32
    %dma_wait3A_181 = tpu.memref_slice %arg8[%dma_wait3A_179, %dma_wait3A_180] : memref<60x56xi32, #tpu.memory_space<vmem>> -> memref<1x56xi32, #tpu.memory_space<vmem>>
    %dma_wait3A_182 = tpu.memref_squeeze %dma_wait3A_181 : memref<1x56xi32, #tpu.memory_space<vmem>> -> memref<56xi32, #tpu.memory_space<vmem>>
    %dma_wait3A_183 = arith.constant 0 : i32
    %dma_wait3A_184 = arith.constant 0 : i32
    %dma_wait3A_185 = tpu.memref_slice %arg13[%dma_wait3A_183, %dma_wait3A_184] : memref<10008x128xf32, #tpu.memory_space<vmem_shared>> -> memref<10008x128xf32, #tpu.memory_space<vmem_shared>>
    tpu.wait_indirect_dma semaphore(%arg20 : memref<!tpu.dma_semaphore, #tpu.memory_space<semaphore_mem>>) src(%arg11 : memref<56x128xf32, #tpu.memory_space<vmem>>) dst(%dma_wait3A_185 : memref<10008x128xf32, #tpu.memory_space<vmem_shared>>)
    %dma_wait3A_186 = arith.constant 59 : i32
    %dma_wait3A_187 = arith.constant 0 : i32
    %dma_wait3A_188 = tpu.memref_slice %arg8[%dma_wait3A_186, %dma_wait3A_187] : memref<60x56xi32, #tpu.memory_space<vmem>> -> memref<1x56xi32, #tpu.memory_space<vmem>>
    %dma_wait3A_189 = tpu.memref_squeeze %dma_wait3A_188 : memref<1x56xi32, #tpu.memory_space<vmem>> -> memref<56xi32, #tpu.memory_space<vmem>>
    %dma_wait3A_190 = arith.constant 0 : i32
    %dma_wait3A_191 = arith.constant 0 : i32
    %dma_wait3A_192 = tpu.memref_slice %arg13[%dma_wait3A_190, %dma_wait3A_191] : memref<10008x128xf32, #tpu.memory_space<vmem_shared>> -> memref<10008x128xf32, #tpu.memory_space<vmem_shared>>
    tpu.wait_indirect_dma semaphore(%arg21 : memref<!tpu.dma_semaphore, #tpu.memory_space<semaphore_mem>>) src(%arg12 : memref<56x128xf32, #tpu.memory_space<vmem>>) dst(%dma_wait3A_192 : memref<10008x128xf32, #tpu.memory_space<vmem_shared>>)
    %barrier3A_193 = arith.constant 0 : index
    tpu.barrier barrier_id(%barrier3A_193)
    %mul3A_194 = arith.constant 624 : i32
    %mul3A_195 = arith.muli %arg1, %mul3A_194 : i32
    %mul3A_196 = arith.constant 624 : i32
    %mul3A_197 = arith.muli %arg1, %mul3A_196 : i32
    "tpu.region"() ({
      %run_scoped3A_203 = tpu.sem_alloc : memref<!tpu.dma_semaphore, #tpu.memory_space<semaphore_mem>>
      %dma_start3A_204 = arith.constant 0 : i32
      %dma_start3A_205 = tpu.memref_slice %arg6[%arg0, %mul3A_197, %dma_start3A_204] : memref<2x10000x128xf32, #tpu.memory_space<hbm>> -> memref<1x624x128xf32, #tpu.memory_space<hbm>>
      %dma_start3A_206 = tpu.memref_squeeze %dma_start3A_205 : memref<1x624x128xf32, #tpu.memory_space<hbm>> -> memref<624x128xf32, #tpu.memory_space<hbm>>
      %dma_start3A_207 = arith.constant 0 : i32
      %dma_start3A_208 = tpu.memref_slice %arg13[%mul3A_195, %dma_start3A_207] : memref<10008x128xf32, #tpu.memory_space<vmem_shared>> -> memref<624x128xf32, #tpu.memory_space<vmem_shared>>
      tpu.enqueue_dma source(%dma_start3A_208 : memref<624x128xf32, #tpu.memory_space<vmem_shared>>) target(%dma_start3A_206 : memref<624x128xf32, #tpu.memory_space<hbm>>) target_semaphore(%run_scoped3A_203 : memref<!tpu.dma_semaphore, #tpu.memory_space<semaphore_mem>>)
      %dma_wait3A_209 = arith.constant 0 : i32
      %dma_wait3A_210 = tpu.memref_slice %arg6[%arg0, %mul3A_197, %dma_wait3A_209] : memref<2x10000x128xf32, #tpu.memory_space<hbm>> -> memref<1x624x128xf32, #tpu.memory_space<hbm>>
      %dma_wait3A_211 = tpu.memref_squeeze %dma_wait3A_210 : memref<1x624x128xf32, #tpu.memory_space<hbm>> -> memref<624x128xf32, #tpu.memory_space<hbm>>
      %dma_wait3A_212 = arith.constant 0 : i32
      %dma_wait3A_213 = tpu.memref_slice %arg13[%mul3A_195, %dma_wait3A_212] : memref<10008x128xf32, #tpu.memory_space<vmem_shared>> -> memref<624x128xf32, #tpu.memory_space<vmem_shared>>
      tpu.wait_dma2 semaphore(%run_scoped3A_203 : memref<!tpu.dma_semaphore, #tpu.memory_space<semaphore_mem>>) src(%dma_wait3A_213 : memref<624x128xf32, #tpu.memory_space<vmem_shared>>) dst(%dma_wait3A_211 : memref<624x128xf32, #tpu.memory_space<hbm>>)
      tpu.yield
    }) : () -> ()
    %eq3A_198 = arith.constant 15 : i32
    %eq3A_199 = arith.cmpi eq, %arg1, %eq3A_198 : i32
    %convert_element_type3A_200 = arith.extui %eq3A_199 : i1 to i32
    %cond3A_201 = arith.constant 0 : i32
    %cond3A_202 = arith.cmpi ne, %convert_element_type3A_200, %cond3A_201 : i32
    scf.if %cond3A_202 {
      "tpu.region"() ({
        %run_scoped3A_203 = tpu.sem_alloc : memref<!tpu.dma_semaphore, #tpu.memory_space<semaphore_mem>>
        %dma_start3A_204 = arith.constant 9984 : i32
        %dma_start3A_205 = arith.constant 0 : i32
        %dma_start3A_206 = tpu.memref_slice %arg6[%arg0, %dma_start3A_204, %dma_start3A_205] : memref<2x10000x128xf32, #tpu.memory_space<hbm>> -> memref<1x16x128xf32, #tpu.memory_space<hbm>>
        %dma_start3A_207 = tpu.memref_squeeze %dma_start3A_206 : memref<1x16x128xf32, #tpu.memory_space<hbm>> -> memref<16x128xf32, #tpu.memory_space<hbm>>
        %dma_start3A_208 = arith.constant 9984 : i32
        %dma_start3A_209 = arith.constant 0 : i32
        %dma_start3A_210 = tpu.memref_slice %arg13[%dma_start3A_208, %dma_start3A_209] : memref<10008x128xf32, #tpu.memory_space<vmem_shared>> -> memref<16x128xf32, #tpu.memory_space<vmem_shared>>
        tpu.enqueue_dma source(%dma_start3A_210 : memref<16x128xf32, #tpu.memory_space<vmem_shared>>) target(%dma_start3A_207 : memref<16x128xf32, #tpu.memory_space<hbm>>) target_semaphore(%run_scoped3A_203 : memref<!tpu.dma_semaphore, #tpu.memory_space<semaphore_mem>>)
        %dma_wait3A_211 = arith.constant 9984 : i32
        %dma_wait3A_212 = arith.constant 0 : i32
        %dma_wait3A_213 = tpu.memref_slice %arg6[%arg0, %dma_wait3A_211, %dma_wait3A_212] : memref<2x10000x128xf32, #tpu.memory_space<hbm>> -> memref<1x16x128xf32, #tpu.memory_space<hbm>>
        %dma_wait3A_214 = tpu.memref_squeeze %dma_wait3A_213 : memref<1x16x128xf32, #tpu.memory_space<hbm>> -> memref<16x128xf32, #tpu.memory_space<hbm>>
        %dma_wait3A_215 = arith.constant 9984 : i32
        %dma_wait3A_216 = arith.constant 0 : i32
        %dma_wait3A_217 = tpu.memref_slice %arg13[%dma_wait3A_215, %dma_wait3A_216] : memref<10008x128xf32, #tpu.memory_space<vmem_shared>> -> memref<16x128xf32, #tpu.memory_space<vmem_shared>>
        tpu.wait_dma2 semaphore(%run_scoped3A_203 : memref<!tpu.dma_semaphore, #tpu.memory_space<semaphore_mem>>) src(%dma_wait3A_217 : memref<16x128xf32, #tpu.memory_space<vmem_shared>>) dst(%dma_wait3A_214 : memref<16x128xf32, #tpu.memory_space<hbm>>)
        tpu.yield
      }) : () -> ()
    } else {
    }
    return
  }
}

#map = affine_map<(d0, d1) -> (0, 0)>
#map1 = affine_map<(d0, d1) -> (0, 0, 0, 0)>
#map2 = affine_map<(d0, d1) -> (0, 0, 0)>
module attributes {stable_mosaic.version = 14 : i64} {
  func.func @_sc_scatter(%arg0: i32, %arg1: i32, %arg2: memref<10000x128xf32, #tpu.memory_space<hbm>>, %arg3: memref<32x3x60x56xi32, #tpu.memory_space<hbm>>, %arg4: memref<32x3x60x56xi32, #tpu.memory_space<hbm>>, %arg5: memref<624x128xf32, #tpu.memory_space<hbm>>, %arg6: memref<2x10000x128xf32, #tpu.memory_space<hbm>>, %arg7: memref<60x56xi32, #tpu.memory_space<vmem>>, %arg8: memref<60x56xi32, #tpu.memory_space<vmem>>, %arg9: memref<56x128xf32, #tpu.memory_space<vmem>>, %arg10: memref<56x128xf32, #tpu.memory_space<vmem>>, %arg11: memref<56x128xf32, #tpu.memory_space<vmem>>, %arg12: memref<56x128xf32, #tpu.memory_space<vmem>>, %arg13: memref<10008x128xf32, #tpu.memory_space<vmem_shared>>, %arg14: memref<!tpu.dma_semaphore, #tpu.memory_space<semaphore_mem>>, %arg15: memref<!tpu.dma_semaphore, #tpu.memory_space<semaphore_mem>>, %arg16: memref<!tpu.dma_semaphore, #tpu.memory_space<semaphore_mem>>, %arg17: memref<!tpu.dma_semaphore, #tpu.memory_space<semaphore_mem>>, %arg18: memref<!tpu.dma_semaphore, #tpu.memory_space<semaphore_mem>>, %arg19: memref<!tpu.dma_semaphore, #tpu.memory_space<semaphore_mem>>, %arg20: memref<!tpu.dma_semaphore, #tpu.memory_space<semaphore_mem>>, %arg21: memref<!tpu.dma_semaphore, #tpu.memory_space<semaphore_mem>>) attributes {dimension_semantics = [#tpu.dimension_semantics<core_parallel>, #tpu.dimension_semantics<subcore_parallel>], iteration_bounds = array<i64: 2, 16>, scalar_prefetch = 0 : i64, scratch_operands = 15 : i64, tpu.core_type = #tpu.core_type<sc_vector_subcore>, window_params = [{transform_indices = #map}, {transform_indices = #map1}, {transform_indices = #map1}, {transform_indices = #map}, {transform_indices = #map2}]} {
    %mul3A = arith.constant 16 : i32
    %mul3A_0 = arith.muli %arg0, %mul3A : i32
    %add3A = arith.addi %mul3A_0, %arg1 : i32
    %run_scoped3A = arith.constant 0 : i32
    "tpu.region"() ({
      %run_scoped3A_203 = tpu.sem_alloc : memref<!tpu.dma_semaphore, #tpu.memory_space<semaphore_mem>>
      %dma_start3A_204 = arith.constant 0 : i32
      %dma_start3A_205 = arith.constant 0 : i32
      %dma_start3A_206 = tpu.memref_slice %arg3[%add3A, %run_scoped3A, %dma_start3A_204, %dma_start3A_205] : memref<32x3x60x56xi32, #tpu.memory_space<hbm>> -> memref<1x1x60x56xi32, #tpu.memory_space<hbm>>
      %dma_start3A_207 = tpu.memref_squeeze %dma_start3A_206 : memref<1x1x60x56xi32, #tpu.memory_space<hbm>> -> memref<60x56xi32, #tpu.memory_space<hbm>>
      %dma_start3A_208 = arith.constant 0 : i32
      %dma_start3A_209 = arith.constant 0 : i32
      %dma_start3A_210 = tpu.memref_slice %arg3[%add3A, %run_scoped3A, %dma_start3A_208, %dma_start3A_209] : memref<32x3x60x56xi32, #tpu.memory_space<hbm>> -> memref<1x1x60x56xi32, #tpu.memory_space<hbm>>
      %dma_start3A_211 = tpu.memref_squeeze %dma_start3A_210 : memref<1x1x60x56xi32, #tpu.memory_space<hbm>> -> memref<60x56xi32, #tpu.memory_space<hbm>>
      tpu.enqueue_dma source(%dma_start3A_211 : memref<60x56xi32, #tpu.memory_space<hbm>>) target(%arg7 : memref<60x56xi32, #tpu.memory_space<vmem>>) target_semaphore(%run_scoped3A_203 : memref<!tpu.dma_semaphore, #tpu.memory_space<semaphore_mem>>)
      %dma_wait3A_212 = arith.constant 0 : i32
      %dma_wait3A_213 = arith.constant 0 : i32
      %dma_wait3A_214 = tpu.memref_slice %arg3[%add3A, %run_scoped3A, %dma_wait3A_212, %dma_wait3A_213] : memref<32x3x60x56xi32, #tpu.memory_space<hbm>> -> memref<1x1x60x56xi32, #tpu.memory_space<hbm>>
      %dma_wait3A_215 = tpu.memref_squeeze %dma_wait3A_214 : memref<1x1x60x56xi32, #tpu.memory_space<hbm>> -> memref<60x56xi32, #tpu.memory_space<hbm>>
      %dma_wait3A_216 = arith.constant 0 : i32
      %dma_wait3A_217 = arith.constant 0 : i32
      %dma_wait3A_218 = tpu.memref_slice %arg3[%add3A, %run_scoped3A, %dma_wait3A_216, %dma_wait3A_217] : memref<32x3x60x56xi32, #tpu.memory_space<hbm>> -> memref<1x1x60x56xi32, #tpu.memory_space<hbm>>
      %dma_wait3A_219 = tpu.memref_squeeze %dma_wait3A_218 : memref<1x1x60x56xi32, #tpu.memory_space<hbm>> -> memref<60x56xi32, #tpu.memory_space<hbm>>
      tpu.wait_dma2 semaphore(%run_scoped3A_203 : memref<!tpu.dma_semaphore, #tpu.memory_space<semaphore_mem>>) src(%dma_wait3A_219 : memref<60x56xi32, #tpu.memory_space<hbm>>) dst(%arg7 : memref<60x56xi32, #tpu.memory_space<vmem>>)
      tpu.yield
    }) : () -> ()
    %run_scoped3A_1 = arith.constant 0 : i32
    "tpu.region"() ({
      %run_scoped3A_203 = tpu.sem_alloc : memref<!tpu.dma_semaphore, #tpu.memory_space<semaphore_mem>>
      %dma_start3A_204 = arith.constant 0 : i32
      %dma_start3A_205 = arith.constant 0 : i32
      %dma_start3A_206 = tpu.memref_slice %arg4[%add3A, %run_scoped3A_1, %dma_start3A_204, %dma_start3A_205] : memref<32x3x60x56xi32, #tpu.memory_space<hbm>> -> memref<1x1x60x56xi32, #tpu.memory_space<hbm>>
      %dma_start3A_207 = tpu.memref_squeeze %dma_start3A_206 : memref<1x1x60x56xi32, #tpu.memory_space<hbm>> -> memref<60x56xi32, #tpu.memory_space<hbm>>
      %dma_start3A_208 = arith.constant 0 : i32
      %dma_start3A_209 = arith.constant 0 : i32
      %dma_start3A_210 = tpu.memref_slice %arg4[%add3A, %run_scoped3A_1, %dma_start3A_208, %dma_start3A_209] : memref<32x3x60x56xi32, #tpu.memory_space<hbm>> -> memref<1x1x60x56xi32, #tpu.memory_space<hbm>>
      %dma_start3A_211 = tpu.memref_squeeze %dma_start3A_210 : memref<1x1x60x56xi32, #tpu.memory_space<hbm>> -> memref<60x56xi32, #tpu.memory_space<hbm>>
      tpu.enqueue_dma source(%dma_start3A_211 : memref<60x56xi32, #tpu.memory_space<hbm>>) target(%arg8 : memref<60x56xi32, #tpu.memory_space<vmem>>) target_semaphore(%run_scoped3A_203 : memref<!tpu.dma_semaphore, #tpu.memory_space<semaphore_mem>>)
      %dma_wait3A_212 = arith.constant 0 : i32
      %dma_wait3A_213 = arith.constant 0 : i32
      %dma_wait3A_214 = tpu.memref_slice %arg4[%add3A, %run_scoped3A_1, %dma_wait3A_212, %dma_wait3A_213] : memref<32x3x60x56xi32, #tpu.memory_space<hbm>> -> memref<1x1x60x56xi32, #tpu.memory_space<hbm>>
      %dma_wait3A_215 = tpu.memref_squeeze %dma_wait3A_214 : memref<1x1x60x56xi32, #tpu.memory_space<hbm>> -> memref<60x56xi32, #tpu.memory_space<hbm>>
      %dma_wait3A_216 = arith.constant 0 : i32
      %dma_wait3A_217 = arith.constant 0 : i32
      %dma_wait3A_218 = tpu.memref_slice %arg4[%add3A, %run_scoped3A_1, %dma_wait3A_216, %dma_wait3A_217] : memref<32x3x60x56xi32, #tpu.memory_space<hbm>> -> memref<1x1x60x56xi32, #tpu.memory_space<hbm>>
      %dma_wait3A_219 = tpu.memref_squeeze %dma_wait3A_218 : memref<1x1x60x56xi32, #tpu.memory_space<hbm>> -> memref<60x56xi32, #tpu.memory_space<hbm>>
      tpu.wait_dma2 semaphore(%run_scoped3A_203 : memref<!tpu.dma_semaphore, #tpu.memory_space<semaphore_mem>>) src(%dma_wait3A_219 : memref<60x56xi32, #tpu.memory_space<hbm>>) dst(%arg8 : memref<60x56xi32, #tpu.memory_space<vmem>>)
      tpu.yield
    }) : () -> ()
    %dma_start3A = arith.constant 0 : i32
    %dma_start3A_2 = arith.constant 0 : i32
    %dma_start3A_3 = tpu.memref_slice %arg7[%dma_start3A, %dma_start3A_2] : memref<60x56xi32, #tpu.memory_space<vmem>> -> memref<1x56xi32, #tpu.memory_space<vmem>>
    %dma_start3A_4 = tpu.memref_squeeze %dma_start3A_3 : memref<1x56xi32, #tpu.memory_space<vmem>> -> memref<56xi32, #tpu.memory_space<vmem>>
    %dma_start3A_5 = arith.constant 0 : i32
    %dma_start3A_6 = arith.constant 0 : i32
    %dma_start3A_7 = tpu.memref_slice %arg2[%dma_start3A_5, %dma_start3A_6] : memref<10000x128xf32, #tpu.memory_space<hbm>> -> memref<10000x128xf32, #tpu.memory_space<hbm>>
    tpu.enqueue_indirect_dma source(%dma_start3A_7 : memref<10000x128xf32, #tpu.memory_space<hbm>>) target(%arg9 : memref<56x128xf32, #tpu.memory_space<vmem>>) offsets(%dma_start3A_4 : memref<56xi32, #tpu.memory_space<vmem>>) semaphore(%arg14 : memref<!tpu.dma_semaphore, #tpu.memory_space<semaphore_mem>>)
    %dma_start3A_8 = arith.constant 1 : i32
    %dma_start3A_9 = arith.constant 0 : i32
    %dma_start3A_10 = tpu.memref_slice %arg7[%dma_start3A_8, %dma_start3A_9] : memref<60x56xi32, #tpu.memory_space<vmem>> -> memref<1x56xi32, #tpu.memory_space<vmem>>
    %dma_start3A_11 = tpu.memref_squeeze %dma_start3A_10 : memref<1x56xi32, #tpu.memory_space<vmem>> -> memref<56xi32, #tpu.memory_space<vmem>>
    %dma_start3A_12 = arith.constant 0 : i32
    %dma_start3A_13 = arith.constant 0 : i32
    %dma_start3A_14 = tpu.memref_slice %arg2[%dma_start3A_12, %dma_start3A_13] : memref<10000x128xf32, #tpu.memory_space<hbm>> -> memref<10000x128xf32, #tpu.memory_space<hbm>>
    tpu.enqueue_indirect_dma source(%dma_start3A_14 : memref<10000x128xf32, #tpu.memory_space<hbm>>) target(%arg10 : memref<56x128xf32, #tpu.memory_space<vmem>>) offsets(%dma_start3A_11 : memref<56xi32, #tpu.memory_space<vmem>>) semaphore(%arg15 : memref<!tpu.dma_semaphore, #tpu.memory_space<semaphore_mem>>)
    %dma_start3A_15 = arith.constant 2 : i32
    %dma_start3A_16 = arith.constant 0 : i32
    %dma_start3A_17 = tpu.memref_slice %arg7[%dma_start3A_15, %dma_start3A_16] : memref<60x56xi32, #tpu.memory_space<vmem>> -> memref<1x56xi32, #tpu.memory_space<vmem>>
    %dma_start3A_18 = tpu.memref_squeeze %dma_start3A_17 : memref<1x56xi32, #tpu.memory_space<vmem>> -> memref<56xi32, #tpu.memory_space<vmem>>
    %dma_start3A_19 = arith.constant 0 : i32
    %dma_start3A_20 = arith.constant 0 : i32
    %dma_start3A_21 = tpu.memref_slice %arg2[%dma_start3A_19, %dma_start3A_20] : memref<10000x128xf32, #tpu.memory_space<hbm>> -> memref<10000x128xf32, #tpu.memory_space<hbm>>
    tpu.enqueue_indirect_dma source(%dma_start3A_21 : memref<10000x128xf32, #tpu.memory_space<hbm>>) target(%arg11 : memref<56x128xf32, #tpu.memory_space<vmem>>) offsets(%dma_start3A_18 : memref<56xi32, #tpu.memory_space<vmem>>) semaphore(%arg16 : memref<!tpu.dma_semaphore, #tpu.memory_space<semaphore_mem>>)
    %dma_start3A_22 = arith.constant 3 : i32
    %dma_start3A_23 = arith.constant 0 : i32
    %dma_start3A_24 = tpu.memref_slice %arg7[%dma_start3A_22, %dma_start3A_23] : memref<60x56xi32, #tpu.memory_space<vmem>> -> memref<1x56xi32, #tpu.memory_space<vmem>>
    %dma_start3A_25 = tpu.memref_squeeze %dma_start3A_24 : memref<1x56xi32, #tpu.memory_space<vmem>> -> memref<56xi32, #tpu.memory_space<vmem>>
    %dma_start3A_26 = arith.constant 0 : i32
    %dma_start3A_27 = arith.constant 0 : i32
    %dma_start3A_28 = tpu.memref_slice %arg2[%dma_start3A_26, %dma_start3A_27] : memref<10000x128xf32, #tpu.memory_space<hbm>> -> memref<10000x128xf32, #tpu.memory_space<hbm>>
    tpu.enqueue_indirect_dma source(%dma_start3A_28 : memref<10000x128xf32, #tpu.memory_space<hbm>>) target(%arg12 : memref<56x128xf32, #tpu.memory_space<vmem>>) offsets(%dma_start3A_25 : memref<56xi32, #tpu.memory_space<vmem>>) semaphore(%arg17 : memref<!tpu.dma_semaphore, #tpu.memory_space<semaphore_mem>>)
    %mul3A_29 = arith.constant 624 : i32
    %mul3A_30 = arith.muli %arg1, %mul3A_29 : i32
    "tpu.region"() ({
      %run_scoped3A_203 = tpu.sem_alloc : memref<!tpu.dma_semaphore, #tpu.memory_space<semaphore_mem>>
      %dma_start3A_204 = arith.constant 0 : i32
      %dma_start3A_205 = tpu.memref_slice %arg13[%mul3A_30, %dma_start3A_204] : memref<10008x128xf32, #tpu.memory_space<vmem_shared>> -> memref<624x128xf32, #tpu.memory_space<vmem_shared>>
      %dma_start3A_206 = arith.constant 0 : i32
      %dma_start3A_207 = arith.constant 0 : i32
      %dma_start3A_208 = tpu.memref_slice %arg5[%dma_start3A_206, %dma_start3A_207] : memref<624x128xf32, #tpu.memory_space<hbm>> -> memref<624x128xf32, #tpu.memory_space<hbm>>
      tpu.enqueue_dma source(%dma_start3A_208 : memref<624x128xf32, #tpu.memory_space<hbm>>) target(%dma_start3A_205 : memref<624x128xf32, #tpu.memory_space<vmem_shared>>) target_semaphore(%run_scoped3A_203 : memref<!tpu.dma_semaphore, #tpu.memory_space<semaphore_mem>>)
      %dma_wait3A_209 = arith.constant 0 : i32
      %dma_wait3A_210 = tpu.memref_slice %arg13[%mul3A_30, %dma_wait3A_209] : memref<10008x128xf32, #tpu.memory_space<vmem_shared>> -> memref<624x128xf32, #tpu.memory_space<vmem_shared>>
      %dma_wait3A_211 = arith.constant 0 : i32
      %dma_wait3A_212 = arith.constant 0 : i32
      %dma_wait3A_213 = tpu.memref_slice %arg5[%dma_wait3A_211, %dma_wait3A_212] : memref<624x128xf32, #tpu.memory_space<hbm>> -> memref<624x128xf32, #tpu.memory_space<hbm>>
      tpu.wait_dma2 semaphore(%run_scoped3A_203 : memref<!tpu.dma_semaphore, #tpu.memory_space<semaphore_mem>>) src(%dma_wait3A_213 : memref<624x128xf32, #tpu.memory_space<hbm>>) dst(%dma_wait3A_210 : memref<624x128xf32, #tpu.memory_space<vmem_shared>>)
      tpu.yield
    }) : () -> ()
    %eq3A = arith.constant 15 : i32
    %eq3A_31 = arith.cmpi eq, %arg1, %eq3A : i32
    %convert_element_type3A = arith.extui %eq3A_31 : i1 to i32
    %cond3A = arith.constant 0 : i32
    %cond3A_32 = arith.cmpi ne, %convert_element_type3A, %cond3A : i32
    scf.if %cond3A_32 {
      "tpu.region"() ({
        %run_scoped3A_203 = tpu.sem_alloc : memref<!tpu.dma_semaphore, #tpu.memory_space<semaphore_mem>>
        %dma_start3A_204 = arith.constant 9984 : i32
        %dma_start3A_205 = arith.constant 0 : i32
        %dma_start3A_206 = tpu.memref_slice %arg13[%dma_start3A_204, %dma_start3A_205] : memref<10008x128xf32, #tpu.memory_space<vmem_shared>> -> memref<24x128xf32, #tpu.memory_space<vmem_shared>>
        %dma_start3A_207 = arith.constant 0 : i32
        %dma_start3A_208 = arith.constant 0 : i32
        %dma_start3A_209 = tpu.memref_slice %arg5[%dma_start3A_207, %dma_start3A_208] : memref<624x128xf32, #tpu.memory_space<hbm>> -> memref<24x128xf32, #tpu.memory_space<hbm>>
        tpu.enqueue_dma source(%dma_start3A_209 : memref<24x128xf32, #tpu.memory_space<hbm>>) target(%dma_start3A_206 : memref<24x128xf32, #tpu.memory_space<vmem_shared>>) target_semaphore(%run_scoped3A_203 : memref<!tpu.dma_semaphore, #tpu.memory_space<semaphore_mem>>)
        %dma_wait3A_210 = arith.constant 9984 : i32
        %dma_wait3A_211 = arith.constant 0 : i32
        %dma_wait3A_212 = tpu.memref_slice %arg13[%dma_wait3A_210, %dma_wait3A_211] : memref<10008x128xf32, #tpu.memory_space<vmem_shared>> -> memref<24x128xf32, #tpu.memory_space<vmem_shared>>
        %dma_wait3A_213 = arith.constant 0 : i32
        %dma_wait3A_214 = arith.constant 0 : i32
        %dma_wait3A_215 = tpu.memref_slice %arg5[%dma_wait3A_213, %dma_wait3A_214] : memref<624x128xf32, #tpu.memory_space<hbm>> -> memref<24x128xf32, #tpu.memory_space<hbm>>
        tpu.wait_dma2 semaphore(%run_scoped3A_203 : memref<!tpu.dma_semaphore, #tpu.memory_space<semaphore_mem>>) src(%dma_wait3A_215 : memref<24x128xf32, #tpu.memory_space<hbm>>) dst(%dma_wait3A_212 : memref<24x128xf32, #tpu.memory_space<vmem_shared>>)
        tpu.yield
      }) : () -> ()
    } else {
    }
    %barrier3A = arith.constant 0 : index
    tpu.barrier barrier_id(%barrier3A)
    %scan3A = arith.constant 0 : i32
    %scan3A_33 = arith.constant 0 : i32
    %scan3A_34 = arith.constant 15 : i32
    %scan3A_35 = arith.addi %scan3A_33, %scan3A_34 : i32
    %scan3A_36 = arith.constant 1 : i32
    scf.for %scan3A_203 = %scan3A_33 to %scan3A_35 step %scan3A_36  : i32 {
      %mul3A_204 = arith.constant 4 : i32
      %mul3A_205 = arith.muli %scan3A_203, %mul3A_204 : i32
      %add3A_206 = arith.constant 0 : i32
      %add3A_207 = arith.addi %mul3A_205, %add3A_206 : i32
      %dma_wait3A_208 = arith.constant 0 : i32
      %dma_wait3A_209 = tpu.memref_slice %arg7[%add3A_207, %dma_wait3A_208] : memref<60x56xi32, #tpu.memory_space<vmem>> -> memref<1x56xi32, #tpu.memory_space<vmem>>
      %dma_wait3A_210 = tpu.memref_squeeze %dma_wait3A_209 : memref<1x56xi32, #tpu.memory_space<vmem>> -> memref<56xi32, #tpu.memory_space<vmem>>
      %dma_wait3A_211 = arith.constant 0 : i32
      %dma_wait3A_212 = arith.constant 0 : i32
      %dma_wait3A_213 = tpu.memref_slice %arg2[%dma_wait3A_211, %dma_wait3A_212] : memref<10000x128xf32, #tpu.memory_space<hbm>> -> memref<10000x128xf32, #tpu.memory_space<hbm>>
      tpu.wait_indirect_dma semaphore(%arg14 : memref<!tpu.dma_semaphore, #tpu.memory_space<semaphore_mem>>) src(%dma_wait3A_213 : memref<10000x128xf32, #tpu.memory_space<hbm>>) dst(%arg9 : memref<56x128xf32, #tpu.memory_space<vmem>>)
      %dma_start3A_214 = arith.constant 0 : i32
      %dma_start3A_215 = tpu.memref_slice %arg8[%add3A_207, %dma_start3A_214] : memref<60x56xi32, #tpu.memory_space<vmem>> -> memref<1x56xi32, #tpu.memory_space<vmem>>
      %dma_start3A_216 = tpu.memref_squeeze %dma_start3A_215 : memref<1x56xi32, #tpu.memory_space<vmem>> -> memref<56xi32, #tpu.memory_space<vmem>>
      %dma_start3A_217 = arith.constant 0 : i32
      %dma_start3A_218 = arith.constant 0 : i32
      %dma_start3A_219 = tpu.memref_slice %arg13[%dma_start3A_217, %dma_start3A_218] : memref<10008x128xf32, #tpu.memory_space<vmem_shared>> -> memref<10008x128xf32, #tpu.memory_space<vmem_shared>>
      tpu.enqueue_indirect_dma source(%arg9 : memref<56x128xf32, #tpu.memory_space<vmem>>) target(%dma_start3A_219 : memref<10008x128xf32, #tpu.memory_space<vmem_shared>>) offsets(%dma_start3A_216 : memref<56xi32, #tpu.memory_space<vmem>>) semaphore(%arg18 : memref<!tpu.dma_semaphore, #tpu.memory_space<semaphore_mem>>) {add = true}
      %add3A_220 = arith.constant 1 : i32
      %add3A_221 = arith.addi %mul3A_205, %add3A_220 : i32
      %dma_wait3A_222 = arith.constant 0 : i32
      %dma_wait3A_223 = tpu.memref_slice %arg7[%add3A_221, %dma_wait3A_222] : memref<60x56xi32, #tpu.memory_space<vmem>> -> memref<1x56xi32, #tpu.memory_space<vmem>>
      %dma_wait3A_224 = tpu.memref_squeeze %dma_wait3A_223 : memref<1x56xi32, #tpu.memory_space<vmem>> -> memref<56xi32, #tpu.memory_space<vmem>>
      %dma_wait3A_225 = arith.constant 0 : i32
      %dma_wait3A_226 = arith.constant 0 : i32
      %dma_wait3A_227 = tpu.memref_slice %arg2[%dma_wait3A_225, %dma_wait3A_226] : memref<10000x128xf32, #tpu.memory_space<hbm>> -> memref<10000x128xf32, #tpu.memory_space<hbm>>
      tpu.wait_indirect_dma semaphore(%arg15 : memref<!tpu.dma_semaphore, #tpu.memory_space<semaphore_mem>>) src(%dma_wait3A_227 : memref<10000x128xf32, #tpu.memory_space<hbm>>) dst(%arg10 : memref<56x128xf32, #tpu.memory_space<vmem>>)
      %dma_start3A_228 = arith.constant 0 : i32
      %dma_start3A_229 = tpu.memref_slice %arg8[%add3A_221, %dma_start3A_228] : memref<60x56xi32, #tpu.memory_space<vmem>> -> memref<1x56xi32, #tpu.memory_space<vmem>>
      %dma_start3A_230 = tpu.memref_squeeze %dma_start3A_229 : memref<1x56xi32, #tpu.memory_space<vmem>> -> memref<56xi32, #tpu.memory_space<vmem>>
      %dma_start3A_231 = arith.constant 0 : i32
      %dma_start3A_232 = arith.constant 0 : i32
      %dma_start3A_233 = tpu.memref_slice %arg13[%dma_start3A_231, %dma_start3A_232] : memref<10008x128xf32, #tpu.memory_space<vmem_shared>> -> memref<10008x128xf32, #tpu.memory_space<vmem_shared>>
      tpu.enqueue_indirect_dma source(%arg10 : memref<56x128xf32, #tpu.memory_space<vmem>>) target(%dma_start3A_233 : memref<10008x128xf32, #tpu.memory_space<vmem_shared>>) offsets(%dma_start3A_230 : memref<56xi32, #tpu.memory_space<vmem>>) semaphore(%arg19 : memref<!tpu.dma_semaphore, #tpu.memory_space<semaphore_mem>>) {add = true}
      %add3A_234 = arith.constant 2 : i32
      %add3A_235 = arith.addi %mul3A_205, %add3A_234 : i32
      %dma_wait3A_236 = arith.constant 0 : i32
      %dma_wait3A_237 = tpu.memref_slice %arg7[%add3A_235, %dma_wait3A_236] : memref<60x56xi32, #tpu.memory_space<vmem>> -> memref<1x56xi32, #tpu.memory_space<vmem>>
      %dma_wait3A_238 = tpu.memref_squeeze %dma_wait3A_237 : memref<1x56xi32, #tpu.memory_space<vmem>> -> memref<56xi32, #tpu.memory_space<vmem>>
      %dma_wait3A_239 = arith.constant 0 : i32
      %dma_wait3A_240 = arith.constant 0 : i32
      %dma_wait3A_241 = tpu.memref_slice %arg2[%dma_wait3A_239, %dma_wait3A_240] : memref<10000x128xf32, #tpu.memory_space<hbm>> -> memref<10000x128xf32, #tpu.memory_space<hbm>>
      tpu.wait_indirect_dma semaphore(%arg16 : memref<!tpu.dma_semaphore, #tpu.memory_space<semaphore_mem>>) src(%dma_wait3A_241 : memref<10000x128xf32, #tpu.memory_space<hbm>>) dst(%arg11 : memref<56x128xf32, #tpu.memory_space<vmem>>)
      %dma_start3A_242 = arith.constant 0 : i32
      %dma_start3A_243 = tpu.memref_slice %arg8[%add3A_235, %dma_start3A_242] : memref<60x56xi32, #tpu.memory_space<vmem>> -> memref<1x56xi32, #tpu.memory_space<vmem>>
      %dma_start3A_244 = tpu.memref_squeeze %dma_start3A_243 : memref<1x56xi32, #tpu.memory_space<vmem>> -> memref<56xi32, #tpu.memory_space<vmem>>
      %dma_start3A_245 = arith.constant 0 : i32
      %dma_start3A_246 = arith.constant 0 : i32
      %dma_start3A_247 = tpu.memref_slice %arg13[%dma_start3A_245, %dma_start3A_246] : memref<10008x128xf32, #tpu.memory_space<vmem_shared>> -> memref<10008x128xf32, #tpu.memory_space<vmem_shared>>
      tpu.enqueue_indirect_dma source(%arg11 : memref<56x128xf32, #tpu.memory_space<vmem>>) target(%dma_start3A_247 : memref<10008x128xf32, #tpu.memory_space<vmem_shared>>) offsets(%dma_start3A_244 : memref<56xi32, #tpu.memory_space<vmem>>) semaphore(%arg20 : memref<!tpu.dma_semaphore, #tpu.memory_space<semaphore_mem>>) {add = true}
      %add3A_248 = arith.constant 3 : i32
      %add3A_249 = arith.addi %mul3A_205, %add3A_248 : i32
      %dma_wait3A_250 = arith.constant 0 : i32
      %dma_wait3A_251 = tpu.memref_slice %arg7[%add3A_249, %dma_wait3A_250] : memref<60x56xi32, #tpu.memory_space<vmem>> -> memref<1x56xi32, #tpu.memory_space<vmem>>
      %dma_wait3A_252 = tpu.memref_squeeze %dma_wait3A_251 : memref<1x56xi32, #tpu.memory_space<vmem>> -> memref<56xi32, #tpu.memory_space<vmem>>
      %dma_wait3A_253 = arith.constant 0 : i32
      %dma_wait3A_254 = arith.constant 0 : i32
      %dma_wait3A_255 = tpu.memref_slice %arg2[%dma_wait3A_253, %dma_wait3A_254] : memref<10000x128xf32, #tpu.memory_space<hbm>> -> memref<10000x128xf32, #tpu.memory_space<hbm>>
      tpu.wait_indirect_dma semaphore(%arg17 : memref<!tpu.dma_semaphore, #tpu.memory_space<semaphore_mem>>) src(%dma_wait3A_255 : memref<10000x128xf32, #tpu.memory_space<hbm>>) dst(%arg12 : memref<56x128xf32, #tpu.memory_space<vmem>>)
      %dma_start3A_256 = arith.constant 0 : i32
      %dma_start3A_257 = tpu.memref_slice %arg8[%add3A_249, %dma_start3A_256] : memref<60x56xi32, #tpu.memory_space<vmem>> -> memref<1x56xi32, #tpu.memory_space<vmem>>
      %dma_start3A_258 = tpu.memref_squeeze %dma_start3A_257 : memref<1x56xi32, #tpu.memory_space<vmem>> -> memref<56xi32, #tpu.memory_space<vmem>>
      %dma_start3A_259 = arith.constant 0 : i32
      %dma_start3A_260 = arith.constant 0 : i32
      %dma_start3A_261 = tpu.memref_slice %arg13[%dma_start3A_259, %dma_start3A_260] : memref<10008x128xf32, #tpu.memory_space<vmem_shared>> -> memref<10008x128xf32, #tpu.memory_space<vmem_shared>>
      tpu.enqueue_indirect_dma source(%arg12 : memref<56x128xf32, #tpu.memory_space<vmem>>) target(%dma_start3A_261 : memref<10008x128xf32, #tpu.memory_space<vmem_shared>>) offsets(%dma_start3A_258 : memref<56xi32, #tpu.memory_space<vmem>>) semaphore(%arg21 : memref<!tpu.dma_semaphore, #tpu.memory_space<semaphore_mem>>) {add = true}
      %lt3A = arith.constant 14 : i32
      %lt3A_262 = arith.cmpi slt, %scan3A_203, %lt3A : i32
      %convert_element_type3A_263 = arith.extui %lt3A_262 : i1 to i32
      %cond3A_264 = arith.constant 0 : i32
      %cond3A_265 = arith.cmpi ne, %convert_element_type3A_263, %cond3A_264 : i32
      scf.if %cond3A_265 {
        %add3A_266 = arith.constant 0 : i32
        %add3A_267 = arith.addi %mul3A_205, %add3A_266 : i32
        %dma_wait3A_268 = arith.constant 0 : i32
        %dma_wait3A_269 = tpu.memref_slice %arg8[%add3A_267, %dma_wait3A_268] : memref<60x56xi32, #tpu.memory_space<vmem>> -> memref<1x56xi32, #tpu.memory_space<vmem>>
        %dma_wait3A_270 = tpu.memref_squeeze %dma_wait3A_269 : memref<1x56xi32, #tpu.memory_space<vmem>> -> memref<56xi32, #tpu.memory_space<vmem>>
        %dma_wait3A_271 = arith.constant 0 : i32
        %dma_wait3A_272 = arith.constant 0 : i32
        %dma_wait3A_273 = tpu.memref_slice %arg13[%dma_wait3A_271, %dma_wait3A_272] : memref<10008x128xf32, #tpu.memory_space<vmem_shared>> -> memref<10008x128xf32, #tpu.memory_space<vmem_shared>>
        tpu.wait_indirect_dma semaphore(%arg18 : memref<!tpu.dma_semaphore, #tpu.memory_space<semaphore_mem>>) src(%arg9 : memref<56x128xf32, #tpu.memory_space<vmem>>) dst(%dma_wait3A_273 : memref<10008x128xf32, #tpu.memory_space<vmem_shared>>)
        %add3A_274 = arith.constant 4 : i32
        %add3A_275 = arith.addi %add3A_267, %add3A_274 : i32
        %dma_start3A_276 = arith.constant 0 : i32
        %dma_start3A_277 = tpu.memref_slice %arg7[%add3A_275, %dma_start3A_276] : memref<60x56xi32, #tpu.memory_space<vmem>> -> memref<1x56xi32, #tpu.memory_space<vmem>>
        %dma_start3A_278 = tpu.memref_squeeze %dma_start3A_277 : memref<1x56xi32, #tpu.memory_space<vmem>> -> memref<56xi32, #tpu.memory_space<vmem>>
        %dma_start3A_279 = arith.constant 0 : i32
        %dma_start3A_280 = arith.constant 0 : i32
        %dma_start3A_281 = tpu.memref_slice %arg2[%dma_start3A_279, %dma_start3A_280] : memref<10000x128xf32, #tpu.memory_space<hbm>> -> memref<10000x128xf32, #tpu.memory_space<hbm>>
        tpu.enqueue_indirect_dma source(%dma_start3A_281 : memref<10000x128xf32, #tpu.memory_space<hbm>>) target(%arg9 : memref<56x128xf32, #tpu.memory_space<vmem>>) offsets(%dma_start3A_278 : memref<56xi32, #tpu.memory_space<vmem>>) semaphore(%arg14 : memref<!tpu.dma_semaphore, #tpu.memory_space<semaphore_mem>>)
        %add3A_282 = arith.constant 1 : i32
        %add3A_283 = arith.addi %mul3A_205, %add3A_282 : i32
        %dma_wait3A_284 = arith.constant 0 : i32
        %dma_wait3A_285 = tpu.memref_slice %arg8[%add3A_283, %dma_wait3A_284] : memref<60x56xi32, #tpu.memory_space<vmem>> -> memref<1x56xi32, #tpu.memory_space<vmem>>
        %dma_wait3A_286 = tpu.memref_squeeze %dma_wait3A_285 : memref<1x56xi32, #tpu.memory_space<vmem>> -> memref<56xi32, #tpu.memory_space<vmem>>
        %dma_wait3A_287 = arith.constant 0 : i32
        %dma_wait3A_288 = arith.constant 0 : i32
        %dma_wait3A_289 = tpu.memref_slice %arg13[%dma_wait3A_287, %dma_wait3A_288] : memref<10008x128xf32, #tpu.memory_space<vmem_shared>> -> memref<10008x128xf32, #tpu.memory_space<vmem_shared>>
        tpu.wait_indirect_dma semaphore(%arg19 : memref<!tpu.dma_semaphore, #tpu.memory_space<semaphore_mem>>) src(%arg10 : memref<56x128xf32, #tpu.memory_space<vmem>>) dst(%dma_wait3A_289 : memref<10008x128xf32, #tpu.memory_space<vmem_shared>>)
        %add3A_290 = arith.constant 4 : i32
        %add3A_291 = arith.addi %add3A_283, %add3A_290 : i32
        %dma_start3A_292 = arith.constant 0 : i32
        %dma_start3A_293 = tpu.memref_slice %arg7[%add3A_291, %dma_start3A_292] : memref<60x56xi32, #tpu.memory_space<vmem>> -> memref<1x56xi32, #tpu.memory_space<vmem>>
        %dma_start3A_294 = tpu.memref_squeeze %dma_start3A_293 : memref<1x56xi32, #tpu.memory_space<vmem>> -> memref<56xi32, #tpu.memory_space<vmem>>
        %dma_start3A_295 = arith.constant 0 : i32
        %dma_start3A_296 = arith.constant 0 : i32
        %dma_start3A_297 = tpu.memref_slice %arg2[%dma_start3A_295, %dma_start3A_296] : memref<10000x128xf32, #tpu.memory_space<hbm>> -> memref<10000x128xf32, #tpu.memory_space<hbm>>
        tpu.enqueue_indirect_dma source(%dma_start3A_297 : memref<10000x128xf32, #tpu.memory_space<hbm>>) target(%arg10 : memref<56x128xf32, #tpu.memory_space<vmem>>) offsets(%dma_start3A_294 : memref<56xi32, #tpu.memory_space<vmem>>) semaphore(%arg15 : memref<!tpu.dma_semaphore, #tpu.memory_space<semaphore_mem>>)
        %add3A_298 = arith.constant 2 : i32
        %add3A_299 = arith.addi %mul3A_205, %add3A_298 : i32
        %dma_wait3A_300 = arith.constant 0 : i32
        %dma_wait3A_301 = tpu.memref_slice %arg8[%add3A_299, %dma_wait3A_300] : memref<60x56xi32, #tpu.memory_space<vmem>> -> memref<1x56xi32, #tpu.memory_space<vmem>>
        %dma_wait3A_302 = tpu.memref_squeeze %dma_wait3A_301 : memref<1x56xi32, #tpu.memory_space<vmem>> -> memref<56xi32, #tpu.memory_space<vmem>>
        %dma_wait3A_303 = arith.constant 0 : i32
        %dma_wait3A_304 = arith.constant 0 : i32
        %dma_wait3A_305 = tpu.memref_slice %arg13[%dma_wait3A_303, %dma_wait3A_304] : memref<10008x128xf32, #tpu.memory_space<vmem_shared>> -> memref<10008x128xf32, #tpu.memory_space<vmem_shared>>
        tpu.wait_indirect_dma semaphore(%arg20 : memref<!tpu.dma_semaphore, #tpu.memory_space<semaphore_mem>>) src(%arg11 : memref<56x128xf32, #tpu.memory_space<vmem>>) dst(%dma_wait3A_305 : memref<10008x128xf32, #tpu.memory_space<vmem_shared>>)
        %add3A_306 = arith.constant 4 : i32
        %add3A_307 = arith.addi %add3A_299, %add3A_306 : i32
        %dma_start3A_308 = arith.constant 0 : i32
        %dma_start3A_309 = tpu.memref_slice %arg7[%add3A_307, %dma_start3A_308] : memref<60x56xi32, #tpu.memory_space<vmem>> -> memref<1x56xi32, #tpu.memory_space<vmem>>
        %dma_start3A_310 = tpu.memref_squeeze %dma_start3A_309 : memref<1x56xi32, #tpu.memory_space<vmem>> -> memref<56xi32, #tpu.memory_space<vmem>>
        %dma_start3A_311 = arith.constant 0 : i32
        %dma_start3A_312 = arith.constant 0 : i32
        %dma_start3A_313 = tpu.memref_slice %arg2[%dma_start3A_311, %dma_start3A_312] : memref<10000x128xf32, #tpu.memory_space<hbm>> -> memref<10000x128xf32, #tpu.memory_space<hbm>>
        tpu.enqueue_indirect_dma source(%dma_start3A_313 : memref<10000x128xf32, #tpu.memory_space<hbm>>) target(%arg11 : memref<56x128xf32, #tpu.memory_space<vmem>>) offsets(%dma_start3A_310 : memref<56xi32, #tpu.memory_space<vmem>>) semaphore(%arg16 : memref<!tpu.dma_semaphore, #tpu.memory_space<semaphore_mem>>)
        %add3A_314 = arith.constant 3 : i32
        %add3A_315 = arith.addi %mul3A_205, %add3A_314 : i32
        %dma_wait3A_316 = arith.constant 0 : i32
        %dma_wait3A_317 = tpu.memref_slice %arg8[%add3A_315, %dma_wait3A_316] : memref<60x56xi32, #tpu.memory_space<vmem>> -> memref<1x56xi32, #tpu.memory_space<vmem>>
        %dma_wait3A_318 = tpu.memref_squeeze %dma_wait3A_317 : memref<1x56xi32, #tpu.memory_space<vmem>> -> memref<56xi32, #tpu.memory_space<vmem>>
        %dma_wait3A_319 = arith.constant 0 : i32
        %dma_wait3A_320 = arith.constant 0 : i32
        %dma_wait3A_321 = tpu.memref_slice %arg13[%dma_wait3A_319, %dma_wait3A_320] : memref<10008x128xf32, #tpu.memory_space<vmem_shared>> -> memref<10008x128xf32, #tpu.memory_space<vmem_shared>>
        tpu.wait_indirect_dma semaphore(%arg21 : memref<!tpu.dma_semaphore, #tpu.memory_space<semaphore_mem>>) src(%arg12 : memref<56x128xf32, #tpu.memory_space<vmem>>) dst(%dma_wait3A_321 : memref<10008x128xf32, #tpu.memory_space<vmem_shared>>)
        %add3A_322 = arith.constant 4 : i32
        %add3A_323 = arith.addi %add3A_315, %add3A_322 : i32
        %dma_start3A_324 = arith.constant 0 : i32
        %dma_start3A_325 = tpu.memref_slice %arg7[%add3A_323, %dma_start3A_324] : memref<60x56xi32, #tpu.memory_space<vmem>> -> memref<1x56xi32, #tpu.memory_space<vmem>>
        %dma_start3A_326 = tpu.memref_squeeze %dma_start3A_325 : memref<1x56xi32, #tpu.memory_space<vmem>> -> memref<56xi32, #tpu.memory_space<vmem>>
        %dma_start3A_327 = arith.constant 0 : i32
        %dma_start3A_328 = arith.constant 0 : i32
        %dma_start3A_329 = tpu.memref_slice %arg2[%dma_start3A_327, %dma_start3A_328] : memref<10000x128xf32, #tpu.memory_space<hbm>> -> memref<10000x128xf32, #tpu.memory_space<hbm>>
        tpu.enqueue_indirect_dma source(%dma_start3A_329 : memref<10000x128xf32, #tpu.memory_space<hbm>>) target(%arg12 : memref<56x128xf32, #tpu.memory_space<vmem>>) offsets(%dma_start3A_326 : memref<56xi32, #tpu.memory_space<vmem>>) semaphore(%arg17 : memref<!tpu.dma_semaphore, #tpu.memory_space<semaphore_mem>>)
      } else {
      }
    }
    %scan3A_37 = arith.constant 15 : i32
    %dma_wait3A = arith.constant 56 : i32
    %dma_wait3A_38 = arith.constant 0 : i32
    %dma_wait3A_39 = tpu.memref_slice %arg8[%dma_wait3A, %dma_wait3A_38] : memref<60x56xi32, #tpu.memory_space<vmem>> -> memref<1x56xi32, #tpu.memory_space<vmem>>
    %dma_wait3A_40 = tpu.memref_squeeze %dma_wait3A_39 : memref<1x56xi32, #tpu.memory_space<vmem>> -> memref<56xi32, #tpu.memory_space<vmem>>
    %dma_wait3A_41 = arith.constant 0 : i32
    %dma_wait3A_42 = arith.constant 0 : i32
    %dma_wait3A_43 = tpu.memref_slice %arg13[%dma_wait3A_41, %dma_wait3A_42] : memref<10008x128xf32, #tpu.memory_space<vmem_shared>> -> memref<10008x128xf32, #tpu.memory_space<vmem_shared>>
    tpu.wait_indirect_dma semaphore(%arg18 : memref<!tpu.dma_semaphore, #tpu.memory_space<semaphore_mem>>) src(%arg9 : memref<56x128xf32, #tpu.memory_space<vmem>>) dst(%dma_wait3A_43 : memref<10008x128xf32, #tpu.memory_space<vmem_shared>>)
    %dma_wait3A_44 = arith.constant 57 : i32
    %dma_wait3A_45 = arith.constant 0 : i32
    %dma_wait3A_46 = tpu.memref_slice %arg8[%dma_wait3A_44, %dma_wait3A_45] : memref<60x56xi32, #tpu.memory_space<vmem>> -> memref<1x56xi32, #tpu.memory_space<vmem>>
    %dma_wait3A_47 = tpu.memref_squeeze %dma_wait3A_46 : memref<1x56xi32, #tpu.memory_space<vmem>> -> memref<56xi32, #tpu.memory_space<vmem>>
    %dma_wait3A_48 = arith.constant 0 : i32
    %dma_wait3A_49 = arith.constant 0 : i32
    %dma_wait3A_50 = tpu.memref_slice %arg13[%dma_wait3A_48, %dma_wait3A_49] : memref<10008x128xf32, #tpu.memory_space<vmem_shared>> -> memref<10008x128xf32, #tpu.memory_space<vmem_shared>>
    tpu.wait_indirect_dma semaphore(%arg19 : memref<!tpu.dma_semaphore, #tpu.memory_space<semaphore_mem>>) src(%arg10 : memref<56x128xf32, #tpu.memory_space<vmem>>) dst(%dma_wait3A_50 : memref<10008x128xf32, #tpu.memory_space<vmem_shared>>)
    %dma_wait3A_51 = arith.constant 58 : i32
    %dma_wait3A_52 = arith.constant 0 : i32
    %dma_wait3A_53 = tpu.memref_slice %arg8[%dma_wait3A_51, %dma_wait3A_52] : memref<60x56xi32, #tpu.memory_space<vmem>> -> memref<1x56xi32, #tpu.memory_space<vmem>>
    %dma_wait3A_54 = tpu.memref_squeeze %dma_wait3A_53 : memref<1x56xi32, #tpu.memory_space<vmem>> -> memref<56xi32, #tpu.memory_space<vmem>>
    %dma_wait3A_55 = arith.constant 0 : i32
    %dma_wait3A_56 = arith.constant 0 : i32
    %dma_wait3A_57 = tpu.memref_slice %arg13[%dma_wait3A_55, %dma_wait3A_56] : memref<10008x128xf32, #tpu.memory_space<vmem_shared>> -> memref<10008x128xf32, #tpu.memory_space<vmem_shared>>
    tpu.wait_indirect_dma semaphore(%arg20 : memref<!tpu.dma_semaphore, #tpu.memory_space<semaphore_mem>>) src(%arg11 : memref<56x128xf32, #tpu.memory_space<vmem>>) dst(%dma_wait3A_57 : memref<10008x128xf32, #tpu.memory_space<vmem_shared>>)
    %dma_wait3A_58 = arith.constant 59 : i32
    %dma_wait3A_59 = arith.constant 0 : i32
    %dma_wait3A_60 = tpu.memref_slice %arg8[%dma_wait3A_58, %dma_wait3A_59] : memref<60x56xi32, #tpu.memory_space<vmem>> -> memref<1x56xi32, #tpu.memory_space<vmem>>
    %dma_wait3A_61 = tpu.memref_squeeze %dma_wait3A_60 : memref<1x56xi32, #tpu.memory_space<vmem>> -> memref<56xi32, #tpu.memory_space<vmem>>
    %dma_wait3A_62 = arith.constant 0 : i32
    %dma_wait3A_63 = arith.constant 0 : i32
    %dma_wait3A_64 = tpu.memref_slice %arg13[%dma_wait3A_62, %dma_wait3A_63] : memref<10008x128xf32, #tpu.memory_space<vmem_shared>> -> memref<10008x128xf32, #tpu.memory_space<vmem_shared>>
    tpu.wait_indirect_dma semaphore(%arg21 : memref<!tpu.dma_semaphore, #tpu.memory_space<semaphore_mem>>) src(%arg12 : memref<56x128xf32, #tpu.memory_space<vmem>>) dst(%dma_wait3A_64 : memref<10008x128xf32, #tpu.memory_space<vmem_shared>>)
    %run_scoped3A_65 = arith.constant 1 : i32
    "tpu.region"() ({
      %run_scoped3A_203 = tpu.sem_alloc : memref<!tpu.dma_semaphore, #tpu.memory_space<semaphore_mem>>
      %dma_start3A_204 = arith.constant 0 : i32
      %dma_start3A_205 = arith.constant 0 : i32
      %dma_start3A_206 = tpu.memref_slice %arg3[%add3A, %run_scoped3A_65, %dma_start3A_204, %dma_start3A_205] : memref<32x3x60x56xi32, #tpu.memory_space<hbm>> -> memref<1x1x60x56xi32, #tpu.memory_space<hbm>>
      %dma_start3A_207 = tpu.memref_squeeze %dma_start3A_206 : memref<1x1x60x56xi32, #tpu.memory_space<hbm>> -> memref<60x56xi32, #tpu.memory_space<hbm>>
      %dma_start3A_208 = arith.constant 0 : i32
      %dma_start3A_209 = arith.constant 0 : i32
      %dma_start3A_210 = tpu.memref_slice %arg3[%add3A, %run_scoped3A_65, %dma_start3A_208, %dma_start3A_209] : memref<32x3x60x56xi32, #tpu.memory_space<hbm>> -> memref<1x1x60x56xi32, #tpu.memory_space<hbm>>
      %dma_start3A_211 = tpu.memref_squeeze %dma_start3A_210 : memref<1x1x60x56xi32, #tpu.memory_space<hbm>> -> memref<60x56xi32, #tpu.memory_space<hbm>>
      tpu.enqueue_dma source(%dma_start3A_211 : memref<60x56xi32, #tpu.memory_space<hbm>>) target(%arg7 : memref<60x56xi32, #tpu.memory_space<vmem>>) target_semaphore(%run_scoped3A_203 : memref<!tpu.dma_semaphore, #tpu.memory_space<semaphore_mem>>)
      %dma_wait3A_212 = arith.constant 0 : i32
      %dma_wait3A_213 = arith.constant 0 : i32
      %dma_wait3A_214 = tpu.memref_slice %arg3[%add3A, %run_scoped3A_65, %dma_wait3A_212, %dma_wait3A_213] : memref<32x3x60x56xi32, #tpu.memory_space<hbm>> -> memref<1x1x60x56xi32, #tpu.memory_space<hbm>>
      %dma_wait3A_215 = tpu.memref_squeeze %dma_wait3A_214 : memref<1x1x60x56xi32, #tpu.memory_space<hbm>> -> memref<60x56xi32, #tpu.memory_space<hbm>>
      %dma_wait3A_216 = arith.constant 0 : i32
      %dma_wait3A_217 = arith.constant 0 : i32
      %dma_wait3A_218 = tpu.memref_slice %arg3[%add3A, %run_scoped3A_65, %dma_wait3A_216, %dma_wait3A_217] : memref<32x3x60x56xi32, #tpu.memory_space<hbm>> -> memref<1x1x60x56xi32, #tpu.memory_space<hbm>>
      %dma_wait3A_219 = tpu.memref_squeeze %dma_wait3A_218 : memref<1x1x60x56xi32, #tpu.memory_space<hbm>> -> memref<60x56xi32, #tpu.memory_space<hbm>>
      tpu.wait_dma2 semaphore(%run_scoped3A_203 : memref<!tpu.dma_semaphore, #tpu.memory_space<semaphore_mem>>) src(%dma_wait3A_219 : memref<60x56xi32, #tpu.memory_space<hbm>>) dst(%arg7 : memref<60x56xi32, #tpu.memory_space<vmem>>)
      tpu.yield
    }) : () -> ()
    %run_scoped3A_66 = arith.constant 1 : i32
    "tpu.region"() ({
      %run_scoped3A_203 = tpu.sem_alloc : memref<!tpu.dma_semaphore, #tpu.memory_space<semaphore_mem>>
      %dma_start3A_204 = arith.constant 0 : i32
      %dma_start3A_205 = arith.constant 0 : i32
      %dma_start3A_206 = tpu.memref_slice %arg4[%add3A, %run_scoped3A_66, %dma_start3A_204, %dma_start3A_205] : memref<32x3x60x56xi32, #tpu.memory_space<hbm>> -> memref<1x1x60x56xi32, #tpu.memory_space<hbm>>
      %dma_start3A_207 = tpu.memref_squeeze %dma_start3A_206 : memref<1x1x60x56xi32, #tpu.memory_space<hbm>> -> memref<60x56xi32, #tpu.memory_space<hbm>>
      %dma_start3A_208 = arith.constant 0 : i32
      %dma_start3A_209 = arith.constant 0 : i32
      %dma_start3A_210 = tpu.memref_slice %arg4[%add3A, %run_scoped3A_66, %dma_start3A_208, %dma_start3A_209] : memref<32x3x60x56xi32, #tpu.memory_space<hbm>> -> memref<1x1x60x56xi32, #tpu.memory_space<hbm>>
      %dma_start3A_211 = tpu.memref_squeeze %dma_start3A_210 : memref<1x1x60x56xi32, #tpu.memory_space<hbm>> -> memref<60x56xi32, #tpu.memory_space<hbm>>
      tpu.enqueue_dma source(%dma_start3A_211 : memref<60x56xi32, #tpu.memory_space<hbm>>) target(%arg8 : memref<60x56xi32, #tpu.memory_space<vmem>>) target_semaphore(%run_scoped3A_203 : memref<!tpu.dma_semaphore, #tpu.memory_space<semaphore_mem>>)
      %dma_wait3A_212 = arith.constant 0 : i32
      %dma_wait3A_213 = arith.constant 0 : i32
      %dma_wait3A_214 = tpu.memref_slice %arg4[%add3A, %run_scoped3A_66, %dma_wait3A_212, %dma_wait3A_213] : memref<32x3x60x56xi32, #tpu.memory_space<hbm>> -> memref<1x1x60x56xi32, #tpu.memory_space<hbm>>
      %dma_wait3A_215 = tpu.memref_squeeze %dma_wait3A_214 : memref<1x1x60x56xi32, #tpu.memory_space<hbm>> -> memref<60x56xi32, #tpu.memory_space<hbm>>
      %dma_wait3A_216 = arith.constant 0 : i32
      %dma_wait3A_217 = arith.constant 0 : i32
      %dma_wait3A_218 = tpu.memref_slice %arg4[%add3A, %run_scoped3A_66, %dma_wait3A_216, %dma_wait3A_217] : memref<32x3x60x56xi32, #tpu.memory_space<hbm>> -> memref<1x1x60x56xi32, #tpu.memory_space<hbm>>
      %dma_wait3A_219 = tpu.memref_squeeze %dma_wait3A_218 : memref<1x1x60x56xi32, #tpu.memory_space<hbm>> -> memref<60x56xi32, #tpu.memory_space<hbm>>
      tpu.wait_dma2 semaphore(%run_scoped3A_203 : memref<!tpu.dma_semaphore, #tpu.memory_space<semaphore_mem>>) src(%dma_wait3A_219 : memref<60x56xi32, #tpu.memory_space<hbm>>) dst(%arg8 : memref<60x56xi32, #tpu.memory_space<vmem>>)
      tpu.yield
    }) : () -> ()
    %dma_start3A_67 = arith.constant 0 : i32
    %dma_start3A_68 = arith.constant 0 : i32
    %dma_start3A_69 = tpu.memref_slice %arg7[%dma_start3A_67, %dma_start3A_68] : memref<60x56xi32, #tpu.memory_space<vmem>> -> memref<1x56xi32, #tpu.memory_space<vmem>>
    %dma_start3A_70 = tpu.memref_squeeze %dma_start3A_69 : memref<1x56xi32, #tpu.memory_space<vmem>> -> memref<56xi32, #tpu.memory_space<vmem>>
    %dma_start3A_71 = arith.constant 0 : i32
    %dma_start3A_72 = arith.constant 0 : i32
    %dma_start3A_73 = tpu.memref_slice %arg2[%dma_start3A_71, %dma_start3A_72] : memref<10000x128xf32, #tpu.memory_space<hbm>> -> memref<10000x128xf32, #tpu.memory_space<hbm>>
    tpu.enqueue_indirect_dma source(%dma_start3A_73 : memref<10000x128xf32, #tpu.memory_space<hbm>>) target(%arg9 : memref<56x128xf32, #tpu.memory_space<vmem>>) offsets(%dma_start3A_70 : memref<56xi32, #tpu.memory_space<vmem>>) semaphore(%arg14 : memref<!tpu.dma_semaphore, #tpu.memory_space<semaphore_mem>>)
    %dma_start3A_74 = arith.constant 1 : i32
    %dma_start3A_75 = arith.constant 0 : i32
    %dma_start3A_76 = tpu.memref_slice %arg7[%dma_start3A_74, %dma_start3A_75] : memref<60x56xi32, #tpu.memory_space<vmem>> -> memref<1x56xi32, #tpu.memory_space<vmem>>
    %dma_start3A_77 = tpu.memref_squeeze %dma_start3A_76 : memref<1x56xi32, #tpu.memory_space<vmem>> -> memref<56xi32, #tpu.memory_space<vmem>>
    %dma_start3A_78 = arith.constant 0 : i32
    %dma_start3A_79 = arith.constant 0 : i32
    %dma_start3A_80 = tpu.memref_slice %arg2[%dma_start3A_78, %dma_start3A_79] : memref<10000x128xf32, #tpu.memory_space<hbm>> -> memref<10000x128xf32, #tpu.memory_space<hbm>>
    tpu.enqueue_indirect_dma source(%dma_start3A_80 : memref<10000x128xf32, #tpu.memory_space<hbm>>) target(%arg10 : memref<56x128xf32, #tpu.memory_space<vmem>>) offsets(%dma_start3A_77 : memref<56xi32, #tpu.memory_space<vmem>>) semaphore(%arg15 : memref<!tpu.dma_semaphore, #tpu.memory_space<semaphore_mem>>)
    %dma_start3A_81 = arith.constant 2 : i32
    %dma_start3A_82 = arith.constant 0 : i32
    %dma_start3A_83 = tpu.memref_slice %arg7[%dma_start3A_81, %dma_start3A_82] : memref<60x56xi32, #tpu.memory_space<vmem>> -> memref<1x56xi32, #tpu.memory_space<vmem>>
    %dma_start3A_84 = tpu.memref_squeeze %dma_start3A_83 : memref<1x56xi32, #tpu.memory_space<vmem>> -> memref<56xi32, #tpu.memory_space<vmem>>
    %dma_start3A_85 = arith.constant 0 : i32
    %dma_start3A_86 = arith.constant 0 : i32
    %dma_start3A_87 = tpu.memref_slice %arg2[%dma_start3A_85, %dma_start3A_86] : memref<10000x128xf32, #tpu.memory_space<hbm>> -> memref<10000x128xf32, #tpu.memory_space<hbm>>
    tpu.enqueue_indirect_dma source(%dma_start3A_87 : memref<10000x128xf32, #tpu.memory_space<hbm>>) target(%arg11 : memref<56x128xf32, #tpu.memory_space<vmem>>) offsets(%dma_start3A_84 : memref<56xi32, #tpu.memory_space<vmem>>) semaphore(%arg16 : memref<!tpu.dma_semaphore, #tpu.memory_space<semaphore_mem>>)
    %dma_start3A_88 = arith.constant 3 : i32
    %dma_start3A_89 = arith.constant 0 : i32
    %dma_start3A_90 = tpu.memref_slice %arg7[%dma_start3A_88, %dma_start3A_89] : memref<60x56xi32, #tpu.memory_space<vmem>> -> memref<1x56xi32, #tpu.memory_space<vmem>>
    %dma_start3A_91 = tpu.memref_squeeze %dma_start3A_90 : memref<1x56xi32, #tpu.memory_space<vmem>> -> memref<56xi32, #tpu.memory_space<vmem>>
    %dma_start3A_92 = arith.constant 0 : i32
    %dma_start3A_93 = arith.constant 0 : i32
    %dma_start3A_94 = tpu.memref_slice %arg2[%dma_start3A_92, %dma_start3A_93] : memref<10000x128xf32, #tpu.memory_space<hbm>> -> memref<10000x128xf32, #tpu.memory_space<hbm>>
    tpu.enqueue_indirect_dma source(%dma_start3A_94 : memref<10000x128xf32, #tpu.memory_space<hbm>>) target(%arg12 : memref<56x128xf32, #tpu.memory_space<vmem>>) offsets(%dma_start3A_91 : memref<56xi32, #tpu.memory_space<vmem>>) semaphore(%arg17 : memref<!tpu.dma_semaphore, #tpu.memory_space<semaphore_mem>>)
    %scan3A_95 = arith.constant 0 : i32
    %scan3A_96 = arith.constant 0 : i32
    %scan3A_97 = arith.constant 15 : i32
    %scan3A_98 = arith.addi %scan3A_96, %scan3A_97 : i32
    %scan3A_99 = arith.constant 1 : i32
    scf.for %scan3A_203 = %scan3A_96 to %scan3A_98 step %scan3A_99  : i32 {
      %mul3A_204 = arith.constant 4 : i32
      %mul3A_205 = arith.muli %scan3A_203, %mul3A_204 : i32
      %add3A_206 = arith.constant 0 : i32
      %add3A_207 = arith.addi %mul3A_205, %add3A_206 : i32
      %dma_wait3A_208 = arith.constant 0 : i32
      %dma_wait3A_209 = tpu.memref_slice %arg7[%add3A_207, %dma_wait3A_208] : memref<60x56xi32, #tpu.memory_space<vmem>> -> memref<1x56xi32, #tpu.memory_space<vmem>>
      %dma_wait3A_210 = tpu.memref_squeeze %dma_wait3A_209 : memref<1x56xi32, #tpu.memory_space<vmem>> -> memref<56xi32, #tpu.memory_space<vmem>>
      %dma_wait3A_211 = arith.constant 0 : i32
      %dma_wait3A_212 = arith.constant 0 : i32
      %dma_wait3A_213 = tpu.memref_slice %arg2[%dma_wait3A_211, %dma_wait3A_212] : memref<10000x128xf32, #tpu.memory_space<hbm>> -> memref<10000x128xf32, #tpu.memory_space<hbm>>
      tpu.wait_indirect_dma semaphore(%arg14 : memref<!tpu.dma_semaphore, #tpu.memory_space<semaphore_mem>>) src(%dma_wait3A_213 : memref<10000x128xf32, #tpu.memory_space<hbm>>) dst(%arg9 : memref<56x128xf32, #tpu.memory_space<vmem>>)
      %dma_start3A_214 = arith.constant 0 : i32
      %dma_start3A_215 = tpu.memref_slice %arg8[%add3A_207, %dma_start3A_214] : memref<60x56xi32, #tpu.memory_space<vmem>> -> memref<1x56xi32, #tpu.memory_space<vmem>>
      %dma_start3A_216 = tpu.memref_squeeze %dma_start3A_215 : memref<1x56xi32, #tpu.memory_space<vmem>> -> memref<56xi32, #tpu.memory_space<vmem>>
      %dma_start3A_217 = arith.constant 0 : i32
      %dma_start3A_218 = arith.constant 0 : i32
      %dma_start3A_219 = tpu.memref_slice %arg13[%dma_start3A_217, %dma_start3A_218] : memref<10008x128xf32, #tpu.memory_space<vmem_shared>> -> memref<10008x128xf32, #tpu.memory_space<vmem_shared>>
      tpu.enqueue_indirect_dma source(%arg9 : memref<56x128xf32, #tpu.memory_space<vmem>>) target(%dma_start3A_219 : memref<10008x128xf32, #tpu.memory_space<vmem_shared>>) offsets(%dma_start3A_216 : memref<56xi32, #tpu.memory_space<vmem>>) semaphore(%arg18 : memref<!tpu.dma_semaphore, #tpu.memory_space<semaphore_mem>>) {add = true}
      %add3A_220 = arith.constant 1 : i32
      %add3A_221 = arith.addi %mul3A_205, %add3A_220 : i32
      %dma_wait3A_222 = arith.constant 0 : i32
      %dma_wait3A_223 = tpu.memref_slice %arg7[%add3A_221, %dma_wait3A_222] : memref<60x56xi32, #tpu.memory_space<vmem>> -> memref<1x56xi32, #tpu.memory_space<vmem>>
      %dma_wait3A_224 = tpu.memref_squeeze %dma_wait3A_223 : memref<1x56xi32, #tpu.memory_space<vmem>> -> memref<56xi32, #tpu.memory_space<vmem>>
      %dma_wait3A_225 = arith.constant 0 : i32
      %dma_wait3A_226 = arith.constant 0 : i32
      %dma_wait3A_227 = tpu.memref_slice %arg2[%dma_wait3A_225, %dma_wait3A_226] : memref<10000x128xf32, #tpu.memory_space<hbm>> -> memref<10000x128xf32, #tpu.memory_space<hbm>>
      tpu.wait_indirect_dma semaphore(%arg15 : memref<!tpu.dma_semaphore, #tpu.memory_space<semaphore_mem>>) src(%dma_wait3A_227 : memref<10000x128xf32, #tpu.memory_space<hbm>>) dst(%arg10 : memref<56x128xf32, #tpu.memory_space<vmem>>)
      %dma_start3A_228 = arith.constant 0 : i32
      %dma_start3A_229 = tpu.memref_slice %arg8[%add3A_221, %dma_start3A_228] : memref<60x56xi32, #tpu.memory_space<vmem>> -> memref<1x56xi32, #tpu.memory_space<vmem>>
      %dma_start3A_230 = tpu.memref_squeeze %dma_start3A_229 : memref<1x56xi32, #tpu.memory_space<vmem>> -> memref<56xi32, #tpu.memory_space<vmem>>
      %dma_start3A_231 = arith.constant 0 : i32
      %dma_start3A_232 = arith.constant 0 : i32
      %dma_start3A_233 = tpu.memref_slice %arg13[%dma_start3A_231, %dma_start3A_232] : memref<10008x128xf32, #tpu.memory_space<vmem_shared>> -> memref<10008x128xf32, #tpu.memory_space<vmem_shared>>
      tpu.enqueue_indirect_dma source(%arg10 : memref<56x128xf32, #tpu.memory_space<vmem>>) target(%dma_start3A_233 : memref<10008x128xf32, #tpu.memory_space<vmem_shared>>) offsets(%dma_start3A_230 : memref<56xi32, #tpu.memory_space<vmem>>) semaphore(%arg19 : memref<!tpu.dma_semaphore, #tpu.memory_space<semaphore_mem>>) {add = true}
      %add3A_234 = arith.constant 2 : i32
      %add3A_235 = arith.addi %mul3A_205, %add3A_234 : i32
      %dma_wait3A_236 = arith.constant 0 : i32
      %dma_wait3A_237 = tpu.memref_slice %arg7[%add3A_235, %dma_wait3A_236] : memref<60x56xi32, #tpu.memory_space<vmem>> -> memref<1x56xi32, #tpu.memory_space<vmem>>
      %dma_wait3A_238 = tpu.memref_squeeze %dma_wait3A_237 : memref<1x56xi32, #tpu.memory_space<vmem>> -> memref<56xi32, #tpu.memory_space<vmem>>
      %dma_wait3A_239 = arith.constant 0 : i32
      %dma_wait3A_240 = arith.constant 0 : i32
      %dma_wait3A_241 = tpu.memref_slice %arg2[%dma_wait3A_239, %dma_wait3A_240] : memref<10000x128xf32, #tpu.memory_space<hbm>> -> memref<10000x128xf32, #tpu.memory_space<hbm>>
      tpu.wait_indirect_dma semaphore(%arg16 : memref<!tpu.dma_semaphore, #tpu.memory_space<semaphore_mem>>) src(%dma_wait3A_241 : memref<10000x128xf32, #tpu.memory_space<hbm>>) dst(%arg11 : memref<56x128xf32, #tpu.memory_space<vmem>>)
      %dma_start3A_242 = arith.constant 0 : i32
      %dma_start3A_243 = tpu.memref_slice %arg8[%add3A_235, %dma_start3A_242] : memref<60x56xi32, #tpu.memory_space<vmem>> -> memref<1x56xi32, #tpu.memory_space<vmem>>
      %dma_start3A_244 = tpu.memref_squeeze %dma_start3A_243 : memref<1x56xi32, #tpu.memory_space<vmem>> -> memref<56xi32, #tpu.memory_space<vmem>>
      %dma_start3A_245 = arith.constant 0 : i32
      %dma_start3A_246 = arith.constant 0 : i32
      %dma_start3A_247 = tpu.memref_slice %arg13[%dma_start3A_245, %dma_start3A_246] : memref<10008x128xf32, #tpu.memory_space<vmem_shared>> -> memref<10008x128xf32, #tpu.memory_space<vmem_shared>>
      tpu.enqueue_indirect_dma source(%arg11 : memref<56x128xf32, #tpu.memory_space<vmem>>) target(%dma_start3A_247 : memref<10008x128xf32, #tpu.memory_space<vmem_shared>>) offsets(%dma_start3A_244 : memref<56xi32, #tpu.memory_space<vmem>>) semaphore(%arg20 : memref<!tpu.dma_semaphore, #tpu.memory_space<semaphore_mem>>) {add = true}
      %add3A_248 = arith.constant 3 : i32
      %add3A_249 = arith.addi %mul3A_205, %add3A_248 : i32
      %dma_wait3A_250 = arith.constant 0 : i32
      %dma_wait3A_251 = tpu.memref_slice %arg7[%add3A_249, %dma_wait3A_250] : memref<60x56xi32, #tpu.memory_space<vmem>> -> memref<1x56xi32, #tpu.memory_space<vmem>>
      %dma_wait3A_252 = tpu.memref_squeeze %dma_wait3A_251 : memref<1x56xi32, #tpu.memory_space<vmem>> -> memref<56xi32, #tpu.memory_space<vmem>>
      %dma_wait3A_253 = arith.constant 0 : i32
      %dma_wait3A_254 = arith.constant 0 : i32
      %dma_wait3A_255 = tpu.memref_slice %arg2[%dma_wait3A_253, %dma_wait3A_254] : memref<10000x128xf32, #tpu.memory_space<hbm>> -> memref<10000x128xf32, #tpu.memory_space<hbm>>
      tpu.wait_indirect_dma semaphore(%arg17 : memref<!tpu.dma_semaphore, #tpu.memory_space<semaphore_mem>>) src(%dma_wait3A_255 : memref<10000x128xf32, #tpu.memory_space<hbm>>) dst(%arg12 : memref<56x128xf32, #tpu.memory_space<vmem>>)
      %dma_start3A_256 = arith.constant 0 : i32
      %dma_start3A_257 = tpu.memref_slice %arg8[%add3A_249, %dma_start3A_256] : memref<60x56xi32, #tpu.memory_space<vmem>> -> memref<1x56xi32, #tpu.memory_space<vmem>>
      %dma_start3A_258 = tpu.memref_squeeze %dma_start3A_257 : memref<1x56xi32, #tpu.memory_space<vmem>> -> memref<56xi32, #tpu.memory_space<vmem>>
      %dma_start3A_259 = arith.constant 0 : i32
      %dma_start3A_260 = arith.constant 0 : i32
      %dma_start3A_261 = tpu.memref_slice %arg13[%dma_start3A_259, %dma_start3A_260] : memref<10008x128xf32, #tpu.memory_space<vmem_shared>> -> memref<10008x128xf32, #tpu.memory_space<vmem_shared>>
      tpu.enqueue_indirect_dma source(%arg12 : memref<56x128xf32, #tpu.memory_space<vmem>>) target(%dma_start3A_261 : memref<10008x128xf32, #tpu.memory_space<vmem_shared>>) offsets(%dma_start3A_258 : memref<56xi32, #tpu.memory_space<vmem>>) semaphore(%arg21 : memref<!tpu.dma_semaphore, #tpu.memory_space<semaphore_mem>>) {add = true}
      %lt3A = arith.constant 14 : i32
      %lt3A_262 = arith.cmpi slt, %scan3A_203, %lt3A : i32
      %convert_element_type3A_263 = arith.extui %lt3A_262 : i1 to i32
      %cond3A_264 = arith.constant 0 : i32
      %cond3A_265 = arith.cmpi ne, %convert_element_type3A_263, %cond3A_264 : i32
      scf.if %cond3A_265 {
        %add3A_266 = arith.constant 0 : i32
        %add3A_267 = arith.addi %mul3A_205, %add3A_266 : i32
        %dma_wait3A_268 = arith.constant 0 : i32
        %dma_wait3A_269 = tpu.memref_slice %arg8[%add3A_267, %dma_wait3A_268] : memref<60x56xi32, #tpu.memory_space<vmem>> -> memref<1x56xi32, #tpu.memory_space<vmem>>
        %dma_wait3A_270 = tpu.memref_squeeze %dma_wait3A_269 : memref<1x56xi32, #tpu.memory_space<vmem>> -> memref<56xi32, #tpu.memory_space<vmem>>
        %dma_wait3A_271 = arith.constant 0 : i32
        %dma_wait3A_272 = arith.constant 0 : i32
        %dma_wait3A_273 = tpu.memref_slice %arg13[%dma_wait3A_271, %dma_wait3A_272] : memref<10008x128xf32, #tpu.memory_space<vmem_shared>> -> memref<10008x128xf32, #tpu.memory_space<vmem_shared>>
        tpu.wait_indirect_dma semaphore(%arg18 : memref<!tpu.dma_semaphore, #tpu.memory_space<semaphore_mem>>) src(%arg9 : memref<56x128xf32, #tpu.memory_space<vmem>>) dst(%dma_wait3A_273 : memref<10008x128xf32, #tpu.memory_space<vmem_shared>>)
        %add3A_274 = arith.constant 4 : i32
        %add3A_275 = arith.addi %add3A_267, %add3A_274 : i32
        %dma_start3A_276 = arith.constant 0 : i32
        %dma_start3A_277 = tpu.memref_slice %arg7[%add3A_275, %dma_start3A_276] : memref<60x56xi32, #tpu.memory_space<vmem>> -> memref<1x56xi32, #tpu.memory_space<vmem>>
        %dma_start3A_278 = tpu.memref_squeeze %dma_start3A_277 : memref<1x56xi32, #tpu.memory_space<vmem>> -> memref<56xi32, #tpu.memory_space<vmem>>
        %dma_start3A_279 = arith.constant 0 : i32
        %dma_start3A_280 = arith.constant 0 : i32
        %dma_start3A_281 = tpu.memref_slice %arg2[%dma_start3A_279, %dma_start3A_280] : memref<10000x128xf32, #tpu.memory_space<hbm>> -> memref<10000x128xf32, #tpu.memory_space<hbm>>
        tpu.enqueue_indirect_dma source(%dma_start3A_281 : memref<10000x128xf32, #tpu.memory_space<hbm>>) target(%arg9 : memref<56x128xf32, #tpu.memory_space<vmem>>) offsets(%dma_start3A_278 : memref<56xi32, #tpu.memory_space<vmem>>) semaphore(%arg14 : memref<!tpu.dma_semaphore, #tpu.memory_space<semaphore_mem>>)
        %add3A_282 = arith.constant 1 : i32
        %add3A_283 = arith.addi %mul3A_205, %add3A_282 : i32
        %dma_wait3A_284 = arith.constant 0 : i32
        %dma_wait3A_285 = tpu.memref_slice %arg8[%add3A_283, %dma_wait3A_284] : memref<60x56xi32, #tpu.memory_space<vmem>> -> memref<1x56xi32, #tpu.memory_space<vmem>>
        %dma_wait3A_286 = tpu.memref_squeeze %dma_wait3A_285 : memref<1x56xi32, #tpu.memory_space<vmem>> -> memref<56xi32, #tpu.memory_space<vmem>>
        %dma_wait3A_287 = arith.constant 0 : i32
        %dma_wait3A_288 = arith.constant 0 : i32
        %dma_wait3A_289 = tpu.memref_slice %arg13[%dma_wait3A_287, %dma_wait3A_288] : memref<10008x128xf32, #tpu.memory_space<vmem_shared>> -> memref<10008x128xf32, #tpu.memory_space<vmem_shared>>
        tpu.wait_indirect_dma semaphore(%arg19 : memref<!tpu.dma_semaphore, #tpu.memory_space<semaphore_mem>>) src(%arg10 : memref<56x128xf32, #tpu.memory_space<vmem>>) dst(%dma_wait3A_289 : memref<10008x128xf32, #tpu.memory_space<vmem_shared>>)
        %add3A_290 = arith.constant 4 : i32
        %add3A_291 = arith.addi %add3A_283, %add3A_290 : i32
        %dma_start3A_292 = arith.constant 0 : i32
        %dma_start3A_293 = tpu.memref_slice %arg7[%add3A_291, %dma_start3A_292] : memref<60x56xi32, #tpu.memory_space<vmem>> -> memref<1x56xi32, #tpu.memory_space<vmem>>
        %dma_start3A_294 = tpu.memref_squeeze %dma_start3A_293 : memref<1x56xi32, #tpu.memory_space<vmem>> -> memref<56xi32, #tpu.memory_space<vmem>>
        %dma_start3A_295 = arith.constant 0 : i32
        %dma_start3A_296 = arith.constant 0 : i32
        %dma_start3A_297 = tpu.memref_slice %arg2[%dma_start3A_295, %dma_start3A_296] : memref<10000x128xf32, #tpu.memory_space<hbm>> -> memref<10000x128xf32, #tpu.memory_space<hbm>>
        tpu.enqueue_indirect_dma source(%dma_start3A_297 : memref<10000x128xf32, #tpu.memory_space<hbm>>) target(%arg10 : memref<56x128xf32, #tpu.memory_space<vmem>>) offsets(%dma_start3A_294 : memref<56xi32, #tpu.memory_space<vmem>>) semaphore(%arg15 : memref<!tpu.dma_semaphore, #tpu.memory_space<semaphore_mem>>)
        %add3A_298 = arith.constant 2 : i32
        %add3A_299 = arith.addi %mul3A_205, %add3A_298 : i32
        %dma_wait3A_300 = arith.constant 0 : i32
        %dma_wait3A_301 = tpu.memref_slice %arg8[%add3A_299, %dma_wait3A_300] : memref<60x56xi32, #tpu.memory_space<vmem>> -> memref<1x56xi32, #tpu.memory_space<vmem>>
        %dma_wait3A_302 = tpu.memref_squeeze %dma_wait3A_301 : memref<1x56xi32, #tpu.memory_space<vmem>> -> memref<56xi32, #tpu.memory_space<vmem>>
        %dma_wait3A_303 = arith.constant 0 : i32
        %dma_wait3A_304 = arith.constant 0 : i32
        %dma_wait3A_305 = tpu.memref_slice %arg13[%dma_wait3A_303, %dma_wait3A_304] : memref<10008x128xf32, #tpu.memory_space<vmem_shared>> -> memref<10008x128xf32, #tpu.memory_space<vmem_shared>>
        tpu.wait_indirect_dma semaphore(%arg20 : memref<!tpu.dma_semaphore, #tpu.memory_space<semaphore_mem>>) src(%arg11 : memref<56x128xf32, #tpu.memory_space<vmem>>) dst(%dma_wait3A_305 : memref<10008x128xf32, #tpu.memory_space<vmem_shared>>)
        %add3A_306 = arith.constant 4 : i32
        %add3A_307 = arith.addi %add3A_299, %add3A_306 : i32
        %dma_start3A_308 = arith.constant 0 : i32
        %dma_start3A_309 = tpu.memref_slice %arg7[%add3A_307, %dma_start3A_308] : memref<60x56xi32, #tpu.memory_space<vmem>> -> memref<1x56xi32, #tpu.memory_space<vmem>>
        %dma_start3A_310 = tpu.memref_squeeze %dma_start3A_309 : memref<1x56xi32, #tpu.memory_space<vmem>> -> memref<56xi32, #tpu.memory_space<vmem>>
        %dma_start3A_311 = arith.constant 0 : i32
        %dma_start3A_312 = arith.constant 0 : i32
        %dma_start3A_313 = tpu.memref_slice %arg2[%dma_start3A_311, %dma_start3A_312] : memref<10000x128xf32, #tpu.memory_space<hbm>> -> memref<10000x128xf32, #tpu.memory_space<hbm>>
        tpu.enqueue_indirect_dma source(%dma_start3A_313 : memref<10000x128xf32, #tpu.memory_space<hbm>>) target(%arg11 : memref<56x128xf32, #tpu.memory_space<vmem>>) offsets(%dma_start3A_310 : memref<56xi32, #tpu.memory_space<vmem>>) semaphore(%arg16 : memref<!tpu.dma_semaphore, #tpu.memory_space<semaphore_mem>>)
        %add3A_314 = arith.constant 3 : i32
        %add3A_315 = arith.addi %mul3A_205, %add3A_314 : i32
        %dma_wait3A_316 = arith.constant 0 : i32
        %dma_wait3A_317 = tpu.memref_slice %arg8[%add3A_315, %dma_wait3A_316] : memref<60x56xi32, #tpu.memory_space<vmem>> -> memref<1x56xi32, #tpu.memory_space<vmem>>
        %dma_wait3A_318 = tpu.memref_squeeze %dma_wait3A_317 : memref<1x56xi32, #tpu.memory_space<vmem>> -> memref<56xi32, #tpu.memory_space<vmem>>
        %dma_wait3A_319 = arith.constant 0 : i32
        %dma_wait3A_320 = arith.constant 0 : i32
        %dma_wait3A_321 = tpu.memref_slice %arg13[%dma_wait3A_319, %dma_wait3A_320] : memref<10008x128xf32, #tpu.memory_space<vmem_shared>> -> memref<10008x128xf32, #tpu.memory_space<vmem_shared>>
        tpu.wait_indirect_dma semaphore(%arg21 : memref<!tpu.dma_semaphore, #tpu.memory_space<semaphore_mem>>) src(%arg12 : memref<56x128xf32, #tpu.memory_space<vmem>>) dst(%dma_wait3A_321 : memref<10008x128xf32, #tpu.memory_space<vmem_shared>>)
        %add3A_322 = arith.constant 4 : i32
        %add3A_323 = arith.addi %add3A_315, %add3A_322 : i32
        %dma_start3A_324 = arith.constant 0 : i32
        %dma_start3A_325 = tpu.memref_slice %arg7[%add3A_323, %dma_start3A_324] : memref<60x56xi32, #tpu.memory_space<vmem>> -> memref<1x56xi32, #tpu.memory_space<vmem>>
        %dma_start3A_326 = tpu.memref_squeeze %dma_start3A_325 : memref<1x56xi32, #tpu.memory_space<vmem>> -> memref<56xi32, #tpu.memory_space<vmem>>
        %dma_start3A_327 = arith.constant 0 : i32
        %dma_start3A_328 = arith.constant 0 : i32
        %dma_start3A_329 = tpu.memref_slice %arg2[%dma_start3A_327, %dma_start3A_328] : memref<10000x128xf32, #tpu.memory_space<hbm>> -> memref<10000x128xf32, #tpu.memory_space<hbm>>
        tpu.enqueue_indirect_dma source(%dma_start3A_329 : memref<10000x128xf32, #tpu.memory_space<hbm>>) target(%arg12 : memref<56x128xf32, #tpu.memory_space<vmem>>) offsets(%dma_start3A_326 : memref<56xi32, #tpu.memory_space<vmem>>) semaphore(%arg17 : memref<!tpu.dma_semaphore, #tpu.memory_space<semaphore_mem>>)
      } else {
      }
    }
    %scan3A_100 = arith.constant 15 : i32
    %dma_wait3A_101 = arith.constant 56 : i32
    %dma_wait3A_102 = arith.constant 0 : i32
    %dma_wait3A_103 = tpu.memref_slice %arg8[%dma_wait3A_101, %dma_wait3A_102] : memref<60x56xi32, #tpu.memory_space<vmem>> -> memref<1x56xi32, #tpu.memory_space<vmem>>
    %dma_wait3A_104 = tpu.memref_squeeze %dma_wait3A_103 : memref<1x56xi32, #tpu.memory_space<vmem>> -> memref<56xi32, #tpu.memory_space<vmem>>
    %dma_wait3A_105 = arith.constant 0 : i32
    %dma_wait3A_106 = arith.constant 0 : i32
    %dma_wait3A_107 = tpu.memref_slice %arg13[%dma_wait3A_105, %dma_wait3A_106] : memref<10008x128xf32, #tpu.memory_space<vmem_shared>> -> memref<10008x128xf32, #tpu.memory_space<vmem_shared>>
    tpu.wait_indirect_dma semaphore(%arg18 : memref<!tpu.dma_semaphore, #tpu.memory_space<semaphore_mem>>) src(%arg9 : memref<56x128xf32, #tpu.memory_space<vmem>>) dst(%dma_wait3A_107 : memref<10008x128xf32, #tpu.memory_space<vmem_shared>>)
    %dma_wait3A_108 = arith.constant 57 : i32
    %dma_wait3A_109 = arith.constant 0 : i32
    %dma_wait3A_110 = tpu.memref_slice %arg8[%dma_wait3A_108, %dma_wait3A_109] : memref<60x56xi32, #tpu.memory_space<vmem>> -> memref<1x56xi32, #tpu.memory_space<vmem>>
    %dma_wait3A_111 = tpu.memref_squeeze %dma_wait3A_110 : memref<1x56xi32, #tpu.memory_space<vmem>> -> memref<56xi32, #tpu.memory_space<vmem>>
    %dma_wait3A_112 = arith.constant 0 : i32
    %dma_wait3A_113 = arith.constant 0 : i32
    %dma_wait3A_114 = tpu.memref_slice %arg13[%dma_wait3A_112, %dma_wait3A_113] : memref<10008x128xf32, #tpu.memory_space<vmem_shared>> -> memref<10008x128xf32, #tpu.memory_space<vmem_shared>>
    tpu.wait_indirect_dma semaphore(%arg19 : memref<!tpu.dma_semaphore, #tpu.memory_space<semaphore_mem>>) src(%arg10 : memref<56x128xf32, #tpu.memory_space<vmem>>) dst(%dma_wait3A_114 : memref<10008x128xf32, #tpu.memory_space<vmem_shared>>)
    %dma_wait3A_115 = arith.constant 58 : i32
    %dma_wait3A_116 = arith.constant 0 : i32
    %dma_wait3A_117 = tpu.memref_slice %arg8[%dma_wait3A_115, %dma_wait3A_116] : memref<60x56xi32, #tpu.memory_space<vmem>> -> memref<1x56xi32, #tpu.memory_space<vmem>>
    %dma_wait3A_118 = tpu.memref_squeeze %dma_wait3A_117 : memref<1x56xi32, #tpu.memory_space<vmem>> -> memref<56xi32, #tpu.memory_space<vmem>>
    %dma_wait3A_119 = arith.constant 0 : i32
    %dma_wait3A_120 = arith.constant 0 : i32
    %dma_wait3A_121 = tpu.memref_slice %arg13[%dma_wait3A_119, %dma_wait3A_120] : memref<10008x128xf32, #tpu.memory_space<vmem_shared>> -> memref<10008x128xf32, #tpu.memory_space<vmem_shared>>
    tpu.wait_indirect_dma semaphore(%arg20 : memref<!tpu.dma_semaphore, #tpu.memory_space<semaphore_mem>>) src(%arg11 : memref<56x128xf32, #tpu.memory_space<vmem>>) dst(%dma_wait3A_121 : memref<10008x128xf32, #tpu.memory_space<vmem_shared>>)
    %dma_wait3A_122 = arith.constant 59 : i32
    %dma_wait3A_123 = arith.constant 0 : i32
    %dma_wait3A_124 = tpu.memref_slice %arg8[%dma_wait3A_122, %dma_wait3A_123] : memref<60x56xi32, #tpu.memory_space<vmem>> -> memref<1x56xi32, #tpu.memory_space<vmem>>
    %dma_wait3A_125 = tpu.memref_squeeze %dma_wait3A_124 : memref<1x56xi32, #tpu.memory_space<vmem>> -> memref<56xi32, #tpu.memory_space<vmem>>
    %dma_wait3A_126 = arith.constant 0 : i32
    %dma_wait3A_127 = arith.constant 0 : i32
    %dma_wait3A_128 = tpu.memref_slice %arg13[%dma_wait3A_126, %dma_wait3A_127] : memref<10008x128xf32, #tpu.memory_space<vmem_shared>> -> memref<10008x128xf32, #tpu.memory_space<vmem_shared>>
    tpu.wait_indirect_dma semaphore(%arg21 : memref<!tpu.dma_semaphore, #tpu.memory_space<semaphore_mem>>) src(%arg12 : memref<56x128xf32, #tpu.memory_space<vmem>>) dst(%dma_wait3A_128 : memref<10008x128xf32, #tpu.memory_space<vmem_shared>>)
    %run_scoped3A_129 = arith.constant 2 : i32
    "tpu.region"() ({
      %run_scoped3A_203 = tpu.sem_alloc : memref<!tpu.dma_semaphore, #tpu.memory_space<semaphore_mem>>
      %dma_start3A_204 = arith.constant 0 : i32
      %dma_start3A_205 = arith.constant 0 : i32
      %dma_start3A_206 = tpu.memref_slice %arg3[%add3A, %run_scoped3A_129, %dma_start3A_204, %dma_start3A_205] : memref<32x3x60x56xi32, #tpu.memory_space<hbm>> -> memref<1x1x60x56xi32, #tpu.memory_space<hbm>>
      %dma_start3A_207 = tpu.memref_squeeze %dma_start3A_206 : memref<1x1x60x56xi32, #tpu.memory_space<hbm>> -> memref<60x56xi32, #tpu.memory_space<hbm>>
      %dma_start3A_208 = arith.constant 0 : i32
      %dma_start3A_209 = arith.constant 0 : i32
      %dma_start3A_210 = tpu.memref_slice %arg3[%add3A, %run_scoped3A_129, %dma_start3A_208, %dma_start3A_209] : memref<32x3x60x56xi32, #tpu.memory_space<hbm>> -> memref<1x1x60x56xi32, #tpu.memory_space<hbm>>
      %dma_start3A_211 = tpu.memref_squeeze %dma_start3A_210 : memref<1x1x60x56xi32, #tpu.memory_space<hbm>> -> memref<60x56xi32, #tpu.memory_space<hbm>>
      tpu.enqueue_dma source(%dma_start3A_211 : memref<60x56xi32, #tpu.memory_space<hbm>>) target(%arg7 : memref<60x56xi32, #tpu.memory_space<vmem>>) target_semaphore(%run_scoped3A_203 : memref<!tpu.dma_semaphore, #tpu.memory_space<semaphore_mem>>)
      %dma_wait3A_212 = arith.constant 0 : i32
      %dma_wait3A_213 = arith.constant 0 : i32
      %dma_wait3A_214 = tpu.memref_slice %arg3[%add3A, %run_scoped3A_129, %dma_wait3A_212, %dma_wait3A_213] : memref<32x3x60x56xi32, #tpu.memory_space<hbm>> -> memref<1x1x60x56xi32, #tpu.memory_space<hbm>>
      %dma_wait3A_215 = tpu.memref_squeeze %dma_wait3A_214 : memref<1x1x60x56xi32, #tpu.memory_space<hbm>> -> memref<60x56xi32, #tpu.memory_space<hbm>>
      %dma_wait3A_216 = arith.constant 0 : i32
      %dma_wait3A_217 = arith.constant 0 : i32
      %dma_wait3A_218 = tpu.memref_slice %arg3[%add3A, %run_scoped3A_129, %dma_wait3A_216, %dma_wait3A_217] : memref<32x3x60x56xi32, #tpu.memory_space<hbm>> -> memref<1x1x60x56xi32, #tpu.memory_space<hbm>>
      %dma_wait3A_219 = tpu.memref_squeeze %dma_wait3A_218 : memref<1x1x60x56xi32, #tpu.memory_space<hbm>> -> memref<60x56xi32, #tpu.memory_space<hbm>>
      tpu.wait_dma2 semaphore(%run_scoped3A_203 : memref<!tpu.dma_semaphore, #tpu.memory_space<semaphore_mem>>) src(%dma_wait3A_219 : memref<60x56xi32, #tpu.memory_space<hbm>>) dst(%arg7 : memref<60x56xi32, #tpu.memory_space<vmem>>)
      tpu.yield
    }) : () -> ()
    %run_scoped3A_130 = arith.constant 2 : i32
    "tpu.region"() ({
      %run_scoped3A_203 = tpu.sem_alloc : memref<!tpu.dma_semaphore, #tpu.memory_space<semaphore_mem>>
      %dma_start3A_204 = arith.constant 0 : i32
      %dma_start3A_205 = arith.constant 0 : i32
      %dma_start3A_206 = tpu.memref_slice %arg4[%add3A, %run_scoped3A_130, %dma_start3A_204, %dma_start3A_205] : memref<32x3x60x56xi32, #tpu.memory_space<hbm>> -> memref<1x1x60x56xi32, #tpu.memory_space<hbm>>
      %dma_start3A_207 = tpu.memref_squeeze %dma_start3A_206 : memref<1x1x60x56xi32, #tpu.memory_space<hbm>> -> memref<60x56xi32, #tpu.memory_space<hbm>>
      %dma_start3A_208 = arith.constant 0 : i32
      %dma_start3A_209 = arith.constant 0 : i32
      %dma_start3A_210 = tpu.memref_slice %arg4[%add3A, %run_scoped3A_130, %dma_start3A_208, %dma_start3A_209] : memref<32x3x60x56xi32, #tpu.memory_space<hbm>> -> memref<1x1x60x56xi32, #tpu.memory_space<hbm>>
      %dma_start3A_211 = tpu.memref_squeeze %dma_start3A_210 : memref<1x1x60x56xi32, #tpu.memory_space<hbm>> -> memref<60x56xi32, #tpu.memory_space<hbm>>
      tpu.enqueue_dma source(%dma_start3A_211 : memref<60x56xi32, #tpu.memory_space<hbm>>) target(%arg8 : memref<60x56xi32, #tpu.memory_space<vmem>>) target_semaphore(%run_scoped3A_203 : memref<!tpu.dma_semaphore, #tpu.memory_space<semaphore_mem>>)
      %dma_wait3A_212 = arith.constant 0 : i32
      %dma_wait3A_213 = arith.constant 0 : i32
      %dma_wait3A_214 = tpu.memref_slice %arg4[%add3A, %run_scoped3A_130, %dma_wait3A_212, %dma_wait3A_213] : memref<32x3x60x56xi32, #tpu.memory_space<hbm>> -> memref<1x1x60x56xi32, #tpu.memory_space<hbm>>
      %dma_wait3A_215 = tpu.memref_squeeze %dma_wait3A_214 : memref<1x1x60x56xi32, #tpu.memory_space<hbm>> -> memref<60x56xi32, #tpu.memory_space<hbm>>
      %dma_wait3A_216 = arith.constant 0 : i32
      %dma_wait3A_217 = arith.constant 0 : i32
      %dma_wait3A_218 = tpu.memref_slice %arg4[%add3A, %run_scoped3A_130, %dma_wait3A_216, %dma_wait3A_217] : memref<32x3x60x56xi32, #tpu.memory_space<hbm>> -> memref<1x1x60x56xi32, #tpu.memory_space<hbm>>
      %dma_wait3A_219 = tpu.memref_squeeze %dma_wait3A_218 : memref<1x1x60x56xi32, #tpu.memory_space<hbm>> -> memref<60x56xi32, #tpu.memory_space<hbm>>
      tpu.wait_dma2 semaphore(%run_scoped3A_203 : memref<!tpu.dma_semaphore, #tpu.memory_space<semaphore_mem>>) src(%dma_wait3A_219 : memref<60x56xi32, #tpu.memory_space<hbm>>) dst(%arg8 : memref<60x56xi32, #tpu.memory_space<vmem>>)
      tpu.yield
    }) : () -> ()
    %dma_start3A_131 = arith.constant 0 : i32
    %dma_start3A_132 = arith.constant 0 : i32
    %dma_start3A_133 = tpu.memref_slice %arg7[%dma_start3A_131, %dma_start3A_132] : memref<60x56xi32, #tpu.memory_space<vmem>> -> memref<1x56xi32, #tpu.memory_space<vmem>>
    %dma_start3A_134 = tpu.memref_squeeze %dma_start3A_133 : memref<1x56xi32, #tpu.memory_space<vmem>> -> memref<56xi32, #tpu.memory_space<vmem>>
    %dma_start3A_135 = arith.constant 0 : i32
    %dma_start3A_136 = arith.constant 0 : i32
    %dma_start3A_137 = tpu.memref_slice %arg2[%dma_start3A_135, %dma_start3A_136] : memref<10000x128xf32, #tpu.memory_space<hbm>> -> memref<10000x128xf32, #tpu.memory_space<hbm>>
    tpu.enqueue_indirect_dma source(%dma_start3A_137 : memref<10000x128xf32, #tpu.memory_space<hbm>>) target(%arg9 : memref<56x128xf32, #tpu.memory_space<vmem>>) offsets(%dma_start3A_134 : memref<56xi32, #tpu.memory_space<vmem>>) semaphore(%arg14 : memref<!tpu.dma_semaphore, #tpu.memory_space<semaphore_mem>>)
    %dma_start3A_138 = arith.constant 1 : i32
    %dma_start3A_139 = arith.constant 0 : i32
    %dma_start3A_140 = tpu.memref_slice %arg7[%dma_start3A_138, %dma_start3A_139] : memref<60x56xi32, #tpu.memory_space<vmem>> -> memref<1x56xi32, #tpu.memory_space<vmem>>
    %dma_start3A_141 = tpu.memref_squeeze %dma_start3A_140 : memref<1x56xi32, #tpu.memory_space<vmem>> -> memref<56xi32, #tpu.memory_space<vmem>>
    %dma_start3A_142 = arith.constant 0 : i32
    %dma_start3A_143 = arith.constant 0 : i32
    %dma_start3A_144 = tpu.memref_slice %arg2[%dma_start3A_142, %dma_start3A_143] : memref<10000x128xf32, #tpu.memory_space<hbm>> -> memref<10000x128xf32, #tpu.memory_space<hbm>>
    tpu.enqueue_indirect_dma source(%dma_start3A_144 : memref<10000x128xf32, #tpu.memory_space<hbm>>) target(%arg10 : memref<56x128xf32, #tpu.memory_space<vmem>>) offsets(%dma_start3A_141 : memref<56xi32, #tpu.memory_space<vmem>>) semaphore(%arg15 : memref<!tpu.dma_semaphore, #tpu.memory_space<semaphore_mem>>)
    %dma_start3A_145 = arith.constant 2 : i32
    %dma_start3A_146 = arith.constant 0 : i32
    %dma_start3A_147 = tpu.memref_slice %arg7[%dma_start3A_145, %dma_start3A_146] : memref<60x56xi32, #tpu.memory_space<vmem>> -> memref<1x56xi32, #tpu.memory_space<vmem>>
    %dma_start3A_148 = tpu.memref_squeeze %dma_start3A_147 : memref<1x56xi32, #tpu.memory_space<vmem>> -> memref<56xi32, #tpu.memory_space<vmem>>
    %dma_start3A_149 = arith.constant 0 : i32
    %dma_start3A_150 = arith.constant 0 : i32
    %dma_start3A_151 = tpu.memref_slice %arg2[%dma_start3A_149, %dma_start3A_150] : memref<10000x128xf32, #tpu.memory_space<hbm>> -> memref<10000x128xf32, #tpu.memory_space<hbm>>
    tpu.enqueue_indirect_dma source(%dma_start3A_151 : memref<10000x128xf32, #tpu.memory_space<hbm>>) target(%arg11 : memref<56x128xf32, #tpu.memory_space<vmem>>) offsets(%dma_start3A_148 : memref<56xi32, #tpu.memory_space<vmem>>) semaphore(%arg16 : memref<!tpu.dma_semaphore, #tpu.memory_space<semaphore_mem>>)
    %dma_start3A_152 = arith.constant 3 : i32
    %dma_start3A_153 = arith.constant 0 : i32
    %dma_start3A_154 = tpu.memref_slice %arg7[%dma_start3A_152, %dma_start3A_153] : memref<60x56xi32, #tpu.memory_space<vmem>> -> memref<1x56xi32, #tpu.memory_space<vmem>>
    %dma_start3A_155 = tpu.memref_squeeze %dma_start3A_154 : memref<1x56xi32, #tpu.memory_space<vmem>> -> memref<56xi32, #tpu.memory_space<vmem>>
    %dma_start3A_156 = arith.constant 0 : i32
    %dma_start3A_157 = arith.constant 0 : i32
    %dma_start3A_158 = tpu.memref_slice %arg2[%dma_start3A_156, %dma_start3A_157] : memref<10000x128xf32, #tpu.memory_space<hbm>> -> memref<10000x128xf32, #tpu.memory_space<hbm>>
    tpu.enqueue_indirect_dma source(%dma_start3A_158 : memref<10000x128xf32, #tpu.memory_space<hbm>>) target(%arg12 : memref<56x128xf32, #tpu.memory_space<vmem>>) offsets(%dma_start3A_155 : memref<56xi32, #tpu.memory_space<vmem>>) semaphore(%arg17 : memref<!tpu.dma_semaphore, #tpu.memory_space<semaphore_mem>>)
    %scan3A_159 = arith.constant 0 : i32
    %scan3A_160 = arith.constant 0 : i32
    %scan3A_161 = arith.constant 15 : i32
    %scan3A_162 = arith.addi %scan3A_160, %scan3A_161 : i32
    %scan3A_163 = arith.constant 1 : i32
    scf.for %scan3A_203 = %scan3A_160 to %scan3A_162 step %scan3A_163  : i32 {
      %mul3A_204 = arith.constant 4 : i32
      %mul3A_205 = arith.muli %scan3A_203, %mul3A_204 : i32
      %add3A_206 = arith.constant 0 : i32
      %add3A_207 = arith.addi %mul3A_205, %add3A_206 : i32
      %dma_wait3A_208 = arith.constant 0 : i32
      %dma_wait3A_209 = tpu.memref_slice %arg7[%add3A_207, %dma_wait3A_208] : memref<60x56xi32, #tpu.memory_space<vmem>> -> memref<1x56xi32, #tpu.memory_space<vmem>>
      %dma_wait3A_210 = tpu.memref_squeeze %dma_wait3A_209 : memref<1x56xi32, #tpu.memory_space<vmem>> -> memref<56xi32, #tpu.memory_space<vmem>>
      %dma_wait3A_211 = arith.constant 0 : i32
      %dma_wait3A_212 = arith.constant 0 : i32
      %dma_wait3A_213 = tpu.memref_slice %arg2[%dma_wait3A_211, %dma_wait3A_212] : memref<10000x128xf32, #tpu.memory_space<hbm>> -> memref<10000x128xf32, #tpu.memory_space<hbm>>
      tpu.wait_indirect_dma semaphore(%arg14 : memref<!tpu.dma_semaphore, #tpu.memory_space<semaphore_mem>>) src(%dma_wait3A_213 : memref<10000x128xf32, #tpu.memory_space<hbm>>) dst(%arg9 : memref<56x128xf32, #tpu.memory_space<vmem>>)
      %dma_start3A_214 = arith.constant 0 : i32
      %dma_start3A_215 = tpu.memref_slice %arg8[%add3A_207, %dma_start3A_214] : memref<60x56xi32, #tpu.memory_space<vmem>> -> memref<1x56xi32, #tpu.memory_space<vmem>>
      %dma_start3A_216 = tpu.memref_squeeze %dma_start3A_215 : memref<1x56xi32, #tpu.memory_space<vmem>> -> memref<56xi32, #tpu.memory_space<vmem>>
      %dma_start3A_217 = arith.constant 0 : i32
      %dma_start3A_218 = arith.constant 0 : i32
      %dma_start3A_219 = tpu.memref_slice %arg13[%dma_start3A_217, %dma_start3A_218] : memref<10008x128xf32, #tpu.memory_space<vmem_shared>> -> memref<10008x128xf32, #tpu.memory_space<vmem_shared>>
      tpu.enqueue_indirect_dma source(%arg9 : memref<56x128xf32, #tpu.memory_space<vmem>>) target(%dma_start3A_219 : memref<10008x128xf32, #tpu.memory_space<vmem_shared>>) offsets(%dma_start3A_216 : memref<56xi32, #tpu.memory_space<vmem>>) semaphore(%arg18 : memref<!tpu.dma_semaphore, #tpu.memory_space<semaphore_mem>>) {add = true}
      %add3A_220 = arith.constant 1 : i32
      %add3A_221 = arith.addi %mul3A_205, %add3A_220 : i32
      %dma_wait3A_222 = arith.constant 0 : i32
      %dma_wait3A_223 = tpu.memref_slice %arg7[%add3A_221, %dma_wait3A_222] : memref<60x56xi32, #tpu.memory_space<vmem>> -> memref<1x56xi32, #tpu.memory_space<vmem>>
      %dma_wait3A_224 = tpu.memref_squeeze %dma_wait3A_223 : memref<1x56xi32, #tpu.memory_space<vmem>> -> memref<56xi32, #tpu.memory_space<vmem>>
      %dma_wait3A_225 = arith.constant 0 : i32
      %dma_wait3A_226 = arith.constant 0 : i32
      %dma_wait3A_227 = tpu.memref_slice %arg2[%dma_wait3A_225, %dma_wait3A_226] : memref<10000x128xf32, #tpu.memory_space<hbm>> -> memref<10000x128xf32, #tpu.memory_space<hbm>>
      tpu.wait_indirect_dma semaphore(%arg15 : memref<!tpu.dma_semaphore, #tpu.memory_space<semaphore_mem>>) src(%dma_wait3A_227 : memref<10000x128xf32, #tpu.memory_space<hbm>>) dst(%arg10 : memref<56x128xf32, #tpu.memory_space<vmem>>)
      %dma_start3A_228 = arith.constant 0 : i32
      %dma_start3A_229 = tpu.memref_slice %arg8[%add3A_221, %dma_start3A_228] : memref<60x56xi32, #tpu.memory_space<vmem>> -> memref<1x56xi32, #tpu.memory_space<vmem>>
      %dma_start3A_230 = tpu.memref_squeeze %dma_start3A_229 : memref<1x56xi32, #tpu.memory_space<vmem>> -> memref<56xi32, #tpu.memory_space<vmem>>
      %dma_start3A_231 = arith.constant 0 : i32
      %dma_start3A_232 = arith.constant 0 : i32
      %dma_start3A_233 = tpu.memref_slice %arg13[%dma_start3A_231, %dma_start3A_232] : memref<10008x128xf32, #tpu.memory_space<vmem_shared>> -> memref<10008x128xf32, #tpu.memory_space<vmem_shared>>
      tpu.enqueue_indirect_dma source(%arg10 : memref<56x128xf32, #tpu.memory_space<vmem>>) target(%dma_start3A_233 : memref<10008x128xf32, #tpu.memory_space<vmem_shared>>) offsets(%dma_start3A_230 : memref<56xi32, #tpu.memory_space<vmem>>) semaphore(%arg19 : memref<!tpu.dma_semaphore, #tpu.memory_space<semaphore_mem>>) {add = true}
      %add3A_234 = arith.constant 2 : i32
      %add3A_235 = arith.addi %mul3A_205, %add3A_234 : i32
      %dma_wait3A_236 = arith.constant 0 : i32
      %dma_wait3A_237 = tpu.memref_slice %arg7[%add3A_235, %dma_wait3A_236] : memref<60x56xi32, #tpu.memory_space<vmem>> -> memref<1x56xi32, #tpu.memory_space<vmem>>
      %dma_wait3A_238 = tpu.memref_squeeze %dma_wait3A_237 : memref<1x56xi32, #tpu.memory_space<vmem>> -> memref<56xi32, #tpu.memory_space<vmem>>
      %dma_wait3A_239 = arith.constant 0 : i32
      %dma_wait3A_240 = arith.constant 0 : i32
      %dma_wait3A_241 = tpu.memref_slice %arg2[%dma_wait3A_239, %dma_wait3A_240] : memref<10000x128xf32, #tpu.memory_space<hbm>> -> memref<10000x128xf32, #tpu.memory_space<hbm>>
      tpu.wait_indirect_dma semaphore(%arg16 : memref<!tpu.dma_semaphore, #tpu.memory_space<semaphore_mem>>) src(%dma_wait3A_241 : memref<10000x128xf32, #tpu.memory_space<hbm>>) dst(%arg11 : memref<56x128xf32, #tpu.memory_space<vmem>>)
      %dma_start3A_242 = arith.constant 0 : i32
      %dma_start3A_243 = tpu.memref_slice %arg8[%add3A_235, %dma_start3A_242] : memref<60x56xi32, #tpu.memory_space<vmem>> -> memref<1x56xi32, #tpu.memory_space<vmem>>
      %dma_start3A_244 = tpu.memref_squeeze %dma_start3A_243 : memref<1x56xi32, #tpu.memory_space<vmem>> -> memref<56xi32, #tpu.memory_space<vmem>>
      %dma_start3A_245 = arith.constant 0 : i32
      %dma_start3A_246 = arith.constant 0 : i32
      %dma_start3A_247 = tpu.memref_slice %arg13[%dma_start3A_245, %dma_start3A_246] : memref<10008x128xf32, #tpu.memory_space<vmem_shared>> -> memref<10008x128xf32, #tpu.memory_space<vmem_shared>>
      tpu.enqueue_indirect_dma source(%arg11 : memref<56x128xf32, #tpu.memory_space<vmem>>) target(%dma_start3A_247 : memref<10008x128xf32, #tpu.memory_space<vmem_shared>>) offsets(%dma_start3A_244 : memref<56xi32, #tpu.memory_space<vmem>>) semaphore(%arg20 : memref<!tpu.dma_semaphore, #tpu.memory_space<semaphore_mem>>) {add = true}
      %add3A_248 = arith.constant 3 : i32
      %add3A_249 = arith.addi %mul3A_205, %add3A_248 : i32
      %dma_wait3A_250 = arith.constant 0 : i32
      %dma_wait3A_251 = tpu.memref_slice %arg7[%add3A_249, %dma_wait3A_250] : memref<60x56xi32, #tpu.memory_space<vmem>> -> memref<1x56xi32, #tpu.memory_space<vmem>>
      %dma_wait3A_252 = tpu.memref_squeeze %dma_wait3A_251 : memref<1x56xi32, #tpu.memory_space<vmem>> -> memref<56xi32, #tpu.memory_space<vmem>>
      %dma_wait3A_253 = arith.constant 0 : i32
      %dma_wait3A_254 = arith.constant 0 : i32
      %dma_wait3A_255 = tpu.memref_slice %arg2[%dma_wait3A_253, %dma_wait3A_254] : memref<10000x128xf32, #tpu.memory_space<hbm>> -> memref<10000x128xf32, #tpu.memory_space<hbm>>
      tpu.wait_indirect_dma semaphore(%arg17 : memref<!tpu.dma_semaphore, #tpu.memory_space<semaphore_mem>>) src(%dma_wait3A_255 : memref<10000x128xf32, #tpu.memory_space<hbm>>) dst(%arg12 : memref<56x128xf32, #tpu.memory_space<vmem>>)
      %dma_start3A_256 = arith.constant 0 : i32
      %dma_start3A_257 = tpu.memref_slice %arg8[%add3A_249, %dma_start3A_256] : memref<60x56xi32, #tpu.memory_space<vmem>> -> memref<1x56xi32, #tpu.memory_space<vmem>>
      %dma_start3A_258 = tpu.memref_squeeze %dma_start3A_257 : memref<1x56xi32, #tpu.memory_space<vmem>> -> memref<56xi32, #tpu.memory_space<vmem>>
      %dma_start3A_259 = arith.constant 0 : i32
      %dma_start3A_260 = arith.constant 0 : i32
      %dma_start3A_261 = tpu.memref_slice %arg13[%dma_start3A_259, %dma_start3A_260] : memref<10008x128xf32, #tpu.memory_space<vmem_shared>> -> memref<10008x128xf32, #tpu.memory_space<vmem_shared>>
      tpu.enqueue_indirect_dma source(%arg12 : memref<56x128xf32, #tpu.memory_space<vmem>>) target(%dma_start3A_261 : memref<10008x128xf32, #tpu.memory_space<vmem_shared>>) offsets(%dma_start3A_258 : memref<56xi32, #tpu.memory_space<vmem>>) semaphore(%arg21 : memref<!tpu.dma_semaphore, #tpu.memory_space<semaphore_mem>>) {add = true}
      %lt3A = arith.constant 14 : i32
      %lt3A_262 = arith.cmpi slt, %scan3A_203, %lt3A : i32
      %convert_element_type3A_263 = arith.extui %lt3A_262 : i1 to i32
      %cond3A_264 = arith.constant 0 : i32
      %cond3A_265 = arith.cmpi ne, %convert_element_type3A_263, %cond3A_264 : i32
      scf.if %cond3A_265 {
        %add3A_266 = arith.constant 0 : i32
        %add3A_267 = arith.addi %mul3A_205, %add3A_266 : i32
        %dma_wait3A_268 = arith.constant 0 : i32
        %dma_wait3A_269 = tpu.memref_slice %arg8[%add3A_267, %dma_wait3A_268] : memref<60x56xi32, #tpu.memory_space<vmem>> -> memref<1x56xi32, #tpu.memory_space<vmem>>
        %dma_wait3A_270 = tpu.memref_squeeze %dma_wait3A_269 : memref<1x56xi32, #tpu.memory_space<vmem>> -> memref<56xi32, #tpu.memory_space<vmem>>
        %dma_wait3A_271 = arith.constant 0 : i32
        %dma_wait3A_272 = arith.constant 0 : i32
        %dma_wait3A_273 = tpu.memref_slice %arg13[%dma_wait3A_271, %dma_wait3A_272] : memref<10008x128xf32, #tpu.memory_space<vmem_shared>> -> memref<10008x128xf32, #tpu.memory_space<vmem_shared>>
        tpu.wait_indirect_dma semaphore(%arg18 : memref<!tpu.dma_semaphore, #tpu.memory_space<semaphore_mem>>) src(%arg9 : memref<56x128xf32, #tpu.memory_space<vmem>>) dst(%dma_wait3A_273 : memref<10008x128xf32, #tpu.memory_space<vmem_shared>>)
        %add3A_274 = arith.constant 4 : i32
        %add3A_275 = arith.addi %add3A_267, %add3A_274 : i32
        %dma_start3A_276 = arith.constant 0 : i32
        %dma_start3A_277 = tpu.memref_slice %arg7[%add3A_275, %dma_start3A_276] : memref<60x56xi32, #tpu.memory_space<vmem>> -> memref<1x56xi32, #tpu.memory_space<vmem>>
        %dma_start3A_278 = tpu.memref_squeeze %dma_start3A_277 : memref<1x56xi32, #tpu.memory_space<vmem>> -> memref<56xi32, #tpu.memory_space<vmem>>
        %dma_start3A_279 = arith.constant 0 : i32
        %dma_start3A_280 = arith.constant 0 : i32
        %dma_start3A_281 = tpu.memref_slice %arg2[%dma_start3A_279, %dma_start3A_280] : memref<10000x128xf32, #tpu.memory_space<hbm>> -> memref<10000x128xf32, #tpu.memory_space<hbm>>
        tpu.enqueue_indirect_dma source(%dma_start3A_281 : memref<10000x128xf32, #tpu.memory_space<hbm>>) target(%arg9 : memref<56x128xf32, #tpu.memory_space<vmem>>) offsets(%dma_start3A_278 : memref<56xi32, #tpu.memory_space<vmem>>) semaphore(%arg14 : memref<!tpu.dma_semaphore, #tpu.memory_space<semaphore_mem>>)
        %add3A_282 = arith.constant 1 : i32
        %add3A_283 = arith.addi %mul3A_205, %add3A_282 : i32
        %dma_wait3A_284 = arith.constant 0 : i32
        %dma_wait3A_285 = tpu.memref_slice %arg8[%add3A_283, %dma_wait3A_284] : memref<60x56xi32, #tpu.memory_space<vmem>> -> memref<1x56xi32, #tpu.memory_space<vmem>>
        %dma_wait3A_286 = tpu.memref_squeeze %dma_wait3A_285 : memref<1x56xi32, #tpu.memory_space<vmem>> -> memref<56xi32, #tpu.memory_space<vmem>>
        %dma_wait3A_287 = arith.constant 0 : i32
        %dma_wait3A_288 = arith.constant 0 : i32
        %dma_wait3A_289 = tpu.memref_slice %arg13[%dma_wait3A_287, %dma_wait3A_288] : memref<10008x128xf32, #tpu.memory_space<vmem_shared>> -> memref<10008x128xf32, #tpu.memory_space<vmem_shared>>
        tpu.wait_indirect_dma semaphore(%arg19 : memref<!tpu.dma_semaphore, #tpu.memory_space<semaphore_mem>>) src(%arg10 : memref<56x128xf32, #tpu.memory_space<vmem>>) dst(%dma_wait3A_289 : memref<10008x128xf32, #tpu.memory_space<vmem_shared>>)
        %add3A_290 = arith.constant 4 : i32
        %add3A_291 = arith.addi %add3A_283, %add3A_290 : i32
        %dma_start3A_292 = arith.constant 0 : i32
        %dma_start3A_293 = tpu.memref_slice %arg7[%add3A_291, %dma_start3A_292] : memref<60x56xi32, #tpu.memory_space<vmem>> -> memref<1x56xi32, #tpu.memory_space<vmem>>
        %dma_start3A_294 = tpu.memref_squeeze %dma_start3A_293 : memref<1x56xi32, #tpu.memory_space<vmem>> -> memref<56xi32, #tpu.memory_space<vmem>>
        %dma_start3A_295 = arith.constant 0 : i32
        %dma_start3A_296 = arith.constant 0 : i32
        %dma_start3A_297 = tpu.memref_slice %arg2[%dma_start3A_295, %dma_start3A_296] : memref<10000x128xf32, #tpu.memory_space<hbm>> -> memref<10000x128xf32, #tpu.memory_space<hbm>>
        tpu.enqueue_indirect_dma source(%dma_start3A_297 : memref<10000x128xf32, #tpu.memory_space<hbm>>) target(%arg10 : memref<56x128xf32, #tpu.memory_space<vmem>>) offsets(%dma_start3A_294 : memref<56xi32, #tpu.memory_space<vmem>>) semaphore(%arg15 : memref<!tpu.dma_semaphore, #tpu.memory_space<semaphore_mem>>)
        %add3A_298 = arith.constant 2 : i32
        %add3A_299 = arith.addi %mul3A_205, %add3A_298 : i32
        %dma_wait3A_300 = arith.constant 0 : i32
        %dma_wait3A_301 = tpu.memref_slice %arg8[%add3A_299, %dma_wait3A_300] : memref<60x56xi32, #tpu.memory_space<vmem>> -> memref<1x56xi32, #tpu.memory_space<vmem>>
        %dma_wait3A_302 = tpu.memref_squeeze %dma_wait3A_301 : memref<1x56xi32, #tpu.memory_space<vmem>> -> memref<56xi32, #tpu.memory_space<vmem>>
        %dma_wait3A_303 = arith.constant 0 : i32
        %dma_wait3A_304 = arith.constant 0 : i32
        %dma_wait3A_305 = tpu.memref_slice %arg13[%dma_wait3A_303, %dma_wait3A_304] : memref<10008x128xf32, #tpu.memory_space<vmem_shared>> -> memref<10008x128xf32, #tpu.memory_space<vmem_shared>>
        tpu.wait_indirect_dma semaphore(%arg20 : memref<!tpu.dma_semaphore, #tpu.memory_space<semaphore_mem>>) src(%arg11 : memref<56x128xf32, #tpu.memory_space<vmem>>) dst(%dma_wait3A_305 : memref<10008x128xf32, #tpu.memory_space<vmem_shared>>)
        %add3A_306 = arith.constant 4 : i32
        %add3A_307 = arith.addi %add3A_299, %add3A_306 : i32
        %dma_start3A_308 = arith.constant 0 : i32
        %dma_start3A_309 = tpu.memref_slice %arg7[%add3A_307, %dma_start3A_308] : memref<60x56xi32, #tpu.memory_space<vmem>> -> memref<1x56xi32, #tpu.memory_space<vmem>>
        %dma_start3A_310 = tpu.memref_squeeze %dma_start3A_309 : memref<1x56xi32, #tpu.memory_space<vmem>> -> memref<56xi32, #tpu.memory_space<vmem>>
        %dma_start3A_311 = arith.constant 0 : i32
        %dma_start3A_312 = arith.constant 0 : i32
        %dma_start3A_313 = tpu.memref_slice %arg2[%dma_start3A_311, %dma_start3A_312] : memref<10000x128xf32, #tpu.memory_space<hbm>> -> memref<10000x128xf32, #tpu.memory_space<hbm>>
        tpu.enqueue_indirect_dma source(%dma_start3A_313 : memref<10000x128xf32, #tpu.memory_space<hbm>>) target(%arg11 : memref<56x128xf32, #tpu.memory_space<vmem>>) offsets(%dma_start3A_310 : memref<56xi32, #tpu.memory_space<vmem>>) semaphore(%arg16 : memref<!tpu.dma_semaphore, #tpu.memory_space<semaphore_mem>>)
        %add3A_314 = arith.constant 3 : i32
        %add3A_315 = arith.addi %mul3A_205, %add3A_314 : i32
        %dma_wait3A_316 = arith.constant 0 : i32
        %dma_wait3A_317 = tpu.memref_slice %arg8[%add3A_315, %dma_wait3A_316] : memref<60x56xi32, #tpu.memory_space<vmem>> -> memref<1x56xi32, #tpu.memory_space<vmem>>
        %dma_wait3A_318 = tpu.memref_squeeze %dma_wait3A_317 : memref<1x56xi32, #tpu.memory_space<vmem>> -> memref<56xi32, #tpu.memory_space<vmem>>
        %dma_wait3A_319 = arith.constant 0 : i32
        %dma_wait3A_320 = arith.constant 0 : i32
        %dma_wait3A_321 = tpu.memref_slice %arg13[%dma_wait3A_319, %dma_wait3A_320] : memref<10008x128xf32, #tpu.memory_space<vmem_shared>> -> memref<10008x128xf32, #tpu.memory_space<vmem_shared>>
        tpu.wait_indirect_dma semaphore(%arg21 : memref<!tpu.dma_semaphore, #tpu.memory_space<semaphore_mem>>) src(%arg12 : memref<56x128xf32, #tpu.memory_space<vmem>>) dst(%dma_wait3A_321 : memref<10008x128xf32, #tpu.memory_space<vmem_shared>>)
        %add3A_322 = arith.constant 4 : i32
        %add3A_323 = arith.addi %add3A_315, %add3A_322 : i32
        %dma_start3A_324 = arith.constant 0 : i32
        %dma_start3A_325 = tpu.memref_slice %arg7[%add3A_323, %dma_start3A_324] : memref<60x56xi32, #tpu.memory_space<vmem>> -> memref<1x56xi32, #tpu.memory_space<vmem>>
        %dma_start3A_326 = tpu.memref_squeeze %dma_start3A_325 : memref<1x56xi32, #tpu.memory_space<vmem>> -> memref<56xi32, #tpu.memory_space<vmem>>
        %dma_start3A_327 = arith.constant 0 : i32
        %dma_start3A_328 = arith.constant 0 : i32
        %dma_start3A_329 = tpu.memref_slice %arg2[%dma_start3A_327, %dma_start3A_328] : memref<10000x128xf32, #tpu.memory_space<hbm>> -> memref<10000x128xf32, #tpu.memory_space<hbm>>
        tpu.enqueue_indirect_dma source(%dma_start3A_329 : memref<10000x128xf32, #tpu.memory_space<hbm>>) target(%arg12 : memref<56x128xf32, #tpu.memory_space<vmem>>) offsets(%dma_start3A_326 : memref<56xi32, #tpu.memory_space<vmem>>) semaphore(%arg17 : memref<!tpu.dma_semaphore, #tpu.memory_space<semaphore_mem>>)
      } else {
      }
    }
    %scan3A_164 = arith.constant 15 : i32
    %dma_wait3A_165 = arith.constant 56 : i32
    %dma_wait3A_166 = arith.constant 0 : i32
    %dma_wait3A_167 = tpu.memref_slice %arg8[%dma_wait3A_165, %dma_wait3A_166] : memref<60x56xi32, #tpu.memory_space<vmem>> -> memref<1x56xi32, #tpu.memory_space<vmem>>
    %dma_wait3A_168 = tpu.memref_squeeze %dma_wait3A_167 : memref<1x56xi32, #tpu.memory_space<vmem>> -> memref<56xi32, #tpu.memory_space<vmem>>
    %dma_wait3A_169 = arith.constant 0 : i32
    %dma_wait3A_170 = arith.constant 0 : i32
    %dma_wait3A_171 = tpu.memref_slice %arg13[%dma_wait3A_169, %dma_wait3A_170] : memref<10008x128xf32, #tpu.memory_space<vmem_shared>> -> memref<10008x128xf32, #tpu.memory_space<vmem_shared>>
    tpu.wait_indirect_dma semaphore(%arg18 : memref<!tpu.dma_semaphore, #tpu.memory_space<semaphore_mem>>) src(%arg9 : memref<56x128xf32, #tpu.memory_space<vmem>>) dst(%dma_wait3A_171 : memref<10008x128xf32, #tpu.memory_space<vmem_shared>>)
    %dma_wait3A_172 = arith.constant 57 : i32
    %dma_wait3A_173 = arith.constant 0 : i32
    %dma_wait3A_174 = tpu.memref_slice %arg8[%dma_wait3A_172, %dma_wait3A_173] : memref<60x56xi32, #tpu.memory_space<vmem>> -> memref<1x56xi32, #tpu.memory_space<vmem>>
    %dma_wait3A_175 = tpu.memref_squeeze %dma_wait3A_174 : memref<1x56xi32, #tpu.memory_space<vmem>> -> memref<56xi32, #tpu.memory_space<vmem>>
    %dma_wait3A_176 = arith.constant 0 : i32
    %dma_wait3A_177 = arith.constant 0 : i32
    %dma_wait3A_178 = tpu.memref_slice %arg13[%dma_wait3A_176, %dma_wait3A_177] : memref<10008x128xf32, #tpu.memory_space<vmem_shared>> -> memref<10008x128xf32, #tpu.memory_space<vmem_shared>>
    tpu.wait_indirect_dma semaphore(%arg19 : memref<!tpu.dma_semaphore, #tpu.memory_space<semaphore_mem>>) src(%arg10 : memref<56x128xf32, #tpu.memory_space<vmem>>) dst(%dma_wait3A_178 : memref<10008x128xf32, #tpu.memory_space<vmem_shared>>)
    %dma_wait3A_179 = arith.constant 58 : i32
    %dma_wait3A_180 = arith.constant 0 : i32
    %dma_wait3A_181 = tpu.memref_slice %arg8[%dma_wait3A_179, %dma_wait3A_180] : memref<60x56xi32, #tpu.memory_space<vmem>> -> memref<1x56xi32, #tpu.memory_space<vmem>>
    %dma_wait3A_182 = tpu.memref_squeeze %dma_wait3A_181 : memref<1x56xi32, #tpu.memory_space<vmem>> -> memref<56xi32, #tpu.memory_space<vmem>>
    %dma_wait3A_183 = arith.constant 0 : i32
    %dma_wait3A_184 = arith.constant 0 : i32
    %dma_wait3A_185 = tpu.memref_slice %arg13[%dma_wait3A_183, %dma_wait3A_184] : memref<10008x128xf32, #tpu.memory_space<vmem_shared>> -> memref<10008x128xf32, #tpu.memory_space<vmem_shared>>
    tpu.wait_indirect_dma semaphore(%arg20 : memref<!tpu.dma_semaphore, #tpu.memory_space<semaphore_mem>>) src(%arg11 : memref<56x128xf32, #tpu.memory_space<vmem>>) dst(%dma_wait3A_185 : memref<10008x128xf32, #tpu.memory_space<vmem_shared>>)
    %dma_wait3A_186 = arith.constant 59 : i32
    %dma_wait3A_187 = arith.constant 0 : i32
    %dma_wait3A_188 = tpu.memref_slice %arg8[%dma_wait3A_186, %dma_wait3A_187] : memref<60x56xi32, #tpu.memory_space<vmem>> -> memref<1x56xi32, #tpu.memory_space<vmem>>
    %dma_wait3A_189 = tpu.memref_squeeze %dma_wait3A_188 : memref<1x56xi32, #tpu.memory_space<vmem>> -> memref<56xi32, #tpu.memory_space<vmem>>
    %dma_wait3A_190 = arith.constant 0 : i32
    %dma_wait3A_191 = arith.constant 0 : i32
    %dma_wait3A_192 = tpu.memref_slice %arg13[%dma_wait3A_190, %dma_wait3A_191] : memref<10008x128xf32, #tpu.memory_space<vmem_shared>> -> memref<10008x128xf32, #tpu.memory_space<vmem_shared>>
    tpu.wait_indirect_dma semaphore(%arg21 : memref<!tpu.dma_semaphore, #tpu.memory_space<semaphore_mem>>) src(%arg12 : memref<56x128xf32, #tpu.memory_space<vmem>>) dst(%dma_wait3A_192 : memref<10008x128xf32, #tpu.memory_space<vmem_shared>>)
    %barrier3A_193 = arith.constant 0 : index
    tpu.barrier barrier_id(%barrier3A_193)
    %mul3A_194 = arith.constant 624 : i32
    %mul3A_195 = arith.muli %arg1, %mul3A_194 : i32
    %mul3A_196 = arith.constant 624 : i32
    %mul3A_197 = arith.muli %arg1, %mul3A_196 : i32
    "tpu.region"() ({
      %run_scoped3A_203 = tpu.sem_alloc : memref<!tpu.dma_semaphore, #tpu.memory_space<semaphore_mem>>
      %dma_start3A_204 = arith.constant 0 : i32
      %dma_start3A_205 = tpu.memref_slice %arg6[%arg0, %mul3A_197, %dma_start3A_204] : memref<2x10000x128xf32, #tpu.memory_space<hbm>> -> memref<1x624x128xf32, #tpu.memory_space<hbm>>
      %dma_start3A_206 = tpu.memref_squeeze %dma_start3A_205 : memref<1x624x128xf32, #tpu.memory_space<hbm>> -> memref<624x128xf32, #tpu.memory_space<hbm>>
      %dma_start3A_207 = arith.constant 0 : i32
      %dma_start3A_208 = tpu.memref_slice %arg13[%mul3A_195, %dma_start3A_207] : memref<10008x128xf32, #tpu.memory_space<vmem_shared>> -> memref<624x128xf32, #tpu.memory_space<vmem_shared>>
      tpu.enqueue_dma source(%dma_start3A_208 : memref<624x128xf32, #tpu.memory_space<vmem_shared>>) target(%dma_start3A_206 : memref<624x128xf32, #tpu.memory_space<hbm>>) target_semaphore(%run_scoped3A_203 : memref<!tpu.dma_semaphore, #tpu.memory_space<semaphore_mem>>)
      %dma_wait3A_209 = arith.constant 0 : i32
      %dma_wait3A_210 = tpu.memref_slice %arg6[%arg0, %mul3A_197, %dma_wait3A_209] : memref<2x10000x128xf32, #tpu.memory_space<hbm>> -> memref<1x624x128xf32, #tpu.memory_space<hbm>>
      %dma_wait3A_211 = tpu.memref_squeeze %dma_wait3A_210 : memref<1x624x128xf32, #tpu.memory_space<hbm>> -> memref<624x128xf32, #tpu.memory_space<hbm>>
      %dma_wait3A_212 = arith.constant 0 : i32
      %dma_wait3A_213 = tpu.memref_slice %arg13[%mul3A_195, %dma_wait3A_212] : memref<10008x128xf32, #tpu.memory_space<vmem_shared>> -> memref<624x128xf32, #tpu.memory_space<vmem_shared>>
      tpu.wait_dma2 semaphore(%run_scoped3A_203 : memref<!tpu.dma_semaphore, #tpu.memory_space<semaphore_mem>>) src(%dma_wait3A_213 : memref<624x128xf32, #tpu.memory_space<vmem_shared>>) dst(%dma_wait3A_211 : memref<624x128xf32, #tpu.memory_space<hbm>>)
      tpu.yield
    }) : () -> ()
    %eq3A_198 = arith.constant 15 : i32
    %eq3A_199 = arith.cmpi eq, %arg1, %eq3A_198 : i32
    %convert_element_type3A_200 = arith.extui %eq3A_199 : i1 to i32
    %cond3A_201 = arith.constant 0 : i32
    %cond3A_202 = arith.cmpi ne, %convert_element_type3A_200, %cond3A_201 : i32
    scf.if %cond3A_202 {
      "tpu.region"() ({
        %run_scoped3A_203 = tpu.sem_alloc : memref<!tpu.dma_semaphore, #tpu.memory_space<semaphore_mem>>
        %dma_start3A_204 = arith.constant 9984 : i32
        %dma_start3A_205 = arith.constant 0 : i32
        %dma_start3A_206 = tpu.memref_slice %arg6[%arg0, %dma_start3A_204, %dma_start3A_205] : memref<2x10000x128xf32, #tpu.memory_space<hbm>> -> memref<1x16x128xf32, #tpu.memory_space<hbm>>
        %dma_start3A_207 = tpu.memref_squeeze %dma_start3A_206 : memref<1x16x128xf32, #tpu.memory_space<hbm>> -> memref<16x128xf32, #tpu.memory_space<hbm>>
        %dma_start3A_208 = arith.constant 9984 : i32
        %dma_start3A_209 = arith.constant 0 : i32
        %dma_start3A_210 = tpu.memref_slice %arg13[%dma_start3A_208, %dma_start3A_209] : memref<10008x128xf32, #tpu.memory_space<vmem_shared>> -> memref<16x128xf32, #tpu.memory_space<vmem_shared>>
        tpu.enqueue_dma source(%dma_start3A_210 : memref<16x128xf32, #tpu.memory_space<vmem_shared>>) target(%dma_start3A_207 : memref<16x128xf32, #tpu.memory_space<hbm>>) target_semaphore(%run_scoped3A_203 : memref<!tpu.dma_semaphore, #tpu.memory_space<semaphore_mem>>)
        %dma_wait3A_211 = arith.constant 9984 : i32
        %dma_wait3A_212 = arith.constant 0 : i32
        %dma_wait3A_213 = tpu.memref_slice %arg6[%arg0, %dma_wait3A_211, %dma_wait3A_212] : memref<2x10000x128xf32, #tpu.memory_space<hbm>> -> memref<1x16x128xf32, #tpu.memory_space<hbm>>
        %dma_wait3A_214 = tpu.memref_squeeze %dma_wait3A_213 : memref<1x16x128xf32, #tpu.memory_space<hbm>> -> memref<16x128xf32, #tpu.memory_space<hbm>>
        %dma_wait3A_215 = arith.constant 9984 : i32
        %dma_wait3A_216 = arith.constant 0 : i32
        %dma_wait3A_217 = tpu.memref_slice %arg13[%dma_wait3A_215, %dma_wait3A_216] : memref<10008x128xf32, #tpu.memory_space<vmem_shared>> -> memref<16x128xf32, #tpu.memory_space<vmem_shared>>
        tpu.wait_dma2 semaphore(%run_scoped3A_203 : memref<!tpu.dma_semaphore, #tpu.memory_space<semaphore_mem>>) src(%dma_wait3A_217 : memref<16x128xf32, #tpu.memory_space<vmem_shared>>) dst(%dma_wait3A_214 : memref<16x128xf32, #tpu.memory_space<hbm>>)
        tpu.yield
      }) : () -> ()
    } else {
    }
    return
  }
}

#map = affine_map<(d0, d1) -> (0, 0)>
#map1 = affine_map<(d0, d1) -> (0, 0, 0, 0)>
#map2 = affine_map<(d0, d1) -> (0, 0, 0)>
module attributes {stable_mosaic.version = 14 : i64} {
  func.func @_sc_scatter(%arg0: i32, %arg1: i32, %arg2: memref<10000x128xf32, #tpu.memory_space<hbm>>, %arg3: memref<32x3x60x56xi32, #tpu.memory_space<hbm>>, %arg4: memref<32x3x60x56xi32, #tpu.memory_space<hbm>>, %arg5: memref<624x128xf32, #tpu.memory_space<hbm>>, %arg6: memref<2x10000x128xf32, #tpu.memory_space<hbm>>, %arg7: memref<60x56xi32, #tpu.memory_space<vmem>>, %arg8: memref<60x56xi32, #tpu.memory_space<vmem>>, %arg9: memref<56x128xf32, #tpu.memory_space<vmem>>, %arg10: memref<56x128xf32, #tpu.memory_space<vmem>>, %arg11: memref<56x128xf32, #tpu.memory_space<vmem>>, %arg12: memref<56x128xf32, #tpu.memory_space<vmem>>, %arg13: memref<10008x128xf32, #tpu.memory_space<vmem_shared>>, %arg14: memref<!tpu.dma_semaphore, #tpu.memory_space<semaphore_mem>>, %arg15: memref<!tpu.dma_semaphore, #tpu.memory_space<semaphore_mem>>, %arg16: memref<!tpu.dma_semaphore, #tpu.memory_space<semaphore_mem>>, %arg17: memref<!tpu.dma_semaphore, #tpu.memory_space<semaphore_mem>>, %arg18: memref<!tpu.dma_semaphore, #tpu.memory_space<semaphore_mem>>, %arg19: memref<!tpu.dma_semaphore, #tpu.memory_space<semaphore_mem>>, %arg20: memref<!tpu.dma_semaphore, #tpu.memory_space<semaphore_mem>>, %arg21: memref<!tpu.dma_semaphore, #tpu.memory_space<semaphore_mem>>) attributes {dimension_semantics = [#tpu.dimension_semantics<core_parallel>, #tpu.dimension_semantics<subcore_parallel>], iteration_bounds = array<i64: 2, 16>, scalar_prefetch = 0 : i64, scratch_operands = 15 : i64, tpu.core_type = #tpu.core_type<sc_vector_subcore>, window_params = [{transform_indices = #map}, {transform_indices = #map1}, {transform_indices = #map1}, {transform_indices = #map}, {transform_indices = #map2}]} {
    %mul3A = arith.constant 16 : i32
    %mul3A_0 = arith.muli %arg0, %mul3A : i32
    %add3A = arith.addi %mul3A_0, %arg1 : i32
    %run_scoped3A = arith.constant 0 : i32
    "tpu.region"() ({
      %run_scoped3A_203 = tpu.sem_alloc : memref<!tpu.dma_semaphore, #tpu.memory_space<semaphore_mem>>
      %dma_start3A_204 = arith.constant 0 : i32
      %dma_start3A_205 = arith.constant 0 : i32
      %dma_start3A_206 = tpu.memref_slice %arg3[%add3A, %run_scoped3A, %dma_start3A_204, %dma_start3A_205] : memref<32x3x60x56xi32, #tpu.memory_space<hbm>> -> memref<1x1x60x56xi32, #tpu.memory_space<hbm>>
      %dma_start3A_207 = tpu.memref_squeeze %dma_start3A_206 : memref<1x1x60x56xi32, #tpu.memory_space<hbm>> -> memref<60x56xi32, #tpu.memory_space<hbm>>
      %dma_start3A_208 = arith.constant 0 : i32
      %dma_start3A_209 = arith.constant 0 : i32
      %dma_start3A_210 = tpu.memref_slice %arg3[%add3A, %run_scoped3A, %dma_start3A_208, %dma_start3A_209] : memref<32x3x60x56xi32, #tpu.memory_space<hbm>> -> memref<1x1x60x56xi32, #tpu.memory_space<hbm>>
      %dma_start3A_211 = tpu.memref_squeeze %dma_start3A_210 : memref<1x1x60x56xi32, #tpu.memory_space<hbm>> -> memref<60x56xi32, #tpu.memory_space<hbm>>
      tpu.enqueue_dma source(%dma_start3A_211 : memref<60x56xi32, #tpu.memory_space<hbm>>) target(%arg7 : memref<60x56xi32, #tpu.memory_space<vmem>>) target_semaphore(%run_scoped3A_203 : memref<!tpu.dma_semaphore, #tpu.memory_space<semaphore_mem>>)
      %dma_wait3A_212 = arith.constant 0 : i32
      %dma_wait3A_213 = arith.constant 0 : i32
      %dma_wait3A_214 = tpu.memref_slice %arg3[%add3A, %run_scoped3A, %dma_wait3A_212, %dma_wait3A_213] : memref<32x3x60x56xi32, #tpu.memory_space<hbm>> -> memref<1x1x60x56xi32, #tpu.memory_space<hbm>>
      %dma_wait3A_215 = tpu.memref_squeeze %dma_wait3A_214 : memref<1x1x60x56xi32, #tpu.memory_space<hbm>> -> memref<60x56xi32, #tpu.memory_space<hbm>>
      %dma_wait3A_216 = arith.constant 0 : i32
      %dma_wait3A_217 = arith.constant 0 : i32
      %dma_wait3A_218 = tpu.memref_slice %arg3[%add3A, %run_scoped3A, %dma_wait3A_216, %dma_wait3A_217] : memref<32x3x60x56xi32, #tpu.memory_space<hbm>> -> memref<1x1x60x56xi32, #tpu.memory_space<hbm>>
      %dma_wait3A_219 = tpu.memref_squeeze %dma_wait3A_218 : memref<1x1x60x56xi32, #tpu.memory_space<hbm>> -> memref<60x56xi32, #tpu.memory_space<hbm>>
      tpu.wait_dma2 semaphore(%run_scoped3A_203 : memref<!tpu.dma_semaphore, #tpu.memory_space<semaphore_mem>>) src(%dma_wait3A_219 : memref<60x56xi32, #tpu.memory_space<hbm>>) dst(%arg7 : memref<60x56xi32, #tpu.memory_space<vmem>>)
      tpu.yield
    }) : () -> ()
    %run_scoped3A_1 = arith.constant 0 : i32
    "tpu.region"() ({
      %run_scoped3A_203 = tpu.sem_alloc : memref<!tpu.dma_semaphore, #tpu.memory_space<semaphore_mem>>
      %dma_start3A_204 = arith.constant 0 : i32
      %dma_start3A_205 = arith.constant 0 : i32
      %dma_start3A_206 = tpu.memref_slice %arg4[%add3A, %run_scoped3A_1, %dma_start3A_204, %dma_start3A_205] : memref<32x3x60x56xi32, #tpu.memory_space<hbm>> -> memref<1x1x60x56xi32, #tpu.memory_space<hbm>>
      %dma_start3A_207 = tpu.memref_squeeze %dma_start3A_206 : memref<1x1x60x56xi32, #tpu.memory_space<hbm>> -> memref<60x56xi32, #tpu.memory_space<hbm>>
      %dma_start3A_208 = arith.constant 0 : i32
      %dma_start3A_209 = arith.constant 0 : i32
      %dma_start3A_210 = tpu.memref_slice %arg4[%add3A, %run_scoped3A_1, %dma_start3A_208, %dma_start3A_209] : memref<32x3x60x56xi32, #tpu.memory_space<hbm>> -> memref<1x1x60x56xi32, #tpu.memory_space<hbm>>
      %dma_start3A_211 = tpu.memref_squeeze %dma_start3A_210 : memref<1x1x60x56xi32, #tpu.memory_space<hbm>> -> memref<60x56xi32, #tpu.memory_space<hbm>>
      tpu.enqueue_dma source(%dma_start3A_211 : memref<60x56xi32, #tpu.memory_space<hbm>>) target(%arg8 : memref<60x56xi32, #tpu.memory_space<vmem>>) target_semaphore(%run_scoped3A_203 : memref<!tpu.dma_semaphore, #tpu.memory_space<semaphore_mem>>)
      %dma_wait3A_212 = arith.constant 0 : i32
      %dma_wait3A_213 = arith.constant 0 : i32
      %dma_wait3A_214 = tpu.memref_slice %arg4[%add3A, %run_scoped3A_1, %dma_wait3A_212, %dma_wait3A_213] : memref<32x3x60x56xi32, #tpu.memory_space<hbm>> -> memref<1x1x60x56xi32, #tpu.memory_space<hbm>>
      %dma_wait3A_215 = tpu.memref_squeeze %dma_wait3A_214 : memref<1x1x60x56xi32, #tpu.memory_space<hbm>> -> memref<60x56xi32, #tpu.memory_space<hbm>>
      %dma_wait3A_216 = arith.constant 0 : i32
      %dma_wait3A_217 = arith.constant 0 : i32
      %dma_wait3A_218 = tpu.memref_slice %arg4[%add3A, %run_scoped3A_1, %dma_wait3A_216, %dma_wait3A_217] : memref<32x3x60x56xi32, #tpu.memory_space<hbm>> -> memref<1x1x60x56xi32, #tpu.memory_space<hbm>>
      %dma_wait3A_219 = tpu.memref_squeeze %dma_wait3A_218 : memref<1x1x60x56xi32, #tpu.memory_space<hbm>> -> memref<60x56xi32, #tpu.memory_space<hbm>>
      tpu.wait_dma2 semaphore(%run_scoped3A_203 : memref<!tpu.dma_semaphore, #tpu.memory_space<semaphore_mem>>) src(%dma_wait3A_219 : memref<60x56xi32, #tpu.memory_space<hbm>>) dst(%arg8 : memref<60x56xi32, #tpu.memory_space<vmem>>)
      tpu.yield
    }) : () -> ()
    %dma_start3A = arith.constant 0 : i32
    %dma_start3A_2 = arith.constant 0 : i32
    %dma_start3A_3 = tpu.memref_slice %arg7[%dma_start3A, %dma_start3A_2] : memref<60x56xi32, #tpu.memory_space<vmem>> -> memref<1x56xi32, #tpu.memory_space<vmem>>
    %dma_start3A_4 = tpu.memref_squeeze %dma_start3A_3 : memref<1x56xi32, #tpu.memory_space<vmem>> -> memref<56xi32, #tpu.memory_space<vmem>>
    %dma_start3A_5 = arith.constant 0 : i32
    %dma_start3A_6 = arith.constant 0 : i32
    %dma_start3A_7 = tpu.memref_slice %arg2[%dma_start3A_5, %dma_start3A_6] : memref<10000x128xf32, #tpu.memory_space<hbm>> -> memref<10000x128xf32, #tpu.memory_space<hbm>>
    tpu.enqueue_indirect_dma source(%dma_start3A_7 : memref<10000x128xf32, #tpu.memory_space<hbm>>) target(%arg9 : memref<56x128xf32, #tpu.memory_space<vmem>>) offsets(%dma_start3A_4 : memref<56xi32, #tpu.memory_space<vmem>>) semaphore(%arg14 : memref<!tpu.dma_semaphore, #tpu.memory_space<semaphore_mem>>)
    %dma_start3A_8 = arith.constant 1 : i32
    %dma_start3A_9 = arith.constant 0 : i32
    %dma_start3A_10 = tpu.memref_slice %arg7[%dma_start3A_8, %dma_start3A_9] : memref<60x56xi32, #tpu.memory_space<vmem>> -> memref<1x56xi32, #tpu.memory_space<vmem>>
    %dma_start3A_11 = tpu.memref_squeeze %dma_start3A_10 : memref<1x56xi32, #tpu.memory_space<vmem>> -> memref<56xi32, #tpu.memory_space<vmem>>
    %dma_start3A_12 = arith.constant 0 : i32
    %dma_start3A_13 = arith.constant 0 : i32
    %dma_start3A_14 = tpu.memref_slice %arg2[%dma_start3A_12, %dma_start3A_13] : memref<10000x128xf32, #tpu.memory_space<hbm>> -> memref<10000x128xf32, #tpu.memory_space<hbm>>
    tpu.enqueue_indirect_dma source(%dma_start3A_14 : memref<10000x128xf32, #tpu.memory_space<hbm>>) target(%arg10 : memref<56x128xf32, #tpu.memory_space<vmem>>) offsets(%dma_start3A_11 : memref<56xi32, #tpu.memory_space<vmem>>) semaphore(%arg15 : memref<!tpu.dma_semaphore, #tpu.memory_space<semaphore_mem>>)
    %dma_start3A_15 = arith.constant 2 : i32
    %dma_start3A_16 = arith.constant 0 : i32
    %dma_start3A_17 = tpu.memref_slice %arg7[%dma_start3A_15, %dma_start3A_16] : memref<60x56xi32, #tpu.memory_space<vmem>> -> memref<1x56xi32, #tpu.memory_space<vmem>>
    %dma_start3A_18 = tpu.memref_squeeze %dma_start3A_17 : memref<1x56xi32, #tpu.memory_space<vmem>> -> memref<56xi32, #tpu.memory_space<vmem>>
    %dma_start3A_19 = arith.constant 0 : i32
    %dma_start3A_20 = arith.constant 0 : i32
    %dma_start3A_21 = tpu.memref_slice %arg2[%dma_start3A_19, %dma_start3A_20] : memref<10000x128xf32, #tpu.memory_space<hbm>> -> memref<10000x128xf32, #tpu.memory_space<hbm>>
    tpu.enqueue_indirect_dma source(%dma_start3A_21 : memref<10000x128xf32, #tpu.memory_space<hbm>>) target(%arg11 : memref<56x128xf32, #tpu.memory_space<vmem>>) offsets(%dma_start3A_18 : memref<56xi32, #tpu.memory_space<vmem>>) semaphore(%arg16 : memref<!tpu.dma_semaphore, #tpu.memory_space<semaphore_mem>>)
    %dma_start3A_22 = arith.constant 3 : i32
    %dma_start3A_23 = arith.constant 0 : i32
    %dma_start3A_24 = tpu.memref_slice %arg7[%dma_start3A_22, %dma_start3A_23] : memref<60x56xi32, #tpu.memory_space<vmem>> -> memref<1x56xi32, #tpu.memory_space<vmem>>
    %dma_start3A_25 = tpu.memref_squeeze %dma_start3A_24 : memref<1x56xi32, #tpu.memory_space<vmem>> -> memref<56xi32, #tpu.memory_space<vmem>>
    %dma_start3A_26 = arith.constant 0 : i32
    %dma_start3A_27 = arith.constant 0 : i32
    %dma_start3A_28 = tpu.memref_slice %arg2[%dma_start3A_26, %dma_start3A_27] : memref<10000x128xf32, #tpu.memory_space<hbm>> -> memref<10000x128xf32, #tpu.memory_space<hbm>>
    tpu.enqueue_indirect_dma source(%dma_start3A_28 : memref<10000x128xf32, #tpu.memory_space<hbm>>) target(%arg12 : memref<56x128xf32, #tpu.memory_space<vmem>>) offsets(%dma_start3A_25 : memref<56xi32, #tpu.memory_space<vmem>>) semaphore(%arg17 : memref<!tpu.dma_semaphore, #tpu.memory_space<semaphore_mem>>)
    %mul3A_29 = arith.constant 624 : i32
    %mul3A_30 = arith.muli %arg1, %mul3A_29 : i32
    "tpu.region"() ({
      %run_scoped3A_203 = tpu.sem_alloc : memref<!tpu.dma_semaphore, #tpu.memory_space<semaphore_mem>>
      %dma_start3A_204 = arith.constant 0 : i32
      %dma_start3A_205 = tpu.memref_slice %arg13[%mul3A_30, %dma_start3A_204] : memref<10008x128xf32, #tpu.memory_space<vmem_shared>> -> memref<624x128xf32, #tpu.memory_space<vmem_shared>>
      %dma_start3A_206 = arith.constant 0 : i32
      %dma_start3A_207 = arith.constant 0 : i32
      %dma_start3A_208 = tpu.memref_slice %arg5[%dma_start3A_206, %dma_start3A_207] : memref<624x128xf32, #tpu.memory_space<hbm>> -> memref<624x128xf32, #tpu.memory_space<hbm>>
      tpu.enqueue_dma source(%dma_start3A_208 : memref<624x128xf32, #tpu.memory_space<hbm>>) target(%dma_start3A_205 : memref<624x128xf32, #tpu.memory_space<vmem_shared>>) target_semaphore(%run_scoped3A_203 : memref<!tpu.dma_semaphore, #tpu.memory_space<semaphore_mem>>)
      %dma_wait3A_209 = arith.constant 0 : i32
      %dma_wait3A_210 = tpu.memref_slice %arg13[%mul3A_30, %dma_wait3A_209] : memref<10008x128xf32, #tpu.memory_space<vmem_shared>> -> memref<624x128xf32, #tpu.memory_space<vmem_shared>>
      %dma_wait3A_211 = arith.constant 0 : i32
      %dma_wait3A_212 = arith.constant 0 : i32
      %dma_wait3A_213 = tpu.memref_slice %arg5[%dma_wait3A_211, %dma_wait3A_212] : memref<624x128xf32, #tpu.memory_space<hbm>> -> memref<624x128xf32, #tpu.memory_space<hbm>>
      tpu.wait_dma2 semaphore(%run_scoped3A_203 : memref<!tpu.dma_semaphore, #tpu.memory_space<semaphore_mem>>) src(%dma_wait3A_213 : memref<624x128xf32, #tpu.memory_space<hbm>>) dst(%dma_wait3A_210 : memref<624x128xf32, #tpu.memory_space<vmem_shared>>)
      tpu.yield
    }) : () -> ()
    %eq3A = arith.constant 15 : i32
    %eq3A_31 = arith.cmpi eq, %arg1, %eq3A : i32
    %convert_element_type3A = arith.extui %eq3A_31 : i1 to i32
    %cond3A = arith.constant 0 : i32
    %cond3A_32 = arith.cmpi ne, %convert_element_type3A, %cond3A : i32
    scf.if %cond3A_32 {
      "tpu.region"() ({
        %run_scoped3A_203 = tpu.sem_alloc : memref<!tpu.dma_semaphore, #tpu.memory_space<semaphore_mem>>
        %dma_start3A_204 = arith.constant 9984 : i32
        %dma_start3A_205 = arith.constant 0 : i32
        %dma_start3A_206 = tpu.memref_slice %arg13[%dma_start3A_204, %dma_start3A_205] : memref<10008x128xf32, #tpu.memory_space<vmem_shared>> -> memref<24x128xf32, #tpu.memory_space<vmem_shared>>
        %dma_start3A_207 = arith.constant 0 : i32
        %dma_start3A_208 = arith.constant 0 : i32
        %dma_start3A_209 = tpu.memref_slice %arg5[%dma_start3A_207, %dma_start3A_208] : memref<624x128xf32, #tpu.memory_space<hbm>> -> memref<24x128xf32, #tpu.memory_space<hbm>>
        tpu.enqueue_dma source(%dma_start3A_209 : memref<24x128xf32, #tpu.memory_space<hbm>>) target(%dma_start3A_206 : memref<24x128xf32, #tpu.memory_space<vmem_shared>>) target_semaphore(%run_scoped3A_203 : memref<!tpu.dma_semaphore, #tpu.memory_space<semaphore_mem>>)
        %dma_wait3A_210 = arith.constant 9984 : i32
        %dma_wait3A_211 = arith.constant 0 : i32
        %dma_wait3A_212 = tpu.memref_slice %arg13[%dma_wait3A_210, %dma_wait3A_211] : memref<10008x128xf32, #tpu.memory_space<vmem_shared>> -> memref<24x128xf32, #tpu.memory_space<vmem_shared>>
        %dma_wait3A_213 = arith.constant 0 : i32
        %dma_wait3A_214 = arith.constant 0 : i32
        %dma_wait3A_215 = tpu.memref_slice %arg5[%dma_wait3A_213, %dma_wait3A_214] : memref<624x128xf32, #tpu.memory_space<hbm>> -> memref<24x128xf32, #tpu.memory_space<hbm>>
        tpu.wait_dma2 semaphore(%run_scoped3A_203 : memref<!tpu.dma_semaphore, #tpu.memory_space<semaphore_mem>>) src(%dma_wait3A_215 : memref<24x128xf32, #tpu.memory_space<hbm>>) dst(%dma_wait3A_212 : memref<24x128xf32, #tpu.memory_space<vmem_shared>>)
        tpu.yield
      }) : () -> ()
    } else {
    }
    %barrier3A = arith.constant 0 : index
    tpu.barrier barrier_id(%barrier3A)
    %scan3A = arith.constant 0 : i32
    %scan3A_33 = arith.constant 0 : i32
    %scan3A_34 = arith.constant 15 : i32
    %scan3A_35 = arith.addi %scan3A_33, %scan3A_34 : i32
    %scan3A_36 = arith.constant 1 : i32
    scf.for %scan3A_203 = %scan3A_33 to %scan3A_35 step %scan3A_36  : i32 {
      %mul3A_204 = arith.constant 4 : i32
      %mul3A_205 = arith.muli %scan3A_203, %mul3A_204 : i32
      %add3A_206 = arith.constant 0 : i32
      %add3A_207 = arith.addi %mul3A_205, %add3A_206 : i32
      %dma_wait3A_208 = arith.constant 0 : i32
      %dma_wait3A_209 = tpu.memref_slice %arg7[%add3A_207, %dma_wait3A_208] : memref<60x56xi32, #tpu.memory_space<vmem>> -> memref<1x56xi32, #tpu.memory_space<vmem>>
      %dma_wait3A_210 = tpu.memref_squeeze %dma_wait3A_209 : memref<1x56xi32, #tpu.memory_space<vmem>> -> memref<56xi32, #tpu.memory_space<vmem>>
      %dma_wait3A_211 = arith.constant 0 : i32
      %dma_wait3A_212 = arith.constant 0 : i32
      %dma_wait3A_213 = tpu.memref_slice %arg2[%dma_wait3A_211, %dma_wait3A_212] : memref<10000x128xf32, #tpu.memory_space<hbm>> -> memref<10000x128xf32, #tpu.memory_space<hbm>>
      tpu.wait_indirect_dma semaphore(%arg14 : memref<!tpu.dma_semaphore, #tpu.memory_space<semaphore_mem>>) src(%dma_wait3A_213 : memref<10000x128xf32, #tpu.memory_space<hbm>>) dst(%arg9 : memref<56x128xf32, #tpu.memory_space<vmem>>)
      %dma_start3A_214 = arith.constant 0 : i32
      %dma_start3A_215 = tpu.memref_slice %arg8[%add3A_207, %dma_start3A_214] : memref<60x56xi32, #tpu.memory_space<vmem>> -> memref<1x56xi32, #tpu.memory_space<vmem>>
      %dma_start3A_216 = tpu.memref_squeeze %dma_start3A_215 : memref<1x56xi32, #tpu.memory_space<vmem>> -> memref<56xi32, #tpu.memory_space<vmem>>
      %dma_start3A_217 = arith.constant 0 : i32
      %dma_start3A_218 = arith.constant 0 : i32
      %dma_start3A_219 = tpu.memref_slice %arg13[%dma_start3A_217, %dma_start3A_218] : memref<10008x128xf32, #tpu.memory_space<vmem_shared>> -> memref<10008x128xf32, #tpu.memory_space<vmem_shared>>
      tpu.enqueue_indirect_dma source(%arg9 : memref<56x128xf32, #tpu.memory_space<vmem>>) target(%dma_start3A_219 : memref<10008x128xf32, #tpu.memory_space<vmem_shared>>) offsets(%dma_start3A_216 : memref<56xi32, #tpu.memory_space<vmem>>) semaphore(%arg18 : memref<!tpu.dma_semaphore, #tpu.memory_space<semaphore_mem>>) {add = true}
      %add3A_220 = arith.constant 1 : i32
      %add3A_221 = arith.addi %mul3A_205, %add3A_220 : i32
      %dma_wait3A_222 = arith.constant 0 : i32
      %dma_wait3A_223 = tpu.memref_slice %arg7[%add3A_221, %dma_wait3A_222] : memref<60x56xi32, #tpu.memory_space<vmem>> -> memref<1x56xi32, #tpu.memory_space<vmem>>
      %dma_wait3A_224 = tpu.memref_squeeze %dma_wait3A_223 : memref<1x56xi32, #tpu.memory_space<vmem>> -> memref<56xi32, #tpu.memory_space<vmem>>
      %dma_wait3A_225 = arith.constant 0 : i32
      %dma_wait3A_226 = arith.constant 0 : i32
      %dma_wait3A_227 = tpu.memref_slice %arg2[%dma_wait3A_225, %dma_wait3A_226] : memref<10000x128xf32, #tpu.memory_space<hbm>> -> memref<10000x128xf32, #tpu.memory_space<hbm>>
      tpu.wait_indirect_dma semaphore(%arg15 : memref<!tpu.dma_semaphore, #tpu.memory_space<semaphore_mem>>) src(%dma_wait3A_227 : memref<10000x128xf32, #tpu.memory_space<hbm>>) dst(%arg10 : memref<56x128xf32, #tpu.memory_space<vmem>>)
      %dma_start3A_228 = arith.constant 0 : i32
      %dma_start3A_229 = tpu.memref_slice %arg8[%add3A_221, %dma_start3A_228] : memref<60x56xi32, #tpu.memory_space<vmem>> -> memref<1x56xi32, #tpu.memory_space<vmem>>
      %dma_start3A_230 = tpu.memref_squeeze %dma_start3A_229 : memref<1x56xi32, #tpu.memory_space<vmem>> -> memref<56xi32, #tpu.memory_space<vmem>>
      %dma_start3A_231 = arith.constant 0 : i32
      %dma_start3A_232 = arith.constant 0 : i32
      %dma_start3A_233 = tpu.memref_slice %arg13[%dma_start3A_231, %dma_start3A_232] : memref<10008x128xf32, #tpu.memory_space<vmem_shared>> -> memref<10008x128xf32, #tpu.memory_space<vmem_shared>>
      tpu.enqueue_indirect_dma source(%arg10 : memref<56x128xf32, #tpu.memory_space<vmem>>) target(%dma_start3A_233 : memref<10008x128xf32, #tpu.memory_space<vmem_shared>>) offsets(%dma_start3A_230 : memref<56xi32, #tpu.memory_space<vmem>>) semaphore(%arg19 : memref<!tpu.dma_semaphore, #tpu.memory_space<semaphore_mem>>) {add = true}
      %add3A_234 = arith.constant 2 : i32
      %add3A_235 = arith.addi %mul3A_205, %add3A_234 : i32
      %dma_wait3A_236 = arith.constant 0 : i32
      %dma_wait3A_237 = tpu.memref_slice %arg7[%add3A_235, %dma_wait3A_236] : memref<60x56xi32, #tpu.memory_space<vmem>> -> memref<1x56xi32, #tpu.memory_space<vmem>>
      %dma_wait3A_238 = tpu.memref_squeeze %dma_wait3A_237 : memref<1x56xi32, #tpu.memory_space<vmem>> -> memref<56xi32, #tpu.memory_space<vmem>>
      %dma_wait3A_239 = arith.constant 0 : i32
      %dma_wait3A_240 = arith.constant 0 : i32
      %dma_wait3A_241 = tpu.memref_slice %arg2[%dma_wait3A_239, %dma_wait3A_240] : memref<10000x128xf32, #tpu.memory_space<hbm>> -> memref<10000x128xf32, #tpu.memory_space<hbm>>
      tpu.wait_indirect_dma semaphore(%arg16 : memref<!tpu.dma_semaphore, #tpu.memory_space<semaphore_mem>>) src(%dma_wait3A_241 : memref<10000x128xf32, #tpu.memory_space<hbm>>) dst(%arg11 : memref<56x128xf32, #tpu.memory_space<vmem>>)
      %dma_start3A_242 = arith.constant 0 : i32
      %dma_start3A_243 = tpu.memref_slice %arg8[%add3A_235, %dma_start3A_242] : memref<60x56xi32, #tpu.memory_space<vmem>> -> memref<1x56xi32, #tpu.memory_space<vmem>>
      %dma_start3A_244 = tpu.memref_squeeze %dma_start3A_243 : memref<1x56xi32, #tpu.memory_space<vmem>> -> memref<56xi32, #tpu.memory_space<vmem>>
      %dma_start3A_245 = arith.constant 0 : i32
      %dma_start3A_246 = arith.constant 0 : i32
      %dma_start3A_247 = tpu.memref_slice %arg13[%dma_start3A_245, %dma_start3A_246] : memref<10008x128xf32, #tpu.memory_space<vmem_shared>> -> memref<10008x128xf32, #tpu.memory_space<vmem_shared>>
      tpu.enqueue_indirect_dma source(%arg11 : memref<56x128xf32, #tpu.memory_space<vmem>>) target(%dma_start3A_247 : memref<10008x128xf32, #tpu.memory_space<vmem_shared>>) offsets(%dma_start3A_244 : memref<56xi32, #tpu.memory_space<vmem>>) semaphore(%arg20 : memref<!tpu.dma_semaphore, #tpu.memory_space<semaphore_mem>>) {add = true}
      %add3A_248 = arith.constant 3 : i32
      %add3A_249 = arith.addi %mul3A_205, %add3A_248 : i32
      %dma_wait3A_250 = arith.constant 0 : i32
      %dma_wait3A_251 = tpu.memref_slice %arg7[%add3A_249, %dma_wait3A_250] : memref<60x56xi32, #tpu.memory_space<vmem>> -> memref<1x56xi32, #tpu.memory_space<vmem>>
      %dma_wait3A_252 = tpu.memref_squeeze %dma_wait3A_251 : memref<1x56xi32, #tpu.memory_space<vmem>> -> memref<56xi32, #tpu.memory_space<vmem>>
      %dma_wait3A_253 = arith.constant 0 : i32
      %dma_wait3A_254 = arith.constant 0 : i32
      %dma_wait3A_255 = tpu.memref_slice %arg2[%dma_wait3A_253, %dma_wait3A_254] : memref<10000x128xf32, #tpu.memory_space<hbm>> -> memref<10000x128xf32, #tpu.memory_space<hbm>>
      tpu.wait_indirect_dma semaphore(%arg17 : memref<!tpu.dma_semaphore, #tpu.memory_space<semaphore_mem>>) src(%dma_wait3A_255 : memref<10000x128xf32, #tpu.memory_space<hbm>>) dst(%arg12 : memref<56x128xf32, #tpu.memory_space<vmem>>)
      %dma_start3A_256 = arith.constant 0 : i32
      %dma_start3A_257 = tpu.memref_slice %arg8[%add3A_249, %dma_start3A_256] : memref<60x56xi32, #tpu.memory_space<vmem>> -> memref<1x56xi32, #tpu.memory_space<vmem>>
      %dma_start3A_258 = tpu.memref_squeeze %dma_start3A_257 : memref<1x56xi32, #tpu.memory_space<vmem>> -> memref<56xi32, #tpu.memory_space<vmem>>
      %dma_start3A_259 = arith.constant 0 : i32
      %dma_start3A_260 = arith.constant 0 : i32
      %dma_start3A_261 = tpu.memref_slice %arg13[%dma_start3A_259, %dma_start3A_260] : memref<10008x128xf32, #tpu.memory_space<vmem_shared>> -> memref<10008x128xf32, #tpu.memory_space<vmem_shared>>
      tpu.enqueue_indirect_dma source(%arg12 : memref<56x128xf32, #tpu.memory_space<vmem>>) target(%dma_start3A_261 : memref<10008x128xf32, #tpu.memory_space<vmem_shared>>) offsets(%dma_start3A_258 : memref<56xi32, #tpu.memory_space<vmem>>) semaphore(%arg21 : memref<!tpu.dma_semaphore, #tpu.memory_space<semaphore_mem>>) {add = true}
      %lt3A = arith.constant 14 : i32
      %lt3A_262 = arith.cmpi slt, %scan3A_203, %lt3A : i32
      %convert_element_type3A_263 = arith.extui %lt3A_262 : i1 to i32
      %cond3A_264 = arith.constant 0 : i32
      %cond3A_265 = arith.cmpi ne, %convert_element_type3A_263, %cond3A_264 : i32
      scf.if %cond3A_265 {
        %add3A_266 = arith.constant 0 : i32
        %add3A_267 = arith.addi %mul3A_205, %add3A_266 : i32
        %dma_wait3A_268 = arith.constant 0 : i32
        %dma_wait3A_269 = tpu.memref_slice %arg8[%add3A_267, %dma_wait3A_268] : memref<60x56xi32, #tpu.memory_space<vmem>> -> memref<1x56xi32, #tpu.memory_space<vmem>>
        %dma_wait3A_270 = tpu.memref_squeeze %dma_wait3A_269 : memref<1x56xi32, #tpu.memory_space<vmem>> -> memref<56xi32, #tpu.memory_space<vmem>>
        %dma_wait3A_271 = arith.constant 0 : i32
        %dma_wait3A_272 = arith.constant 0 : i32
        %dma_wait3A_273 = tpu.memref_slice %arg13[%dma_wait3A_271, %dma_wait3A_272] : memref<10008x128xf32, #tpu.memory_space<vmem_shared>> -> memref<10008x128xf32, #tpu.memory_space<vmem_shared>>
        tpu.wait_indirect_dma semaphore(%arg18 : memref<!tpu.dma_semaphore, #tpu.memory_space<semaphore_mem>>) src(%arg9 : memref<56x128xf32, #tpu.memory_space<vmem>>) dst(%dma_wait3A_273 : memref<10008x128xf32, #tpu.memory_space<vmem_shared>>)
        %add3A_274 = arith.constant 4 : i32
        %add3A_275 = arith.addi %add3A_267, %add3A_274 : i32
        %dma_start3A_276 = arith.constant 0 : i32
        %dma_start3A_277 = tpu.memref_slice %arg7[%add3A_275, %dma_start3A_276] : memref<60x56xi32, #tpu.memory_space<vmem>> -> memref<1x56xi32, #tpu.memory_space<vmem>>
        %dma_start3A_278 = tpu.memref_squeeze %dma_start3A_277 : memref<1x56xi32, #tpu.memory_space<vmem>> -> memref<56xi32, #tpu.memory_space<vmem>>
        %dma_start3A_279 = arith.constant 0 : i32
        %dma_start3A_280 = arith.constant 0 : i32
        %dma_start3A_281 = tpu.memref_slice %arg2[%dma_start3A_279, %dma_start3A_280] : memref<10000x128xf32, #tpu.memory_space<hbm>> -> memref<10000x128xf32, #tpu.memory_space<hbm>>
        tpu.enqueue_indirect_dma source(%dma_start3A_281 : memref<10000x128xf32, #tpu.memory_space<hbm>>) target(%arg9 : memref<56x128xf32, #tpu.memory_space<vmem>>) offsets(%dma_start3A_278 : memref<56xi32, #tpu.memory_space<vmem>>) semaphore(%arg14 : memref<!tpu.dma_semaphore, #tpu.memory_space<semaphore_mem>>)
        %add3A_282 = arith.constant 1 : i32
        %add3A_283 = arith.addi %mul3A_205, %add3A_282 : i32
        %dma_wait3A_284 = arith.constant 0 : i32
        %dma_wait3A_285 = tpu.memref_slice %arg8[%add3A_283, %dma_wait3A_284] : memref<60x56xi32, #tpu.memory_space<vmem>> -> memref<1x56xi32, #tpu.memory_space<vmem>>
        %dma_wait3A_286 = tpu.memref_squeeze %dma_wait3A_285 : memref<1x56xi32, #tpu.memory_space<vmem>> -> memref<56xi32, #tpu.memory_space<vmem>>
        %dma_wait3A_287 = arith.constant 0 : i32
        %dma_wait3A_288 = arith.constant 0 : i32
        %dma_wait3A_289 = tpu.memref_slice %arg13[%dma_wait3A_287, %dma_wait3A_288] : memref<10008x128xf32, #tpu.memory_space<vmem_shared>> -> memref<10008x128xf32, #tpu.memory_space<vmem_shared>>
        tpu.wait_indirect_dma semaphore(%arg19 : memref<!tpu.dma_semaphore, #tpu.memory_space<semaphore_mem>>) src(%arg10 : memref<56x128xf32, #tpu.memory_space<vmem>>) dst(%dma_wait3A_289 : memref<10008x128xf32, #tpu.memory_space<vmem_shared>>)
        %add3A_290 = arith.constant 4 : i32
        %add3A_291 = arith.addi %add3A_283, %add3A_290 : i32
        %dma_start3A_292 = arith.constant 0 : i32
        %dma_start3A_293 = tpu.memref_slice %arg7[%add3A_291, %dma_start3A_292] : memref<60x56xi32, #tpu.memory_space<vmem>> -> memref<1x56xi32, #tpu.memory_space<vmem>>
        %dma_start3A_294 = tpu.memref_squeeze %dma_start3A_293 : memref<1x56xi32, #tpu.memory_space<vmem>> -> memref<56xi32, #tpu.memory_space<vmem>>
        %dma_start3A_295 = arith.constant 0 : i32
        %dma_start3A_296 = arith.constant 0 : i32
        %dma_start3A_297 = tpu.memref_slice %arg2[%dma_start3A_295, %dma_start3A_296] : memref<10000x128xf32, #tpu.memory_space<hbm>> -> memref<10000x128xf32, #tpu.memory_space<hbm>>
        tpu.enqueue_indirect_dma source(%dma_start3A_297 : memref<10000x128xf32, #tpu.memory_space<hbm>>) target(%arg10 : memref<56x128xf32, #tpu.memory_space<vmem>>) offsets(%dma_start3A_294 : memref<56xi32, #tpu.memory_space<vmem>>) semaphore(%arg15 : memref<!tpu.dma_semaphore, #tpu.memory_space<semaphore_mem>>)
        %add3A_298 = arith.constant 2 : i32
        %add3A_299 = arith.addi %mul3A_205, %add3A_298 : i32
        %dma_wait3A_300 = arith.constant 0 : i32
        %dma_wait3A_301 = tpu.memref_slice %arg8[%add3A_299, %dma_wait3A_300] : memref<60x56xi32, #tpu.memory_space<vmem>> -> memref<1x56xi32, #tpu.memory_space<vmem>>
        %dma_wait3A_302 = tpu.memref_squeeze %dma_wait3A_301 : memref<1x56xi32, #tpu.memory_space<vmem>> -> memref<56xi32, #tpu.memory_space<vmem>>
        %dma_wait3A_303 = arith.constant 0 : i32
        %dma_wait3A_304 = arith.constant 0 : i32
        %dma_wait3A_305 = tpu.memref_slice %arg13[%dma_wait3A_303, %dma_wait3A_304] : memref<10008x128xf32, #tpu.memory_space<vmem_shared>> -> memref<10008x128xf32, #tpu.memory_space<vmem_shared>>
        tpu.wait_indirect_dma semaphore(%arg20 : memref<!tpu.dma_semaphore, #tpu.memory_space<semaphore_mem>>) src(%arg11 : memref<56x128xf32, #tpu.memory_space<vmem>>) dst(%dma_wait3A_305 : memref<10008x128xf32, #tpu.memory_space<vmem_shared>>)
        %add3A_306 = arith.constant 4 : i32
        %add3A_307 = arith.addi %add3A_299, %add3A_306 : i32
        %dma_start3A_308 = arith.constant 0 : i32
        %dma_start3A_309 = tpu.memref_slice %arg7[%add3A_307, %dma_start3A_308] : memref<60x56xi32, #tpu.memory_space<vmem>> -> memref<1x56xi32, #tpu.memory_space<vmem>>
        %dma_start3A_310 = tpu.memref_squeeze %dma_start3A_309 : memref<1x56xi32, #tpu.memory_space<vmem>> -> memref<56xi32, #tpu.memory_space<vmem>>
        %dma_start3A_311 = arith.constant 0 : i32
        %dma_start3A_312 = arith.constant 0 : i32
        %dma_start3A_313 = tpu.memref_slice %arg2[%dma_start3A_311, %dma_start3A_312] : memref<10000x128xf32, #tpu.memory_space<hbm>> -> memref<10000x128xf32, #tpu.memory_space<hbm>>
        tpu.enqueue_indirect_dma source(%dma_start3A_313 : memref<10000x128xf32, #tpu.memory_space<hbm>>) target(%arg11 : memref<56x128xf32, #tpu.memory_space<vmem>>) offsets(%dma_start3A_310 : memref<56xi32, #tpu.memory_space<vmem>>) semaphore(%arg16 : memref<!tpu.dma_semaphore, #tpu.memory_space<semaphore_mem>>)
        %add3A_314 = arith.constant 3 : i32
        %add3A_315 = arith.addi %mul3A_205, %add3A_314 : i32
        %dma_wait3A_316 = arith.constant 0 : i32
        %dma_wait3A_317 = tpu.memref_slice %arg8[%add3A_315, %dma_wait3A_316] : memref<60x56xi32, #tpu.memory_space<vmem>> -> memref<1x56xi32, #tpu.memory_space<vmem>>
        %dma_wait3A_318 = tpu.memref_squeeze %dma_wait3A_317 : memref<1x56xi32, #tpu.memory_space<vmem>> -> memref<56xi32, #tpu.memory_space<vmem>>
        %dma_wait3A_319 = arith.constant 0 : i32
        %dma_wait3A_320 = arith.constant 0 : i32
        %dma_wait3A_321 = tpu.memref_slice %arg13[%dma_wait3A_319, %dma_wait3A_320] : memref<10008x128xf32, #tpu.memory_space<vmem_shared>> -> memref<10008x128xf32, #tpu.memory_space<vmem_shared>>
        tpu.wait_indirect_dma semaphore(%arg21 : memref<!tpu.dma_semaphore, #tpu.memory_space<semaphore_mem>>) src(%arg12 : memref<56x128xf32, #tpu.memory_space<vmem>>) dst(%dma_wait3A_321 : memref<10008x128xf32, #tpu.memory_space<vmem_shared>>)
        %add3A_322 = arith.constant 4 : i32
        %add3A_323 = arith.addi %add3A_315, %add3A_322 : i32
        %dma_start3A_324 = arith.constant 0 : i32
        %dma_start3A_325 = tpu.memref_slice %arg7[%add3A_323, %dma_start3A_324] : memref<60x56xi32, #tpu.memory_space<vmem>> -> memref<1x56xi32, #tpu.memory_space<vmem>>
        %dma_start3A_326 = tpu.memref_squeeze %dma_start3A_325 : memref<1x56xi32, #tpu.memory_space<vmem>> -> memref<56xi32, #tpu.memory_space<vmem>>
        %dma_start3A_327 = arith.constant 0 : i32
        %dma_start3A_328 = arith.constant 0 : i32
        %dma_start3A_329 = tpu.memref_slice %arg2[%dma_start3A_327, %dma_start3A_328] : memref<10000x128xf32, #tpu.memory_space<hbm>> -> memref<10000x128xf32, #tpu.memory_space<hbm>>
        tpu.enqueue_indirect_dma source(%dma_start3A_329 : memref<10000x128xf32, #tpu.memory_space<hbm>>) target(%arg12 : memref<56x128xf32, #tpu.memory_space<vmem>>) offsets(%dma_start3A_326 : memref<56xi32, #tpu.memory_space<vmem>>) semaphore(%arg17 : memref<!tpu.dma_semaphore, #tpu.memory_space<semaphore_mem>>)
      } else {
      }
    }
    %scan3A_37 = arith.constant 15 : i32
    %dma_wait3A = arith.constant 56 : i32
    %dma_wait3A_38 = arith.constant 0 : i32
    %dma_wait3A_39 = tpu.memref_slice %arg8[%dma_wait3A, %dma_wait3A_38] : memref<60x56xi32, #tpu.memory_space<vmem>> -> memref<1x56xi32, #tpu.memory_space<vmem>>
    %dma_wait3A_40 = tpu.memref_squeeze %dma_wait3A_39 : memref<1x56xi32, #tpu.memory_space<vmem>> -> memref<56xi32, #tpu.memory_space<vmem>>
    %dma_wait3A_41 = arith.constant 0 : i32
    %dma_wait3A_42 = arith.constant 0 : i32
    %dma_wait3A_43 = tpu.memref_slice %arg13[%dma_wait3A_41, %dma_wait3A_42] : memref<10008x128xf32, #tpu.memory_space<vmem_shared>> -> memref<10008x128xf32, #tpu.memory_space<vmem_shared>>
    tpu.wait_indirect_dma semaphore(%arg18 : memref<!tpu.dma_semaphore, #tpu.memory_space<semaphore_mem>>) src(%arg9 : memref<56x128xf32, #tpu.memory_space<vmem>>) dst(%dma_wait3A_43 : memref<10008x128xf32, #tpu.memory_space<vmem_shared>>)
    %dma_wait3A_44 = arith.constant 57 : i32
    %dma_wait3A_45 = arith.constant 0 : i32
    %dma_wait3A_46 = tpu.memref_slice %arg8[%dma_wait3A_44, %dma_wait3A_45] : memref<60x56xi32, #tpu.memory_space<vmem>> -> memref<1x56xi32, #tpu.memory_space<vmem>>
    %dma_wait3A_47 = tpu.memref_squeeze %dma_wait3A_46 : memref<1x56xi32, #tpu.memory_space<vmem>> -> memref<56xi32, #tpu.memory_space<vmem>>
    %dma_wait3A_48 = arith.constant 0 : i32
    %dma_wait3A_49 = arith.constant 0 : i32
    %dma_wait3A_50 = tpu.memref_slice %arg13[%dma_wait3A_48, %dma_wait3A_49] : memref<10008x128xf32, #tpu.memory_space<vmem_shared>> -> memref<10008x128xf32, #tpu.memory_space<vmem_shared>>
    tpu.wait_indirect_dma semaphore(%arg19 : memref<!tpu.dma_semaphore, #tpu.memory_space<semaphore_mem>>) src(%arg10 : memref<56x128xf32, #tpu.memory_space<vmem>>) dst(%dma_wait3A_50 : memref<10008x128xf32, #tpu.memory_space<vmem_shared>>)
    %dma_wait3A_51 = arith.constant 58 : i32
    %dma_wait3A_52 = arith.constant 0 : i32
    %dma_wait3A_53 = tpu.memref_slice %arg8[%dma_wait3A_51, %dma_wait3A_52] : memref<60x56xi32, #tpu.memory_space<vmem>> -> memref<1x56xi32, #tpu.memory_space<vmem>>
    %dma_wait3A_54 = tpu.memref_squeeze %dma_wait3A_53 : memref<1x56xi32, #tpu.memory_space<vmem>> -> memref<56xi32, #tpu.memory_space<vmem>>
    %dma_wait3A_55 = arith.constant 0 : i32
    %dma_wait3A_56 = arith.constant 0 : i32
    %dma_wait3A_57 = tpu.memref_slice %arg13[%dma_wait3A_55, %dma_wait3A_56] : memref<10008x128xf32, #tpu.memory_space<vmem_shared>> -> memref<10008x128xf32, #tpu.memory_space<vmem_shared>>
    tpu.wait_indirect_dma semaphore(%arg20 : memref<!tpu.dma_semaphore, #tpu.memory_space<semaphore_mem>>) src(%arg11 : memref<56x128xf32, #tpu.memory_space<vmem>>) dst(%dma_wait3A_57 : memref<10008x128xf32, #tpu.memory_space<vmem_shared>>)
    %dma_wait3A_58 = arith.constant 59 : i32
    %dma_wait3A_59 = arith.constant 0 : i32
    %dma_wait3A_60 = tpu.memref_slice %arg8[%dma_wait3A_58, %dma_wait3A_59] : memref<60x56xi32, #tpu.memory_space<vmem>> -> memref<1x56xi32, #tpu.memory_space<vmem>>
    %dma_wait3A_61 = tpu.memref_squeeze %dma_wait3A_60 : memref<1x56xi32, #tpu.memory_space<vmem>> -> memref<56xi32, #tpu.memory_space<vmem>>
    %dma_wait3A_62 = arith.constant 0 : i32
    %dma_wait3A_63 = arith.constant 0 : i32
    %dma_wait3A_64 = tpu.memref_slice %arg13[%dma_wait3A_62, %dma_wait3A_63] : memref<10008x128xf32, #tpu.memory_space<vmem_shared>> -> memref<10008x128xf32, #tpu.memory_space<vmem_shared>>
    tpu.wait_indirect_dma semaphore(%arg21 : memref<!tpu.dma_semaphore, #tpu.memory_space<semaphore_mem>>) src(%arg12 : memref<56x128xf32, #tpu.memory_space<vmem>>) dst(%dma_wait3A_64 : memref<10008x128xf32, #tpu.memory_space<vmem_shared>>)
    %run_scoped3A_65 = arith.constant 1 : i32
    "tpu.region"() ({
      %run_scoped3A_203 = tpu.sem_alloc : memref<!tpu.dma_semaphore, #tpu.memory_space<semaphore_mem>>
      %dma_start3A_204 = arith.constant 0 : i32
      %dma_start3A_205 = arith.constant 0 : i32
      %dma_start3A_206 = tpu.memref_slice %arg3[%add3A, %run_scoped3A_65, %dma_start3A_204, %dma_start3A_205] : memref<32x3x60x56xi32, #tpu.memory_space<hbm>> -> memref<1x1x60x56xi32, #tpu.memory_space<hbm>>
      %dma_start3A_207 = tpu.memref_squeeze %dma_start3A_206 : memref<1x1x60x56xi32, #tpu.memory_space<hbm>> -> memref<60x56xi32, #tpu.memory_space<hbm>>
      %dma_start3A_208 = arith.constant 0 : i32
      %dma_start3A_209 = arith.constant 0 : i32
      %dma_start3A_210 = tpu.memref_slice %arg3[%add3A, %run_scoped3A_65, %dma_start3A_208, %dma_start3A_209] : memref<32x3x60x56xi32, #tpu.memory_space<hbm>> -> memref<1x1x60x56xi32, #tpu.memory_space<hbm>>
      %dma_start3A_211 = tpu.memref_squeeze %dma_start3A_210 : memref<1x1x60x56xi32, #tpu.memory_space<hbm>> -> memref<60x56xi32, #tpu.memory_space<hbm>>
      tpu.enqueue_dma source(%dma_start3A_211 : memref<60x56xi32, #tpu.memory_space<hbm>>) target(%arg7 : memref<60x56xi32, #tpu.memory_space<vmem>>) target_semaphore(%run_scoped3A_203 : memref<!tpu.dma_semaphore, #tpu.memory_space<semaphore_mem>>)
      %dma_wait3A_212 = arith.constant 0 : i32
      %dma_wait3A_213 = arith.constant 0 : i32
      %dma_wait3A_214 = tpu.memref_slice %arg3[%add3A, %run_scoped3A_65, %dma_wait3A_212, %dma_wait3A_213] : memref<32x3x60x56xi32, #tpu.memory_space<hbm>> -> memref<1x1x60x56xi32, #tpu.memory_space<hbm>>
      %dma_wait3A_215 = tpu.memref_squeeze %dma_wait3A_214 : memref<1x1x60x56xi32, #tpu.memory_space<hbm>> -> memref<60x56xi32, #tpu.memory_space<hbm>>
      %dma_wait3A_216 = arith.constant 0 : i32
      %dma_wait3A_217 = arith.constant 0 : i32
      %dma_wait3A_218 = tpu.memref_slice %arg3[%add3A, %run_scoped3A_65, %dma_wait3A_216, %dma_wait3A_217] : memref<32x3x60x56xi32, #tpu.memory_space<hbm>> -> memref<1x1x60x56xi32, #tpu.memory_space<hbm>>
      %dma_wait3A_219 = tpu.memref_squeeze %dma_wait3A_218 : memref<1x1x60x56xi32, #tpu.memory_space<hbm>> -> memref<60x56xi32, #tpu.memory_space<hbm>>
      tpu.wait_dma2 semaphore(%run_scoped3A_203 : memref<!tpu.dma_semaphore, #tpu.memory_space<semaphore_mem>>) src(%dma_wait3A_219 : memref<60x56xi32, #tpu.memory_space<hbm>>) dst(%arg7 : memref<60x56xi32, #tpu.memory_space<vmem>>)
      tpu.yield
    }) : () -> ()
    %run_scoped3A_66 = arith.constant 1 : i32
    "tpu.region"() ({
      %run_scoped3A_203 = tpu.sem_alloc : memref<!tpu.dma_semaphore, #tpu.memory_space<semaphore_mem>>
      %dma_start3A_204 = arith.constant 0 : i32
      %dma_start3A_205 = arith.constant 0 : i32
      %dma_start3A_206 = tpu.memref_slice %arg4[%add3A, %run_scoped3A_66, %dma_start3A_204, %dma_start3A_205] : memref<32x3x60x56xi32, #tpu.memory_space<hbm>> -> memref<1x1x60x56xi32, #tpu.memory_space<hbm>>
      %dma_start3A_207 = tpu.memref_squeeze %dma_start3A_206 : memref<1x1x60x56xi32, #tpu.memory_space<hbm>> -> memref<60x56xi32, #tpu.memory_space<hbm>>
      %dma_start3A_208 = arith.constant 0 : i32
      %dma_start3A_209 = arith.constant 0 : i32
      %dma_start3A_210 = tpu.memref_slice %arg4[%add3A, %run_scoped3A_66, %dma_start3A_208, %dma_start3A_209] : memref<32x3x60x56xi32, #tpu.memory_space<hbm>> -> memref<1x1x60x56xi32, #tpu.memory_space<hbm>>
      %dma_start3A_211 = tpu.memref_squeeze %dma_start3A_210 : memref<1x1x60x56xi32, #tpu.memory_space<hbm>> -> memref<60x56xi32, #tpu.memory_space<hbm>>
      tpu.enqueue_dma source(%dma_start3A_211 : memref<60x56xi32, #tpu.memory_space<hbm>>) target(%arg8 : memref<60x56xi32, #tpu.memory_space<vmem>>) target_semaphore(%run_scoped3A_203 : memref<!tpu.dma_semaphore, #tpu.memory_space<semaphore_mem>>)
      %dma_wait3A_212 = arith.constant 0 : i32
      %dma_wait3A_213 = arith.constant 0 : i32
      %dma_wait3A_214 = tpu.memref_slice %arg4[%add3A, %run_scoped3A_66, %dma_wait3A_212, %dma_wait3A_213] : memref<32x3x60x56xi32, #tpu.memory_space<hbm>> -> memref<1x1x60x56xi32, #tpu.memory_space<hbm>>
      %dma_wait3A_215 = tpu.memref_squeeze %dma_wait3A_214 : memref<1x1x60x56xi32, #tpu.memory_space<hbm>> -> memref<60x56xi32, #tpu.memory_space<hbm>>
      %dma_wait3A_216 = arith.constant 0 : i32
      %dma_wait3A_217 = arith.constant 0 : i32
      %dma_wait3A_218 = tpu.memref_slice %arg4[%add3A, %run_scoped3A_66, %dma_wait3A_216, %dma_wait3A_217] : memref<32x3x60x56xi32, #tpu.memory_space<hbm>> -> memref<1x1x60x56xi32, #tpu.memory_space<hbm>>
      %dma_wait3A_219 = tpu.memref_squeeze %dma_wait3A_218 : memref<1x1x60x56xi32, #tpu.memory_space<hbm>> -> memref<60x56xi32, #tpu.memory_space<hbm>>
      tpu.wait_dma2 semaphore(%run_scoped3A_203 : memref<!tpu.dma_semaphore, #tpu.memory_space<semaphore_mem>>) src(%dma_wait3A_219 : memref<60x56xi32, #tpu.memory_space<hbm>>) dst(%arg8 : memref<60x56xi32, #tpu.memory_space<vmem>>)
      tpu.yield
    }) : () -> ()
    %dma_start3A_67 = arith.constant 0 : i32
    %dma_start3A_68 = arith.constant 0 : i32
    %dma_start3A_69 = tpu.memref_slice %arg7[%dma_start3A_67, %dma_start3A_68] : memref<60x56xi32, #tpu.memory_space<vmem>> -> memref<1x56xi32, #tpu.memory_space<vmem>>
    %dma_start3A_70 = tpu.memref_squeeze %dma_start3A_69 : memref<1x56xi32, #tpu.memory_space<vmem>> -> memref<56xi32, #tpu.memory_space<vmem>>
    %dma_start3A_71 = arith.constant 0 : i32
    %dma_start3A_72 = arith.constant 0 : i32
    %dma_start3A_73 = tpu.memref_slice %arg2[%dma_start3A_71, %dma_start3A_72] : memref<10000x128xf32, #tpu.memory_space<hbm>> -> memref<10000x128xf32, #tpu.memory_space<hbm>>
    tpu.enqueue_indirect_dma source(%dma_start3A_73 : memref<10000x128xf32, #tpu.memory_space<hbm>>) target(%arg9 : memref<56x128xf32, #tpu.memory_space<vmem>>) offsets(%dma_start3A_70 : memref<56xi32, #tpu.memory_space<vmem>>) semaphore(%arg14 : memref<!tpu.dma_semaphore, #tpu.memory_space<semaphore_mem>>)
    %dma_start3A_74 = arith.constant 1 : i32
    %dma_start3A_75 = arith.constant 0 : i32
    %dma_start3A_76 = tpu.memref_slice %arg7[%dma_start3A_74, %dma_start3A_75] : memref<60x56xi32, #tpu.memory_space<vmem>> -> memref<1x56xi32, #tpu.memory_space<vmem>>
    %dma_start3A_77 = tpu.memref_squeeze %dma_start3A_76 : memref<1x56xi32, #tpu.memory_space<vmem>> -> memref<56xi32, #tpu.memory_space<vmem>>
    %dma_start3A_78 = arith.constant 0 : i32
    %dma_start3A_79 = arith.constant 0 : i32
    %dma_start3A_80 = tpu.memref_slice %arg2[%dma_start3A_78, %dma_start3A_79] : memref<10000x128xf32, #tpu.memory_space<hbm>> -> memref<10000x128xf32, #tpu.memory_space<hbm>>
    tpu.enqueue_indirect_dma source(%dma_start3A_80 : memref<10000x128xf32, #tpu.memory_space<hbm>>) target(%arg10 : memref<56x128xf32, #tpu.memory_space<vmem>>) offsets(%dma_start3A_77 : memref<56xi32, #tpu.memory_space<vmem>>) semaphore(%arg15 : memref<!tpu.dma_semaphore, #tpu.memory_space<semaphore_mem>>)
    %dma_start3A_81 = arith.constant 2 : i32
    %dma_start3A_82 = arith.constant 0 : i32
    %dma_start3A_83 = tpu.memref_slice %arg7[%dma_start3A_81, %dma_start3A_82] : memref<60x56xi32, #tpu.memory_space<vmem>> -> memref<1x56xi32, #tpu.memory_space<vmem>>
    %dma_start3A_84 = tpu.memref_squeeze %dma_start3A_83 : memref<1x56xi32, #tpu.memory_space<vmem>> -> memref<56xi32, #tpu.memory_space<vmem>>
    %dma_start3A_85 = arith.constant 0 : i32
    %dma_start3A_86 = arith.constant 0 : i32
    %dma_start3A_87 = tpu.memref_slice %arg2[%dma_start3A_85, %dma_start3A_86] : memref<10000x128xf32, #tpu.memory_space<hbm>> -> memref<10000x128xf32, #tpu.memory_space<hbm>>
    tpu.enqueue_indirect_dma source(%dma_start3A_87 : memref<10000x128xf32, #tpu.memory_space<hbm>>) target(%arg11 : memref<56x128xf32, #tpu.memory_space<vmem>>) offsets(%dma_start3A_84 : memref<56xi32, #tpu.memory_space<vmem>>) semaphore(%arg16 : memref<!tpu.dma_semaphore, #tpu.memory_space<semaphore_mem>>)
    %dma_start3A_88 = arith.constant 3 : i32
    %dma_start3A_89 = arith.constant 0 : i32
    %dma_start3A_90 = tpu.memref_slice %arg7[%dma_start3A_88, %dma_start3A_89] : memref<60x56xi32, #tpu.memory_space<vmem>> -> memref<1x56xi32, #tpu.memory_space<vmem>>
    %dma_start3A_91 = tpu.memref_squeeze %dma_start3A_90 : memref<1x56xi32, #tpu.memory_space<vmem>> -> memref<56xi32, #tpu.memory_space<vmem>>
    %dma_start3A_92 = arith.constant 0 : i32
    %dma_start3A_93 = arith.constant 0 : i32
    %dma_start3A_94 = tpu.memref_slice %arg2[%dma_start3A_92, %dma_start3A_93] : memref<10000x128xf32, #tpu.memory_space<hbm>> -> memref<10000x128xf32, #tpu.memory_space<hbm>>
    tpu.enqueue_indirect_dma source(%dma_start3A_94 : memref<10000x128xf32, #tpu.memory_space<hbm>>) target(%arg12 : memref<56x128xf32, #tpu.memory_space<vmem>>) offsets(%dma_start3A_91 : memref<56xi32, #tpu.memory_space<vmem>>) semaphore(%arg17 : memref<!tpu.dma_semaphore, #tpu.memory_space<semaphore_mem>>)
    %scan3A_95 = arith.constant 0 : i32
    %scan3A_96 = arith.constant 0 : i32
    %scan3A_97 = arith.constant 15 : i32
    %scan3A_98 = arith.addi %scan3A_96, %scan3A_97 : i32
    %scan3A_99 = arith.constant 1 : i32
    scf.for %scan3A_203 = %scan3A_96 to %scan3A_98 step %scan3A_99  : i32 {
      %mul3A_204 = arith.constant 4 : i32
      %mul3A_205 = arith.muli %scan3A_203, %mul3A_204 : i32
      %add3A_206 = arith.constant 0 : i32
      %add3A_207 = arith.addi %mul3A_205, %add3A_206 : i32
      %dma_wait3A_208 = arith.constant 0 : i32
      %dma_wait3A_209 = tpu.memref_slice %arg7[%add3A_207, %dma_wait3A_208] : memref<60x56xi32, #tpu.memory_space<vmem>> -> memref<1x56xi32, #tpu.memory_space<vmem>>
      %dma_wait3A_210 = tpu.memref_squeeze %dma_wait3A_209 : memref<1x56xi32, #tpu.memory_space<vmem>> -> memref<56xi32, #tpu.memory_space<vmem>>
      %dma_wait3A_211 = arith.constant 0 : i32
      %dma_wait3A_212 = arith.constant 0 : i32
      %dma_wait3A_213 = tpu.memref_slice %arg2[%dma_wait3A_211, %dma_wait3A_212] : memref<10000x128xf32, #tpu.memory_space<hbm>> -> memref<10000x128xf32, #tpu.memory_space<hbm>>
      tpu.wait_indirect_dma semaphore(%arg14 : memref<!tpu.dma_semaphore, #tpu.memory_space<semaphore_mem>>) src(%dma_wait3A_213 : memref<10000x128xf32, #tpu.memory_space<hbm>>) dst(%arg9 : memref<56x128xf32, #tpu.memory_space<vmem>>)
      %dma_start3A_214 = arith.constant 0 : i32
      %dma_start3A_215 = tpu.memref_slice %arg8[%add3A_207, %dma_start3A_214] : memref<60x56xi32, #tpu.memory_space<vmem>> -> memref<1x56xi32, #tpu.memory_space<vmem>>
      %dma_start3A_216 = tpu.memref_squeeze %dma_start3A_215 : memref<1x56xi32, #tpu.memory_space<vmem>> -> memref<56xi32, #tpu.memory_space<vmem>>
      %dma_start3A_217 = arith.constant 0 : i32
      %dma_start3A_218 = arith.constant 0 : i32
      %dma_start3A_219 = tpu.memref_slice %arg13[%dma_start3A_217, %dma_start3A_218] : memref<10008x128xf32, #tpu.memory_space<vmem_shared>> -> memref<10008x128xf32, #tpu.memory_space<vmem_shared>>
      tpu.enqueue_indirect_dma source(%arg9 : memref<56x128xf32, #tpu.memory_space<vmem>>) target(%dma_start3A_219 : memref<10008x128xf32, #tpu.memory_space<vmem_shared>>) offsets(%dma_start3A_216 : memref<56xi32, #tpu.memory_space<vmem>>) semaphore(%arg18 : memref<!tpu.dma_semaphore, #tpu.memory_space<semaphore_mem>>) {add = true}
      %add3A_220 = arith.constant 1 : i32
      %add3A_221 = arith.addi %mul3A_205, %add3A_220 : i32
      %dma_wait3A_222 = arith.constant 0 : i32
      %dma_wait3A_223 = tpu.memref_slice %arg7[%add3A_221, %dma_wait3A_222] : memref<60x56xi32, #tpu.memory_space<vmem>> -> memref<1x56xi32, #tpu.memory_space<vmem>>
      %dma_wait3A_224 = tpu.memref_squeeze %dma_wait3A_223 : memref<1x56xi32, #tpu.memory_space<vmem>> -> memref<56xi32, #tpu.memory_space<vmem>>
      %dma_wait3A_225 = arith.constant 0 : i32
      %dma_wait3A_226 = arith.constant 0 : i32
      %dma_wait3A_227 = tpu.memref_slice %arg2[%dma_wait3A_225, %dma_wait3A_226] : memref<10000x128xf32, #tpu.memory_space<hbm>> -> memref<10000x128xf32, #tpu.memory_space<hbm>>
      tpu.wait_indirect_dma semaphore(%arg15 : memref<!tpu.dma_semaphore, #tpu.memory_space<semaphore_mem>>) src(%dma_wait3A_227 : memref<10000x128xf32, #tpu.memory_space<hbm>>) dst(%arg10 : memref<56x128xf32, #tpu.memory_space<vmem>>)
      %dma_start3A_228 = arith.constant 0 : i32
      %dma_start3A_229 = tpu.memref_slice %arg8[%add3A_221, %dma_start3A_228] : memref<60x56xi32, #tpu.memory_space<vmem>> -> memref<1x56xi32, #tpu.memory_space<vmem>>
      %dma_start3A_230 = tpu.memref_squeeze %dma_start3A_229 : memref<1x56xi32, #tpu.memory_space<vmem>> -> memref<56xi32, #tpu.memory_space<vmem>>
      %dma_start3A_231 = arith.constant 0 : i32
      %dma_start3A_232 = arith.constant 0 : i32
      %dma_start3A_233 = tpu.memref_slice %arg13[%dma_start3A_231, %dma_start3A_232] : memref<10008x128xf32, #tpu.memory_space<vmem_shared>> -> memref<10008x128xf32, #tpu.memory_space<vmem_shared>>
      tpu.enqueue_indirect_dma source(%arg10 : memref<56x128xf32, #tpu.memory_space<vmem>>) target(%dma_start3A_233 : memref<10008x128xf32, #tpu.memory_space<vmem_shared>>) offsets(%dma_start3A_230 : memref<56xi32, #tpu.memory_space<vmem>>) semaphore(%arg19 : memref<!tpu.dma_semaphore, #tpu.memory_space<semaphore_mem>>) {add = true}
      %add3A_234 = arith.constant 2 : i32
      %add3A_235 = arith.addi %mul3A_205, %add3A_234 : i32
      %dma_wait3A_236 = arith.constant 0 : i32
      %dma_wait3A_237 = tpu.memref_slice %arg7[%add3A_235, %dma_wait3A_236] : memref<60x56xi32, #tpu.memory_space<vmem>> -> memref<1x56xi32, #tpu.memory_space<vmem>>
      %dma_wait3A_238 = tpu.memref_squeeze %dma_wait3A_237 : memref<1x56xi32, #tpu.memory_space<vmem>> -> memref<56xi32, #tpu.memory_space<vmem>>
      %dma_wait3A_239 = arith.constant 0 : i32
      %dma_wait3A_240 = arith.constant 0 : i32
      %dma_wait3A_241 = tpu.memref_slice %arg2[%dma_wait3A_239, %dma_wait3A_240] : memref<10000x128xf32, #tpu.memory_space<hbm>> -> memref<10000x128xf32, #tpu.memory_space<hbm>>
      tpu.wait_indirect_dma semaphore(%arg16 : memref<!tpu.dma_semaphore, #tpu.memory_space<semaphore_mem>>) src(%dma_wait3A_241 : memref<10000x128xf32, #tpu.memory_space<hbm>>) dst(%arg11 : memref<56x128xf32, #tpu.memory_space<vmem>>)
      %dma_start3A_242 = arith.constant 0 : i32
      %dma_start3A_243 = tpu.memref_slice %arg8[%add3A_235, %dma_start3A_242] : memref<60x56xi32, #tpu.memory_space<vmem>> -> memref<1x56xi32, #tpu.memory_space<vmem>>
      %dma_start3A_244 = tpu.memref_squeeze %dma_start3A_243 : memref<1x56xi32, #tpu.memory_space<vmem>> -> memref<56xi32, #tpu.memory_space<vmem>>
      %dma_start3A_245 = arith.constant 0 : i32
      %dma_start3A_246 = arith.constant 0 : i32
      %dma_start3A_247 = tpu.memref_slice %arg13[%dma_start3A_245, %dma_start3A_246] : memref<10008x128xf32, #tpu.memory_space<vmem_shared>> -> memref<10008x128xf32, #tpu.memory_space<vmem_shared>>
      tpu.enqueue_indirect_dma source(%arg11 : memref<56x128xf32, #tpu.memory_space<vmem>>) target(%dma_start3A_247 : memref<10008x128xf32, #tpu.memory_space<vmem_shared>>) offsets(%dma_start3A_244 : memref<56xi32, #tpu.memory_space<vmem>>) semaphore(%arg20 : memref<!tpu.dma_semaphore, #tpu.memory_space<semaphore_mem>>) {add = true}
      %add3A_248 = arith.constant 3 : i32
      %add3A_249 = arith.addi %mul3A_205, %add3A_248 : i32
      %dma_wait3A_250 = arith.constant 0 : i32
      %dma_wait3A_251 = tpu.memref_slice %arg7[%add3A_249, %dma_wait3A_250] : memref<60x56xi32, #tpu.memory_space<vmem>> -> memref<1x56xi32, #tpu.memory_space<vmem>>
      %dma_wait3A_252 = tpu.memref_squeeze %dma_wait3A_251 : memref<1x56xi32, #tpu.memory_space<vmem>> -> memref<56xi32, #tpu.memory_space<vmem>>
      %dma_wait3A_253 = arith.constant 0 : i32
      %dma_wait3A_254 = arith.constant 0 : i32
      %dma_wait3A_255 = tpu.memref_slice %arg2[%dma_wait3A_253, %dma_wait3A_254] : memref<10000x128xf32, #tpu.memory_space<hbm>> -> memref<10000x128xf32, #tpu.memory_space<hbm>>
      tpu.wait_indirect_dma semaphore(%arg17 : memref<!tpu.dma_semaphore, #tpu.memory_space<semaphore_mem>>) src(%dma_wait3A_255 : memref<10000x128xf32, #tpu.memory_space<hbm>>) dst(%arg12 : memref<56x128xf32, #tpu.memory_space<vmem>>)
      %dma_start3A_256 = arith.constant 0 : i32
      %dma_start3A_257 = tpu.memref_slice %arg8[%add3A_249, %dma_start3A_256] : memref<60x56xi32, #tpu.memory_space<vmem>> -> memref<1x56xi32, #tpu.memory_space<vmem>>
      %dma_start3A_258 = tpu.memref_squeeze %dma_start3A_257 : memref<1x56xi32, #tpu.memory_space<vmem>> -> memref<56xi32, #tpu.memory_space<vmem>>
      %dma_start3A_259 = arith.constant 0 : i32
      %dma_start3A_260 = arith.constant 0 : i32
      %dma_start3A_261 = tpu.memref_slice %arg13[%dma_start3A_259, %dma_start3A_260] : memref<10008x128xf32, #tpu.memory_space<vmem_shared>> -> memref<10008x128xf32, #tpu.memory_space<vmem_shared>>
      tpu.enqueue_indirect_dma source(%arg12 : memref<56x128xf32, #tpu.memory_space<vmem>>) target(%dma_start3A_261 : memref<10008x128xf32, #tpu.memory_space<vmem_shared>>) offsets(%dma_start3A_258 : memref<56xi32, #tpu.memory_space<vmem>>) semaphore(%arg21 : memref<!tpu.dma_semaphore, #tpu.memory_space<semaphore_mem>>) {add = true}
      %lt3A = arith.constant 14 : i32
      %lt3A_262 = arith.cmpi slt, %scan3A_203, %lt3A : i32
      %convert_element_type3A_263 = arith.extui %lt3A_262 : i1 to i32
      %cond3A_264 = arith.constant 0 : i32
      %cond3A_265 = arith.cmpi ne, %convert_element_type3A_263, %cond3A_264 : i32
      scf.if %cond3A_265 {
        %add3A_266 = arith.constant 0 : i32
        %add3A_267 = arith.addi %mul3A_205, %add3A_266 : i32
        %dma_wait3A_268 = arith.constant 0 : i32
        %dma_wait3A_269 = tpu.memref_slice %arg8[%add3A_267, %dma_wait3A_268] : memref<60x56xi32, #tpu.memory_space<vmem>> -> memref<1x56xi32, #tpu.memory_space<vmem>>
        %dma_wait3A_270 = tpu.memref_squeeze %dma_wait3A_269 : memref<1x56xi32, #tpu.memory_space<vmem>> -> memref<56xi32, #tpu.memory_space<vmem>>
        %dma_wait3A_271 = arith.constant 0 : i32
        %dma_wait3A_272 = arith.constant 0 : i32
        %dma_wait3A_273 = tpu.memref_slice %arg13[%dma_wait3A_271, %dma_wait3A_272] : memref<10008x128xf32, #tpu.memory_space<vmem_shared>> -> memref<10008x128xf32, #tpu.memory_space<vmem_shared>>
        tpu.wait_indirect_dma semaphore(%arg18 : memref<!tpu.dma_semaphore, #tpu.memory_space<semaphore_mem>>) src(%arg9 : memref<56x128xf32, #tpu.memory_space<vmem>>) dst(%dma_wait3A_273 : memref<10008x128xf32, #tpu.memory_space<vmem_shared>>)
        %add3A_274 = arith.constant 4 : i32
        %add3A_275 = arith.addi %add3A_267, %add3A_274 : i32
        %dma_start3A_276 = arith.constant 0 : i32
        %dma_start3A_277 = tpu.memref_slice %arg7[%add3A_275, %dma_start3A_276] : memref<60x56xi32, #tpu.memory_space<vmem>> -> memref<1x56xi32, #tpu.memory_space<vmem>>
        %dma_start3A_278 = tpu.memref_squeeze %dma_start3A_277 : memref<1x56xi32, #tpu.memory_space<vmem>> -> memref<56xi32, #tpu.memory_space<vmem>>
        %dma_start3A_279 = arith.constant 0 : i32
        %dma_start3A_280 = arith.constant 0 : i32
        %dma_start3A_281 = tpu.memref_slice %arg2[%dma_start3A_279, %dma_start3A_280] : memref<10000x128xf32, #tpu.memory_space<hbm>> -> memref<10000x128xf32, #tpu.memory_space<hbm>>
        tpu.enqueue_indirect_dma source(%dma_start3A_281 : memref<10000x128xf32, #tpu.memory_space<hbm>>) target(%arg9 : memref<56x128xf32, #tpu.memory_space<vmem>>) offsets(%dma_start3A_278 : memref<56xi32, #tpu.memory_space<vmem>>) semaphore(%arg14 : memref<!tpu.dma_semaphore, #tpu.memory_space<semaphore_mem>>)
        %add3A_282 = arith.constant 1 : i32
        %add3A_283 = arith.addi %mul3A_205, %add3A_282 : i32
        %dma_wait3A_284 = arith.constant 0 : i32
        %dma_wait3A_285 = tpu.memref_slice %arg8[%add3A_283, %dma_wait3A_284] : memref<60x56xi32, #tpu.memory_space<vmem>> -> memref<1x56xi32, #tpu.memory_space<vmem>>
        %dma_wait3A_286 = tpu.memref_squeeze %dma_wait3A_285 : memref<1x56xi32, #tpu.memory_space<vmem>> -> memref<56xi32, #tpu.memory_space<vmem>>
        %dma_wait3A_287 = arith.constant 0 : i32
        %dma_wait3A_288 = arith.constant 0 : i32
        %dma_wait3A_289 = tpu.memref_slice %arg13[%dma_wait3A_287, %dma_wait3A_288] : memref<10008x128xf32, #tpu.memory_space<vmem_shared>> -> memref<10008x128xf32, #tpu.memory_space<vmem_shared>>
        tpu.wait_indirect_dma semaphore(%arg19 : memref<!tpu.dma_semaphore, #tpu.memory_space<semaphore_mem>>) src(%arg10 : memref<56x128xf32, #tpu.memory_space<vmem>>) dst(%dma_wait3A_289 : memref<10008x128xf32, #tpu.memory_space<vmem_shared>>)
        %add3A_290 = arith.constant 4 : i32
        %add3A_291 = arith.addi %add3A_283, %add3A_290 : i32
        %dma_start3A_292 = arith.constant 0 : i32
        %dma_start3A_293 = tpu.memref_slice %arg7[%add3A_291, %dma_start3A_292] : memref<60x56xi32, #tpu.memory_space<vmem>> -> memref<1x56xi32, #tpu.memory_space<vmem>>
        %dma_start3A_294 = tpu.memref_squeeze %dma_start3A_293 : memref<1x56xi32, #tpu.memory_space<vmem>> -> memref<56xi32, #tpu.memory_space<vmem>>
        %dma_start3A_295 = arith.constant 0 : i32
        %dma_start3A_296 = arith.constant 0 : i32
        %dma_start3A_297 = tpu.memref_slice %arg2[%dma_start3A_295, %dma_start3A_296] : memref<10000x128xf32, #tpu.memory_space<hbm>> -> memref<10000x128xf32, #tpu.memory_space<hbm>>
        tpu.enqueue_indirect_dma source(%dma_start3A_297 : memref<10000x128xf32, #tpu.memory_space<hbm>>) target(%arg10 : memref<56x128xf32, #tpu.memory_space<vmem>>) offsets(%dma_start3A_294 : memref<56xi32, #tpu.memory_space<vmem>>) semaphore(%arg15 : memref<!tpu.dma_semaphore, #tpu.memory_space<semaphore_mem>>)
        %add3A_298 = arith.constant 2 : i32
        %add3A_299 = arith.addi %mul3A_205, %add3A_298 : i32
        %dma_wait3A_300 = arith.constant 0 : i32
        %dma_wait3A_301 = tpu.memref_slice %arg8[%add3A_299, %dma_wait3A_300] : memref<60x56xi32, #tpu.memory_space<vmem>> -> memref<1x56xi32, #tpu.memory_space<vmem>>
        %dma_wait3A_302 = tpu.memref_squeeze %dma_wait3A_301 : memref<1x56xi32, #tpu.memory_space<vmem>> -> memref<56xi32, #tpu.memory_space<vmem>>
        %dma_wait3A_303 = arith.constant 0 : i32
        %dma_wait3A_304 = arith.constant 0 : i32
        %dma_wait3A_305 = tpu.memref_slice %arg13[%dma_wait3A_303, %dma_wait3A_304] : memref<10008x128xf32, #tpu.memory_space<vmem_shared>> -> memref<10008x128xf32, #tpu.memory_space<vmem_shared>>
        tpu.wait_indirect_dma semaphore(%arg20 : memref<!tpu.dma_semaphore, #tpu.memory_space<semaphore_mem>>) src(%arg11 : memref<56x128xf32, #tpu.memory_space<vmem>>) dst(%dma_wait3A_305 : memref<10008x128xf32, #tpu.memory_space<vmem_shared>>)
        %add3A_306 = arith.constant 4 : i32
        %add3A_307 = arith.addi %add3A_299, %add3A_306 : i32
        %dma_start3A_308 = arith.constant 0 : i32
        %dma_start3A_309 = tpu.memref_slice %arg7[%add3A_307, %dma_start3A_308] : memref<60x56xi32, #tpu.memory_space<vmem>> -> memref<1x56xi32, #tpu.memory_space<vmem>>
        %dma_start3A_310 = tpu.memref_squeeze %dma_start3A_309 : memref<1x56xi32, #tpu.memory_space<vmem>> -> memref<56xi32, #tpu.memory_space<vmem>>
        %dma_start3A_311 = arith.constant 0 : i32
        %dma_start3A_312 = arith.constant 0 : i32
        %dma_start3A_313 = tpu.memref_slice %arg2[%dma_start3A_311, %dma_start3A_312] : memref<10000x128xf32, #tpu.memory_space<hbm>> -> memref<10000x128xf32, #tpu.memory_space<hbm>>
        tpu.enqueue_indirect_dma source(%dma_start3A_313 : memref<10000x128xf32, #tpu.memory_space<hbm>>) target(%arg11 : memref<56x128xf32, #tpu.memory_space<vmem>>) offsets(%dma_start3A_310 : memref<56xi32, #tpu.memory_space<vmem>>) semaphore(%arg16 : memref<!tpu.dma_semaphore, #tpu.memory_space<semaphore_mem>>)
        %add3A_314 = arith.constant 3 : i32
        %add3A_315 = arith.addi %mul3A_205, %add3A_314 : i32
        %dma_wait3A_316 = arith.constant 0 : i32
        %dma_wait3A_317 = tpu.memref_slice %arg8[%add3A_315, %dma_wait3A_316] : memref<60x56xi32, #tpu.memory_space<vmem>> -> memref<1x56xi32, #tpu.memory_space<vmem>>
        %dma_wait3A_318 = tpu.memref_squeeze %dma_wait3A_317 : memref<1x56xi32, #tpu.memory_space<vmem>> -> memref<56xi32, #tpu.memory_space<vmem>>
        %dma_wait3A_319 = arith.constant 0 : i32
        %dma_wait3A_320 = arith.constant 0 : i32
        %dma_wait3A_321 = tpu.memref_slice %arg13[%dma_wait3A_319, %dma_wait3A_320] : memref<10008x128xf32, #tpu.memory_space<vmem_shared>> -> memref<10008x128xf32, #tpu.memory_space<vmem_shared>>
        tpu.wait_indirect_dma semaphore(%arg21 : memref<!tpu.dma_semaphore, #tpu.memory_space<semaphore_mem>>) src(%arg12 : memref<56x128xf32, #tpu.memory_space<vmem>>) dst(%dma_wait3A_321 : memref<10008x128xf32, #tpu.memory_space<vmem_shared>>)
        %add3A_322 = arith.constant 4 : i32
        %add3A_323 = arith.addi %add3A_315, %add3A_322 : i32
        %dma_start3A_324 = arith.constant 0 : i32
        %dma_start3A_325 = tpu.memref_slice %arg7[%add3A_323, %dma_start3A_324] : memref<60x56xi32, #tpu.memory_space<vmem>> -> memref<1x56xi32, #tpu.memory_space<vmem>>
        %dma_start3A_326 = tpu.memref_squeeze %dma_start3A_325 : memref<1x56xi32, #tpu.memory_space<vmem>> -> memref<56xi32, #tpu.memory_space<vmem>>
        %dma_start3A_327 = arith.constant 0 : i32
        %dma_start3A_328 = arith.constant 0 : i32
        %dma_start3A_329 = tpu.memref_slice %arg2[%dma_start3A_327, %dma_start3A_328] : memref<10000x128xf32, #tpu.memory_space<hbm>> -> memref<10000x128xf32, #tpu.memory_space<hbm>>
        tpu.enqueue_indirect_dma source(%dma_start3A_329 : memref<10000x128xf32, #tpu.memory_space<hbm>>) target(%arg12 : memref<56x128xf32, #tpu.memory_space<vmem>>) offsets(%dma_start3A_326 : memref<56xi32, #tpu.memory_space<vmem>>) semaphore(%arg17 : memref<!tpu.dma_semaphore, #tpu.memory_space<semaphore_mem>>)
      } else {
      }
    }
    %scan3A_100 = arith.constant 15 : i32
    %dma_wait3A_101 = arith.constant 56 : i32
    %dma_wait3A_102 = arith.constant 0 : i32
    %dma_wait3A_103 = tpu.memref_slice %arg8[%dma_wait3A_101, %dma_wait3A_102] : memref<60x56xi32, #tpu.memory_space<vmem>> -> memref<1x56xi32, #tpu.memory_space<vmem>>
    %dma_wait3A_104 = tpu.memref_squeeze %dma_wait3A_103 : memref<1x56xi32, #tpu.memory_space<vmem>> -> memref<56xi32, #tpu.memory_space<vmem>>
    %dma_wait3A_105 = arith.constant 0 : i32
    %dma_wait3A_106 = arith.constant 0 : i32
    %dma_wait3A_107 = tpu.memref_slice %arg13[%dma_wait3A_105, %dma_wait3A_106] : memref<10008x128xf32, #tpu.memory_space<vmem_shared>> -> memref<10008x128xf32, #tpu.memory_space<vmem_shared>>
    tpu.wait_indirect_dma semaphore(%arg18 : memref<!tpu.dma_semaphore, #tpu.memory_space<semaphore_mem>>) src(%arg9 : memref<56x128xf32, #tpu.memory_space<vmem>>) dst(%dma_wait3A_107 : memref<10008x128xf32, #tpu.memory_space<vmem_shared>>)
    %dma_wait3A_108 = arith.constant 57 : i32
    %dma_wait3A_109 = arith.constant 0 : i32
    %dma_wait3A_110 = tpu.memref_slice %arg8[%dma_wait3A_108, %dma_wait3A_109] : memref<60x56xi32, #tpu.memory_space<vmem>> -> memref<1x56xi32, #tpu.memory_space<vmem>>
    %dma_wait3A_111 = tpu.memref_squeeze %dma_wait3A_110 : memref<1x56xi32, #tpu.memory_space<vmem>> -> memref<56xi32, #tpu.memory_space<vmem>>
    %dma_wait3A_112 = arith.constant 0 : i32
    %dma_wait3A_113 = arith.constant 0 : i32
    %dma_wait3A_114 = tpu.memref_slice %arg13[%dma_wait3A_112, %dma_wait3A_113] : memref<10008x128xf32, #tpu.memory_space<vmem_shared>> -> memref<10008x128xf32, #tpu.memory_space<vmem_shared>>
    tpu.wait_indirect_dma semaphore(%arg19 : memref<!tpu.dma_semaphore, #tpu.memory_space<semaphore_mem>>) src(%arg10 : memref<56x128xf32, #tpu.memory_space<vmem>>) dst(%dma_wait3A_114 : memref<10008x128xf32, #tpu.memory_space<vmem_shared>>)
    %dma_wait3A_115 = arith.constant 58 : i32
    %dma_wait3A_116 = arith.constant 0 : i32
    %dma_wait3A_117 = tpu.memref_slice %arg8[%dma_wait3A_115, %dma_wait3A_116] : memref<60x56xi32, #tpu.memory_space<vmem>> -> memref<1x56xi32, #tpu.memory_space<vmem>>
    %dma_wait3A_118 = tpu.memref_squeeze %dma_wait3A_117 : memref<1x56xi32, #tpu.memory_space<vmem>> -> memref<56xi32, #tpu.memory_space<vmem>>
    %dma_wait3A_119 = arith.constant 0 : i32
    %dma_wait3A_120 = arith.constant 0 : i32
    %dma_wait3A_121 = tpu.memref_slice %arg13[%dma_wait3A_119, %dma_wait3A_120] : memref<10008x128xf32, #tpu.memory_space<vmem_shared>> -> memref<10008x128xf32, #tpu.memory_space<vmem_shared>>
    tpu.wait_indirect_dma semaphore(%arg20 : memref<!tpu.dma_semaphore, #tpu.memory_space<semaphore_mem>>) src(%arg11 : memref<56x128xf32, #tpu.memory_space<vmem>>) dst(%dma_wait3A_121 : memref<10008x128xf32, #tpu.memory_space<vmem_shared>>)
    %dma_wait3A_122 = arith.constant 59 : i32
    %dma_wait3A_123 = arith.constant 0 : i32
    %dma_wait3A_124 = tpu.memref_slice %arg8[%dma_wait3A_122, %dma_wait3A_123] : memref<60x56xi32, #tpu.memory_space<vmem>> -> memref<1x56xi32, #tpu.memory_space<vmem>>
    %dma_wait3A_125 = tpu.memref_squeeze %dma_wait3A_124 : memref<1x56xi32, #tpu.memory_space<vmem>> -> memref<56xi32, #tpu.memory_space<vmem>>
    %dma_wait3A_126 = arith.constant 0 : i32
    %dma_wait3A_127 = arith.constant 0 : i32
    %dma_wait3A_128 = tpu.memref_slice %arg13[%dma_wait3A_126, %dma_wait3A_127] : memref<10008x128xf32, #tpu.memory_space<vmem_shared>> -> memref<10008x128xf32, #tpu.memory_space<vmem_shared>>
    tpu.wait_indirect_dma semaphore(%arg21 : memref<!tpu.dma_semaphore, #tpu.memory_space<semaphore_mem>>) src(%arg12 : memref<56x128xf32, #tpu.memory_space<vmem>>) dst(%dma_wait3A_128 : memref<10008x128xf32, #tpu.memory_space<vmem_shared>>)
    %run_scoped3A_129 = arith.constant 2 : i32
    "tpu.region"() ({
      %run_scoped3A_203 = tpu.sem_alloc : memref<!tpu.dma_semaphore, #tpu.memory_space<semaphore_mem>>
      %dma_start3A_204 = arith.constant 0 : i32
      %dma_start3A_205 = arith.constant 0 : i32
      %dma_start3A_206 = tpu.memref_slice %arg3[%add3A, %run_scoped3A_129, %dma_start3A_204, %dma_start3A_205] : memref<32x3x60x56xi32, #tpu.memory_space<hbm>> -> memref<1x1x60x56xi32, #tpu.memory_space<hbm>>
      %dma_start3A_207 = tpu.memref_squeeze %dma_start3A_206 : memref<1x1x60x56xi32, #tpu.memory_space<hbm>> -> memref<60x56xi32, #tpu.memory_space<hbm>>
      %dma_start3A_208 = arith.constant 0 : i32
      %dma_start3A_209 = arith.constant 0 : i32
      %dma_start3A_210 = tpu.memref_slice %arg3[%add3A, %run_scoped3A_129, %dma_start3A_208, %dma_start3A_209] : memref<32x3x60x56xi32, #tpu.memory_space<hbm>> -> memref<1x1x60x56xi32, #tpu.memory_space<hbm>>
      %dma_start3A_211 = tpu.memref_squeeze %dma_start3A_210 : memref<1x1x60x56xi32, #tpu.memory_space<hbm>> -> memref<60x56xi32, #tpu.memory_space<hbm>>
      tpu.enqueue_dma source(%dma_start3A_211 : memref<60x56xi32, #tpu.memory_space<hbm>>) target(%arg7 : memref<60x56xi32, #tpu.memory_space<vmem>>) target_semaphore(%run_scoped3A_203 : memref<!tpu.dma_semaphore, #tpu.memory_space<semaphore_mem>>)
      %dma_wait3A_212 = arith.constant 0 : i32
      %dma_wait3A_213 = arith.constant 0 : i32
      %dma_wait3A_214 = tpu.memref_slice %arg3[%add3A, %run_scoped3A_129, %dma_wait3A_212, %dma_wait3A_213] : memref<32x3x60x56xi32, #tpu.memory_space<hbm>> -> memref<1x1x60x56xi32, #tpu.memory_space<hbm>>
      %dma_wait3A_215 = tpu.memref_squeeze %dma_wait3A_214 : memref<1x1x60x56xi32, #tpu.memory_space<hbm>> -> memref<60x56xi32, #tpu.memory_space<hbm>>
      %dma_wait3A_216 = arith.constant 0 : i32
      %dma_wait3A_217 = arith.constant 0 : i32
      %dma_wait3A_218 = tpu.memref_slice %arg3[%add3A, %run_scoped3A_129, %dma_wait3A_216, %dma_wait3A_217] : memref<32x3x60x56xi32, #tpu.memory_space<hbm>> -> memref<1x1x60x56xi32, #tpu.memory_space<hbm>>
      %dma_wait3A_219 = tpu.memref_squeeze %dma_wait3A_218 : memref<1x1x60x56xi32, #tpu.memory_space<hbm>> -> memref<60x56xi32, #tpu.memory_space<hbm>>
      tpu.wait_dma2 semaphore(%run_scoped3A_203 : memref<!tpu.dma_semaphore, #tpu.memory_space<semaphore_mem>>) src(%dma_wait3A_219 : memref<60x56xi32, #tpu.memory_space<hbm>>) dst(%arg7 : memref<60x56xi32, #tpu.memory_space<vmem>>)
      tpu.yield
    }) : () -> ()
    %run_scoped3A_130 = arith.constant 2 : i32
    "tpu.region"() ({
      %run_scoped3A_203 = tpu.sem_alloc : memref<!tpu.dma_semaphore, #tpu.memory_space<semaphore_mem>>
      %dma_start3A_204 = arith.constant 0 : i32
      %dma_start3A_205 = arith.constant 0 : i32
      %dma_start3A_206 = tpu.memref_slice %arg4[%add3A, %run_scoped3A_130, %dma_start3A_204, %dma_start3A_205] : memref<32x3x60x56xi32, #tpu.memory_space<hbm>> -> memref<1x1x60x56xi32, #tpu.memory_space<hbm>>
      %dma_start3A_207 = tpu.memref_squeeze %dma_start3A_206 : memref<1x1x60x56xi32, #tpu.memory_space<hbm>> -> memref<60x56xi32, #tpu.memory_space<hbm>>
      %dma_start3A_208 = arith.constant 0 : i32
      %dma_start3A_209 = arith.constant 0 : i32
      %dma_start3A_210 = tpu.memref_slice %arg4[%add3A, %run_scoped3A_130, %dma_start3A_208, %dma_start3A_209] : memref<32x3x60x56xi32, #tpu.memory_space<hbm>> -> memref<1x1x60x56xi32, #tpu.memory_space<hbm>>
      %dma_start3A_211 = tpu.memref_squeeze %dma_start3A_210 : memref<1x1x60x56xi32, #tpu.memory_space<hbm>> -> memref<60x56xi32, #tpu.memory_space<hbm>>
      tpu.enqueue_dma source(%dma_start3A_211 : memref<60x56xi32, #tpu.memory_space<hbm>>) target(%arg8 : memref<60x56xi32, #tpu.memory_space<vmem>>) target_semaphore(%run_scoped3A_203 : memref<!tpu.dma_semaphore, #tpu.memory_space<semaphore_mem>>)
      %dma_wait3A_212 = arith.constant 0 : i32
      %dma_wait3A_213 = arith.constant 0 : i32
      %dma_wait3A_214 = tpu.memref_slice %arg4[%add3A, %run_scoped3A_130, %dma_wait3A_212, %dma_wait3A_213] : memref<32x3x60x56xi32, #tpu.memory_space<hbm>> -> memref<1x1x60x56xi32, #tpu.memory_space<hbm>>
      %dma_wait3A_215 = tpu.memref_squeeze %dma_wait3A_214 : memref<1x1x60x56xi32, #tpu.memory_space<hbm>> -> memref<60x56xi32, #tpu.memory_space<hbm>>
      %dma_wait3A_216 = arith.constant 0 : i32
      %dma_wait3A_217 = arith.constant 0 : i32
      %dma_wait3A_218 = tpu.memref_slice %arg4[%add3A, %run_scoped3A_130, %dma_wait3A_216, %dma_wait3A_217] : memref<32x3x60x56xi32, #tpu.memory_space<hbm>> -> memref<1x1x60x56xi32, #tpu.memory_space<hbm>>
      %dma_wait3A_219 = tpu.memref_squeeze %dma_wait3A_218 : memref<1x1x60x56xi32, #tpu.memory_space<hbm>> -> memref<60x56xi32, #tpu.memory_space<hbm>>
      tpu.wait_dma2 semaphore(%run_scoped3A_203 : memref<!tpu.dma_semaphore, #tpu.memory_space<semaphore_mem>>) src(%dma_wait3A_219 : memref<60x56xi32, #tpu.memory_space<hbm>>) dst(%arg8 : memref<60x56xi32, #tpu.memory_space<vmem>>)
      tpu.yield
    }) : () -> ()
    %dma_start3A_131 = arith.constant 0 : i32
    %dma_start3A_132 = arith.constant 0 : i32
    %dma_start3A_133 = tpu.memref_slice %arg7[%dma_start3A_131, %dma_start3A_132] : memref<60x56xi32, #tpu.memory_space<vmem>> -> memref<1x56xi32, #tpu.memory_space<vmem>>
    %dma_start3A_134 = tpu.memref_squeeze %dma_start3A_133 : memref<1x56xi32, #tpu.memory_space<vmem>> -> memref<56xi32, #tpu.memory_space<vmem>>
    %dma_start3A_135 = arith.constant 0 : i32
    %dma_start3A_136 = arith.constant 0 : i32
    %dma_start3A_137 = tpu.memref_slice %arg2[%dma_start3A_135, %dma_start3A_136] : memref<10000x128xf32, #tpu.memory_space<hbm>> -> memref<10000x128xf32, #tpu.memory_space<hbm>>
    tpu.enqueue_indirect_dma source(%dma_start3A_137 : memref<10000x128xf32, #tpu.memory_space<hbm>>) target(%arg9 : memref<56x128xf32, #tpu.memory_space<vmem>>) offsets(%dma_start3A_134 : memref<56xi32, #tpu.memory_space<vmem>>) semaphore(%arg14 : memref<!tpu.dma_semaphore, #tpu.memory_space<semaphore_mem>>)
    %dma_start3A_138 = arith.constant 1 : i32
    %dma_start3A_139 = arith.constant 0 : i32
    %dma_start3A_140 = tpu.memref_slice %arg7[%dma_start3A_138, %dma_start3A_139] : memref<60x56xi32, #tpu.memory_space<vmem>> -> memref<1x56xi32, #tpu.memory_space<vmem>>
    %dma_start3A_141 = tpu.memref_squeeze %dma_start3A_140 : memref<1x56xi32, #tpu.memory_space<vmem>> -> memref<56xi32, #tpu.memory_space<vmem>>
    %dma_start3A_142 = arith.constant 0 : i32
    %dma_start3A_143 = arith.constant 0 : i32
    %dma_start3A_144 = tpu.memref_slice %arg2[%dma_start3A_142, %dma_start3A_143] : memref<10000x128xf32, #tpu.memory_space<hbm>> -> memref<10000x128xf32, #tpu.memory_space<hbm>>
    tpu.enqueue_indirect_dma source(%dma_start3A_144 : memref<10000x128xf32, #tpu.memory_space<hbm>>) target(%arg10 : memref<56x128xf32, #tpu.memory_space<vmem>>) offsets(%dma_start3A_141 : memref<56xi32, #tpu.memory_space<vmem>>) semaphore(%arg15 : memref<!tpu.dma_semaphore, #tpu.memory_space<semaphore_mem>>)
    %dma_start3A_145 = arith.constant 2 : i32
    %dma_start3A_146 = arith.constant 0 : i32
    %dma_start3A_147 = tpu.memref_slice %arg7[%dma_start3A_145, %dma_start3A_146] : memref<60x56xi32, #tpu.memory_space<vmem>> -> memref<1x56xi32, #tpu.memory_space<vmem>>
    %dma_start3A_148 = tpu.memref_squeeze %dma_start3A_147 : memref<1x56xi32, #tpu.memory_space<vmem>> -> memref<56xi32, #tpu.memory_space<vmem>>
    %dma_start3A_149 = arith.constant 0 : i32
    %dma_start3A_150 = arith.constant 0 : i32
    %dma_start3A_151 = tpu.memref_slice %arg2[%dma_start3A_149, %dma_start3A_150] : memref<10000x128xf32, #tpu.memory_space<hbm>> -> memref<10000x128xf32, #tpu.memory_space<hbm>>
    tpu.enqueue_indirect_dma source(%dma_start3A_151 : memref<10000x128xf32, #tpu.memory_space<hbm>>) target(%arg11 : memref<56x128xf32, #tpu.memory_space<vmem>>) offsets(%dma_start3A_148 : memref<56xi32, #tpu.memory_space<vmem>>) semaphore(%arg16 : memref<!tpu.dma_semaphore, #tpu.memory_space<semaphore_mem>>)
    %dma_start3A_152 = arith.constant 3 : i32
    %dma_start3A_153 = arith.constant 0 : i32
    %dma_start3A_154 = tpu.memref_slice %arg7[%dma_start3A_152, %dma_start3A_153] : memref<60x56xi32, #tpu.memory_space<vmem>> -> memref<1x56xi32, #tpu.memory_space<vmem>>
    %dma_start3A_155 = tpu.memref_squeeze %dma_start3A_154 : memref<1x56xi32, #tpu.memory_space<vmem>> -> memref<56xi32, #tpu.memory_space<vmem>>
    %dma_start3A_156 = arith.constant 0 : i32
    %dma_start3A_157 = arith.constant 0 : i32
    %dma_start3A_158 = tpu.memref_slice %arg2[%dma_start3A_156, %dma_start3A_157] : memref<10000x128xf32, #tpu.memory_space<hbm>> -> memref<10000x128xf32, #tpu.memory_space<hbm>>
    tpu.enqueue_indirect_dma source(%dma_start3A_158 : memref<10000x128xf32, #tpu.memory_space<hbm>>) target(%arg12 : memref<56x128xf32, #tpu.memory_space<vmem>>) offsets(%dma_start3A_155 : memref<56xi32, #tpu.memory_space<vmem>>) semaphore(%arg17 : memref<!tpu.dma_semaphore, #tpu.memory_space<semaphore_mem>>)
    %scan3A_159 = arith.constant 0 : i32
    %scan3A_160 = arith.constant 0 : i32
    %scan3A_161 = arith.constant 15 : i32
    %scan3A_162 = arith.addi %scan3A_160, %scan3A_161 : i32
    %scan3A_163 = arith.constant 1 : i32
    scf.for %scan3A_203 = %scan3A_160 to %scan3A_162 step %scan3A_163  : i32 {
      %mul3A_204 = arith.constant 4 : i32
      %mul3A_205 = arith.muli %scan3A_203, %mul3A_204 : i32
      %add3A_206 = arith.constant 0 : i32
      %add3A_207 = arith.addi %mul3A_205, %add3A_206 : i32
      %dma_wait3A_208 = arith.constant 0 : i32
      %dma_wait3A_209 = tpu.memref_slice %arg7[%add3A_207, %dma_wait3A_208] : memref<60x56xi32, #tpu.memory_space<vmem>> -> memref<1x56xi32, #tpu.memory_space<vmem>>
      %dma_wait3A_210 = tpu.memref_squeeze %dma_wait3A_209 : memref<1x56xi32, #tpu.memory_space<vmem>> -> memref<56xi32, #tpu.memory_space<vmem>>
      %dma_wait3A_211 = arith.constant 0 : i32
      %dma_wait3A_212 = arith.constant 0 : i32
      %dma_wait3A_213 = tpu.memref_slice %arg2[%dma_wait3A_211, %dma_wait3A_212] : memref<10000x128xf32, #tpu.memory_space<hbm>> -> memref<10000x128xf32, #tpu.memory_space<hbm>>
      tpu.wait_indirect_dma semaphore(%arg14 : memref<!tpu.dma_semaphore, #tpu.memory_space<semaphore_mem>>) src(%dma_wait3A_213 : memref<10000x128xf32, #tpu.memory_space<hbm>>) dst(%arg9 : memref<56x128xf32, #tpu.memory_space<vmem>>)
      %dma_start3A_214 = arith.constant 0 : i32
      %dma_start3A_215 = tpu.memref_slice %arg8[%add3A_207, %dma_start3A_214] : memref<60x56xi32, #tpu.memory_space<vmem>> -> memref<1x56xi32, #tpu.memory_space<vmem>>
      %dma_start3A_216 = tpu.memref_squeeze %dma_start3A_215 : memref<1x56xi32, #tpu.memory_space<vmem>> -> memref<56xi32, #tpu.memory_space<vmem>>
      %dma_start3A_217 = arith.constant 0 : i32
      %dma_start3A_218 = arith.constant 0 : i32
      %dma_start3A_219 = tpu.memref_slice %arg13[%dma_start3A_217, %dma_start3A_218] : memref<10008x128xf32, #tpu.memory_space<vmem_shared>> -> memref<10008x128xf32, #tpu.memory_space<vmem_shared>>
      tpu.enqueue_indirect_dma source(%arg9 : memref<56x128xf32, #tpu.memory_space<vmem>>) target(%dma_start3A_219 : memref<10008x128xf32, #tpu.memory_space<vmem_shared>>) offsets(%dma_start3A_216 : memref<56xi32, #tpu.memory_space<vmem>>) semaphore(%arg18 : memref<!tpu.dma_semaphore, #tpu.memory_space<semaphore_mem>>) {add = true}
      %add3A_220 = arith.constant 1 : i32
      %add3A_221 = arith.addi %mul3A_205, %add3A_220 : i32
      %dma_wait3A_222 = arith.constant 0 : i32
      %dma_wait3A_223 = tpu.memref_slice %arg7[%add3A_221, %dma_wait3A_222] : memref<60x56xi32, #tpu.memory_space<vmem>> -> memref<1x56xi32, #tpu.memory_space<vmem>>
      %dma_wait3A_224 = tpu.memref_squeeze %dma_wait3A_223 : memref<1x56xi32, #tpu.memory_space<vmem>> -> memref<56xi32, #tpu.memory_space<vmem>>
      %dma_wait3A_225 = arith.constant 0 : i32
      %dma_wait3A_226 = arith.constant 0 : i32
      %dma_wait3A_227 = tpu.memref_slice %arg2[%dma_wait3A_225, %dma_wait3A_226] : memref<10000x128xf32, #tpu.memory_space<hbm>> -> memref<10000x128xf32, #tpu.memory_space<hbm>>
      tpu.wait_indirect_dma semaphore(%arg15 : memref<!tpu.dma_semaphore, #tpu.memory_space<semaphore_mem>>) src(%dma_wait3A_227 : memref<10000x128xf32, #tpu.memory_space<hbm>>) dst(%arg10 : memref<56x128xf32, #tpu.memory_space<vmem>>)
      %dma_start3A_228 = arith.constant 0 : i32
      %dma_start3A_229 = tpu.memref_slice %arg8[%add3A_221, %dma_start3A_228] : memref<60x56xi32, #tpu.memory_space<vmem>> -> memref<1x56xi32, #tpu.memory_space<vmem>>
      %dma_start3A_230 = tpu.memref_squeeze %dma_start3A_229 : memref<1x56xi32, #tpu.memory_space<vmem>> -> memref<56xi32, #tpu.memory_space<vmem>>
      %dma_start3A_231 = arith.constant 0 : i32
      %dma_start3A_232 = arith.constant 0 : i32
      %dma_start3A_233 = tpu.memref_slice %arg13[%dma_start3A_231, %dma_start3A_232] : memref<10008x128xf32, #tpu.memory_space<vmem_shared>> -> memref<10008x128xf32, #tpu.memory_space<vmem_shared>>
      tpu.enqueue_indirect_dma source(%arg10 : memref<56x128xf32, #tpu.memory_space<vmem>>) target(%dma_start3A_233 : memref<10008x128xf32, #tpu.memory_space<vmem_shared>>) offsets(%dma_start3A_230 : memref<56xi32, #tpu.memory_space<vmem>>) semaphore(%arg19 : memref<!tpu.dma_semaphore, #tpu.memory_space<semaphore_mem>>) {add = true}
      %add3A_234 = arith.constant 2 : i32
      %add3A_235 = arith.addi %mul3A_205, %add3A_234 : i32
      %dma_wait3A_236 = arith.constant 0 : i32
      %dma_wait3A_237 = tpu.memref_slice %arg7[%add3A_235, %dma_wait3A_236] : memref<60x56xi32, #tpu.memory_space<vmem>> -> memref<1x56xi32, #tpu.memory_space<vmem>>
      %dma_wait3A_238 = tpu.memref_squeeze %dma_wait3A_237 : memref<1x56xi32, #tpu.memory_space<vmem>> -> memref<56xi32, #tpu.memory_space<vmem>>
      %dma_wait3A_239 = arith.constant 0 : i32
      %dma_wait3A_240 = arith.constant 0 : i32
      %dma_wait3A_241 = tpu.memref_slice %arg2[%dma_wait3A_239, %dma_wait3A_240] : memref<10000x128xf32, #tpu.memory_space<hbm>> -> memref<10000x128xf32, #tpu.memory_space<hbm>>
      tpu.wait_indirect_dma semaphore(%arg16 : memref<!tpu.dma_semaphore, #tpu.memory_space<semaphore_mem>>) src(%dma_wait3A_241 : memref<10000x128xf32, #tpu.memory_space<hbm>>) dst(%arg11 : memref<56x128xf32, #tpu.memory_space<vmem>>)
      %dma_start3A_242 = arith.constant 0 : i32
      %dma_start3A_243 = tpu.memref_slice %arg8[%add3A_235, %dma_start3A_242] : memref<60x56xi32, #tpu.memory_space<vmem>> -> memref<1x56xi32, #tpu.memory_space<vmem>>
      %dma_start3A_244 = tpu.memref_squeeze %dma_start3A_243 : memref<1x56xi32, #tpu.memory_space<vmem>> -> memref<56xi32, #tpu.memory_space<vmem>>
      %dma_start3A_245 = arith.constant 0 : i32
      %dma_start3A_246 = arith.constant 0 : i32
      %dma_start3A_247 = tpu.memref_slice %arg13[%dma_start3A_245, %dma_start3A_246] : memref<10008x128xf32, #tpu.memory_space<vmem_shared>> -> memref<10008x128xf32, #tpu.memory_space<vmem_shared>>
      tpu.enqueue_indirect_dma source(%arg11 : memref<56x128xf32, #tpu.memory_space<vmem>>) target(%dma_start3A_247 : memref<10008x128xf32, #tpu.memory_space<vmem_shared>>) offsets(%dma_start3A_244 : memref<56xi32, #tpu.memory_space<vmem>>) semaphore(%arg20 : memref<!tpu.dma_semaphore, #tpu.memory_space<semaphore_mem>>) {add = true}
      %add3A_248 = arith.constant 3 : i32
      %add3A_249 = arith.addi %mul3A_205, %add3A_248 : i32
      %dma_wait3A_250 = arith.constant 0 : i32
      %dma_wait3A_251 = tpu.memref_slice %arg7[%add3A_249, %dma_wait3A_250] : memref<60x56xi32, #tpu.memory_space<vmem>> -> memref<1x56xi32, #tpu.memory_space<vmem>>
      %dma_wait3A_252 = tpu.memref_squeeze %dma_wait3A_251 : memref<1x56xi32, #tpu.memory_space<vmem>> -> memref<56xi32, #tpu.memory_space<vmem>>
      %dma_wait3A_253 = arith.constant 0 : i32
      %dma_wait3A_254 = arith.constant 0 : i32
      %dma_wait3A_255 = tpu.memref_slice %arg2[%dma_wait3A_253, %dma_wait3A_254] : memref<10000x128xf32, #tpu.memory_space<hbm>> -> memref<10000x128xf32, #tpu.memory_space<hbm>>
      tpu.wait_indirect_dma semaphore(%arg17 : memref<!tpu.dma_semaphore, #tpu.memory_space<semaphore_mem>>) src(%dma_wait3A_255 : memref<10000x128xf32, #tpu.memory_space<hbm>>) dst(%arg12 : memref<56x128xf32, #tpu.memory_space<vmem>>)
      %dma_start3A_256 = arith.constant 0 : i32
      %dma_start3A_257 = tpu.memref_slice %arg8[%add3A_249, %dma_start3A_256] : memref<60x56xi32, #tpu.memory_space<vmem>> -> memref<1x56xi32, #tpu.memory_space<vmem>>
      %dma_start3A_258 = tpu.memref_squeeze %dma_start3A_257 : memref<1x56xi32, #tpu.memory_space<vmem>> -> memref<56xi32, #tpu.memory_space<vmem>>
      %dma_start3A_259 = arith.constant 0 : i32
      %dma_start3A_260 = arith.constant 0 : i32
      %dma_start3A_261 = tpu.memref_slice %arg13[%dma_start3A_259, %dma_start3A_260] : memref<10008x128xf32, #tpu.memory_space<vmem_shared>> -> memref<10008x128xf32, #tpu.memory_space<vmem_shared>>
      tpu.enqueue_indirect_dma source(%arg12 : memref<56x128xf32, #tpu.memory_space<vmem>>) target(%dma_start3A_261 : memref<10008x128xf32, #tpu.memory_space<vmem_shared>>) offsets(%dma_start3A_258 : memref<56xi32, #tpu.memory_space<vmem>>) semaphore(%arg21 : memref<!tpu.dma_semaphore, #tpu.memory_space<semaphore_mem>>) {add = true}
      %lt3A = arith.constant 14 : i32
      %lt3A_262 = arith.cmpi slt, %scan3A_203, %lt3A : i32
      %convert_element_type3A_263 = arith.extui %lt3A_262 : i1 to i32
      %cond3A_264 = arith.constant 0 : i32
      %cond3A_265 = arith.cmpi ne, %convert_element_type3A_263, %cond3A_264 : i32
      scf.if %cond3A_265 {
        %add3A_266 = arith.constant 0 : i32
        %add3A_267 = arith.addi %mul3A_205, %add3A_266 : i32
        %dma_wait3A_268 = arith.constant 0 : i32
        %dma_wait3A_269 = tpu.memref_slice %arg8[%add3A_267, %dma_wait3A_268] : memref<60x56xi32, #tpu.memory_space<vmem>> -> memref<1x56xi32, #tpu.memory_space<vmem>>
        %dma_wait3A_270 = tpu.memref_squeeze %dma_wait3A_269 : memref<1x56xi32, #tpu.memory_space<vmem>> -> memref<56xi32, #tpu.memory_space<vmem>>
        %dma_wait3A_271 = arith.constant 0 : i32
        %dma_wait3A_272 = arith.constant 0 : i32
        %dma_wait3A_273 = tpu.memref_slice %arg13[%dma_wait3A_271, %dma_wait3A_272] : memref<10008x128xf32, #tpu.memory_space<vmem_shared>> -> memref<10008x128xf32, #tpu.memory_space<vmem_shared>>
        tpu.wait_indirect_dma semaphore(%arg18 : memref<!tpu.dma_semaphore, #tpu.memory_space<semaphore_mem>>) src(%arg9 : memref<56x128xf32, #tpu.memory_space<vmem>>) dst(%dma_wait3A_273 : memref<10008x128xf32, #tpu.memory_space<vmem_shared>>)
        %add3A_274 = arith.constant 4 : i32
        %add3A_275 = arith.addi %add3A_267, %add3A_274 : i32
        %dma_start3A_276 = arith.constant 0 : i32
        %dma_start3A_277 = tpu.memref_slice %arg7[%add3A_275, %dma_start3A_276] : memref<60x56xi32, #tpu.memory_space<vmem>> -> memref<1x56xi32, #tpu.memory_space<vmem>>
        %dma_start3A_278 = tpu.memref_squeeze %dma_start3A_277 : memref<1x56xi32, #tpu.memory_space<vmem>> -> memref<56xi32, #tpu.memory_space<vmem>>
        %dma_start3A_279 = arith.constant 0 : i32
        %dma_start3A_280 = arith.constant 0 : i32
        %dma_start3A_281 = tpu.memref_slice %arg2[%dma_start3A_279, %dma_start3A_280] : memref<10000x128xf32, #tpu.memory_space<hbm>> -> memref<10000x128xf32, #tpu.memory_space<hbm>>
        tpu.enqueue_indirect_dma source(%dma_start3A_281 : memref<10000x128xf32, #tpu.memory_space<hbm>>) target(%arg9 : memref<56x128xf32, #tpu.memory_space<vmem>>) offsets(%dma_start3A_278 : memref<56xi32, #tpu.memory_space<vmem>>) semaphore(%arg14 : memref<!tpu.dma_semaphore, #tpu.memory_space<semaphore_mem>>)
        %add3A_282 = arith.constant 1 : i32
        %add3A_283 = arith.addi %mul3A_205, %add3A_282 : i32
        %dma_wait3A_284 = arith.constant 0 : i32
        %dma_wait3A_285 = tpu.memref_slice %arg8[%add3A_283, %dma_wait3A_284] : memref<60x56xi32, #tpu.memory_space<vmem>> -> memref<1x56xi32, #tpu.memory_space<vmem>>
        %dma_wait3A_286 = tpu.memref_squeeze %dma_wait3A_285 : memref<1x56xi32, #tpu.memory_space<vmem>> -> memref<56xi32, #tpu.memory_space<vmem>>
        %dma_wait3A_287 = arith.constant 0 : i32
        %dma_wait3A_288 = arith.constant 0 : i32
        %dma_wait3A_289 = tpu.memref_slice %arg13[%dma_wait3A_287, %dma_wait3A_288] : memref<10008x128xf32, #tpu.memory_space<vmem_shared>> -> memref<10008x128xf32, #tpu.memory_space<vmem_shared>>
        tpu.wait_indirect_dma semaphore(%arg19 : memref<!tpu.dma_semaphore, #tpu.memory_space<semaphore_mem>>) src(%arg10 : memref<56x128xf32, #tpu.memory_space<vmem>>) dst(%dma_wait3A_289 : memref<10008x128xf32, #tpu.memory_space<vmem_shared>>)
        %add3A_290 = arith.constant 4 : i32
        %add3A_291 = arith.addi %add3A_283, %add3A_290 : i32
        %dma_start3A_292 = arith.constant 0 : i32
        %dma_start3A_293 = tpu.memref_slice %arg7[%add3A_291, %dma_start3A_292] : memref<60x56xi32, #tpu.memory_space<vmem>> -> memref<1x56xi32, #tpu.memory_space<vmem>>
        %dma_start3A_294 = tpu.memref_squeeze %dma_start3A_293 : memref<1x56xi32, #tpu.memory_space<vmem>> -> memref<56xi32, #tpu.memory_space<vmem>>
        %dma_start3A_295 = arith.constant 0 : i32
        %dma_start3A_296 = arith.constant 0 : i32
        %dma_start3A_297 = tpu.memref_slice %arg2[%dma_start3A_295, %dma_start3A_296] : memref<10000x128xf32, #tpu.memory_space<hbm>> -> memref<10000x128xf32, #tpu.memory_space<hbm>>
        tpu.enqueue_indirect_dma source(%dma_start3A_297 : memref<10000x128xf32, #tpu.memory_space<hbm>>) target(%arg10 : memref<56x128xf32, #tpu.memory_space<vmem>>) offsets(%dma_start3A_294 : memref<56xi32, #tpu.memory_space<vmem>>) semaphore(%arg15 : memref<!tpu.dma_semaphore, #tpu.memory_space<semaphore_mem>>)
        %add3A_298 = arith.constant 2 : i32
        %add3A_299 = arith.addi %mul3A_205, %add3A_298 : i32
        %dma_wait3A_300 = arith.constant 0 : i32
        %dma_wait3A_301 = tpu.memref_slice %arg8[%add3A_299, %dma_wait3A_300] : memref<60x56xi32, #tpu.memory_space<vmem>> -> memref<1x56xi32, #tpu.memory_space<vmem>>
        %dma_wait3A_302 = tpu.memref_squeeze %dma_wait3A_301 : memref<1x56xi32, #tpu.memory_space<vmem>> -> memref<56xi32, #tpu.memory_space<vmem>>
        %dma_wait3A_303 = arith.constant 0 : i32
        %dma_wait3A_304 = arith.constant 0 : i32
        %dma_wait3A_305 = tpu.memref_slice %arg13[%dma_wait3A_303, %dma_wait3A_304] : memref<10008x128xf32, #tpu.memory_space<vmem_shared>> -> memref<10008x128xf32, #tpu.memory_space<vmem_shared>>
        tpu.wait_indirect_dma semaphore(%arg20 : memref<!tpu.dma_semaphore, #tpu.memory_space<semaphore_mem>>) src(%arg11 : memref<56x128xf32, #tpu.memory_space<vmem>>) dst(%dma_wait3A_305 : memref<10008x128xf32, #tpu.memory_space<vmem_shared>>)
        %add3A_306 = arith.constant 4 : i32
        %add3A_307 = arith.addi %add3A_299, %add3A_306 : i32
        %dma_start3A_308 = arith.constant 0 : i32
        %dma_start3A_309 = tpu.memref_slice %arg7[%add3A_307, %dma_start3A_308] : memref<60x56xi32, #tpu.memory_space<vmem>> -> memref<1x56xi32, #tpu.memory_space<vmem>>
        %dma_start3A_310 = tpu.memref_squeeze %dma_start3A_309 : memref<1x56xi32, #tpu.memory_space<vmem>> -> memref<56xi32, #tpu.memory_space<vmem>>
        %dma_start3A_311 = arith.constant 0 : i32
        %dma_start3A_312 = arith.constant 0 : i32
        %dma_start3A_313 = tpu.memref_slice %arg2[%dma_start3A_311, %dma_start3A_312] : memref<10000x128xf32, #tpu.memory_space<hbm>> -> memref<10000x128xf32, #tpu.memory_space<hbm>>
        tpu.enqueue_indirect_dma source(%dma_start3A_313 : memref<10000x128xf32, #tpu.memory_space<hbm>>) target(%arg11 : memref<56x128xf32, #tpu.memory_space<vmem>>) offsets(%dma_start3A_310 : memref<56xi32, #tpu.memory_space<vmem>>) semaphore(%arg16 : memref<!tpu.dma_semaphore, #tpu.memory_space<semaphore_mem>>)
        %add3A_314 = arith.constant 3 : i32
        %add3A_315 = arith.addi %mul3A_205, %add3A_314 : i32
        %dma_wait3A_316 = arith.constant 0 : i32
        %dma_wait3A_317 = tpu.memref_slice %arg8[%add3A_315, %dma_wait3A_316] : memref<60x56xi32, #tpu.memory_space<vmem>> -> memref<1x56xi32, #tpu.memory_space<vmem>>
        %dma_wait3A_318 = tpu.memref_squeeze %dma_wait3A_317 : memref<1x56xi32, #tpu.memory_space<vmem>> -> memref<56xi32, #tpu.memory_space<vmem>>
        %dma_wait3A_319 = arith.constant 0 : i32
        %dma_wait3A_320 = arith.constant 0 : i32
        %dma_wait3A_321 = tpu.memref_slice %arg13[%dma_wait3A_319, %dma_wait3A_320] : memref<10008x128xf32, #tpu.memory_space<vmem_shared>> -> memref<10008x128xf32, #tpu.memory_space<vmem_shared>>
        tpu.wait_indirect_dma semaphore(%arg21 : memref<!tpu.dma_semaphore, #tpu.memory_space<semaphore_mem>>) src(%arg12 : memref<56x128xf32, #tpu.memory_space<vmem>>) dst(%dma_wait3A_321 : memref<10008x128xf32, #tpu.memory_space<vmem_shared>>)
        %add3A_322 = arith.constant 4 : i32
        %add3A_323 = arith.addi %add3A_315, %add3A_322 : i32
        %dma_start3A_324 = arith.constant 0 : i32
        %dma_start3A_325 = tpu.memref_slice %arg7[%add3A_323, %dma_start3A_324] : memref<60x56xi32, #tpu.memory_space<vmem>> -> memref<1x56xi32, #tpu.memory_space<vmem>>
        %dma_start3A_326 = tpu.memref_squeeze %dma_start3A_325 : memref<1x56xi32, #tpu.memory_space<vmem>> -> memref<56xi32, #tpu.memory_space<vmem>>
        %dma_start3A_327 = arith.constant 0 : i32
        %dma_start3A_328 = arith.constant 0 : i32
        %dma_start3A_329 = tpu.memref_slice %arg2[%dma_start3A_327, %dma_start3A_328] : memref<10000x128xf32, #tpu.memory_space<hbm>> -> memref<10000x128xf32, #tpu.memory_space<hbm>>
        tpu.enqueue_indirect_dma source(%dma_start3A_329 : memref<10000x128xf32, #tpu.memory_space<hbm>>) target(%arg12 : memref<56x128xf32, #tpu.memory_space<vmem>>) offsets(%dma_start3A_326 : memref<56xi32, #tpu.memory_space<vmem>>) semaphore(%arg17 : memref<!tpu.dma_semaphore, #tpu.memory_space<semaphore_mem>>)
      } else {
      }
    }
    %scan3A_164 = arith.constant 15 : i32
    %dma_wait3A_165 = arith.constant 56 : i32
    %dma_wait3A_166 = arith.constant 0 : i32
    %dma_wait3A_167 = tpu.memref_slice %arg8[%dma_wait3A_165, %dma_wait3A_166] : memref<60x56xi32, #tpu.memory_space<vmem>> -> memref<1x56xi32, #tpu.memory_space<vmem>>
    %dma_wait3A_168 = tpu.memref_squeeze %dma_wait3A_167 : memref<1x56xi32, #tpu.memory_space<vmem>> -> memref<56xi32, #tpu.memory_space<vmem>>
    %dma_wait3A_169 = arith.constant 0 : i32
    %dma_wait3A_170 = arith.constant 0 : i32
    %dma_wait3A_171 = tpu.memref_slice %arg13[%dma_wait3A_169, %dma_wait3A_170] : memref<10008x128xf32, #tpu.memory_space<vmem_shared>> -> memref<10008x128xf32, #tpu.memory_space<vmem_shared>>
    tpu.wait_indirect_dma semaphore(%arg18 : memref<!tpu.dma_semaphore, #tpu.memory_space<semaphore_mem>>) src(%arg9 : memref<56x128xf32, #tpu.memory_space<vmem>>) dst(%dma_wait3A_171 : memref<10008x128xf32, #tpu.memory_space<vmem_shared>>)
    %dma_wait3A_172 = arith.constant 57 : i32
    %dma_wait3A_173 = arith.constant 0 : i32
    %dma_wait3A_174 = tpu.memref_slice %arg8[%dma_wait3A_172, %dma_wait3A_173] : memref<60x56xi32, #tpu.memory_space<vmem>> -> memref<1x56xi32, #tpu.memory_space<vmem>>
    %dma_wait3A_175 = tpu.memref_squeeze %dma_wait3A_174 : memref<1x56xi32, #tpu.memory_space<vmem>> -> memref<56xi32, #tpu.memory_space<vmem>>
    %dma_wait3A_176 = arith.constant 0 : i32
    %dma_wait3A_177 = arith.constant 0 : i32
    %dma_wait3A_178 = tpu.memref_slice %arg13[%dma_wait3A_176, %dma_wait3A_177] : memref<10008x128xf32, #tpu.memory_space<vmem_shared>> -> memref<10008x128xf32, #tpu.memory_space<vmem_shared>>
    tpu.wait_indirect_dma semaphore(%arg19 : memref<!tpu.dma_semaphore, #tpu.memory_space<semaphore_mem>>) src(%arg10 : memref<56x128xf32, #tpu.memory_space<vmem>>) dst(%dma_wait3A_178 : memref<10008x128xf32, #tpu.memory_space<vmem_shared>>)
    %dma_wait3A_179 = arith.constant 58 : i32
    %dma_wait3A_180 = arith.constant 0 : i32
    %dma_wait3A_181 = tpu.memref_slice %arg8[%dma_wait3A_179, %dma_wait3A_180] : memref<60x56xi32, #tpu.memory_space<vmem>> -> memref<1x56xi32, #tpu.memory_space<vmem>>
    %dma_wait3A_182 = tpu.memref_squeeze %dma_wait3A_181 : memref<1x56xi32, #tpu.memory_space<vmem>> -> memref<56xi32, #tpu.memory_space<vmem>>
    %dma_wait3A_183 = arith.constant 0 : i32
    %dma_wait3A_184 = arith.constant 0 : i32
    %dma_wait3A_185 = tpu.memref_slice %arg13[%dma_wait3A_183, %dma_wait3A_184] : memref<10008x128xf32, #tpu.memory_space<vmem_shared>> -> memref<10008x128xf32, #tpu.memory_space<vmem_shared>>
    tpu.wait_indirect_dma semaphore(%arg20 : memref<!tpu.dma_semaphore, #tpu.memory_space<semaphore_mem>>) src(%arg11 : memref<56x128xf32, #tpu.memory_space<vmem>>) dst(%dma_wait3A_185 : memref<10008x128xf32, #tpu.memory_space<vmem_shared>>)
    %dma_wait3A_186 = arith.constant 59 : i32
    %dma_wait3A_187 = arith.constant 0 : i32
    %dma_wait3A_188 = tpu.memref_slice %arg8[%dma_wait3A_186, %dma_wait3A_187] : memref<60x56xi32, #tpu.memory_space<vmem>> -> memref<1x56xi32, #tpu.memory_space<vmem>>
    %dma_wait3A_189 = tpu.memref_squeeze %dma_wait3A_188 : memref<1x56xi32, #tpu.memory_space<vmem>> -> memref<56xi32, #tpu.memory_space<vmem>>
    %dma_wait3A_190 = arith.constant 0 : i32
    %dma_wait3A_191 = arith.constant 0 : i32
    %dma_wait3A_192 = tpu.memref_slice %arg13[%dma_wait3A_190, %dma_wait3A_191] : memref<10008x128xf32, #tpu.memory_space<vmem_shared>> -> memref<10008x128xf32, #tpu.memory_space<vmem_shared>>
    tpu.wait_indirect_dma semaphore(%arg21 : memref<!tpu.dma_semaphore, #tpu.memory_space<semaphore_mem>>) src(%arg12 : memref<56x128xf32, #tpu.memory_space<vmem>>) dst(%dma_wait3A_192 : memref<10008x128xf32, #tpu.memory_space<vmem_shared>>)
    %barrier3A_193 = arith.constant 0 : index
    tpu.barrier barrier_id(%barrier3A_193)
    %mul3A_194 = arith.constant 624 : i32
    %mul3A_195 = arith.muli %arg1, %mul3A_194 : i32
    %mul3A_196 = arith.constant 624 : i32
    %mul3A_197 = arith.muli %arg1, %mul3A_196 : i32
    "tpu.region"() ({
      %run_scoped3A_203 = tpu.sem_alloc : memref<!tpu.dma_semaphore, #tpu.memory_space<semaphore_mem>>
      %dma_start3A_204 = arith.constant 0 : i32
      %dma_start3A_205 = tpu.memref_slice %arg6[%arg0, %mul3A_197, %dma_start3A_204] : memref<2x10000x128xf32, #tpu.memory_space<hbm>> -> memref<1x624x128xf32, #tpu.memory_space<hbm>>
      %dma_start3A_206 = tpu.memref_squeeze %dma_start3A_205 : memref<1x624x128xf32, #tpu.memory_space<hbm>> -> memref<624x128xf32, #tpu.memory_space<hbm>>
      %dma_start3A_207 = arith.constant 0 : i32
      %dma_start3A_208 = tpu.memref_slice %arg13[%mul3A_195, %dma_start3A_207] : memref<10008x128xf32, #tpu.memory_space<vmem_shared>> -> memref<624x128xf32, #tpu.memory_space<vmem_shared>>
      tpu.enqueue_dma source(%dma_start3A_208 : memref<624x128xf32, #tpu.memory_space<vmem_shared>>) target(%dma_start3A_206 : memref<624x128xf32, #tpu.memory_space<hbm>>) target_semaphore(%run_scoped3A_203 : memref<!tpu.dma_semaphore, #tpu.memory_space<semaphore_mem>>)
      %dma_wait3A_209 = arith.constant 0 : i32
      %dma_wait3A_210 = tpu.memref_slice %arg6[%arg0, %mul3A_197, %dma_wait3A_209] : memref<2x10000x128xf32, #tpu.memory_space<hbm>> -> memref<1x624x128xf32, #tpu.memory_space<hbm>>
      %dma_wait3A_211 = tpu.memref_squeeze %dma_wait3A_210 : memref<1x624x128xf32, #tpu.memory_space<hbm>> -> memref<624x128xf32, #tpu.memory_space<hbm>>
      %dma_wait3A_212 = arith.constant 0 : i32
      %dma_wait3A_213 = tpu.memref_slice %arg13[%mul3A_195, %dma_wait3A_212] : memref<10008x128xf32, #tpu.memory_space<vmem_shared>> -> memref<624x128xf32, #tpu.memory_space<vmem_shared>>
      tpu.wait_dma2 semaphore(%run_scoped3A_203 : memref<!tpu.dma_semaphore, #tpu.memory_space<semaphore_mem>>) src(%dma_wait3A_213 : memref<624x128xf32, #tpu.memory_space<vmem_shared>>) dst(%dma_wait3A_211 : memref<624x128xf32, #tpu.memory_space<hbm>>)
      tpu.yield
    }) : () -> ()
    %eq3A_198 = arith.constant 15 : i32
    %eq3A_199 = arith.cmpi eq, %arg1, %eq3A_198 : i32
    %convert_element_type3A_200 = arith.extui %eq3A_199 : i1 to i32
    %cond3A_201 = arith.constant 0 : i32
    %cond3A_202 = arith.cmpi ne, %convert_element_type3A_200, %cond3A_201 : i32
    scf.if %cond3A_202 {
      "tpu.region"() ({
        %run_scoped3A_203 = tpu.sem_alloc : memref<!tpu.dma_semaphore, #tpu.memory_space<semaphore_mem>>
        %dma_start3A_204 = arith.constant 9984 : i32
        %dma_start3A_205 = arith.constant 0 : i32
        %dma_start3A_206 = tpu.memref_slice %arg6[%arg0, %dma_start3A_204, %dma_start3A_205] : memref<2x10000x128xf32, #tpu.memory_space<hbm>> -> memref<1x16x128xf32, #tpu.memory_space<hbm>>
        %dma_start3A_207 = tpu.memref_squeeze %dma_start3A_206 : memref<1x16x128xf32, #tpu.memory_space<hbm>> -> memref<16x128xf32, #tpu.memory_space<hbm>>
        %dma_start3A_208 = arith.constant 9984 : i32
        %dma_start3A_209 = arith.constant 0 : i32
        %dma_start3A_210 = tpu.memref_slice %arg13[%dma_start3A_208, %dma_start3A_209] : memref<10008x128xf32, #tpu.memory_space<vmem_shared>> -> memref<16x128xf32, #tpu.memory_space<vmem_shared>>
        tpu.enqueue_dma source(%dma_start3A_210 : memref<16x128xf32, #tpu.memory_space<vmem_shared>>) target(%dma_start3A_207 : memref<16x128xf32, #tpu.memory_space<hbm>>) target_semaphore(%run_scoped3A_203 : memref<!tpu.dma_semaphore, #tpu.memory_space<semaphore_mem>>)
        %dma_wait3A_211 = arith.constant 9984 : i32
        %dma_wait3A_212 = arith.constant 0 : i32
        %dma_wait3A_213 = tpu.memref_slice %arg6[%arg0, %dma_wait3A_211, %dma_wait3A_212] : memref<2x10000x128xf32, #tpu.memory_space<hbm>> -> memref<1x16x128xf32, #tpu.memory_space<hbm>>
        %dma_wait3A_214 = tpu.memref_squeeze %dma_wait3A_213 : memref<1x16x128xf32, #tpu.memory_space<hbm>> -> memref<16x128xf32, #tpu.memory_space<hbm>>
        %dma_wait3A_215 = arith.constant 9984 : i32
        %dma_wait3A_216 = arith.constant 0 : i32
        %dma_wait3A_217 = tpu.memref_slice %arg13[%dma_wait3A_215, %dma_wait3A_216] : memref<10008x128xf32, #tpu.memory_space<vmem_shared>> -> memref<16x128xf32, #tpu.memory_space<vmem_shared>>
        tpu.wait_dma2 semaphore(%run_scoped3A_203 : memref<!tpu.dma_semaphore, #tpu.memory_space<semaphore_mem>>) src(%dma_wait3A_217 : memref<16x128xf32, #tpu.memory_space<vmem_shared>>) dst(%dma_wait3A_214 : memref<16x128xf32, #tpu.memory_space<hbm>>)
        tpu.yield
      }) : () -> ()
    } else {
    }
    return
  }
}

module attributes {stable_mosaic.version = 14 : i64} {
  func.func @_mm_body(%arg0: i32, %arg1: memref<5000x128xf32, #tpu.memory_space<vmem>>, %arg2: memref<128x128xf32, #tpu.memory_space<vmem>>, %arg3: memref<5000x128xf32, #tpu.memory_space<vmem>>) attributes {dimension_semantics = [#tpu.dimension_semantics<arbitrary>], iteration_bounds = array<i64: 2>, scalar_prefetch = 0 : i64, scratch_operands = 0 : i64, tpu.core_type = #tpu.core_type<tc>, window_params = [{transform_indices = @transform_0, window_bounds = array<i64: 5000, 128>}, {pipeline_mode = #tpu.pipeline_mode<synchronous>, transform_indices = @transform_1, window_bounds = array<i64: 128, 128>}, {transform_indices = @transform_2, window_bounds = array<i64: 5000, 128>}]} {
    %get3A = arith.constant 0 : index
    %get3A_0 = arith.constant 0 : index
    %get3A_1 = vector.load %arg1[%get3A, %get3A_0] : memref<5000x128xf32, #tpu.memory_space<vmem>>, vector<5000x128xf32>
    %get3A_2 = arith.constant 0 : index
    %get3A_3 = arith.constant 0 : index
    %get3A_4 = vector.load %arg2[%get3A_2, %get3A_3] : memref<128x128xf32, #tpu.memory_space<vmem>>, vector<128x128xf32>
    %dot_general3A = arith.constant dense<0.000000e+00> : vector<5000x128xf32>
    %dot_general3A_5 = tpu.matmul %get3A_1, %get3A_4, %dot_general3A {dimension_numbers = #tpu.dot_dimension_numbers<[1], [0], [0], [1], [0, 0, 1, 1], [], []>, transpose_lhs_hint = false} : vector<5000x128xf32>, vector<128x128xf32>, vector<5000x128xf32> -> vector<5000x128xf32>
    %swap3A = arith.constant 0 : index
    %swap3A_6 = arith.constant 0 : index
    %swap3A_7 = vector.load %arg3[%swap3A, %swap3A_6] : memref<5000x128xf32, #tpu.memory_space<vmem>>, vector<5000x128xf32>
    tpu.vector_store %arg3[%swap3A, %swap3A_6], %dot_general3A_5 {strides = array<i32>} : memref<5000x128xf32, #tpu.memory_space<vmem>>, vector<5000x128xf32>,
    return
  }
  func.func @transform_0(%arg0: i32) -> (i32, i32) {
    %c0_i32 = arith.constant 0 : i32
    %c0_i32_0 = arith.constant 0 : i32
    return %arg0, %c0_i32 : i32, i32
  }
  func.func @transform_1(%arg0: i32) -> (i32, i32) {
    %c0_i32 = arith.constant 0 : i32
    %c0_i32_0 = arith.constant 0 : i32
    %c0_i32_1 = arith.constant 0 : i32
    return %c0_i32, %c0_i32_0 : i32, i32
  }
  func.func @transform_2(%arg0: i32) -> (i32, i32) {
    %c0_i32 = arith.constant 0 : i32
    %c0_i32_0 = arith.constant 0 : i32
    return %arg0, %c0_i32 : i32, i32
  }
}

module attributes {stable_mosaic.version = 14 : i64} {
  func.func @_gru_body(%arg0: i32, %arg1: memref<2x5000x128xf32, #tpu.memory_space<vmem>>, %arg2: memref<5000x128xf32, #tpu.memory_space<vmem>>, %arg3: memref<128x128xf32, #tpu.memory_space<vmem>>, %arg4: memref<128x384xf32, #tpu.memory_space<vmem>>, %arg5: memref<128x384xf32, #tpu.memory_space<vmem>>, %arg6: memref<1x384xf32, #tpu.memory_space<vmem>>, %arg7: memref<1x384xf32, #tpu.memory_space<vmem>>, %arg8: memref<5000x128xf32, #tpu.memory_space<vmem>>, %arg9: memref<5000x128xf32, #tpu.memory_space<vmem>>) attributes {dimension_semantics = [#tpu.dimension_semantics<arbitrary>], iteration_bounds = array<i64: 2>, scalar_prefetch = 0 : i64, scratch_operands = 0 : i64, tpu.core_type = #tpu.core_type<tc>, window_params = [{transform_indices = @transform_0, window_bounds = array<i64: 2, 5000, 128>}, {transform_indices = @transform_1, window_bounds = array<i64: 5000, 128>}, {pipeline_mode = #tpu.pipeline_mode<synchronous>, transform_indices = @transform_2, window_bounds = array<i64: 128, 128>}, {pipeline_mode = #tpu.pipeline_mode<synchronous>, transform_indices = @transform_3, window_bounds = array<i64: 128, 384>}, {pipeline_mode = #tpu.pipeline_mode<synchronous>, transform_indices = @transform_4, window_bounds = array<i64: 128, 384>}, {pipeline_mode = #tpu.pipeline_mode<synchronous>, transform_indices = @transform_5, window_bounds = array<i64: 1, 384>}, {pipeline_mode = #tpu.pipeline_mode<synchronous>, transform_indices = @transform_6, window_bounds = array<i64: 1, 384>}, {transform_indices = @transform_7, window_bounds = array<i64: 5000, 128>}, {transform_indices = @transform_8, window_bounds = array<i64: 5000, 128>}]} {
    %get3A = arith.constant 0 : index
    %get3A_0 = arith.constant 0 : index
    %get3A_1 = arith.constant 0 : index
    %get3A_2 = vector.load %arg1[%get3A, %get3A_0, %get3A_1] : memref<2x5000x128xf32, #tpu.memory_space<vmem>>, vector<1x5000x128xf32>
    %get3A_3 = vector.shape_cast %get3A_2 : vector<1x5000x128xf32> to vector<5000x128xf32>
    %get3A_4 = arith.constant 1 : index
    %get3A_5 = arith.constant 0 : index
    %get3A_6 = arith.constant 0 : index
    %get3A_7 = vector.load %arg1[%get3A_4, %get3A_5, %get3A_6] : memref<2x5000x128xf32, #tpu.memory_space<vmem>>, vector<1x5000x128xf32>
    %get3A_8 = vector.shape_cast %get3A_7 : vector<1x5000x128xf32> to vector<5000x128xf32>
    %add3A = arith.addf %get3A_3, %get3A_8 : vector<5000x128xf32>
    %get3A_9 = arith.constant 0 : index
    %get3A_10 = arith.constant 0 : index
    %get3A_11 = vector.load %arg2[%get3A_9, %get3A_10] : memref<5000x128xf32, #tpu.memory_space<vmem>>, vector<5000x128xf32>
    %get3A_12 = arith.constant 0 : index
    %get3A_13 = arith.constant 0 : index
    %get3A_14 = vector.load %arg4[%get3A_12, %get3A_13] : memref<128x384xf32, #tpu.memory_space<vmem>>, vector<128x384xf32>
    %dot_general3A = arith.constant dense<0.000000e+00> : vector<5000x384xf32>
    %dot_general3A_15 = tpu.matmul %add3A, %get3A_14, %dot_general3A {dimension_numbers = #tpu.dot_dimension_numbers<[1], [0], [0], [1], [0, 0, 1, 1], [], []>, transpose_lhs_hint = false} : vector<5000x128xf32>, vector<128x384xf32>, vector<5000x384xf32> -> vector<5000x384xf32>
    %get3A_16 = arith.constant 0 : index
    %get3A_17 = arith.constant 0 : index
    %get3A_18 = vector.load %arg6[%get3A_16, %get3A_17] : memref<1x384xf32, #tpu.memory_space<vmem>>, vector<1x384xf32>
    %add3A_19 = vector.broadcast %get3A_18 : vector<1x384xf32> to vector<5000x384xf32>
    %add3A_20 = arith.addf %dot_general3A_15, %add3A_19 : vector<5000x384xf32>
    %get3A_21 = arith.constant 0 : index
    %get3A_22 = arith.constant 0 : index
    %get3A_23 = vector.load %arg5[%get3A_21, %get3A_22] : memref<128x384xf32, #tpu.memory_space<vmem>>, vector<128x384xf32>
    %dot_general3A_24 = arith.constant dense<0.000000e+00> : vector<5000x384xf32>
    %dot_general3A_25 = tpu.matmul %get3A_11, %get3A_23, %dot_general3A_24 {dimension_numbers = #tpu.dot_dimension_numbers<[1], [0], [0], [1], [0, 0, 1, 1], [], []>, transpose_lhs_hint = false} : vector<5000x128xf32>, vector<128x384xf32>, vector<5000x384xf32> -> vector<5000x384xf32>
    %get3A_26 = arith.constant 0 : index
    %get3A_27 = arith.constant 0 : index
    %get3A_28 = vector.load %arg7[%get3A_26, %get3A_27] : memref<1x384xf32, #tpu.memory_space<vmem>>, vector<1x384xf32>
    %add3A_29 = vector.broadcast %get3A_28 : vector<1x384xf32> to vector<5000x384xf32>
    %add3A_30 = arith.addf %dot_general3A_25, %add3A_29 : vector<5000x384xf32>
    %slice3A = vector.extract_strided_slice %add3A_20 {offsets = [0, 0], sizes = [5000, 128], strides = [1, 1]} : vector<5000x384xf32> to vector<5000x128xf32>
    %slice3A_31 = vector.extract_strided_slice %add3A_30 {offsets = [0, 0], sizes = [5000, 128], strides = [1, 1]} : vector<5000x384xf32> to vector<5000x128xf32>
    %add3A_32 = arith.addf %slice3A, %slice3A_31 : vector<5000x128xf32>
    %logistic3A = arith.negf %add3A_32 : vector<5000x128xf32>
    %logistic3A_33 = math.exp %logistic3A : vector<5000x128xf32>
    %logistic3A_34 = arith.constant 1.000000e+00 : f32
    %logistic3A_35 = vector.broadcast %logistic3A_34 : f32 to vector<5000x128xf32>
    %logistic3A_36 = arith.addf %logistic3A_35, %logistic3A_33 : vector<5000x128xf32>
    %logistic3A_37 = arith.divf %logistic3A_35, %logistic3A_36 : vector<5000x128xf32>
    %slice3A_38 = vector.extract_strided_slice %add3A_20 {offsets = [0, 128], sizes = [5000, 128], strides = [1, 1]} : vector<5000x384xf32> to vector<5000x128xf32>
    %slice3A_39 = vector.extract_strided_slice %add3A_30 {offsets = [0, 128], sizes = [5000, 128], strides = [1, 1]} : vector<5000x384xf32> to vector<5000x128xf32>
    %add3A_40 = arith.addf %slice3A_38, %slice3A_39 : vector<5000x128xf32>
    %logistic3A_41 = arith.negf %add3A_40 : vector<5000x128xf32>
    %logistic3A_42 = math.exp %logistic3A_41 : vector<5000x128xf32>
    %logistic3A_43 = arith.constant 1.000000e+00 : f32
    %logistic3A_44 = vector.broadcast %logistic3A_43 : f32 to vector<5000x128xf32>
    %logistic3A_45 = arith.addf %logistic3A_44, %logistic3A_42 : vector<5000x128xf32>
    %logistic3A_46 = arith.divf %logistic3A_44, %logistic3A_45 : vector<5000x128xf32>
    %slice3A_47 = vector.extract_strided_slice %add3A_20 {offsets = [0, 256], sizes = [5000, 128], strides = [1, 1]} : vector<5000x384xf32> to vector<5000x128xf32>
    %slice3A_48 = vector.extract_strided_slice %add3A_30 {offsets = [0, 256], sizes = [5000, 128], strides = [1, 1]} : vector<5000x384xf32> to vector<5000x128xf32>
    %mul3A = arith.mulf %logistic3A_37, %slice3A_48 : vector<5000x128xf32>
    %add3A_49 = arith.addf %slice3A_47, %mul3A : vector<5000x128xf32>
    %tanh3A = math.tanh %add3A_49 : vector<5000x128xf32>
    %sub3A = arith.constant 1.000000e+00 : f32
    %sub3A_50 = vector.broadcast %sub3A : f32 to vector<5000x128xf32>
    %sub3A_51 = arith.subf %sub3A_50, %logistic3A_46 : vector<5000x128xf32>
    %mul3A_52 = arith.mulf %sub3A_51, %tanh3A : vector<5000x128xf32>
    %mul3A_53 = arith.mulf %logistic3A_46, %get3A_11 : vector<5000x128xf32>
    %add3A_54 = arith.addf %mul3A_52, %mul3A_53 : vector<5000x128xf32>
    %swap3A = arith.constant 0 : index
    %swap3A_55 = arith.constant 0 : index
    %swap3A_56 = vector.load %arg8[%swap3A, %swap3A_55] : memref<5000x128xf32, #tpu.memory_space<vmem>>, vector<5000x128xf32>
    tpu.vector_store %arg8[%swap3A, %swap3A_55], %add3A_54 {strides = array<i32>} : memref<5000x128xf32, #tpu.memory_space<vmem>>, vector<5000x128xf32>,
    %get3A_57 = arith.constant 0 : index
    %get3A_58 = arith.constant 0 : index
    %get3A_59 = vector.load %arg3[%get3A_57, %get3A_58] : memref<128x128xf32, #tpu.memory_space<vmem>>, vector<128x128xf32>
    %dot_general3A_60 = arith.constant dense<0.000000e+00> : vector<5000x128xf32>
    %dot_general3A_61 = tpu.matmul %add3A_54, %get3A_59, %dot_general3A_60 {dimension_numbers = #tpu.dot_dimension_numbers<[1], [0], [0], [1], [0, 0, 1, 1], [], []>, transpose_lhs_hint = false} : vector<5000x128xf32>, vector<128x128xf32>, vector<5000x128xf32> -> vector<5000x128xf32>
    %swap3A_62 = arith.constant 0 : index
    %swap3A_63 = arith.constant 0 : index
    %swap3A_64 = vector.load %arg9[%swap3A_62, %swap3A_63] : memref<5000x128xf32, #tpu.memory_space<vmem>>, vector<5000x128xf32>
    tpu.vector_store %arg9[%swap3A_62, %swap3A_63], %dot_general3A_61 {strides = array<i32>} : memref<5000x128xf32, #tpu.memory_space<vmem>>, vector<5000x128xf32>,
    return
  }
  func.func @transform_0(%arg0: i32) -> (i32, i32, i32) {
    %c0_i32 = arith.constant 0 : i32
    %c0_i32_0 = arith.constant 0 : i32
    %c0_i32_1 = arith.constant 0 : i32
    return %c0_i32, %arg0, %c0_i32_0 : i32, i32, i32
  }
  func.func @transform_1(%arg0: i32) -> (i32, i32) {
    %c0_i32 = arith.constant 0 : i32
    %c0_i32_0 = arith.constant 0 : i32
    return %arg0, %c0_i32 : i32, i32
  }
  func.func @transform_2(%arg0: i32) -> (i32, i32) {
    %c0_i32 = arith.constant 0 : i32
    %c0_i32_0 = arith.constant 0 : i32
    %c0_i32_1 = arith.constant 0 : i32
    return %c0_i32, %c0_i32_0 : i32, i32
  }
  func.func @transform_3(%arg0: i32) -> (i32, i32) {
    %c0_i32 = arith.constant 0 : i32
    %c0_i32_0 = arith.constant 0 : i32
    %c0_i32_1 = arith.constant 0 : i32
    return %c0_i32, %c0_i32_0 : i32, i32
  }
  func.func @transform_4(%arg0: i32) -> (i32, i32) {
    %c0_i32 = arith.constant 0 : i32
    %c0_i32_0 = arith.constant 0 : i32
    %c0_i32_1 = arith.constant 0 : i32
    return %c0_i32, %c0_i32_0 : i32, i32
  }
  func.func @transform_5(%arg0: i32) -> (i32, i32) {
    %c0_i32 = arith.constant 0 : i32
    %c0_i32_0 = arith.constant 0 : i32
    %c0_i32_1 = arith.constant 0 : i32
    return %c0_i32, %c0_i32_0 : i32, i32
  }
  func.func @transform_6(%arg0: i32) -> (i32, i32) {
    %c0_i32 = arith.constant 0 : i32
    %c0_i32_0 = arith.constant 0 : i32
    %c0_i32_1 = arith.constant 0 : i32
    return %c0_i32, %c0_i32_0 : i32, i32
  }
  func.func @transform_7(%arg0: i32) -> (i32, i32) {
    %c0_i32 = arith.constant 0 : i32
    %c0_i32_0 = arith.constant 0 : i32
    return %arg0, %c0_i32 : i32, i32
  }
  func.func @transform_8(%arg0: i32) -> (i32, i32) {
    %c0_i32 = arith.constant 0 : i32
    %c0_i32_0 = arith.constant 0 : i32
    return %arg0, %c0_i32 : i32, i32
  }
}

module attributes {stable_mosaic.version = 14 : i64} {
  func.func @_gru_last_body(%arg0: i32, %arg1: memref<2x5000x128xf32, #tpu.memory_space<vmem>>, %arg2: memref<5000x128xf32, #tpu.memory_space<vmem>>, %arg3: memref<128x384xf32, #tpu.memory_space<vmem>>, %arg4: memref<128x384xf32, #tpu.memory_space<vmem>>, %arg5: memref<1x384xf32, #tpu.memory_space<vmem>>, %arg6: memref<1x384xf32, #tpu.memory_space<vmem>>, %arg7: memref<5000x128xf32, #tpu.memory_space<vmem>>) attributes {dimension_semantics = [#tpu.dimension_semantics<arbitrary>], iteration_bounds = array<i64: 2>, scalar_prefetch = 0 : i64, scratch_operands = 0 : i64, tpu.core_type = #tpu.core_type<tc>, window_params = [{transform_indices = @transform_0, window_bounds = array<i64: 2, 5000, 128>}, {transform_indices = @transform_1, window_bounds = array<i64: 5000, 128>}, {pipeline_mode = #tpu.pipeline_mode<synchronous>, transform_indices = @transform_2, window_bounds = array<i64: 128, 384>}, {pipeline_mode = #tpu.pipeline_mode<synchronous>, transform_indices = @transform_3, window_bounds = array<i64: 128, 384>}, {pipeline_mode = #tpu.pipeline_mode<synchronous>, transform_indices = @transform_4, window_bounds = array<i64: 1, 384>}, {pipeline_mode = #tpu.pipeline_mode<synchronous>, transform_indices = @transform_5, window_bounds = array<i64: 1, 384>}, {transform_indices = @transform_6, window_bounds = array<i64: 5000, 128>}]} {
    %get3A = arith.constant 0 : index
    %get3A_0 = arith.constant 0 : index
    %get3A_1 = arith.constant 0 : index
    %get3A_2 = vector.load %arg1[%get3A, %get3A_0, %get3A_1] : memref<2x5000x128xf32, #tpu.memory_space<vmem>>, vector<1x5000x128xf32>
    %get3A_3 = vector.shape_cast %get3A_2 : vector<1x5000x128xf32> to vector<5000x128xf32>
    %get3A_4 = arith.constant 1 : index
    %get3A_5 = arith.constant 0 : index
    %get3A_6 = arith.constant 0 : index
    %get3A_7 = vector.load %arg1[%get3A_4, %get3A_5, %get3A_6] : memref<2x5000x128xf32, #tpu.memory_space<vmem>>, vector<1x5000x128xf32>
    %get3A_8 = vector.shape_cast %get3A_7 : vector<1x5000x128xf32> to vector<5000x128xf32>
    %add3A = arith.addf %get3A_3, %get3A_8 : vector<5000x128xf32>
    %get3A_9 = arith.constant 0 : index
    %get3A_10 = arith.constant 0 : index
    %get3A_11 = vector.load %arg2[%get3A_9, %get3A_10] : memref<5000x128xf32, #tpu.memory_space<vmem>>, vector<5000x128xf32>
    %get3A_12 = arith.constant 0 : index
    %get3A_13 = arith.constant 0 : index
    %get3A_14 = vector.load %arg3[%get3A_12, %get3A_13] : memref<128x384xf32, #tpu.memory_space<vmem>>, vector<128x384xf32>
    %dot_general3A = arith.constant dense<0.000000e+00> : vector<5000x384xf32>
    %dot_general3A_15 = tpu.matmul %add3A, %get3A_14, %dot_general3A {dimension_numbers = #tpu.dot_dimension_numbers<[1], [0], [0], [1], [0, 0, 1, 1], [], []>, transpose_lhs_hint = false} : vector<5000x128xf32>, vector<128x384xf32>, vector<5000x384xf32> -> vector<5000x384xf32>
    %get3A_16 = arith.constant 0 : index
    %get3A_17 = arith.constant 0 : index
    %get3A_18 = vector.load %arg5[%get3A_16, %get3A_17] : memref<1x384xf32, #tpu.memory_space<vmem>>, vector<1x384xf32>
    %add3A_19 = vector.broadcast %get3A_18 : vector<1x384xf32> to vector<5000x384xf32>
    %add3A_20 = arith.addf %dot_general3A_15, %add3A_19 : vector<5000x384xf32>
    %get3A_21 = arith.constant 0 : index
    %get3A_22 = arith.constant 0 : index
    %get3A_23 = vector.load %arg4[%get3A_21, %get3A_22] : memref<128x384xf32, #tpu.memory_space<vmem>>, vector<128x384xf32>
    %dot_general3A_24 = arith.constant dense<0.000000e+00> : vector<5000x384xf32>
    %dot_general3A_25 = tpu.matmul %get3A_11, %get3A_23, %dot_general3A_24 {dimension_numbers = #tpu.dot_dimension_numbers<[1], [0], [0], [1], [0, 0, 1, 1], [], []>, transpose_lhs_hint = false} : vector<5000x128xf32>, vector<128x384xf32>, vector<5000x384xf32> -> vector<5000x384xf32>
    %get3A_26 = arith.constant 0 : index
    %get3A_27 = arith.constant 0 : index
    %get3A_28 = vector.load %arg6[%get3A_26, %get3A_27] : memref<1x384xf32, #tpu.memory_space<vmem>>, vector<1x384xf32>
    %add3A_29 = vector.broadcast %get3A_28 : vector<1x384xf32> to vector<5000x384xf32>
    %add3A_30 = arith.addf %dot_general3A_25, %add3A_29 : vector<5000x384xf32>
    %slice3A = vector.extract_strided_slice %add3A_20 {offsets = [0, 0], sizes = [5000, 128], strides = [1, 1]} : vector<5000x384xf32> to vector<5000x128xf32>
    %slice3A_31 = vector.extract_strided_slice %add3A_30 {offsets = [0, 0], sizes = [5000, 128], strides = [1, 1]} : vector<5000x384xf32> to vector<5000x128xf32>
    %add3A_32 = arith.addf %slice3A, %slice3A_31 : vector<5000x128xf32>
    %logistic3A = arith.negf %add3A_32 : vector<5000x128xf32>
    %logistic3A_33 = math.exp %logistic3A : vector<5000x128xf32>
    %logistic3A_34 = arith.constant 1.000000e+00 : f32
    %logistic3A_35 = vector.broadcast %logistic3A_34 : f32 to vector<5000x128xf32>
    %logistic3A_36 = arith.addf %logistic3A_35, %logistic3A_33 : vector<5000x128xf32>
    %logistic3A_37 = arith.divf %logistic3A_35, %logistic3A_36 : vector<5000x128xf32>
    %slice3A_38 = vector.extract_strided_slice %add3A_20 {offsets = [0, 128], sizes = [5000, 128], strides = [1, 1]} : vector<5000x384xf32> to vector<5000x128xf32>
    %slice3A_39 = vector.extract_strided_slice %add3A_30 {offsets = [0, 128], sizes = [5000, 128], strides = [1, 1]} : vector<5000x384xf32> to vector<5000x128xf32>
    %add3A_40 = arith.addf %slice3A_38, %slice3A_39 : vector<5000x128xf32>
    %logistic3A_41 = arith.negf %add3A_40 : vector<5000x128xf32>
    %logistic3A_42 = math.exp %logistic3A_41 : vector<5000x128xf32>
    %logistic3A_43 = arith.constant 1.000000e+00 : f32
    %logistic3A_44 = vector.broadcast %logistic3A_43 : f32 to vector<5000x128xf32>
    %logistic3A_45 = arith.addf %logistic3A_44, %logistic3A_42 : vector<5000x128xf32>
    %logistic3A_46 = arith.divf %logistic3A_44, %logistic3A_45 : vector<5000x128xf32>
    %slice3A_47 = vector.extract_strided_slice %add3A_20 {offsets = [0, 256], sizes = [5000, 128], strides = [1, 1]} : vector<5000x384xf32> to vector<5000x128xf32>
    %slice3A_48 = vector.extract_strided_slice %add3A_30 {offsets = [0, 256], sizes = [5000, 128], strides = [1, 1]} : vector<5000x384xf32> to vector<5000x128xf32>
    %mul3A = arith.mulf %logistic3A_37, %slice3A_48 : vector<5000x128xf32>
    %add3A_49 = arith.addf %slice3A_47, %mul3A : vector<5000x128xf32>
    %tanh3A = math.tanh %add3A_49 : vector<5000x128xf32>
    %sub3A = arith.constant 1.000000e+00 : f32
    %sub3A_50 = vector.broadcast %sub3A : f32 to vector<5000x128xf32>
    %sub3A_51 = arith.subf %sub3A_50, %logistic3A_46 : vector<5000x128xf32>
    %mul3A_52 = arith.mulf %sub3A_51, %tanh3A : vector<5000x128xf32>
    %mul3A_53 = arith.mulf %logistic3A_46, %get3A_11 : vector<5000x128xf32>
    %add3A_54 = arith.addf %mul3A_52, %mul3A_53 : vector<5000x128xf32>
    %swap3A = arith.constant 0 : index
    %swap3A_55 = arith.constant 0 : index
    %swap3A_56 = vector.load %arg7[%swap3A, %swap3A_55] : memref<5000x128xf32, #tpu.memory_space<vmem>>, vector<5000x128xf32>
    tpu.vector_store %arg7[%swap3A, %swap3A_55], %add3A_54 {strides = array<i32>} : memref<5000x128xf32, #tpu.memory_space<vmem>>, vector<5000x128xf32>,
    return
  }
  func.func @transform_0(%arg0: i32) -> (i32, i32, i32) {
    %c0_i32 = arith.constant 0 : i32
    %c0_i32_0 = arith.constant 0 : i32
    %c0_i32_1 = arith.constant 0 : i32
    return %c0_i32, %arg0, %c0_i32_0 : i32, i32, i32
  }
  func.func @transform_1(%arg0: i32) -> (i32, i32) {
    %c0_i32 = arith.constant 0 : i32
    %c0_i32_0 = arith.constant 0 : i32
    return %arg0, %c0_i32 : i32, i32
  }
  func.func @transform_2(%arg0: i32) -> (i32, i32) {
    %c0_i32 = arith.constant 0 : i32
    %c0_i32_0 = arith.constant 0 : i32
    %c0_i32_1 = arith.constant 0 : i32
    return %c0_i32, %c0_i32_0 : i32, i32
  }
  func.func @transform_3(%arg0: i32) -> (i32, i32) {
    %c0_i32 = arith.constant 0 : i32
    %c0_i32_0 = arith.constant 0 : i32
    %c0_i32_1 = arith.constant 0 : i32
    return %c0_i32, %c0_i32_0 : i32, i32
  }
  func.func @transform_4(%arg0: i32) -> (i32, i32) {
    %c0_i32 = arith.constant 0 : i32
    %c0_i32_0 = arith.constant 0 : i32
    %c0_i32_1 = arith.constant 0 : i32
    return %c0_i32, %c0_i32_0 : i32, i32
  }
  func.func @transform_5(%arg0: i32) -> (i32, i32) {
    %c0_i32 = arith.constant 0 : i32
    %c0_i32_0 = arith.constant 0 : i32
    %c0_i32_1 = arith.constant 0 : i32
    return %c0_i32, %c0_i32_0 : i32, i32
  }
  func.func @transform_6(%arg0: i32) -> (i32, i32) {
    %c0_i32 = arith.constant 0 : i32
    %c0_i32_0 = arith.constant 0 : i32
    return %arg0, %c0_i32 : i32, i32
  }
}

</mosaic_0001>

<sc_bundles>
// kernel: kernel.12.cloned.1.call-start
scs
__scs_entry_jumppad:
0x0: {  	(pc) =	sbr.rel $0x88, $3  }
0x1: {  	(tag) =	ssettag $0x0;
	lr =	simm.s32 $0x1  }
0x2: {  	[smem:$0x3F9A] =	sst lr;
	_ =	strace $0xD0000000  }
0x3: {  	_ = 	snop  }
0x4: {  	_ = 	snop  }
0x5: {  	_ = 	snop  }
0x6: {  	_ = 	snop  }
0x7: {  	_ = 	snop  }
__scs_overlays_trampoline_lowered:
0x8: {  	[smem:$0x3FA9] =	sst s0  }
0x9: {  	[smem:$0x3FAA] =	sst s1  }
0xa: {  	[smem:$0x3FAB] =	sst s2  }
0xb: {  	[smem:$0x3FAC] =	sst s3  }
0xc: {  	[smem:$0x3FAD] =	sst s4  }
0xd: {  	[smem:$0x3FAE] =	sst s5  }
0xe: {  	[smem:$0x3FAF] =	sst s6  }
0xf: {  	[smem:$0x3FB0] =	sst s7  }
0x10: {  	[smem:$0x3FB1] =	sst s8  }
0x11: {  	[smem:$0x3FB2] =	sst s9;
	s0 =	simm.s32 @!p0 $0x0  }
0x12: {  	s1 =	sld [smem:$0x3F98];
	s0 =	simm.s32 @p0 $0x1  }
0x13: {  	[smem:$0x3FB3] =	sst s0;
	s0 =	simm.s32 @!p1 $0x0  }
0x14: {  	s2 =	sld [smem:$0x3F97];
	s0 =	simm.s32 @p1 $0x1  }
0x15: {  	[smem:$0x3FB4] =	sst s0;
	s0 =	simm.s32 @!p2 $0x0  }
0x16: {  	s3 =	sld [smem:$0x3FDB];
	s0 =	simm.s32 @p2 $0x1  }
0x17: {  	s4 =	simm.s32 $0x1BF5;
	[smem:$0x3FB6] =	sst s0  }
0x18: {  	s0 =	sld [smem:$0x3F99];
	_ =	swait.ge [sflag:s4], $0x0  }
0x19: {  	s7 =	sld [smem:$0x3F9A]  }
0x1a: {  	s8 =	sadd.s32 $0xFFFFE003, lr  }
0x1b: {  	s9 =	sadd.s32 $0xFFFFFEF7, lr;
	s5 =	simm.s32 $0xFFFFFFFF;
	p2 =	slt.u32 s8, $0xFFFFF086  }
0x1c: {  	p1 =	slt.u32 s9, $0xF7A;
	s5 =	simm.s32 @!p2 $0x0  }
0x1d: {  	s5 =	simm.s32 @p1 $0x1;
	p0 =	seq.s32 s7, s2  }
0x1e: {  	s7 =	smul.u32 @!p0 $0xF7A, s2;
	p2 =	seq.s32 @!p0 s5, $0x0  }
0x1f: {  	s9 =	smul.u32 $0xF7A, s1;
	s8 =	simm.s32 @!p0 $0x1BF5;
	p2 =	por !p2, p0  }
0x20: {  	[sflag:s8] =	ssyncset.s32 @!p0 $0xFFFFF086;
	s6 =	sadd.s32 @!p0 s3, s7;
	s7 =	simm.s32 @!p0 $0x108  }
0x21: {  	s3 =	sadd.s32 s3, s9;
	s6 =	sadd.s32 @!p0 $0x88, s6;
	s7 =	simm.s32 @p2 $0x1082  }
0x22: {  	[simem:s7], [sflag:s8] =	dma.local @!p0 [hbm:s6], $0xF7A  }
0x23: {  	s9 =	sor.u32 $0xD0000000, s2;
	s6 =	simm.s32 $0x108;
	_ =	swait.ge @!p0 [sflag:s8], $0x0  }
0x24: {  	s3 =	sadd.s32 $0x88, s3;
	s6 =	simm.s32 @!p1 $0x1082;
	[sflag:s4] =	ssyncset.s32 $0xFFFFF086  }
0x25: {  	[simem:s6], [sflag:s4] =	dma.local [hbm:s3], $0xF7A  }
0x26: {  	[smem:$0x3F9A] =	sst s1;
	(tag) =	ssettag s2;
	_ =	strace s9  }
0x27: {  	s1 =	sld [smem:$0x3FAA]  }
0x28: {  	s2 =	sld [smem:$0x3FAB]  }
0x29: {  	s4 =	sld [smem:$0x3FAD]  }
0x2a: {  	p0 =	seq.s32 s5, $0x0;
	s5 =	sld [smem:$0x3FAE]  }
0x2b: {  	s6 =	sld [smem:$0x3FAF]  }
0x2c: {  	s7 =	sld [smem:$0x3FB0]  }
0x2d: {  	s3 =	simm.s32 $0x108;
	s8 =	sld [smem:$0x3FB1]  }
0x2e: {  	s3 =	simm.s32 @!p0 $0x1082;
	s9 =	sld [smem:$0x3FB2]  }
0x2f: {  	lr =	sadd.s32 s0, s3;
	s0 =	sld [smem:$0x3FA9]  }
0x30: {  	s3 =	sld [smem:$0x3FAC]  }
0x31: {  	[smem:$0x3FB5] =	sst s10  }
0x32: {  	s10 =	sld [smem:$0x3FB3];
	_ =	sdelay $0x3  }
0x33: {  	p0 =	seq.s32 s10, $0x1;
	s10 =	sld [smem:$0x3FB5];
	_ =	sdelay $0x3  }
0x34: {  	[smem:$0x3FB5] =	sst s10  }
0x35: {  	s10 =	sld [smem:$0x3FB4];
	_ =	sdelay $0x3  }
0x36: {  	p1 =	seq.s32 s10, $0x1;
	s10 =	sld [smem:$0x3FB5];
	_ =	sdelay $0x3  }
0x37: {  	[smem:$0x3FB5] =	sst s10  }
0x38: {  	s10 =	sld [smem:$0x3FB6]  }
0x39: {  	_ = 	snop;
	(pc) =	sbr.ind lr, $3  }
0x3a: {  	_ = 	snop  }
0x3b: {  	_ = 	snop  }
0x3c: {  	p2 =	seq.s32 s10, $0x1;
	s10 =	sld [smem:$0x3FB5]  }
0x3d: {  	_ =	shalt  }
0x3e: {  	_ =	shalt  }
0x3f: {  	_ =	shalt  }
0x40: {  	_ =	shalt  }
0x41: {  	_ =	shalt  }
0x42: {  	_ =	shalt  }
0x43: {  	_ =	shalt  }
0x44: {  	_ =	shalt  }
0x45: {  	_ =	shalt  }
0x46: {  	_ =	shalt  }
0x47: {  	_ =	shalt  }
0x48: {  	_ =	shalt  }
0x49: {  	_ =	shalt  }
0x4a: {  	_ =	shalt  }
0x4b: {  	_ =	shalt  }
0x4c: {  	_ =	shalt  }
0x4d: {  	_ =	shalt  }
0x4e: {  	_ =	shalt  }
0x4f: {  	_ =	shalt  }
0x50: {  	_ =	shalt  }
0x51: {  	_ =	shalt  }
0x52: {  	_ =	shalt  }
0x53: {  	_ =	shalt  }
0x54: {  	_ =	shalt  }
0x55: {  	_ =	shalt  }
0x56: {  	_ =	shalt  }
0x57: {  	_ =	shalt  }
0x58: {  	_ =	shalt  }
0x59: {  	_ =	shalt  }
0x5a: {  	_ =	shalt  }
0x5b: {  	_ =	shalt  }
0x5c: {  	_ =	shalt  }
0x5d: {  	_ =	shalt  }
0x5e: {  	_ =	shalt  }
0x5f: {  	_ =	shalt  }
0x60: {  	_ =	shalt  }
0x61: {  	_ =	shalt  }
0x62: {  	_ =	shalt  }
0x63: {  	_ =	shalt  }
0x64: {  	_ =	shalt  }
0x65: {  	_ =	shalt  }
0x66: {  	_ =	shalt  }
0x67: {  	_ =	shalt  }
0x68: {  	_ =	shalt  }
0x69: {  	_ =	shalt  }
0x6a: {  	_ =	shalt  }
0x6b: {  	_ =	shalt  }
0x6c: {  	_ =	shalt  }
0x6d: {  	_ =	shalt  }
0x6e: {  	_ =	shalt  }
0x6f: {  	_ =	shalt  }
0x70: {  	_ =	shalt  }
0x71: {  	_ =	shalt  }
0x72: {  	_ =	shalt  }
0x73: {  	_ =	shalt  }
0x74: {  	_ =	shalt  }
0x75: {  	_ =	shalt  }
0x76: {  	_ =	shalt  }
0x77: {  	_ =	shalt  }
0x78: {  	_ =	shalt  }
0x79: {  	_ =	shalt  }
0x7a: {  	_ =	shalt  }
0x7b: {  	_ =	shalt  }
0x7c: {  	_ =	shalt  }
0x7d: {  	_ =	shalt  }
0x7e: {  	_ =	shalt  }
0x7f: {  	_ =	shalt  }
0x80: {  	_ =	shalt  }
0x81: {  	_ =	shalt  }
0x82: {  	_ =	shalt  }
0x83: {  	_ =	shalt  }
0x84: {  	_ =	shalt  }
0x85: {  	_ =	shalt  }
0x86: {  	_ =	shalt  }
0x87: {  	_ =	shalt  }
.Lfunc_end0:
.L_simem_size_0:
called_computation.1_lowered:
.L_overlay_start_0:
0x88: {  	s2 =	sld [smem:$0x3FD9]  }
0x89: {  	s3 =	sld [smem:$0x3FFE];
	_ =	sdelay $0x1  }
0x8a: {  	s1 =	srdreg.scid  }
0x8b: {  	s0 =	sand.u32 $0x1, s1  }
0x8c: {  	s17 =	sshll.u32 s0, $0xA;
	s2 =	sadd.s32 s3, s2  }
0x8d: {  	s2 =	sadd.s32 s2, s17  }
0x8e: {  	[smem:$0x3FC1] =	sst s2  }
0x8f: {  	_ = 	snop  }
0x90: {  	s2 =	sld [smem:$0x3FD0];
	(tm) =	ssettm $0x1  }
0x91: {  	s18 =	sld [smem:$0x3FFB];
	_ =	sdelay $0x3  }
0x92: {  	_ =	strace s18  }
0x93: {  	s3 =	sld [smem:$0x3FFC];
	_ =	sdelay $0x3  }
0x94: {  	_ =	strace s3  }
0x95: {  	s3 =	sld [smem:$0x3FFD];
	_ =	sdelay $0x3  }
0x96: {  	_ =	strace s3  }
0x97: {  	_ =	strace $0x8FFFFFFF  }
0x98: {  	s19 =	sld [smem:$0x3FDB];
	_ =	sdelay $0x1  }
0x99: {  	s4 =	simm.s32 $_scs_section_size  }
0x9a: {  	s5 =	simm.s32 $_size__tile_overlayer_lowered;
	s6 =	simm.s32 $_tile_overlayer_lowered  }
0x9b: {  	s22 =	simm.s32 $0x1BFF;
	s21 =	sshll.u32 s6, $0x1;
	s3 =	sadd.s32 s4, s19  }
0x9c: {  	s7 =	simm.s32 $0x0;
	s20 =	sshll.u32 s5, $0x1;
	s5 =	sadd.s32 s21, s3  }
0x9d: {  	[timem:s7], [sflag:s22] =	dma.local [hbm:s5], s20  }
0x9e: {  	_ =	swait.ge [sflag:s22], s20  }
0x9f: {  	s4 =	ssub.s32 $0x0, s20;
	[sflag:s22] =	ssyncset.done $0x0  }
0xa0: {  	[sflag:s22] =	ssyncadd.s32 s4;
	_ =	sdelay $0x1  }
0xa1: {  	s23 =	simm.s32 $0x1B8B  }
0xa2: {  	_ =	swait.ge [sflag:s23], $0x1  }
0xa3: {  	[sflag:s23] =	ssyncset.done $0x0  }
0xa4: {  	s25 =	simm.s32 $0x1B8E;
	s24 =	sld [smem:$0x3FFE];
	[sflag:s23] =	ssyncadd.s32 $0xFFFFFFFF  }
0xa5: {  	s26 =	simm.s32 $execute0_lowered;
	[smem:$0x3FD2] =	sst s25  }
0xa6: {  	s5 =	sshll.u32 s26, $0x1;
	_ =	strace $0x80000049;
	[dreg:$0x1] =	wrdreg $0xFFFFFFFF  }
0xa7: {  	s28 =	simm.s32 $_size_execute0_lowered;
	s3 =	sadd.s32 s3, s5;
	[dreg:$0x0] =	wrdreg $0x0  }
0xa8: {  	s5 =	sshll.u32 s28, $0x1;
	[dreg:$0x2] =	wrdreg s3  }
0xa9: {  	[dreg:$0x3] =	wrdreg s5  }
0xaa: {  	[dreg:$0x4] =	wrdreg $0xC0  }
0xab: {  	_ =	task [dreg:s7], $0x5FFFF  }
0xac: {  	[dreg:$0x1] =	wrdreg $0xFFFFFFFF  }
0xad: {  	[dreg:$0x0] =	wrdreg $0x60  }
0xae: {  	[dreg:$0x2] =	wrdreg s2  }
0xaf: {  	[dreg:$0x3] =	wrdreg s24  }
0xb0: {  	[dreg:$0x4] =	wrdreg $0xB0000  }
0xb1: {  	[dreg:$0x5] =	wrdreg $0x9  }
0xb2: {  	_ =	task.clear_ibuf [dreg:s7], $0x6FFFF;
	_ =	strace $0x90000049  }
0xb3: {  	s29 =	simm.s32 $0x9;
	_ =	strace $0x8000004B  }
0xb4: {  	_ =	swait.ge [sflag:s29], $0x1  }
0xb5: {  	[sflag:s29] =	ssyncadd.s32 $0xFFFFFFFF  }
0xb6: {  	_ =	strace $0x9000004B  }
0xb7: {  	_ =	sfence  }
0xb8: {  	s30 =	sld [smem:$0x0];
	_ =	sdelay $0x2  }
0xb9: {  	s31 =	sshll.u32 s1, $0xD;
	s1 =	sshrl.u32 s1, $0x2  }
0xba: {  	s3 =	sand.u32 $0x4000, s31;
	s1 =	sadd.s32 s1, s30  }
0xbb: {  	s0 =	sor.u32 s3, s0;
	s1 =	sshll.u32 s1, $0x11  }
0xbc: {  	s0 =	sor.u32 s1, s0  }
0xbd: {  	s0 =	sadd.s32 $0x8F2B, s0  }
0xbe: {  	[sflag:s0] =	ssyncadd.remote.s32 $0x1  }
0xbf: {  	_ =	sfence.sel $0xFFFF  }
0xc0: {  	[dreg:$0x0] =	wrdreg $0xFFFFFFFF;
	(pc) =	sbr.abs _section_cstart, $3  }
0xc1: {  	[dreg:$0x1] =	wrdreg $0xFFFFFFFF  }
0xc2: {  	_ =	task.clear_ibuf [dreg:s7], $0x2FFFF;
	_ =	strace $0x9FFFFFFF  }
0xc3: {  	(tm) =	ssettm $0x7FFFFFFF  }
tec
execute0_lowered:
.L_overlay_start_1:
0x0: {  	(tag) =	ssettag $0x1  }
0x1: {  	s1 =	rddreg [dreg:$0x0]  }
0x2: {  	s0 =	rddreg [dreg:$0x1]  }
0x3: {  	s2 =	rddreg [dreg:$0x2]  }
0x4: {  	s3 =	srdreg.scid;
	s4 =	simm.s32 $0x0;
	s11 =	stileid.u32  }
0x5: {  	s28 =	simm.s32 $0x1;
	s29 =	simm.s32 $0x2;
	s30 =	simm.s32 $0x3  }
0x6: {  	s31 =	simm.s32 $0x4;
	s3 =	sand.u32 $0x1, s3;
	[smem:$0x7FF] =	sst s4  }
0x7: {  	s6 =	sadd.s32 $0x2400, s0;
	s7 =	sadd.s32 $0x1A400, s0;
	s5 =	sadd.s32 $0x32400, s0  }
0x8: {  	s9 =	smul.u32 $0x4E000, s11;
	s0 =	sadd.s32 $0x34C00, s0;
	s20 =	sadd.s32 $0x138000, s2  }
0x9: {  	s22 =	smul.u32 $0x13800, s11;
	p0 =	sne.s32 s11, $0xF;
	s17 =	sshll.u32 s3, $0x4  }
0xa: {  	_ =	strace $0x8000004A;
	s8 =	ssub.s32 $0x2, s3;
	s3 =	smul.u32 $0x138800, s3  }
0xb: {  	[dreg:$0x7] =	wrdreg s20;
	s20 =	simm.s32 $0x4000;
	s4 =	sor.u32 s11, s17  }
0xc: {  	s10 =	sshrl.u32 s8, $0x1;
	s9 =	sshrl.u32 s9, $0x2;
	s17 =	simm.s32 $0x9  }
0xd: {  	s11 =	simm.s32 $0x3D80;
	s4 =	smul.u32 $0x6000, s4;
	s8 =	ssub.s32 s8, s10  }
0xe: {  	s9 =	sadd.s32 s9, s2;
	s23 =	sadd.s32 s22, s3;
	s3 =	sshrl.u32 s3, $0x3  }
0xf: {  	s22 =	simm.s32 $0x5C00;
	s10 =	simm.s32 $0x3D00;
	[dreg:$0x6] =	wrdreg s9  }
0x10: {  	s24 =	sshrl.u32 s23, $0x3;
	s3 =	sadd.s32 s0, s3;
	s26 =	smax.u32 s8, $0x1  }
0x11: {  	s23 =	simm.s32 $0x100;
	s8 =	simm.s32 $0x3C00;
	s4 =	sshrl.u32 s4, $0x3  }
0x12: {  	s0 =	sadd.s32 s0, s24;
	s25 =	sadd.s32 $0x27000, s3;
	[dreg:$0xe] =	wrdreg s26  }
0x13: {  	s24 =	simm.s32 $0x7800;
	s26 =	simm.s32 $0x9400;
	[dreg:$0xc] =	wrdreg s0  }
0x14: {  	s3 =	simm.s32 $0x6;
	s18 =	sadd.s32 s6, s4;
	[dreg:$0xd] =	wrdreg s25  }
0x15: {  	s19 =	sadd.s32 s7, s4;
	s21 =	sadd.s32 $0x400, s4;
	[dreg:$0x4] =	wrdreg s18  }
0x16: {  	s4 =	sadd.s32 $0x800, s4;
	[dreg:$0x5] =	wrdreg s19;
	s12 =	sadd.s32 s6, s21  }
0x17: {  	s25 =	simm.s32 $0x180;
	s9 =	sadd.s32 s7, s21;
	[dreg:$0x8] =	wrdreg s12  }
0x18: {  	s0 =	simm.s32 $0x5;
	s6 =	sadd.s32 s6, s4;
	[dreg:$0x9] =	wrdreg s9  }
0x19: {  	s4 =	sadd.s32 s7, s4;
	s19 =	simm.s32 $0x38;
	[dreg:$0xa] =	wrdreg s6  }
0x1a: {  	s21 =	simm.s32 $0x80;
	s7 =	simm.s32 $0x8;
	[dreg:$0xb] =	wrdreg s4  }
0x1b: {  	s6 =	simm.s32 $0x7;
	s9 =	simm.s32 $0x3C80;
	s12 =	simm.s32 $0x0  }
.LBB2_1:
0x1c: {  	s4 =	simm.s32 $0x0;
	s13 =	rddreg [dreg:$0x4]  }
0x1d: {  	[tilespmem:s4], [sflag:$0x9] =	stream.linear.gather [hbm4b:s13+s4], $0x1E00, $0x38;
	[tilespmem:$0x1E8C0] =	vst v63  }
0x1e: {  	_ =	swait.ge [sflag:s17], $0x1E00  }
0x1f: {  	[sflag:s17] =	ssyncset.done $0x0  }
0x20: {  	s14 =	simm.s32 $0x2000;
	s18 =	rddreg [dreg:$0x5];
	[sflag:s17] =	ssyncadd.s32 $0xFFFFE200  }
0x21: {  	[tilespmem:s14], [sflag:$0x9] =	stream.linear.gather [hbm4b:s18+s4], $0x1E00, $0x38;
	[tilespmem:$0x1E8C0] =	vst v63  }
0x22: {  	_ =	swait.ge [sflag:s17], $0x1E00  }
0x23: {  	[sflag:s17] =	ssyncset.done $0x0  }
0x24: {  	[sflag:s17] =	ssyncadd.s32 $0xFFFFE200  }
0x25: {  	[tilespmem:s20], [sflag:$0x1] =	stream.indirect.gather [hbm4b:s1+s19], $0x80, s4, s19, $0xb8;
	[tilespmem:$0x1E8C0] =	vst v63  }
0x26: {  	s15 =	stileid.u32  }
0x27: {  	[tilespmem:s22], [sflag:$0x2] =	stream.indirect.gather [hbm4b:s1+s19], $0x80, s21, s19, $0xb8;
	[tilespmem:$0x1E8C0] =	vst v63  }
0x28: {  	s16 =	rddreg [dreg:$0x6];
	s4 =	sshll.u32 s15, $0x6  }
0x29: {  	[tilespmem:s24], [sflag:$0x3] =	stream.indirect.gather [hbm4b:s1+s19], $0x80, s23, s19, $0xb8;
	[tilespmem:$0x1E8C0] =	vst v63  }
0x2a: {  	s14 =	sshrl.u32 s16, $0x3;
	s13 =	sor.u32 $0x1C09, s4  }
0x2b: {  	[tilespmem:s26], [sflag:$0x4] =	stream.indirect.gather [hbm4b:s1+s19], $0x80, s25, s19, $0xb8;
	[tilespmem:$0x1E8C0] =	vst v63  }
0x2c: {  	[spmem:s14], [sflag:s13] =	dma.local [hbm:s5], $0x2700  }
0x2d: {  	_ =	swait.ge [sflag:s17], $0x2700  }
0x2e: {  	[sflag:s17] =	ssyncset.done $0x0;
	s4 =	rddreg [dreg:$0x7]  }
0x2f: {  	[sflag:s17] =	ssyncadd.s32 $0xFFFFD900;
	s15 =	sshrl.u32 @!p0 s4, $0x3;
	s4 =	simm.s32 @!p0 $0x9  }
0x30: {  	[spmem:s15], [sflag:s13] =	dma.local @!p0 [hbm:s5], $0x180  }
0x31: {  	_ =	swait.ge @!p0 [sflag:s4], $0x180  }
0x32: {  	[sflag:s4] =	ssyncset.done @!p0 $0x0  }
0x33: {  	[sflag:s4] =	ssyncadd.s32 @!p0 $0xFFFFFE80  }
0x34: {  	[bflag:$0x0] =	sbarrier.arrive $0xFFFF  }
0x35: {  	_ =	swait.ge [sflag:s28], $0x1C00  }
0x36: {  	[sflag:s28] =	ssyncset.done $0x0  }
0x37: {  	s18 =	simm.s32 $0x2000;
	[sflag:s28] =	ssyncadd.s32 $0xFFFFE400  }
0x38: {  	[spmem:s2] =	stream.indirect.scatter.add.f32 [tilespmem:s20], [sflag:$0x5], $0x80, s18, s19, $0xb8;
	[tilespmem:$0x1E8C0] =	vst v63  }
0x39: {  	_ =	swait.ge [sflag:s29], $0x1C00  }
0x3a: {  	[sflag:s29] =	ssyncset.done $0x0  }
0x3b: {  	s16 =	simm.s32 $0x2080;
	[sflag:s29] =	ssyncadd.s32 $0xFFFFE400  }
0x3c: {  	[spmem:s2] =	stream.indirect.scatter.add.f32 [tilespmem:s22], [sflag:$0x6], $0x80, s16, s19, $0xb8;
	[tilespmem:$0x1E8C0] =	vst v63  }
0x3d: {  	_ =	swait.ge [sflag:s30], $0x1C00  }
0x3e: {  	[sflag:s30] =	ssyncset.done $0x0  }
0x3f: {  	s18 =	simm.s32 $0x2100;
	[sflag:s30] =	ssyncadd.s32 $0xFFFFE400  }
0x40: {  	[spmem:s2] =	stream.indirect.scatter.add.f32 [tilespmem:s24], [sflag:$0x7], $0x80, s18, s19, $0xb8;
	[tilespmem:$0x1E8C0] =	vst v63  }
0x41: {  	_ =	swait.ge [sflag:s31], $0x1C00  }
0x42: {  	[sflag:s31] =	ssyncset.done $0x0  }
0x43: {  	s16 =	simm.s32 $0x2180;
	[sflag:s31] =	ssyncadd.s32 $0xFFFFE400  }
0x44: {  	[spmem:s2] =	stream.indirect.scatter.add.f32 [tilespmem:s26], [sflag:$0x8], $0x80, s16, s19, $0xb8;
	[tilespmem:$0x1E8C0] =	vst v63  }
0x45: {  	_ =	swait.ge [sflag:s0], $0x1C00  }
0x46: {  	[sflag:s0] =	ssyncset.done $0x0  }
0x47: {  	s18 =	simm.s32 $0x200;
	[sflag:s0] =	ssyncadd.s32 $0xFFFFE400  }
0x48: {  	[tilespmem:s20], [sflag:$0x1] =	stream.indirect.gather [hbm4b:s1+s19], $0x80, s18, s19, $0xb8;
	[tilespmem:$0x1E8C0] =	vst v63  }
0x49: {  	_ =	swait.ge [sflag:s3], $0x1C00  }
0x4a: {  	[sflag:s3] =	ssyncset.done $0x0  }
0x4b: {  	s16 =	simm.s32 $0x280;
	[sflag:s3] =	ssyncadd.s32 $0xFFFFE400  }
0x4c: {  	[tilespmem:s22], [sflag:$0x2] =	stream.indirect.gather [hbm4b:s1+s19], $0x80, s16, s19, $0xb8;
	[tilespmem:$0x1E8C0] =	vst v63  }
0x4d: {  	_ =	swait.ge [sflag:s6], $0x1C00  }
0x4e: {  	[sflag:s6] =	ssyncset.done $0x0  }
0x4f: {  	s18 =	simm.s32 $0x300;
	[sflag:s6] =	ssyncadd.s32 $0xFFFFE400  }
0x50: {  	[tilespmem:s24], [sflag:$0x3] =	stream.indirect.gather [hbm4b:s1+s19], $0x80, s18, s19, $0xb8;
	[tilespmem:$0x1E8C0] =	vst v63  }
0x51: {  	_ =	swait.ge [sflag:s7], $0x1C00  }
0x52: {  	[sflag:s7] =	ssyncset.done $0x0  }
0x53: {  	s4 =	simm.s32 $0x380;
	s16 =	simm.s32 $0x800;
	[sflag:s7] =	ssyncadd.s32 $0xFFFFE400  }
.LBB2_2:
0x54: {  	[tilespmem:s26], [sflag:$0x4] =	stream.indirect.gather [hbm4b:s1+s19], $0x80, s4, s19, $0xb8;
	[tilespmem:$0x1E8C0] =	vst v63  }
0x55: {  	s4 =	smov.u32 s16  }
0x56: {  	p1 =	sne.s32 s16, $0x6800;
	s16 =	sadd.s32 $0x800, s16;
	_ =	swait.ge [sflag:s28], $0x1C00  }
0x57: {  	s4 =	sshra.s32 s4, $0x2;
	[sflag:s28] =	ssyncset.done $0x0  }
0x58: {  	s18 =	sadd.s32 $0x2000, s4;
	[sflag:s28] =	ssyncadd.s32 $0xFFFFE400  }
0x59: {  	[spmem:s2] =	stream.indirect.scatter.add.f32 [tilespmem:s20], [sflag:$0x5], $0x80, s18, s19, $0xb8;
	[tilespmem:$0x1E8C0] =	vst v63  }
0x5a: {  	_ =	swait.ge [sflag:s29], $0x1C00  }
0x5b: {  	[sflag:s29] =	ssyncset.done $0x0  }
0x5c: {  	s18 =	sadd.s32 $0x2080, s4;
	[sflag:s29] =	ssyncadd.s32 $0xFFFFE400  }
0x5d: {  	[spmem:s2] =	stream.indirect.scatter.add.f32 [tilespmem:s22], [sflag:$0x6], $0x80, s18, s19, $0xb8;
	[tilespmem:$0x1E8C0] =	vst v63  }
0x5e: {  	_ =	swait.ge [sflag:s30], $0x1C00  }
0x5f: {  	[sflag:s30] =	ssyncset.done $0x0  }
0x60: {  	s18 =	sadd.s32 $0x2100, s4;
	[sflag:s30] =	ssyncadd.s32 $0xFFFFE400  }
0x61: {  	[spmem:s2] =	stream.indirect.scatter.add.f32 [tilespmem:s24], [sflag:$0x7], $0x80, s18, s19, $0xb8;
	[tilespmem:$0x1E8C0] =	vst v63  }
0x62: {  	_ =	swait.ge [sflag:s31], $0x1C00  }
0x63: {  	[sflag:s31] =	ssyncset.done $0x0  }
0x64: {  	s18 =	sadd.s32 $0x2180, s4;
	[sflag:s31] =	ssyncadd.s32 $0xFFFFE400  }
0x65: {  	[spmem:s2] =	stream.indirect.scatter.add.f32 [tilespmem:s26], [sflag:$0x8], $0x80, s18, s19, $0xb8;
	[tilespmem:$0x1E8C0] =	vst v63  }
0x66: {  	_ =	swait.ge [sflag:s0], $0x1C00  }
0x67: {  	[sflag:s0] =	ssyncset.done $0x0  }
0x68: {  	s18 =	sadd.s32 $0x200, s4;
	[sflag:s0] =	ssyncadd.s32 $0xFFFFE400  }
0x69: {  	[tilespmem:s20], [sflag:$0x1] =	stream.indirect.gather [hbm4b:s1+s19], $0x80, s18, s19, $0xb8;
	[tilespmem:$0x1E8C0] =	vst v63  }
0x6a: {  	_ =	swait.ge [sflag:s3], $0x1C00  }
0x6b: {  	[sflag:s3] =	ssyncset.done $0x0  }
0x6c: {  	s18 =	sadd.s32 $0x280, s4;
	[sflag:s3] =	ssyncadd.s32 $0xFFFFE400  }
0x6d: {  	[tilespmem:s22], [sflag:$0x2] =	stream.indirect.gather [hbm4b:s1+s19], $0x80, s18, s19, $0xb8;
	[tilespmem:$0x1E8C0] =	vst v63  }
0x6e: {  	_ =	swait.ge [sflag:s6], $0x1C00  }
0x6f: {  	[sflag:s6] =	ssyncset.done $0x0  }
.Ltmp0:
0x70: {  	s18 =	sadd.s32 $0x300, s4;
	[sflag:s6] =	ssyncadd.s32 $0xFFFFE400;
	(pc) =	sbr.rel @p1 .LBB2_2-.Ltmp0, $4  }
0x71: {  	[tilespmem:s24], [sflag:$0x3] =	stream.indirect.gather [hbm4b:s1+s19], $0x80, s18, s19, $0xb8;
	[tilespmem:$0x1E8C0] =	vst v63  }
0x72: {  	_ =	swait.ge [sflag:s7], $0x1C00  }
0x73: {  	[sflag:s7] =	ssyncset.done $0x0  }
0x74: {  	s4 =	sadd.s32 $0x380, s4;
	[sflag:s7] =	ssyncadd.s32 $0xFFFFE400  }
0x75: {  	[tilespmem:s26], [sflag:$0x4] =	stream.indirect.gather [hbm4b:s1+s19], $0x80, s4, s19, $0xb8;
	[tilespmem:$0x1E8C0] =	vst v63  }
0x76: {  	_ =	swait.ge [sflag:s28], $0x1C00  }
0x77: {  	[sflag:s28] =	ssyncset.done $0x0  }
0x78: {  	[sflag:s28] =	ssyncadd.s32 $0xFFFFE400  }
0x79: {  	[spmem:s2] =	stream.indirect.scatter.add.f32 [tilespmem:s20], [sflag:$0x5], $0x80, s8, s19, $0xb8;
	[tilespmem:$0x1E8C0] =	vst v63  }
0x7a: {  	_ =	swait.ge [sflag:s29], $0x1C00  }
0x7b: {  	[sflag:s29] =	ssyncset.done $0x0  }
0x7c: {  	[sflag:s29] =	ssyncadd.s32 $0xFFFFE400  }
0x7d: {  	[spmem:s2] =	stream.indirect.scatter.add.f32 [tilespmem:s22], [sflag:$0x6], $0x80, s9, s19, $0xb8;
	[tilespmem:$0x1E8C0] =	vst v63  }
0x7e: {  	_ =	swait.ge [sflag:s30], $0x1C00  }
0x7f: {  	[sflag:s30] =	ssyncset.done $0x0  }
0x80: {  	[sflag:s30] =	ssyncadd.s32 $0xFFFFE400  }
0x81: {  	[spmem:s2] =	stream.indirect.scatter.add.f32 [tilespmem:s24], [sflag:$0x7], $0x80, s10, s19, $0xb8;
	[tilespmem:$0x1E8C0] =	vst v63  }
0x82: {  	_ =	swait.ge [sflag:s31], $0x1C00  }
0x83: {  	[sflag:s31] =	ssyncset.done $0x0  }
0x84: {  	[sflag:s31] =	ssyncadd.s32 $0xFFFFE400  }
0x85: {  	[spmem:s2] =	stream.indirect.scatter.add.f32 [tilespmem:s26], [sflag:$0x8], $0x80, s11, s19, $0xb8;
	[tilespmem:$0x1E8C0] =	vst v63  }
0x86: {  	_ =	swait.ge [sflag:s0], $0x1C00  }
0x87: {  	[sflag:s0] =	ssyncset.done $0x0  }
0x88: {  	[sflag:s0] =	ssyncadd.s32 $0xFFFFE400  }
0x89: {  	_ =	swait.ge [sflag:s3], $0x1C00  }
0x8a: {  	[sflag:s3] =	ssyncset.done $0x0  }
0x8b: {  	[sflag:s3] =	ssyncadd.s32 $0xFFFFE400  }
0x8c: {  	_ =	swait.ge [sflag:s6], $0x1C00  }
0x8d: {  	[sflag:s6] =	ssyncset.done $0x0  }
0x8e: {  	[sflag:s6] =	ssyncadd.s32 $0xFFFFE400  }
0x8f: {  	_ =	swait.ge [sflag:s7], $0x1C00  }
0x90: {  	[sflag:s7] =	ssyncset.done $0x0  }
0x91: {  	s4 =	simm.s32 $0x0;
	s16 =	rddreg [dreg:$0x8];
	[sflag:s7] =	ssyncadd.s32 $0xFFFFE400  }
0x92: {  	[tilespmem:s4], [sflag:$0x9] =	stream.linear.gather [hbm4b:s16+s4], $0x1E00, $0x38;
	[tilespmem:$0x1E8C0] =	vst v63  }
0x93: {  	_ =	swait.ge [sflag:s17], $0x1E00  }
0x94: {  	[sflag:s17] =	ssyncset.done $0x0  }
0x95: {  	s18 =	simm.s32 $0x2000;
	s16 =	rddreg [dreg:$0x9];
	[sflag:s17] =	ssyncadd.s32 $0xFFFFE200  }
0x96: {  	[tilespmem:s18], [sflag:$0x9] =	stream.linear.gather [hbm4b:s16+s4], $0x1E00, $0x38;
	[tilespmem:$0x1E8C0] =	vst v63  }
0x97: {  	_ =	swait.ge [sflag:s17], $0x1E00  }
0x98: {  	[sflag:s17] =	ssyncset.done $0x0  }
0x99: {  	[sflag:s17] =	ssyncadd.s32 $0xFFFFE200  }
0x9a: {  	[tilespmem:s20], [sflag:$0x1] =	stream.indirect.gather [hbm4b:s1+s19], $0x80, s4, s19, $0xb8;
	[tilespmem:$0x1E8C0] =	vst v63  }
0x9b: {  	_ = 	snop  }
0x9c: {  	[tilespmem:s22], [sflag:$0x2] =	stream.indirect.gather [hbm4b:s1+s19], $0x80, s21, s19, $0xb8;
	[tilespmem:$0x1E8C0] =	vst v63  }
0x9d: {  	_ = 	snop  }
0x9e: {  	[tilespmem:s24], [sflag:$0x3] =	stream.indirect.gather [hbm4b:s1+s19], $0x80, s23, s19, $0xb8;
	[tilespmem:$0x1E8C0] =	vst v63  }
0x9f: {  	_ = 	snop  }
0xa0: {  	[tilespmem:s26], [sflag:$0x4] =	stream.indirect.gather [hbm4b:s1+s19], $0x80, s25, s19, $0xb8;
	[tilespmem:$0x1E8C0] =	vst v63  }
0xa1: {  	_ =	swait.ge [sflag:s28], $0x1C00  }
0xa2: {  	[sflag:s28] =	ssyncset.done $0x0  }
0xa3: {  	s18 =	simm.s32 $0x2000;
	[sflag:s28] =	ssyncadd.s32 $0xFFFFE400  }
0xa4: {  	[spmem:s2] =	stream.indirect.scatter.add.f32 [tilespmem:s20], [sflag:$0x5], $0x80, s18, s19, $0xb8;
	[tilespmem:$0x1E8C0] =	vst v63  }
0xa5: {  	_ =	swait.ge [sflag:s29], $0x1C00  }
0xa6: {  	[sflag:s29] =	ssyncset.done $0x0  }
0xa7: {  	s16 =	simm.s32 $0x2080;
	[sflag:s29] =	ssyncadd.s32 $0xFFFFE400  }
0xa8: {  	[spmem:s2] =	stream.indirect.scatter.add.f32 [tilespmem:s22], [sflag:$0x6], $0x80, s16, s19, $0xb8;
	[tilespmem:$0x1E8C0] =	vst v63  }
0xa9: {  	_ =	swait.ge [sflag:s30], $0x1C00  }
0xaa: {  	[sflag:s30] =	ssyncset.done $0x0  }
0xab: {  	s18 =	simm.s32 $0x2100;
	[sflag:s30] =	ssyncadd.s32 $0xFFFFE400  }
0xac: {  	[spmem:s2] =	stream.indirect.scatter.add.f32 [tilespmem:s24], [sflag:$0x7], $0x80, s18, s19, $0xb8;
	[tilespmem:$0x1E8C0] =	vst v63  }
0xad: {  	_ =	swait.ge [sflag:s31], $0x1C00  }
0xae: {  	[sflag:s31] =	ssyncset.done $0x0  }
0xaf: {  	s16 =	simm.s32 $0x2180;
	[sflag:s31] =	ssyncadd.s32 $0xFFFFE400  }
0xb0: {  	[spmem:s2] =	stream.indirect.scatter.add.f32 [tilespmem:s26], [sflag:$0x8], $0x80, s16, s19, $0xb8;
	[tilespmem:$0x1E8C0] =	vst v63  }
0xb1: {  	_ =	swait.ge [sflag:s0], $0x1C00  }
0xb2: {  	[sflag:s0] =	ssyncset.done $0x0  }
0xb3: {  	s18 =	simm.s32 $0x200;
	[sflag:s0] =	ssyncadd.s32 $0xFFFFE400  }
0xb4: {  	[tilespmem:s20], [sflag:$0x1] =	stream.indirect.gather [hbm4b:s1+s19], $0x80, s18, s19, $0xb8;
	[tilespmem:$0x1E8C0] =	vst v63  }
0xb5: {  	_ =	swait.ge [sflag:s3], $0x1C00  }
0xb6: {  	[sflag:s3] =	ssyncset.done $0x0  }
0xb7: {  	s16 =	simm.s32 $0x280;
	[sflag:s3] =	ssyncadd.s32 $0xFFFFE400  }
0xb8: {  	[tilespmem:s22], [sflag:$0x2] =	stream.indirect.gather [hbm4b:s1+s19], $0x80, s16, s19, $0xb8;
	[tilespmem:$0x1E8C0] =	vst v63  }
0xb9: {  	_ =	swait.ge [sflag:s6], $0x1C00  }
0xba: {  	[sflag:s6] =	ssyncset.done $0x0  }
0xbb: {  	s18 =	simm.s32 $0x300;
	[sflag:s6] =	ssyncadd.s32 $0xFFFFE400  }
0xbc: {  	[tilespmem:s24], [sflag:$0x3] =	stream.indirect.gather [hbm4b:s1+s19], $0x80, s18, s19, $0xb8;
	[tilespmem:$0x1E8C0] =	vst v63  }
0xbd: {  	_ =	swait.ge [sflag:s7], $0x1C00  }
0xbe: {  	[sflag:s7] =	ssyncset.done $0x0  }
0xbf: {  	s4 =	simm.s32 $0x380;
	s16 =	simm.s32 $0x800;
	[sflag:s7] =	ssyncadd.s32 $0xFFFFE400  }
.LBB2_4:
0xc0: {  	[tilespmem:s26], [sflag:$0x4] =	stream.indirect.gather [hbm4b:s1+s19], $0x80, s4, s19, $0xb8;
	[tilespmem:$0x1E8C0] =	vst v63  }
0xc1: {  	s4 =	smov.u32 s16  }
0xc2: {  	p1 =	sne.s32 s16, $0x6800;
	s16 =	sadd.s32 $0x800, s16;
	_ =	swait.ge [sflag:s28], $0x1C00  }
0xc3: {  	s4 =	sshra.s32 s4, $0x2;
	[sflag:s28] =	ssyncset.done $0x0  }
0xc4: {  	s18 =	sadd.s32 $0x2000, s4;
	[sflag:s28] =	ssyncadd.s32 $0xFFFFE400  }
0xc5: {  	[spmem:s2] =	stream.indirect.scatter.add.f32 [tilespmem:s20], [sflag:$0x5], $0x80, s18, s19, $0xb8;
	[tilespmem:$0x1E8C0] =	vst v63  }
0xc6: {  	_ =	swait.ge [sflag:s29], $0x1C00  }
0xc7: {  	[sflag:s29] =	ssyncset.done $0x0  }
0xc8: {  	s18 =	sadd.s32 $0x2080, s4;
	[sflag:s29] =	ssyncadd.s32 $0xFFFFE400  }
0xc9: {  	[spmem:s2] =	stream.indirect.scatter.add.f32 [tilespmem:s22], [sflag:$0x6], $0x80, s18, s19, $0xb8;
	[tilespmem:$0x1E8C0] =	vst v63  }
0xca: {  	_ =	swait.ge [sflag:s30], $0x1C00  }
0xcb: {  	[sflag:s30] =	ssyncset.done $0x0  }
0xcc: {  	s18 =	sadd.s32 $0x2100, s4;
	[sflag:s30] =	ssyncadd.s32 $0xFFFFE400  }
0xcd: {  	[spmem:s2] =	stream.indirect.scatter.add.f32 [tilespmem:s24], [sflag:$0x7], $0x80, s18, s19, $0xb8;
	[tilespmem:$0x1E8C0] =	vst v63  }
0xce: {  	_ =	swait.ge [sflag:s31], $0x1C00  }
0xcf: {  	[sflag:s31] =	ssyncset.done $0x0  }
0xd0: {  	s18 =	sadd.s32 $0x2180, s4;
	[sflag:s31] =	ssyncadd.s32 $0xFFFFE400  }
0xd1: {  	[spmem:s2] =	stream.indirect.scatter.add.f32 [tilespmem:s26], [sflag:$0x8], $0x80, s18, s19, $0xb8;
	[tilespmem:$0x1E8C0] =	vst v63  }
0xd2: {  	_ =	swait.ge [sflag:s0], $0x1C00  }
0xd3: {  	[sflag:s0] =	ssyncset.done $0x0  }
0xd4: {  	s18 =	sadd.s32 $0x200, s4;
	[sflag:s0] =	ssyncadd.s32 $0xFFFFE400  }
0xd5: {  	[tilespmem:s20], [sflag:$0x1] =	stream.indirect.gather [hbm4b:s1+s19], $0x80, s18, s19, $0xb8;
	[tilespmem:$0x1E8C0] =	vst v63  }
0xd6: {  	_ =	swait.ge [sflag:s3], $0x1C00  }
0xd7: {  	[sflag:s3] =	ssyncset.done $0x0  }
0xd8: {  	s18 =	sadd.s32 $0x280, s4;
	[sflag:s3] =	ssyncadd.s32 $0xFFFFE400  }
0xd9: {  	[tilespmem:s22], [sflag:$0x2] =	stream.indirect.gather [hbm4b:s1+s19], $0x80, s18, s19, $0xb8;
	[tilespmem:$0x1E8C0] =	vst v63  }
0xda: {  	_ =	swait.ge [sflag:s6], $0x1C00  }
0xdb: {  	[sflag:s6] =	ssyncset.done $0x0  }
.Ltmp1:
0xdc: {  	s18 =	sadd.s32 $0x300, s4;
	[sflag:s6] =	ssyncadd.s32 $0xFFFFE400;
	(pc) =	sbr.rel @p1 .LBB2_4-.Ltmp1, $4  }
0xdd: {  	[tilespmem:s24], [sflag:$0x3] =	stream.indirect.gather [hbm4b:s1+s19], $0x80, s18, s19, $0xb8;
	[tilespmem:$0x1E8C0] =	vst v63  }
0xde: {  	_ =	swait.ge [sflag:s7], $0x1C00  }
0xdf: {  	[sflag:s7] =	ssyncset.done $0x0  }
0xe0: {  	s4 =	sadd.s32 $0x380, s4;
	[sflag:s7] =	ssyncadd.s32 $0xFFFFE400  }
0xe1: {  	[tilespmem:s26], [sflag:$0x4] =	stream.indirect.gather [hbm4b:s1+s19], $0x80, s4, s19, $0xb8;
	[tilespmem:$0x1E8C0] =	vst v63  }
0xe2: {  	_ =	swait.ge [sflag:s28], $0x1C00  }
0xe3: {  	[sflag:s28] =	ssyncset.done $0x0  }
0xe4: {  	[sflag:s28] =	ssyncadd.s32 $0xFFFFE400  }
0xe5: {  	[spmem:s2] =	stream.indirect.scatter.add.f32 [tilespmem:s20], [sflag:$0x5], $0x80, s8, s19, $0xb8;
	[tilespmem:$0x1E8C0] =	vst v63  }
0xe6: {  	_ =	swait.ge [sflag:s29], $0x1C00  }
0xe7: {  	[sflag:s29] =	ssyncset.done $0x0  }
0xe8: {  	[sflag:s29] =	ssyncadd.s32 $0xFFFFE400  }
0xe9: {  	[spmem:s2] =	stream.indirect.scatter.add.f32 [tilespmem:s22], [sflag:$0x6], $0x80, s9, s19, $0xb8;
	[tilespmem:$0x1E8C0] =	vst v63  }
0xea: {  	_ =	swait.ge [sflag:s30], $0x1C00  }
0xeb: {  	[sflag:s30] =	ssyncset.done $0x0  }
0xec: {  	[sflag:s30] =	ssyncadd.s32 $0xFFFFE400  }
0xed: {  	[spmem:s2] =	stream.indirect.scatter.add.f32 [tilespmem:s24], [sflag:$0x7], $0x80, s10, s19, $0xb8;
	[tilespmem:$0x1E8C0] =	vst v63  }
0xee: {  	_ =	swait.ge [sflag:s31], $0x1C00  }
0xef: {  	[sflag:s31] =	ssyncset.done $0x0  }
0xf0: {  	[sflag:s31] =	ssyncadd.s32 $0xFFFFE400  }
0xf1: {  	[spmem:s2] =	stream.indirect.scatter.add.f32 [tilespmem:s26], [sflag:$0x8], $0x80, s11, s19, $0xb8;
	[tilespmem:$0x1E8C0] =	vst v63  }
0xf2: {  	_ =	swait.ge [sflag:s0], $0x1C00  }
0xf3: {  	[sflag:s0] =	ssyncset.done $0x0  }
0xf4: {  	[sflag:s0] =	ssyncadd.s32 $0xFFFFE400  }
0xf5: {  	_ =	swait.ge [sflag:s3], $0x1C00  }
0xf6: {  	[sflag:s3] =	ssyncset.done $0x0  }
0xf7: {  	[sflag:s3] =	ssyncadd.s32 $0xFFFFE400  }
0xf8: {  	_ =	swait.ge [sflag:s6], $0x1C00  }
0xf9: {  	[sflag:s6] =	ssyncset.done $0x0  }
0xfa: {  	[sflag:s6] =	ssyncadd.s32 $0xFFFFE400  }
0xfb: {  	_ =	swait.ge [sflag:s7], $0x1C00  }
0xfc: {  	[sflag:s7] =	ssyncset.done $0x0  }
0xfd: {  	s4 =	simm.s32 $0x0;
	s16 =	rddreg [dreg:$0xa];
	[sflag:s7] =	ssyncadd.s32 $0xFFFFE400  }
0xfe: {  	[tilespmem:s4], [sflag:$0x9] =	stream.linear.gather [hbm4b:s16+s4], $0x1E00, $0x38;
	[tilespmem:$0x1E8C0] =	vst v63  }
0xff: {  	_ =	swait.ge [sflag:s17], $0x1E00  }
0x100: {  	[sflag:s17] =	ssyncset.done $0x0  }
0x101: {  	s18 =	simm.s32 $0x2000;
	s16 =	rddreg [dreg:$0xb];
	[sflag:s17] =	ssyncadd.s32 $0xFFFFE200  }
0x102: {  	[tilespmem:s18], [sflag:$0x9] =	stream.linear.gather [hbm4b:s16+s4], $0x1E00, $0x38;
	[tilespmem:$0x1E8C0] =	vst v63  }
0x103: {  	_ =	swait.ge [sflag:s17], $0x1E00  }
0x104: {  	[sflag:s17] =	ssyncset.done $0x0  }
0x105: {  	[sflag:s17] =	ssyncadd.s32 $0xFFFFE200  }
0x106: {  	[tilespmem:s20], [sflag:$0x1] =	stream.indirect.gather [hbm4b:s1+s19], $0x80, s4, s19, $0xb8;
	[tilespmem:$0x1E8C0] =	vst v63  }
0x107: {  	_ = 	snop  }
0x108: {  	[tilespmem:s22], [sflag:$0x2] =	stream.indirect.gather [hbm4b:s1+s19], $0x80, s21, s19, $0xb8;
	[tilespmem:$0x1E8C0] =	vst v63  }
0x109: {  	_ = 	snop  }
0x10a: {  	[tilespmem:s24], [sflag:$0x3] =	stream.indirect.gather [hbm4b:s1+s19], $0x80, s23, s19, $0xb8;
	[tilespmem:$0x1E8C0] =	vst v63  }
0x10b: {  	_ = 	snop  }
0x10c: {  	[tilespmem:s26], [sflag:$0x4] =	stream.indirect.gather [hbm4b:s1+s19], $0x80, s25, s19, $0xb8;
	[tilespmem:$0x1E8C0] =	vst v63  }
0x10d: {  	_ =	swait.ge [sflag:s28], $0x1C00  }
0x10e: {  	[sflag:s28] =	ssyncset.done $0x0  }
0x10f: {  	s18 =	simm.s32 $0x2000;
	[sflag:s28] =	ssyncadd.s32 $0xFFFFE400  }
0x110: {  	[spmem:s2] =	stream.indirect.scatter.add.f32 [tilespmem:s20], [sflag:$0x5], $0x80, s18, s19, $0xb8;
	[tilespmem:$0x1E8C0] =	vst v63  }
0x111: {  	_ =	swait.ge [sflag:s29], $0x1C00  }
0x112: {  	[sflag:s29] =	ssyncset.done $0x0  }
0x113: {  	s16 =	simm.s32 $0x2080;
	[sflag:s29] =	ssyncadd.s32 $0xFFFFE400  }
0x114: {  	[spmem:s2] =	stream.indirect.scatter.add.f32 [tilespmem:s22], [sflag:$0x6], $0x80, s16, s19, $0xb8;
	[tilespmem:$0x1E8C0] =	vst v63  }
0x115: {  	_ =	swait.ge [sflag:s30], $0x1C00  }
0x116: {  	[sflag:s30] =	ssyncset.done $0x0  }
0x117: {  	s18 =	simm.s32 $0x2100;
	[sflag:s30] =	ssyncadd.s32 $0xFFFFE400  }
0x118: {  	[spmem:s2] =	stream.indirect.scatter.add.f32 [tilespmem:s24], [sflag:$0x7], $0x80, s18, s19, $0xb8;
	[tilespmem:$0x1E8C0] =	vst v63  }
0x119: {  	_ =	swait.ge [sflag:s31], $0x1C00  }
0x11a: {  	[sflag:s31] =	ssyncset.done $0x0  }
0x11b: {  	s16 =	simm.s32 $0x2180;
	[sflag:s31] =	ssyncadd.s32 $0xFFFFE400  }
0x11c: {  	[spmem:s2] =	stream.indirect.scatter.add.f32 [tilespmem:s26], [sflag:$0x8], $0x80, s16, s19, $0xb8;
	[tilespmem:$0x1E8C0] =	vst v63  }
0x11d: {  	_ =	swait.ge [sflag:s0], $0x1C00  }
0x11e: {  	[sflag:s0] =	ssyncset.done $0x0  }
0x11f: {  	s18 =	simm.s32 $0x200;
	[sflag:s0] =	ssyncadd.s32 $0xFFFFE400  }
0x120: {  	[tilespmem:s20], [sflag:$0x1] =	stream.indirect.gather [hbm4b:s1+s19], $0x80, s18, s19, $0xb8;
	[tilespmem:$0x1E8C0] =	vst v63  }
0x121: {  	_ =	swait.ge [sflag:s3], $0x1C00  }
0x122: {  	[sflag:s3] =	ssyncset.done $0x0  }
0x123: {  	s16 =	simm.s32 $0x280;
	[sflag:s3] =	ssyncadd.s32 $0xFFFFE400  }
0x124: {  	[tilespmem:s22], [sflag:$0x2] =	stream.indirect.gather [hbm4b:s1+s19], $0x80, s16, s19, $0xb8;
	[tilespmem:$0x1E8C0] =	vst v63  }
0x125: {  	_ =	swait.ge [sflag:s6], $0x1C00  }
0x126: {  	[sflag:s6] =	ssyncset.done $0x0  }
0x127: {  	s18 =	simm.s32 $0x300;
	[sflag:s6] =	ssyncadd.s32 $0xFFFFE400  }
0x128: {  	[tilespmem:s24], [sflag:$0x3] =	stream.indirect.gather [hbm4b:s1+s19], $0x80, s18, s19, $0xb8;
	[tilespmem:$0x1E8C0] =	vst v63  }
0x129: {  	_ =	swait.ge [sflag:s7], $0x1C00  }
0x12a: {  	[sflag:s7] =	ssyncset.done $0x0  }
0x12b: {  	s4 =	simm.s32 $0x380;
	s16 =	simm.s32 $0x800;
	[sflag:s7] =	ssyncadd.s32 $0xFFFFE400  }
.LBB2_6:
0x12c: {  	[tilespmem:s26], [sflag:$0x4] =	stream.indirect.gather [hbm4b:s1+s19], $0x80, s4, s19, $0xb8;
	[tilespmem:$0x1E8C0] =	vst v63  }
0x12d: {  	s4 =	smov.u32 s16  }
0x12e: {  	p1 =	sne.s32 s16, $0x6800;
	s16 =	sadd.s32 $0x800, s16;
	_ =	swait.ge [sflag:s28], $0x1C00  }
0x12f: {  	s4 =	sshra.s32 s4, $0x2;
	[sflag:s28] =	ssyncset.done $0x0  }
0x130: {  	s18 =	sadd.s32 $0x2000, s4;
	[sflag:s28] =	ssyncadd.s32 $0xFFFFE400  }
0x131: {  	[spmem:s2] =	stream.indirect.scatter.add.f32 [tilespmem:s20], [sflag:$0x5], $0x80, s18, s19, $0xb8;
	[tilespmem:$0x1E8C0] =	vst v63  }
0x132: {  	_ =	swait.ge [sflag:s29], $0x1C00  }
0x133: {  	[sflag:s29] =	ssyncset.done $0x0  }
0x134: {  	s18 =	sadd.s32 $0x2080, s4;
	[sflag:s29] =	ssyncadd.s32 $0xFFFFE400  }
0x135: {  	[spmem:s2] =	stream.indirect.scatter.add.f32 [tilespmem:s22], [sflag:$0x6], $0x80, s18, s19, $0xb8;
	[tilespmem:$0x1E8C0] =	vst v63  }
0x136: {  	_ =	swait.ge [sflag:s30], $0x1C00  }
0x137: {  	[sflag:s30] =	ssyncset.done $0x0  }
0x138: {  	s18 =	sadd.s32 $0x2100, s4;
	[sflag:s30] =	ssyncadd.s32 $0xFFFFE400  }
0x139: {  	[spmem:s2] =	stream.indirect.scatter.add.f32 [tilespmem:s24], [sflag:$0x7], $0x80, s18, s19, $0xb8;
	[tilespmem:$0x1E8C0] =	vst v63  }
0x13a: {  	_ =	swait.ge [sflag:s31], $0x1C00  }
0x13b: {  	[sflag:s31] =	ssyncset.done $0x0  }
0x13c: {  	s18 =	sadd.s32 $0x2180, s4;
	[sflag:s31] =	ssyncadd.s32 $0xFFFFE400  }
0x13d: {  	[spmem:s2] =	stream.indirect.scatter.add.f32 [tilespmem:s26], [sflag:$0x8], $0x80, s18, s19, $0xb8;
	[tilespmem:$0x1E8C0] =	vst v63  }
0x13e: {  	_ =	swait.ge [sflag:s0], $0x1C00  }
0x13f: {  	[sflag:s0] =	ssyncset.done $0x0  }
0x140: {  	s18 =	sadd.s32 $0x200, s4;
	[sflag:s0] =	ssyncadd.s32 $0xFFFFE400  }
0x141: {  	[tilespmem:s20], [sflag:$0x1] =	stream.indirect.gather [hbm4b:s1+s19], $0x80, s18, s19, $0xb8;
	[tilespmem:$0x1E8C0] =	vst v63  }
0x142: {  	_ =	swait.ge [sflag:s3], $0x1C00  }
0x143: {  	[sflag:s3] =	ssyncset.done $0x0  }
0x144: {  	s18 =	sadd.s32 $0x280, s4;
	[sflag:s3] =	ssyncadd.s32 $0xFFFFE400  }
0x145: {  	[tilespmem:s22], [sflag:$0x2] =	stream.indirect.gather [hbm4b:s1+s19], $0x80, s18, s19, $0xb8;
	[tilespmem:$0x1E8C0] =	vst v63  }
0x146: {  	_ =	swait.ge [sflag:s6], $0x1C00  }
0x147: {  	[sflag:s6] =	ssyncset.done $0x0  }
.Ltmp2:
0x148: {  	s18 =	sadd.s32 $0x300, s4;
	[sflag:s6] =	ssyncadd.s32 $0xFFFFE400;
	(pc) =	sbr.rel @p1 .LBB2_6-.Ltmp2, $4  }
0x149: {  	[tilespmem:s24], [sflag:$0x3] =	stream.indirect.gather [hbm4b:s1+s19], $0x80, s18, s19, $0xb8;
	[tilespmem:$0x1E8C0] =	vst v63  }
0x14a: {  	_ =	swait.ge [sflag:s7], $0x1C00  }
0x14b: {  	[sflag:s7] =	ssyncset.done $0x0  }
0x14c: {  	s4 =	sadd.s32 $0x380, s4;
	[sflag:s7] =	ssyncadd.s32 $0xFFFFE400  }
0x14d: {  	[tilespmem:s26], [sflag:$0x4] =	stream.indirect.gather [hbm4b:s1+s19], $0x80, s4, s19, $0xb8;
	[tilespmem:$0x1E8C0] =	vst v63  }
0x14e: {  	_ =	swait.ge [sflag:s28], $0x1C00  }
0x14f: {  	[sflag:s28] =	ssyncset.done $0x0  }
0x150: {  	[sflag:s28] =	ssyncadd.s32 $0xFFFFE400  }
0x151: {  	[spmem:s2] =	stream.indirect.scatter.add.f32 [tilespmem:s20], [sflag:$0x5], $0x80, s8, s19, $0xb8;
	[tilespmem:$0x1E8C0] =	vst v63  }
0x152: {  	_ =	swait.ge [sflag:s29], $0x1C00  }
0x153: {  	[sflag:s29] =	ssyncset.done $0x0  }
0x154: {  	[sflag:s29] =	ssyncadd.s32 $0xFFFFE400  }
0x155: {  	[spmem:s2] =	stream.indirect.scatter.add.f32 [tilespmem:s22], [sflag:$0x6], $0x80, s9, s19, $0xb8;
	[tilespmem:$0x1E8C0] =	vst v63  }
0x156: {  	_ =	swait.ge [sflag:s30], $0x1C00  }
0x157: {  	[sflag:s30] =	ssyncset.done $0x0  }
0x158: {  	[sflag:s30] =	ssyncadd.s32 $0xFFFFE400  }
0x159: {  	[spmem:s2] =	stream.indirect.scatter.add.f32 [tilespmem:s24], [sflag:$0x7], $0x80, s10, s19, $0xb8;
	[tilespmem:$0x1E8C0] =	vst v63  }
0x15a: {  	_ =	swait.ge [sflag:s31], $0x1C00  }
0x15b: {  	[sflag:s31] =	ssyncset.done $0x0  }
0x15c: {  	[sflag:s31] =	ssyncadd.s32 $0xFFFFE400  }
0x15d: {  	[spmem:s2] =	stream.indirect.scatter.add.f32 [tilespmem:s26], [sflag:$0x8], $0x80, s11, s19, $0xb8;
	[tilespmem:$0x1E8C0] =	vst v63  }
0x15e: {  	_ =	swait.ge [sflag:s0], $0x1C00  }
0x15f: {  	[sflag:s0] =	ssyncset.done $0x0  }
0x160: {  	[sflag:s0] =	ssyncadd.s32 $0xFFFFE400  }
0x161: {  	_ =	swait.ge [sflag:s3], $0x1C00  }
0x162: {  	[sflag:s3] =	ssyncset.done $0x0  }
0x163: {  	[sflag:s3] =	ssyncadd.s32 $0xFFFFE400  }
0x164: {  	_ =	swait.ge [sflag:s6], $0x1C00  }
0x165: {  	[sflag:s6] =	ssyncset.done $0x0  }
0x166: {  	[sflag:s6] =	ssyncadd.s32 $0xFFFFE400  }
0x167: {  	_ =	swait.ge [sflag:s7], $0x1C00  }
0x168: {  	[sflag:s7] =	ssyncset.done $0x0  }
0x169: {  	[sflag:s7] =	ssyncadd.s32 $0xFFFFE400  }
0x16a: {  	[bflag:$0x0] =	sbarrier.arrive $0xFFFF  }
0x16b: {  	s16 =	rddreg [dreg:$0xc]  }
0x16c: {  	[hbm:s16], [sflag:s13] =	dma.local [spmem:s14], $0x2700  }
0x16d: {  	_ =	swait.ge [sflag:s17], $0x2700  }
0x16e: {  	[sflag:s17] =	ssyncset.done $0x0  }
0x16f: {  	s4 =	rddreg [dreg:$0xd];
	[sflag:s17] =	ssyncadd.s32 $0xFFFFD900  }
0x170: {  	[hbm:s4], [sflag:s13] =	dma.local @!p0 [spmem:s15], $0x100  }
0x171: {  	s4 =	simm.s32 @!p0 $0x9  }
0x172: {  	_ =	swait.ge @!p0 [sflag:s4], $0x100  }
0x173: {  	s12 =	sadd.s32 $0x1, s12;
	s18 =	rddreg [dreg:$0xe]  }
0x174: {  	p1 =	sne.s32 s12, s18  }
.Ltmp3:
0x175: {  	_ = 	snop;
	(pc) =	sbr.rel @p1 .LBB2_1-.Ltmp3, $3  }
0x176: {  	_ =	sdelay $0x1  }
0x177: {  	[sflag:s4] =	ssyncset.done @!p0 $0x0  }
0x178: {  	[sflag:s4] =	ssyncadd.s32 @!p0 $0xFFFFFF00  }
0x179: {  	_ =	sfence.sel $0x180000  }
0x17a: {  	[bflag:$0x0] =	sbarrier.arrive $0xFFFF  }
0x17b: {  	_ =	strace $0x9000004A  }
0x17c: {  	s0 =	stileid.u32;
	[bflag:$0x2] =	sbarrier.arrive $0xFFFF  }
0x17d: {  	p0 =	sne.s32 s0, $0x0;
	s0 =	rddreg [dreg:$0x3]  }
0x17e: {  	s0 =	sadd.s32 @!p0 $0x100000, s0  }
0x17f: {  	[sflag:s0] =	ssyncadd.tile.s32 @!p0 $0x1;
	_ =	shalt  }
.Lfunc_end2:
_tile_overlayer_lowered:
.L_overlay_start_2:
0x180: {  	(tag) =	ssettag $0x2  }
0x181: {  	s0 =	rddreg [dreg:$0x0];
	s2 =	stileid.u32  }
0x182: {  	s1 =	rddreg [dreg:$0x1];
	p0 =	sne.s32 s2, $0x0  }
0x183: {  	s3 =	rddreg [dreg:$0x2];
	[bflag:$0x3] =	sbarrier.arrive $0xFFFF;
	s2 =	simm.s32 @!p0 $0x1C09  }
0x184: {  	[timem:s3], [sflag:s2] =	dma.local @!p0 [hbm:s0], s1  }
0x185: {  	s0 =	simm.s32 @!p0 $0x9  }
0x186: {  	_ =	swait.ge @!p0 [sflag:s0], s1  }
0x187: {  	s1 =	ssub.s32 @!p0 $0x0, s1;
	[sflag:s0] =	ssyncset.done @!p0 $0x0  }
0x188: {  	[sflag:s0] =	ssyncadd.s32 @!p0 s1  }
0x189: {  	[bflag:$0x3] =	sbarrier.arrive $0xFFFF  }
0x18a: {  	_ =	shalt  }

// kernel: kernel.15.cloned.1.call-start
scs
__scs_entry_jumppad:
0x0: {  	(pc) =	sbr.rel $0x88, $3  }
0x1: {  	(tag) =	ssettag $0x0;
	lr =	simm.s32 $0x1  }
0x2: {  	[smem:$0x3F9A] =	sst lr;
	_ =	strace $0xD0000000  }
0x3: {  	_ = 	snop  }
0x4: {  	_ = 	snop  }
0x5: {  	_ = 	snop  }
0x6: {  	_ = 	snop  }
0x7: {  	_ = 	snop  }
__scs_overlays_trampoline_lowered:
0x8: {  	[smem:$0x3FA9] =	sst s0  }
0x9: {  	[smem:$0x3FAA] =	sst s1  }
0xa: {  	[smem:$0x3FAB] =	sst s2  }
0xb: {  	[smem:$0x3FAC] =	sst s3  }
0xc: {  	[smem:$0x3FAD] =	sst s4  }
0xd: {  	[smem:$0x3FAE] =	sst s5  }
0xe: {  	[smem:$0x3FAF] =	sst s6  }
0xf: {  	[smem:$0x3FB0] =	sst s7  }
0x10: {  	[smem:$0x3FB1] =	sst s8  }
0x11: {  	[smem:$0x3FB2] =	sst s9;
	s0 =	simm.s32 @!p0 $0x0  }
0x12: {  	s1 =	sld [smem:$0x3F98];
	s0 =	simm.s32 @p0 $0x1  }
0x13: {  	[smem:$0x3FB3] =	sst s0;
	s0 =	simm.s32 @!p1 $0x0  }
0x14: {  	s2 =	sld [smem:$0x3F97];
	s0 =	simm.s32 @p1 $0x1  }
0x15: {  	[smem:$0x3FB4] =	sst s0;
	s0 =	simm.s32 @!p2 $0x0  }
0x16: {  	s3 =	sld [smem:$0x3FDB];
	s0 =	simm.s32 @p2 $0x1  }
0x17: {  	s4 =	simm.s32 $0x1BF5;
	[smem:$0x3FB6] =	sst s0  }
0x18: {  	s0 =	sld [smem:$0x3F99];
	_ =	swait.ge [sflag:s4], $0x0  }
0x19: {  	s7 =	sld [smem:$0x3F9A]  }
0x1a: {  	s8 =	sadd.s32 $0xFFFFE003, lr  }
0x1b: {  	s9 =	sadd.s32 $0xFFFFFEF7, lr;
	s5 =	simm.s32 $0xFFFFFFFF;
	p2 =	slt.u32 s8, $0xFFFFF086  }
0x1c: {  	p1 =	slt.u32 s9, $0xF7A;
	s5 =	simm.s32 @!p2 $0x0  }
0x1d: {  	s5 =	simm.s32 @p1 $0x1;
	p0 =	seq.s32 s7, s2  }
0x1e: {  	s7 =	smul.u32 @!p0 $0xF7A, s2;
	p2 =	seq.s32 @!p0 s5, $0x0  }
0x1f: {  	s9 =	smul.u32 $0xF7A, s1;
	s8 =	simm.s32 @!p0 $0x1BF5;
	p2 =	por !p2, p0  }
0x20: {  	[sflag:s8] =	ssyncset.s32 @!p0 $0xFFFFF086;
	s6 =	sadd.s32 @!p0 s3, s7;
	s7 =	simm.s32 @!p0 $0x108  }
0x21: {  	s3 =	sadd.s32 s3, s9;
	s6 =	sadd.s32 @!p0 $0x88, s6;
	s7 =	simm.s32 @p2 $0x1082  }
0x22: {  	[simem:s7], [sflag:s8] =	dma.local @!p0 [hbm:s6], $0xF7A  }
0x23: {  	s9 =	sor.u32 $0xD0000000, s2;
	s6 =	simm.s32 $0x108;
	_ =	swait.ge @!p0 [sflag:s8], $0x0  }
0x24: {  	s3 =	sadd.s32 $0x88, s3;
	s6 =	simm.s32 @!p1 $0x1082;
	[sflag:s4] =	ssyncset.s32 $0xFFFFF086  }
0x25: {  	[simem:s6], [sflag:s4] =	dma.local [hbm:s3], $0xF7A  }
0x26: {  	[smem:$0x3F9A] =	sst s1;
	(tag) =	ssettag s2;
	_ =	strace s9  }
0x27: {  	s1 =	sld [smem:$0x3FAA]  }
0x28: {  	s2 =	sld [smem:$0x3FAB]  }
0x29: {  	s4 =	sld [smem:$0x3FAD]  }
0x2a: {  	p0 =	seq.s32 s5, $0x0;
	s5 =	sld [smem:$0x3FAE]  }
0x2b: {  	s6 =	sld [smem:$0x3FAF]  }
0x2c: {  	s7 =	sld [smem:$0x3FB0]  }
0x2d: {  	s3 =	simm.s32 $0x108;
	s8 =	sld [smem:$0x3FB1]  }
0x2e: {  	s3 =	simm.s32 @!p0 $0x1082;
	s9 =	sld [smem:$0x3FB2]  }
0x2f: {  	lr =	sadd.s32 s0, s3;
	s0 =	sld [smem:$0x3FA9]  }
0x30: {  	s3 =	sld [smem:$0x3FAC]  }
0x31: {  	[smem:$0x3FB5] =	sst s10  }
0x32: {  	s10 =	sld [smem:$0x3FB3];
	_ =	sdelay $0x3  }
0x33: {  	p0 =	seq.s32 s10, $0x1;
	s10 =	sld [smem:$0x3FB5];
	_ =	sdelay $0x3  }
0x34: {  	[smem:$0x3FB5] =	sst s10  }
0x35: {  	s10 =	sld [smem:$0x3FB4];
	_ =	sdelay $0x3  }
0x36: {  	p1 =	seq.s32 s10, $0x1;
	s10 =	sld [smem:$0x3FB5];
	_ =	sdelay $0x3  }
0x37: {  	[smem:$0x3FB5] =	sst s10  }
0x38: {  	s10 =	sld [smem:$0x3FB6]  }
0x39: {  	_ = 	snop;
	(pc) =	sbr.ind lr, $3  }
0x3a: {  	_ = 	snop  }
0x3b: {  	_ = 	snop  }
0x3c: {  	p2 =	seq.s32 s10, $0x1;
	s10 =	sld [smem:$0x3FB5]  }
0x3d: {  	_ =	shalt  }
0x3e: {  	_ =	shalt  }
0x3f: {  	_ =	shalt  }
0x40: {  	_ =	shalt  }
0x41: {  	_ =	shalt  }
0x42: {  	_ =	shalt  }
0x43: {  	_ =	shalt  }
0x44: {  	_ =	shalt  }
0x45: {  	_ =	shalt  }
0x46: {  	_ =	shalt  }
0x47: {  	_ =	shalt  }
0x48: {  	_ =	shalt  }
0x49: {  	_ =	shalt  }
0x4a: {  	_ =	shalt  }
0x4b: {  	_ =	shalt  }
0x4c: {  	_ =	shalt  }
0x4d: {  	_ =	shalt  }
0x4e: {  	_ =	shalt  }
0x4f: {  	_ =	shalt  }
0x50: {  	_ =	shalt  }
0x51: {  	_ =	shalt  }
0x52: {  	_ =	shalt  }
0x53: {  	_ =	shalt  }
0x54: {  	_ =	shalt  }
0x55: {  	_ =	shalt  }
0x56: {  	_ =	shalt  }
0x57: {  	_ =	shalt  }
0x58: {  	_ =	shalt  }
0x59: {  	_ =	shalt  }
0x5a: {  	_ =	shalt  }
0x5b: {  	_ =	shalt  }
0x5c: {  	_ =	shalt  }
0x5d: {  	_ =	shalt  }
0x5e: {  	_ =	shalt  }
0x5f: {  	_ =	shalt  }
0x60: {  	_ =	shalt  }
0x61: {  	_ =	shalt  }
0x62: {  	_ =	shalt  }
0x63: {  	_ =	shalt  }
0x64: {  	_ =	shalt  }
0x65: {  	_ =	shalt  }
0x66: {  	_ =	shalt  }
0x67: {  	_ =	shalt  }
0x68: {  	_ =	shalt  }
0x69: {  	_ =	shalt  }
0x6a: {  	_ =	shalt  }
0x6b: {  	_ =	shalt  }
0x6c: {  	_ =	shalt  }
0x6d: {  	_ =	shalt  }
0x6e: {  	_ =	shalt  }
0x6f: {  	_ =	shalt  }
0x70: {  	_ =	shalt  }
0x71: {  	_ =	shalt  }
0x72: {  	_ =	shalt  }
0x73: {  	_ =	shalt  }
0x74: {  	_ =	shalt  }
0x75: {  	_ =	shalt  }
0x76: {  	_ =	shalt  }
0x77: {  	_ =	shalt  }
0x78: {  	_ =	shalt  }
0x79: {  	_ =	shalt  }
0x7a: {  	_ =	shalt  }
0x7b: {  	_ =	shalt  }
0x7c: {  	_ =	shalt  }
0x7d: {  	_ =	shalt  }
0x7e: {  	_ =	shalt  }
0x7f: {  	_ =	shalt  }
0x80: {  	_ =	shalt  }
0x81: {  	_ =	shalt  }
0x82: {  	_ =	shalt  }
0x83: {  	_ =	shalt  }
0x84: {  	_ =	shalt  }
0x85: {  	_ =	shalt  }
0x86: {  	_ =	shalt  }
0x87: {  	_ =	shalt  }
.Lfunc_end0:
.L_simem_size_0:
called_computation.2_lowered:
.L_overlay_start_0:
0x88: {  	s2 =	sld [smem:$0x3FD9]  }
0x89: {  	s3 =	sld [smem:$0x3FFE];
	_ =	sdelay $0x1  }
0x8a: {  	s1 =	srdreg.scid  }
0x8b: {  	s0 =	sand.u32 $0x1, s1  }
0x8c: {  	s17 =	sshll.u32 s0, $0xA;
	s2 =	sadd.s32 s3, s2  }
0x8d: {  	s2 =	sadd.s32 s2, s17  }
0x8e: {  	[smem:$0x3FC1] =	sst s2  }
0x8f: {  	_ = 	snop  }
0x90: {  	s2 =	sld [smem:$0x3FD0];
	(tm) =	ssettm $0x1  }
0x91: {  	s18 =	sld [smem:$0x3FFB];
	_ =	sdelay $0x3  }
0x92: {  	_ =	strace s18  }
0x93: {  	s3 =	sld [smem:$0x3FFC];
	_ =	sdelay $0x3  }
0x94: {  	_ =	strace s3  }
0x95: {  	s3 =	sld [smem:$0x3FFD];
	_ =	sdelay $0x3  }
0x96: {  	_ =	strace s3  }
0x97: {  	_ =	strace $0x8FFFFFFF  }
0x98: {  	s19 =	sld [smem:$0x3FDB];
	_ =	sdelay $0x1  }
0x99: {  	s4 =	simm.s32 $_scs_section_size  }
0x9a: {  	s5 =	simm.s32 $_size__tile_overlayer_lowered;
	s6 =	simm.s32 $_tile_overlayer_lowered  }
0x9b: {  	s22 =	simm.s32 $0x1BFF;
	s21 =	sshll.u32 s6, $0x1;
	s3 =	sadd.s32 s4, s19  }
0x9c: {  	s7 =	simm.s32 $0x0;
	s20 =	sshll.u32 s5, $0x1;
	s5 =	sadd.s32 s21, s3  }
0x9d: {  	[timem:s7], [sflag:s22] =	dma.local [hbm:s5], s20  }
0x9e: {  	_ =	swait.ge [sflag:s22], s20  }
0x9f: {  	s4 =	ssub.s32 $0x0, s20;
	[sflag:s22] =	ssyncset.done $0x0  }
0xa0: {  	[sflag:s22] =	ssyncadd.s32 s4;
	_ =	sdelay $0x1  }
0xa1: {  	s23 =	simm.s32 $0x1B8B  }
0xa2: {  	_ =	swait.ge [sflag:s23], $0x1  }
0xa3: {  	[sflag:s23] =	ssyncset.done $0x0  }
0xa4: {  	s25 =	simm.s32 $0x1B8E;
	s24 =	sld [smem:$0x3FFE];
	[sflag:s23] =	ssyncadd.s32 $0xFFFFFFFF  }
0xa5: {  	s26 =	simm.s32 $execute0_lowered;
	[smem:$0x3FD2] =	sst s25  }
0xa6: {  	s5 =	sshll.u32 s26, $0x1;
	_ =	strace $0x8000004C;
	[dreg:$0x1] =	wrdreg $0xFFFFFFFF  }
0xa7: {  	s28 =	simm.s32 $_size_execute0_lowered;
	s3 =	sadd.s32 s3, s5;
	[dreg:$0x0] =	wrdreg $0x0  }
0xa8: {  	s5 =	sshll.u32 s28, $0x1;
	[dreg:$0x2] =	wrdreg s3  }
0xa9: {  	[dreg:$0x3] =	wrdreg s5  }
0xaa: {  	[dreg:$0x4] =	wrdreg $0xC0  }
0xab: {  	_ =	task [dreg:s7], $0x5FFFF  }
0xac: {  	[dreg:$0x1] =	wrdreg $0xFFFFFFFF  }
0xad: {  	[dreg:$0x0] =	wrdreg $0x60  }
0xae: {  	[dreg:$0x2] =	wrdreg s2  }
0xaf: {  	[dreg:$0x3] =	wrdreg s24  }
0xb0: {  	[dreg:$0x4] =	wrdreg $0xB0000  }
0xb1: {  	[dreg:$0x5] =	wrdreg $0x9  }
0xb2: {  	_ =	task.clear_ibuf [dreg:s7], $0x6FFFF;
	_ =	strace $0x9000004C  }
0xb3: {  	s29 =	simm.s32 $0x9;
	_ =	strace $0x8000004E  }
0xb4: {  	_ =	swait.ge [sflag:s29], $0x1  }
0xb5: {  	[sflag:s29] =	ssyncadd.s32 $0xFFFFFFFF  }
0xb6: {  	_ =	strace $0x9000004E  }
0xb7: {  	_ =	sfence  }
0xb8: {  	s30 =	sld [smem:$0x0];
	_ =	sdelay $0x2  }
0xb9: {  	s31 =	sshll.u32 s1, $0xD;
	s1 =	sshrl.u32 s1, $0x2  }
0xba: {  	s3 =	sand.u32 $0x4000, s31;
	s1 =	sadd.s32 s1, s30  }
0xbb: {  	s0 =	sor.u32 s3, s0;
	s1 =	sshll.u32 s1, $0x11  }
0xbc: {  	s0 =	sor.u32 s1, s0  }
0xbd: {  	s0 =	sadd.s32 $0x8F2B, s0  }
0xbe: {  	[sflag:s0] =	ssyncadd.remote.s32 $0x1  }
0xbf: {  	_ =	sfence.sel $0xFFFF  }
0xc0: {  	[dreg:$0x0] =	wrdreg $0xFFFFFFFF;
	(pc) =	sbr.abs _section_cstart, $3  }
0xc1: {  	[dreg:$0x1] =	wrdreg $0xFFFFFFFF  }
0xc2: {  	_ =	task.clear_ibuf [dreg:s7], $0x2FFFF;
	_ =	strace $0x9FFFFFFF  }
0xc3: {  	(tm) =	ssettm $0x7FFFFFFF  }
tec
execute0_lowered:
.L_overlay_start_1:
0x0: {  	(tag) =	ssettag $0x1  }
0x1: {  	s1 =	rddreg [dreg:$0x0]  }
0x2: {  	s0 =	rddreg [dreg:$0x1]  }
0x3: {  	s2 =	rddreg [dreg:$0x2]  }
0x4: {  	s3 =	srdreg.scid;
	s4 =	simm.s32 $0x0;
	s11 =	stileid.u32  }
0x5: {  	s28 =	simm.s32 $0x1;
	s29 =	simm.s32 $0x2;
	s30 =	simm.s32 $0x3  }
0x6: {  	s31 =	simm.s32 $0x4;
	s3 =	sand.u32 $0x1, s3;
	[smem:$0x7FF] =	sst s4  }
0x7: {  	s6 =	sadd.s32 $0x2400, s0;
	s7 =	sadd.s32 $0x1A400, s0;
	s5 =	sadd.s32 $0x32400, s0  }
0x8: {  	s9 =	smul.u32 $0x4E000, s11;
	s0 =	sadd.s32 $0x34C00, s0;
	s20 =	sadd.s32 $0x138000, s2  }
0x9: {  	s22 =	smul.u32 $0x13800, s11;
	p0 =	sne.s32 s11, $0xF;
	s17 =	sshll.u32 s3, $0x4  }
0xa: {  	_ =	strace $0x8000004D;
	s8 =	ssub.s32 $0x2, s3;
	s3 =	smul.u32 $0x138800, s3  }
0xb: {  	[dreg:$0x7] =	wrdreg s20;
	s20 =	simm.s32 $0x4000;
	s4 =	sor.u32 s11, s17  }
0xc: {  	s10 =	sshrl.u32 s8, $0x1;
	s9 =	sshrl.u32 s9, $0x2;
	s17 =	simm.s32 $0x9  }
0xd: {  	s11 =	simm.s32 $0x3D80;
	s4 =	smul.u32 $0x6000, s4;
	s8 =	ssub.s32 s8, s10  }
0xe: {  	s9 =	sadd.s32 s9, s2;
	s23 =	sadd.s32 s22, s3;
	s3 =	sshrl.u32 s3, $0x3  }
0xf: {  	s22 =	simm.s32 $0x5C00;
	s10 =	simm.s32 $0x3D00;
	[dreg:$0x6] =	wrdreg s9  }
0x10: {  	s24 =	sshrl.u32 s23, $0x3;
	s3 =	sadd.s32 s0, s3;
	s26 =	smax.u32 s8, $0x1  }
0x11: {  	s23 =	simm.s32 $0x100;
	s8 =	simm.s32 $0x3C00;
	s4 =	sshrl.u32 s4, $0x3  }
0x12: {  	s0 =	sadd.s32 s0, s24;
	s25 =	sadd.s32 $0x27000, s3;
	[dreg:$0xe] =	wrdreg s26  }
0x13: {  	s24 =	simm.s32 $0x7800;
	s26 =	simm.s32 $0x9400;
	[dreg:$0xc] =	wrdreg s0  }
0x14: {  	s3 =	simm.s32 $0x6;
	s18 =	sadd.s32 s6, s4;
	[dreg:$0xd] =	wrdreg s25  }
0x15: {  	s19 =	sadd.s32 s7, s4;
	s21 =	sadd.s32 $0x400, s4;
	[dreg:$0x4] =	wrdreg s18  }
0x16: {  	s4 =	sadd.s32 $0x800, s4;
	[dreg:$0x5] =	wrdreg s19;
	s12 =	sadd.s32 s6, s21  }
0x17: {  	s25 =	simm.s32 $0x180;
	s9 =	sadd.s32 s7, s21;
	[dreg:$0x8] =	wrdreg s12  }
0x18: {  	s0 =	simm.s32 $0x5;
	s6 =	sadd.s32 s6, s4;
	[dreg:$0x9] =	wrdreg s9  }
0x19: {  	s4 =	sadd.s32 s7, s4;
	s19 =	simm.s32 $0x38;
	[dreg:$0xa] =	wrdreg s6  }
0x1a: {  	s21 =	simm.s32 $0x80;
	s7 =	simm.s32 $0x8;
	[dreg:$0xb] =	wrdreg s4  }
0x1b: {  	s6 =	simm.s32 $0x7;
	s9 =	simm.s32 $0x3C80;
	s12 =	simm.s32 $0x0  }
.LBB2_1:
0x1c: {  	s4 =	simm.s32 $0x0;
	s13 =	rddreg [dreg:$0x4]  }
0x1d: {  	[tilespmem:s4], [sflag:$0x9] =	stream.linear.gather [hbm4b:s13+s4], $0x1E00, $0x38;
	[tilespmem:$0x1E8C0] =	vst v63  }
0x1e: {  	_ =	swait.ge [sflag:s17], $0x1E00  }
0x1f: {  	[sflag:s17] =	ssyncset.done $0x0  }
0x20: {  	s14 =	simm.s32 $0x2000;
	s18 =	rddreg [dreg:$0x5];
	[sflag:s17] =	ssyncadd.s32 $0xFFFFE200  }
0x21: {  	[tilespmem:s14], [sflag:$0x9] =	stream.linear.gather [hbm4b:s18+s4], $0x1E00, $0x38;
	[tilespmem:$0x1E8C0] =	vst v63  }
0x22: {  	_ =	swait.ge [sflag:s17], $0x1E00  }
0x23: {  	[sflag:s17] =	ssyncset.done $0x0  }
0x24: {  	[sflag:s17] =	ssyncadd.s32 $0xFFFFE200  }
0x25: {  	[tilespmem:s20], [sflag:$0x1] =	stream.indirect.gather [hbm4b:s1+s19], $0x80, s4, s19, $0xb8;
	[tilespmem:$0x1E8C0] =	vst v63  }
0x26: {  	s15 =	stileid.u32  }
0x27: {  	[tilespmem:s22], [sflag:$0x2] =	stream.indirect.gather [hbm4b:s1+s19], $0x80, s21, s19, $0xb8;
	[tilespmem:$0x1E8C0] =	vst v63  }
0x28: {  	s16 =	rddreg [dreg:$0x6];
	s4 =	sshll.u32 s15, $0x6  }
0x29: {  	[tilespmem:s24], [sflag:$0x3] =	stream.indirect.gather [hbm4b:s1+s19], $0x80, s23, s19, $0xb8;
	[tilespmem:$0x1E8C0] =	vst v63  }
0x2a: {  	s14 =	sshrl.u32 s16, $0x3;
	s13 =	sor.u32 $0x1C09, s4  }
0x2b: {  	[tilespmem:s26], [sflag:$0x4] =	stream.indirect.gather [hbm4b:s1+s19], $0x80, s25, s19, $0xb8;
	[tilespmem:$0x1E8C0] =	vst v63  }
0x2c: {  	[spmem:s14], [sflag:s13] =	dma.local [hbm:s5], $0x2700  }
0x2d: {  	_ =	swait.ge [sflag:s17], $0x2700  }
0x2e: {  	[sflag:s17] =	ssyncset.done $0x0;
	s4 =	rddreg [dreg:$0x7]  }
0x2f: {  	[sflag:s17] =	ssyncadd.s32 $0xFFFFD900;
	s15 =	sshrl.u32 @!p0 s4, $0x3;
	s4 =	simm.s32 @!p0 $0x9  }
0x30: {  	[spmem:s15], [sflag:s13] =	dma.local @!p0 [hbm:s5], $0x180  }
0x31: {  	_ =	swait.ge @!p0 [sflag:s4], $0x180  }
0x32: {  	[sflag:s4] =	ssyncset.done @!p0 $0x0  }
0x33: {  	[sflag:s4] =	ssyncadd.s32 @!p0 $0xFFFFFE80  }
0x34: {  	[bflag:$0x0] =	sbarrier.arrive $0xFFFF  }
0x35: {  	_ =	swait.ge [sflag:s28], $0x1C00  }
0x36: {  	[sflag:s28] =	ssyncset.done $0x0  }
0x37: {  	s18 =	simm.s32 $0x2000;
	[sflag:s28] =	ssyncadd.s32 $0xFFFFE400  }
0x38: {  	[spmem:s2] =	stream.indirect.scatter.add.f32 [tilespmem:s20], [sflag:$0x5], $0x80, s18, s19, $0xb8;
	[tilespmem:$0x1E8C0] =	vst v63  }
0x39: {  	_ =	swait.ge [sflag:s29], $0x1C00  }
0x3a: {  	[sflag:s29] =	ssyncset.done $0x0  }
0x3b: {  	s16 =	simm.s32 $0x2080;
	[sflag:s29] =	ssyncadd.s32 $0xFFFFE400  }
0x3c: {  	[spmem:s2] =	stream.indirect.scatter.add.f32 [tilespmem:s22], [sflag:$0x6], $0x80, s16, s19, $0xb8;
	[tilespmem:$0x1E8C0] =	vst v63  }
0x3d: {  	_ =	swait.ge [sflag:s30], $0x1C00  }
0x3e: {  	[sflag:s30] =	ssyncset.done $0x0  }
0x3f: {  	s18 =	simm.s32 $0x2100;
	[sflag:s30] =	ssyncadd.s32 $0xFFFFE400  }
0x40: {  	[spmem:s2] =	stream.indirect.scatter.add.f32 [tilespmem:s24], [sflag:$0x7], $0x80, s18, s19, $0xb8;
	[tilespmem:$0x1E8C0] =	vst v63  }
0x41: {  	_ =	swait.ge [sflag:s31], $0x1C00  }
0x42: {  	[sflag:s31] =	ssyncset.done $0x0  }
0x43: {  	s16 =	simm.s32 $0x2180;
	[sflag:s31] =	ssyncadd.s32 $0xFFFFE400  }
0x44: {  	[spmem:s2] =	stream.indirect.scatter.add.f32 [tilespmem:s26], [sflag:$0x8], $0x80, s16, s19, $0xb8;
	[tilespmem:$0x1E8C0] =	vst v63  }
0x45: {  	_ =	swait.ge [sflag:s0], $0x1C00  }
0x46: {  	[sflag:s0] =	ssyncset.done $0x0  }
0x47: {  	s18 =	simm.s32 $0x200;
	[sflag:s0] =	ssyncadd.s32 $0xFFFFE400  }
0x48: {  	[tilespmem:s20], [sflag:$0x1] =	stream.indirect.gather [hbm4b:s1+s19], $0x80, s18, s19, $0xb8;
	[tilespmem:$0x1E8C0] =	vst v63  }
0x49: {  	_ =	swait.ge [sflag:s3], $0x1C00  }
0x4a: {  	[sflag:s3] =	ssyncset.done $0x0  }
0x4b: {  	s16 =	simm.s32 $0x280;
	[sflag:s3] =	ssyncadd.s32 $0xFFFFE400  }
0x4c: {  	[tilespmem:s22], [sflag:$0x2] =	stream.indirect.gather [hbm4b:s1+s19], $0x80, s16, s19, $0xb8;
	[tilespmem:$0x1E8C0] =	vst v63  }
0x4d: {  	_ =	swait.ge [sflag:s6], $0x1C00  }
0x4e: {  	[sflag:s6] =	ssyncset.done $0x0  }
0x4f: {  	s18 =	simm.s32 $0x300;
	[sflag:s6] =	ssyncadd.s32 $0xFFFFE400  }
0x50: {  	[tilespmem:s24], [sflag:$0x3] =	stream.indirect.gather [hbm4b:s1+s19], $0x80, s18, s19, $0xb8;
	[tilespmem:$0x1E8C0] =	vst v63  }
0x51: {  	_ =	swait.ge [sflag:s7], $0x1C00  }
0x52: {  	[sflag:s7] =	ssyncset.done $0x0  }
0x53: {  	s4 =	simm.s32 $0x380;
	s16 =	simm.s32 $0x800;
	[sflag:s7] =	ssyncadd.s32 $0xFFFFE400  }
.LBB2_2:
0x54: {  	[tilespmem:s26], [sflag:$0x4] =	stream.indirect.gather [hbm4b:s1+s19], $0x80, s4, s19, $0xb8;
	[tilespmem:$0x1E8C0] =	vst v63  }
0x55: {  	s4 =	smov.u32 s16  }
0x56: {  	p1 =	sne.s32 s16, $0x6800;
	s16 =	sadd.s32 $0x800, s16;
	_ =	swait.ge [sflag:s28], $0x1C00  }
0x57: {  	s4 =	sshra.s32 s4, $0x2;
	[sflag:s28] =	ssyncset.done $0x0  }
0x58: {  	s18 =	sadd.s32 $0x2000, s4;
	[sflag:s28] =	ssyncadd.s32 $0xFFFFE400  }
0x59: {  	[spmem:s2] =	stream.indirect.scatter.add.f32 [tilespmem:s20], [sflag:$0x5], $0x80, s18, s19, $0xb8;
	[tilespmem:$0x1E8C0] =	vst v63  }
0x5a: {  	_ =	swait.ge [sflag:s29], $0x1C00  }
0x5b: {  	[sflag:s29] =	ssyncset.done $0x0  }
0x5c: {  	s18 =	sadd.s32 $0x2080, s4;
	[sflag:s29] =	ssyncadd.s32 $0xFFFFE400  }
0x5d: {  	[spmem:s2] =	stream.indirect.scatter.add.f32 [tilespmem:s22], [sflag:$0x6], $0x80, s18, s19, $0xb8;
	[tilespmem:$0x1E8C0] =	vst v63  }
0x5e: {  	_ =	swait.ge [sflag:s30], $0x1C00  }
0x5f: {  	[sflag:s30] =	ssyncset.done $0x0  }
0x60: {  	s18 =	sadd.s32 $0x2100, s4;
	[sflag:s30] =	ssyncadd.s32 $0xFFFFE400  }
0x61: {  	[spmem:s2] =	stream.indirect.scatter.add.f32 [tilespmem:s24], [sflag:$0x7], $0x80, s18, s19, $0xb8;
	[tilespmem:$0x1E8C0] =	vst v63  }
0x62: {  	_ =	swait.ge [sflag:s31], $0x1C00  }
0x63: {  	[sflag:s31] =	ssyncset.done $0x0  }
0x64: {  	s18 =	sadd.s32 $0x2180, s4;
	[sflag:s31] =	ssyncadd.s32 $0xFFFFE400  }
0x65: {  	[spmem:s2] =	stream.indirect.scatter.add.f32 [tilespmem:s26], [sflag:$0x8], $0x80, s18, s19, $0xb8;
	[tilespmem:$0x1E8C0] =	vst v63  }
0x66: {  	_ =	swait.ge [sflag:s0], $0x1C00  }
0x67: {  	[sflag:s0] =	ssyncset.done $0x0  }
0x68: {  	s18 =	sadd.s32 $0x200, s4;
	[sflag:s0] =	ssyncadd.s32 $0xFFFFE400  }
0x69: {  	[tilespmem:s20], [sflag:$0x1] =	stream.indirect.gather [hbm4b:s1+s19], $0x80, s18, s19, $0xb8;
	[tilespmem:$0x1E8C0] =	vst v63  }
0x6a: {  	_ =	swait.ge [sflag:s3], $0x1C00  }
0x6b: {  	[sflag:s3] =	ssyncset.done $0x0  }
0x6c: {  	s18 =	sadd.s32 $0x280, s4;
	[sflag:s3] =	ssyncadd.s32 $0xFFFFE400  }
0x6d: {  	[tilespmem:s22], [sflag:$0x2] =	stream.indirect.gather [hbm4b:s1+s19], $0x80, s18, s19, $0xb8;
	[tilespmem:$0x1E8C0] =	vst v63  }
0x6e: {  	_ =	swait.ge [sflag:s6], $0x1C00  }
0x6f: {  	[sflag:s6] =	ssyncset.done $0x0  }
.Ltmp0:
0x70: {  	s18 =	sadd.s32 $0x300, s4;
	[sflag:s6] =	ssyncadd.s32 $0xFFFFE400;
	(pc) =	sbr.rel @p1 .LBB2_2-.Ltmp0, $4  }
0x71: {  	[tilespmem:s24], [sflag:$0x3] =	stream.indirect.gather [hbm4b:s1+s19], $0x80, s18, s19, $0xb8;
	[tilespmem:$0x1E8C0] =	vst v63  }
0x72: {  	_ =	swait.ge [sflag:s7], $0x1C00  }
0x73: {  	[sflag:s7] =	ssyncset.done $0x0  }
0x74: {  	s4 =	sadd.s32 $0x380, s4;
	[sflag:s7] =	ssyncadd.s32 $0xFFFFE400  }
0x75: {  	[tilespmem:s26], [sflag:$0x4] =	stream.indirect.gather [hbm4b:s1+s19], $0x80, s4, s19, $0xb8;
	[tilespmem:$0x1E8C0] =	vst v63  }
0x76: {  	_ =	swait.ge [sflag:s28], $0x1C00  }
0x77: {  	[sflag:s28] =	ssyncset.done $0x0  }
0x78: {  	[sflag:s28] =	ssyncadd.s32 $0xFFFFE400  }
0x79: {  	[spmem:s2] =	stream.indirect.scatter.add.f32 [tilespmem:s20], [sflag:$0x5], $0x80, s8, s19, $0xb8;
	[tilespmem:$0x1E8C0] =	vst v63  }
0x7a: {  	_ =	swait.ge [sflag:s29], $0x1C00  }
0x7b: {  	[sflag:s29] =	ssyncset.done $0x0  }
0x7c: {  	[sflag:s29] =	ssyncadd.s32 $0xFFFFE400  }
0x7d: {  	[spmem:s2] =	stream.indirect.scatter.add.f32 [tilespmem:s22], [sflag:$0x6], $0x80, s9, s19, $0xb8;
	[tilespmem:$0x1E8C0] =	vst v63  }
0x7e: {  	_ =	swait.ge [sflag:s30], $0x1C00  }
0x7f: {  	[sflag:s30] =	ssyncset.done $0x0  }
0x80: {  	[sflag:s30] =	ssyncadd.s32 $0xFFFFE400  }
0x81: {  	[spmem:s2] =	stream.indirect.scatter.add.f32 [tilespmem:s24], [sflag:$0x7], $0x80, s10, s19, $0xb8;
	[tilespmem:$0x1E8C0] =	vst v63  }
0x82: {  	_ =	swait.ge [sflag:s31], $0x1C00  }
0x83: {  	[sflag:s31] =	ssyncset.done $0x0  }
0x84: {  	[sflag:s31] =	ssyncadd.s32 $0xFFFFE400  }
0x85: {  	[spmem:s2] =	stream.indirect.scatter.add.f32 [tilespmem:s26], [sflag:$0x8], $0x80, s11, s19, $0xb8;
	[tilespmem:$0x1E8C0] =	vst v63  }
0x86: {  	_ =	swait.ge [sflag:s0], $0x1C00  }
0x87: {  	[sflag:s0] =	ssyncset.done $0x0  }
0x88: {  	[sflag:s0] =	ssyncadd.s32 $0xFFFFE400  }
0x89: {  	_ =	swait.ge [sflag:s3], $0x1C00  }
0x8a: {  	[sflag:s3] =	ssyncset.done $0x0  }
0x8b: {  	[sflag:s3] =	ssyncadd.s32 $0xFFFFE400  }
0x8c: {  	_ =	swait.ge [sflag:s6], $0x1C00  }
0x8d: {  	[sflag:s6] =	ssyncset.done $0x0  }
0x8e: {  	[sflag:s6] =	ssyncadd.s32 $0xFFFFE400  }
0x8f: {  	_ =	swait.ge [sflag:s7], $0x1C00  }
0x90: {  	[sflag:s7] =	ssyncset.done $0x0  }
0x91: {  	s4 =	simm.s32 $0x0;
	s16 =	rddreg [dreg:$0x8];
	[sflag:s7] =	ssyncadd.s32 $0xFFFFE400  }
0x92: {  	[tilespmem:s4], [sflag:$0x9] =	stream.linear.gather [hbm4b:s16+s4], $0x1E00, $0x38;
	[tilespmem:$0x1E8C0] =	vst v63  }
0x93: {  	_ =	swait.ge [sflag:s17], $0x1E00  }
0x94: {  	[sflag:s17] =	ssyncset.done $0x0  }
0x95: {  	s18 =	simm.s32 $0x2000;
	s16 =	rddreg [dreg:$0x9];
	[sflag:s17] =	ssyncadd.s32 $0xFFFFE200  }
0x96: {  	[tilespmem:s18], [sflag:$0x9] =	stream.linear.gather [hbm4b:s16+s4], $0x1E00, $0x38;
	[tilespmem:$0x1E8C0] =	vst v63  }
0x97: {  	_ =	swait.ge [sflag:s17], $0x1E00  }
0x98: {  	[sflag:s17] =	ssyncset.done $0x0  }
0x99: {  	[sflag:s17] =	ssyncadd.s32 $0xFFFFE200  }
0x9a: {  	[tilespmem:s20], [sflag:$0x1] =	stream.indirect.gather [hbm4b:s1+s19], $0x80, s4, s19, $0xb8;
	[tilespmem:$0x1E8C0] =	vst v63  }
0x9b: {  	_ = 	snop  }
0x9c: {  	[tilespmem:s22], [sflag:$0x2] =	stream.indirect.gather [hbm4b:s1+s19], $0x80, s21, s19, $0xb8;
	[tilespmem:$0x1E8C0] =	vst v63  }
0x9d: {  	_ = 	snop  }
0x9e: {  	[tilespmem:s24], [sflag:$0x3] =	stream.indirect.gather [hbm4b:s1+s19], $0x80, s23, s19, $0xb8;
	[tilespmem:$0x1E8C0] =	vst v63  }
0x9f: {  	_ = 	snop  }
0xa0: {  	[tilespmem:s26], [sflag:$0x4] =	stream.indirect.gather [hbm4b:s1+s19], $0x80, s25, s19, $0xb8;
	[tilespmem:$0x1E8C0] =	vst v63  }
0xa1: {  	_ =	swait.ge [sflag:s28], $0x1C00  }
0xa2: {  	[sflag:s28] =	ssyncset.done $0x0  }
0xa3: {  	s18 =	simm.s32 $0x2000;
	[sflag:s28] =	ssyncadd.s32 $0xFFFFE400  }
0xa4: {  	[spmem:s2] =	stream.indirect.scatter.add.f32 [tilespmem:s20], [sflag:$0x5], $0x80, s18, s19, $0xb8;
	[tilespmem:$0x1E8C0] =	vst v63  }
0xa5: {  	_ =	swait.ge [sflag:s29], $0x1C00  }
0xa6: {  	[sflag:s29] =	ssyncset.done $0x0  }
0xa7: {  	s16 =	simm.s32 $0x2080;
	[sflag:s29] =	ssyncadd.s32 $0xFFFFE400  }
0xa8: {  	[spmem:s2] =	stream.indirect.scatter.add.f32 [tilespmem:s22], [sflag:$0x6], $0x80, s16, s19, $0xb8;
	[tilespmem:$0x1E8C0] =	vst v63  }
0xa9: {  	_ =	swait.ge [sflag:s30], $0x1C00  }
0xaa: {  	[sflag:s30] =	ssyncset.done $0x0  }
0xab: {  	s18 =	simm.s32 $0x2100;
	[sflag:s30] =	ssyncadd.s32 $0xFFFFE400  }
0xac: {  	[spmem:s2] =	stream.indirect.scatter.add.f32 [tilespmem:s24], [sflag:$0x7], $0x80, s18, s19, $0xb8;
	[tilespmem:$0x1E8C0] =	vst v63  }
0xad: {  	_ =	swait.ge [sflag:s31], $0x1C00  }
0xae: {  	[sflag:s31] =	ssyncset.done $0x0  }
0xaf: {  	s16 =	simm.s32 $0x2180;
	[sflag:s31] =	ssyncadd.s32 $0xFFFFE400  }
0xb0: {  	[spmem:s2] =	stream.indirect.scatter.add.f32 [tilespmem:s26], [sflag:$0x8], $0x80, s16, s19, $0xb8;
	[tilespmem:$0x1E8C0] =	vst v63  }
0xb1: {  	_ =	swait.ge [sflag:s0], $0x1C00  }
0xb2: {  	[sflag:s0] =	ssyncset.done $0x0  }
0xb3: {  	s18 =	simm.s32 $0x200;
	[sflag:s0] =	ssyncadd.s32 $0xFFFFE400  }
0xb4: {  	[tilespmem:s20], [sflag:$0x1] =	stream.indirect.gather [hbm4b:s1+s19], $0x80, s18, s19, $0xb8;
	[tilespmem:$0x1E8C0] =	vst v63  }
0xb5: {  	_ =	swait.ge [sflag:s3], $0x1C00  }
0xb6: {  	[sflag:s3] =	ssyncset.done $0x0  }
0xb7: {  	s16 =	simm.s32 $0x280;
	[sflag:s3] =	ssyncadd.s32 $0xFFFFE400  }
0xb8: {  	[tilespmem:s22], [sflag:$0x2] =	stream.indirect.gather [hbm4b:s1+s19], $0x80, s16, s19, $0xb8;
	[tilespmem:$0x1E8C0] =	vst v63  }
0xb9: {  	_ =	swait.ge [sflag:s6], $0x1C00  }
0xba: {  	[sflag:s6] =	ssyncset.done $0x0  }
0xbb: {  	s18 =	simm.s32 $0x300;
	[sflag:s6] =	ssyncadd.s32 $0xFFFFE400  }
0xbc: {  	[tilespmem:s24], [sflag:$0x3] =	stream.indirect.gather [hbm4b:s1+s19], $0x80, s18, s19, $0xb8;
	[tilespmem:$0x1E8C0] =	vst v63  }
0xbd: {  	_ =	swait.ge [sflag:s7], $0x1C00  }
0xbe: {  	[sflag:s7] =	ssyncset.done $0x0  }
0xbf: {  	s4 =	simm.s32 $0x380;
	s16 =	simm.s32 $0x800;
	[sflag:s7] =	ssyncadd.s32 $0xFFFFE400  }
.LBB2_4:
0xc0: {  	[tilespmem:s26], [sflag:$0x4] =	stream.indirect.gather [hbm4b:s1+s19], $0x80, s4, s19, $0xb8;
	[tilespmem:$0x1E8C0] =	vst v63  }
0xc1: {  	s4 =	smov.u32 s16  }
0xc2: {  	p1 =	sne.s32 s16, $0x6800;
	s16 =	sadd.s32 $0x800, s16;
	_ =	swait.ge [sflag:s28], $0x1C00  }
0xc3: {  	s4 =	sshra.s32 s4, $0x2;
	[sflag:s28] =	ssyncset.done $0x0  }
0xc4: {  	s18 =	sadd.s32 $0x2000, s4;
	[sflag:s28] =	ssyncadd.s32 $0xFFFFE400  }
0xc5: {  	[spmem:s2] =	stream.indirect.scatter.add.f32 [tilespmem:s20], [sflag:$0x5], $0x80, s18, s19, $0xb8;
	[tilespmem:$0x1E8C0] =	vst v63  }
0xc6: {  	_ =	swait.ge [sflag:s29], $0x1C00  }
0xc7: {  	[sflag:s29] =	ssyncset.done $0x0  }
0xc8: {  	s18 =	sadd.s32 $0x2080, s4;
	[sflag:s29] =	ssyncadd.s32 $0xFFFFE400  }
0xc9: {  	[spmem:s2] =	stream.indirect.scatter.add.f32 [tilespmem:s22], [sflag:$0x6], $0x80, s18, s19, $0xb8;
	[tilespmem:$0x1E8C0] =	vst v63  }
0xca: {  	_ =	swait.ge [sflag:s30], $0x1C00  }
0xcb: {  	[sflag:s30] =	ssyncset.done $0x0  }
0xcc: {  	s18 =	sadd.s32 $0x2100, s4;
	[sflag:s30] =	ssyncadd.s32 $0xFFFFE400  }
0xcd: {  	[spmem:s2] =	stream.indirect.scatter.add.f32 [tilespmem:s24], [sflag:$0x7], $0x80, s18, s19, $0xb8;
	[tilespmem:$0x1E8C0] =	vst v63  }
0xce: {  	_ =	swait.ge [sflag:s31], $0x1C00  }
0xcf: {  	[sflag:s31] =	ssyncset.done $0x0  }
0xd0: {  	s18 =	sadd.s32 $0x2180, s4;
	[sflag:s31] =	ssyncadd.s32 $0xFFFFE400  }
0xd1: {  	[spmem:s2] =	stream.indirect.scatter.add.f32 [tilespmem:s26], [sflag:$0x8], $0x80, s18, s19, $0xb8;
	[tilespmem:$0x1E8C0] =	vst v63  }
0xd2: {  	_ =	swait.ge [sflag:s0], $0x1C00  }
0xd3: {  	[sflag:s0] =	ssyncset.done $0x0  }
0xd4: {  	s18 =	sadd.s32 $0x200, s4;
	[sflag:s0] =	ssyncadd.s32 $0xFFFFE400  }
0xd5: {  	[tilespmem:s20], [sflag:$0x1] =	stream.indirect.gather [hbm4b:s1+s19], $0x80, s18, s19, $0xb8;
	[tilespmem:$0x1E8C0] =	vst v63  }
0xd6: {  	_ =	swait.ge [sflag:s3], $0x1C00  }
0xd7: {  	[sflag:s3] =	ssyncset.done $0x0  }
0xd8: {  	s18 =	sadd.s32 $0x280, s4;
	[sflag:s3] =	ssyncadd.s32 $0xFFFFE400  }
0xd9: {  	[tilespmem:s22], [sflag:$0x2] =	stream.indirect.gather [hbm4b:s1+s19], $0x80, s18, s19, $0xb8;
	[tilespmem:$0x1E8C0] =	vst v63  }
0xda: {  	_ =	swait.ge [sflag:s6], $0x1C00  }
0xdb: {  	[sflag:s6] =	ssyncset.done $0x0  }
.Ltmp1:
0xdc: {  	s18 =	sadd.s32 $0x300, s4;
	[sflag:s6] =	ssyncadd.s32 $0xFFFFE400;
	(pc) =	sbr.rel @p1 .LBB2_4-.Ltmp1, $4  }
0xdd: {  	[tilespmem:s24], [sflag:$0x3] =	stream.indirect.gather [hbm4b:s1+s19], $0x80, s18, s19, $0xb8;
	[tilespmem:$0x1E8C0] =	vst v63  }
0xde: {  	_ =	swait.ge [sflag:s7], $0x1C00  }
0xdf: {  	[sflag:s7] =	ssyncset.done $0x0  }
0xe0: {  	s4 =	sadd.s32 $0x380, s4;
	[sflag:s7] =	ssyncadd.s32 $0xFFFFE400  }
0xe1: {  	[tilespmem:s26], [sflag:$0x4] =	stream.indirect.gather [hbm4b:s1+s19], $0x80, s4, s19, $0xb8;
	[tilespmem:$0x1E8C0] =	vst v63  }
0xe2: {  	_ =	swait.ge [sflag:s28], $0x1C00  }
0xe3: {  	[sflag:s28] =	ssyncset.done $0x0  }
0xe4: {  	[sflag:s28] =	ssyncadd.s32 $0xFFFFE400  }
0xe5: {  	[spmem:s2] =	stream.indirect.scatter.add.f32 [tilespmem:s20], [sflag:$0x5], $0x80, s8, s19, $0xb8;
	[tilespmem:$0x1E8C0] =	vst v63  }
0xe6: {  	_ =	swait.ge [sflag:s29], $0x1C00  }
0xe7: {  	[sflag:s29] =	ssyncset.done $0x0  }
0xe8: {  	[sflag:s29] =	ssyncadd.s32 $0xFFFFE400  }
0xe9: {  	[spmem:s2] =	stream.indirect.scatter.add.f32 [tilespmem:s22], [sflag:$0x6], $0x80, s9, s19, $0xb8;
	[tilespmem:$0x1E8C0] =	vst v63  }
0xea: {  	_ =	swait.ge [sflag:s30], $0x1C00  }
0xeb: {  	[sflag:s30] =	ssyncset.done $0x0  }
0xec: {  	[sflag:s30] =	ssyncadd.s32 $0xFFFFE400  }
0xed: {  	[spmem:s2] =	stream.indirect.scatter.add.f32 [tilespmem:s24], [sflag:$0x7], $0x80, s10, s19, $0xb8;
	[tilespmem:$0x1E8C0] =	vst v63  }
0xee: {  	_ =	swait.ge [sflag:s31], $0x1C00  }
0xef: {  	[sflag:s31] =	ssyncset.done $0x0  }
0xf0: {  	[sflag:s31] =	ssyncadd.s32 $0xFFFFE400  }
0xf1: {  	[spmem:s2] =	stream.indirect.scatter.add.f32 [tilespmem:s26], [sflag:$0x8], $0x80, s11, s19, $0xb8;
	[tilespmem:$0x1E8C0] =	vst v63  }
0xf2: {  	_ =	swait.ge [sflag:s0], $0x1C00  }
0xf3: {  	[sflag:s0] =	ssyncset.done $0x0  }
0xf4: {  	[sflag:s0] =	ssyncadd.s32 $0xFFFFE400  }
0xf5: {  	_ =	swait.ge [sflag:s3], $0x1C00  }
0xf6: {  	[sflag:s3] =	ssyncset.done $0x0  }
0xf7: {  	[sflag:s3] =	ssyncadd.s32 $0xFFFFE400  }
0xf8: {  	_ =	swait.ge [sflag:s6], $0x1C00  }
0xf9: {  	[sflag:s6] =	ssyncset.done $0x0  }
0xfa: {  	[sflag:s6] =	ssyncadd.s32 $0xFFFFE400  }
0xfb: {  	_ =	swait.ge [sflag:s7], $0x1C00  }
0xfc: {  	[sflag:s7] =	ssyncset.done $0x0  }
0xfd: {  	s4 =	simm.s32 $0x0;
	s16 =	rddreg [dreg:$0xa];
	[sflag:s7] =	ssyncadd.s32 $0xFFFFE400  }
0xfe: {  	[tilespmem:s4], [sflag:$0x9] =	stream.linear.gather [hbm4b:s16+s4], $0x1E00, $0x38;
	[tilespmem:$0x1E8C0] =	vst v63  }
0xff: {  	_ =	swait.ge [sflag:s17], $0x1E00  }
0x100: {  	[sflag:s17] =	ssyncset.done $0x0  }
0x101: {  	s18 =	simm.s32 $0x2000;
	s16 =	rddreg [dreg:$0xb];
	[sflag:s17] =	ssyncadd.s32 $0xFFFFE200  }
0x102: {  	[tilespmem:s18], [sflag:$0x9] =	stream.linear.gather [hbm4b:s16+s4], $0x1E00, $0x38;
	[tilespmem:$0x1E8C0] =	vst v63  }
0x103: {  	_ =	swait.ge [sflag:s17], $0x1E00  }
0x104: {  	[sflag:s17] =	ssyncset.done $0x0  }
0x105: {  	[sflag:s17] =	ssyncadd.s32 $0xFFFFE200  }
0x106: {  	[tilespmem:s20], [sflag:$0x1] =	stream.indirect.gather [hbm4b:s1+s19], $0x80, s4, s19, $0xb8;
	[tilespmem:$0x1E8C0] =	vst v63  }
0x107: {  	_ = 	snop  }
0x108: {  	[tilespmem:s22], [sflag:$0x2] =	stream.indirect.gather [hbm4b:s1+s19], $0x80, s21, s19, $0xb8;
	[tilespmem:$0x1E8C0] =	vst v63  }
0x109: {  	_ = 	snop  }
0x10a: {  	[tilespmem:s24], [sflag:$0x3] =	stream.indirect.gather [hbm4b:s1+s19], $0x80, s23, s19, $0xb8;
	[tilespmem:$0x1E8C0] =	vst v63  }
0x10b: {  	_ = 	snop  }
0x10c: {  	[tilespmem:s26], [sflag:$0x4] =	stream.indirect.gather [hbm4b:s1+s19], $0x80, s25, s19, $0xb8;
	[tilespmem:$0x1E8C0] =	vst v63  }
0x10d: {  	_ =	swait.ge [sflag:s28], $0x1C00  }
0x10e: {  	[sflag:s28] =	ssyncset.done $0x0  }
0x10f: {  	s18 =	simm.s32 $0x2000;
	[sflag:s28] =	ssyncadd.s32 $0xFFFFE400  }
0x110: {  	[spmem:s2] =	stream.indirect.scatter.add.f32 [tilespmem:s20], [sflag:$0x5], $0x80, s18, s19, $0xb8;
	[tilespmem:$0x1E8C0] =	vst v63  }
0x111: {  	_ =	swait.ge [sflag:s29], $0x1C00  }
0x112: {  	[sflag:s29] =	ssyncset.done $0x0  }
0x113: {  	s16 =	simm.s32 $0x2080;
	[sflag:s29] =	ssyncadd.s32 $0xFFFFE400  }
0x114: {  	[spmem:s2] =	stream.indirect.scatter.add.f32 [tilespmem:s22], [sflag:$0x6], $0x80, s16, s19, $0xb8;
	[tilespmem:$0x1E8C0] =	vst v63  }
0x115: {  	_ =	swait.ge [sflag:s30], $0x1C00  }
0x116: {  	[sflag:s30] =	ssyncset.done $0x0  }
0x117: {  	s18 =	simm.s32 $0x2100;
	[sflag:s30] =	ssyncadd.s32 $0xFFFFE400  }
0x118: {  	[spmem:s2] =	stream.indirect.scatter.add.f32 [tilespmem:s24], [sflag:$0x7], $0x80, s18, s19, $0xb8;
	[tilespmem:$0x1E8C0] =	vst v63  }
0x119: {  	_ =	swait.ge [sflag:s31], $0x1C00  }
0x11a: {  	[sflag:s31] =	ssyncset.done $0x0  }
0x11b: {  	s16 =	simm.s32 $0x2180;
	[sflag:s31] =	ssyncadd.s32 $0xFFFFE400  }
0x11c: {  	[spmem:s2] =	stream.indirect.scatter.add.f32 [tilespmem:s26], [sflag:$0x8], $0x80, s16, s19, $0xb8;
	[tilespmem:$0x1E8C0] =	vst v63  }
0x11d: {  	_ =	swait.ge [sflag:s0], $0x1C00  }
0x11e: {  	[sflag:s0] =	ssyncset.done $0x0  }
0x11f: {  	s18 =	simm.s32 $0x200;
	[sflag:s0] =	ssyncadd.s32 $0xFFFFE400  }
0x120: {  	[tilespmem:s20], [sflag:$0x1] =	stream.indirect.gather [hbm4b:s1+s19], $0x80, s18, s19, $0xb8;
	[tilespmem:$0x1E8C0] =	vst v63  }
0x121: {  	_ =	swait.ge [sflag:s3], $0x1C00  }
0x122: {  	[sflag:s3] =	ssyncset.done $0x0  }
0x123: {  	s16 =	simm.s32 $0x280;
	[sflag:s3] =	ssyncadd.s32 $0xFFFFE400  }
0x124: {  	[tilespmem:s22], [sflag:$0x2] =	stream.indirect.gather [hbm4b:s1+s19], $0x80, s16, s19, $0xb8;
	[tilespmem:$0x1E8C0] =	vst v63  }
0x125: {  	_ =	swait.ge [sflag:s6], $0x1C00  }
0x126: {  	[sflag:s6] =	ssyncset.done $0x0  }
0x127: {  	s18 =	simm.s32 $0x300;
	[sflag:s6] =	ssyncadd.s32 $0xFFFFE400  }
0x128: {  	[tilespmem:s24], [sflag:$0x3] =	stream.indirect.gather [hbm4b:s1+s19], $0x80, s18, s19, $0xb8;
	[tilespmem:$0x1E8C0] =	vst v63  }
0x129: {  	_ =	swait.ge [sflag:s7], $0x1C00  }
0x12a: {  	[sflag:s7] =	ssyncset.done $0x0  }
0x12b: {  	s4 =	simm.s32 $0x380;
	s16 =	simm.s32 $0x800;
	[sflag:s7] =	ssyncadd.s32 $0xFFFFE400  }
.LBB2_6:
0x12c: {  	[tilespmem:s26], [sflag:$0x4] =	stream.indirect.gather [hbm4b:s1+s19], $0x80, s4, s19, $0xb8;
	[tilespmem:$0x1E8C0] =	vst v63  }
0x12d: {  	s4 =	smov.u32 s16  }
0x12e: {  	p1 =	sne.s32 s16, $0x6800;
	s16 =	sadd.s32 $0x800, s16;
	_ =	swait.ge [sflag:s28], $0x1C00  }
0x12f: {  	s4 =	sshra.s32 s4, $0x2;
	[sflag:s28] =	ssyncset.done $0x0  }
0x130: {  	s18 =	sadd.s32 $0x2000, s4;
	[sflag:s28] =	ssyncadd.s32 $0xFFFFE400  }
0x131: {  	[spmem:s2] =	stream.indirect.scatter.add.f32 [tilespmem:s20], [sflag:$0x5], $0x80, s18, s19, $0xb8;
	[tilespmem:$0x1E8C0] =	vst v63  }
0x132: {  	_ =	swait.ge [sflag:s29], $0x1C00  }
0x133: {  	[sflag:s29] =	ssyncset.done $0x0  }
0x134: {  	s18 =	sadd.s32 $0x2080, s4;
	[sflag:s29] =	ssyncadd.s32 $0xFFFFE400  }
0x135: {  	[spmem:s2] =	stream.indirect.scatter.add.f32 [tilespmem:s22], [sflag:$0x6], $0x80, s18, s19, $0xb8;
	[tilespmem:$0x1E8C0] =	vst v63  }
0x136: {  	_ =	swait.ge [sflag:s30], $0x1C00  }
0x137: {  	[sflag:s30] =	ssyncset.done $0x0  }
0x138: {  	s18 =	sadd.s32 $0x2100, s4;
	[sflag:s30] =	ssyncadd.s32 $0xFFFFE400  }
0x139: {  	[spmem:s2] =	stream.indirect.scatter.add.f32 [tilespmem:s24], [sflag:$0x7], $0x80, s18, s19, $0xb8;
	[tilespmem:$0x1E8C0] =	vst v63  }
0x13a: {  	_ =	swait.ge [sflag:s31], $0x1C00  }
0x13b: {  	[sflag:s31] =	ssyncset.done $0x0  }
0x13c: {  	s18 =	sadd.s32 $0x2180, s4;
	[sflag:s31] =	ssyncadd.s32 $0xFFFFE400  }
0x13d: {  	[spmem:s2] =	stream.indirect.scatter.add.f32 [tilespmem:s26], [sflag:$0x8], $0x80, s18, s19, $0xb8;
	[tilespmem:$0x1E8C0] =	vst v63  }
0x13e: {  	_ =	swait.ge [sflag:s0], $0x1C00  }
0x13f: {  	[sflag:s0] =	ssyncset.done $0x0  }
0x140: {  	s18 =	sadd.s32 $0x200, s4;
	[sflag:s0] =	ssyncadd.s32 $0xFFFFE400  }
0x141: {  	[tilespmem:s20], [sflag:$0x1] =	stream.indirect.gather [hbm4b:s1+s19], $0x80, s18, s19, $0xb8;
	[tilespmem:$0x1E8C0] =	vst v63  }
0x142: {  	_ =	swait.ge [sflag:s3], $0x1C00  }
0x143: {  	[sflag:s3] =	ssyncset.done $0x0  }
0x144: {  	s18 =	sadd.s32 $0x280, s4;
	[sflag:s3] =	ssyncadd.s32 $0xFFFFE400  }
0x145: {  	[tilespmem:s22], [sflag:$0x2] =	stream.indirect.gather [hbm4b:s1+s19], $0x80, s18, s19, $0xb8;
	[tilespmem:$0x1E8C0] =	vst v63  }
0x146: {  	_ =	swait.ge [sflag:s6], $0x1C00  }
0x147: {  	[sflag:s6] =	ssyncset.done $0x0  }
.Ltmp2:
0x148: {  	s18 =	sadd.s32 $0x300, s4;
	[sflag:s6] =	ssyncadd.s32 $0xFFFFE400;
	(pc) =	sbr.rel @p1 .LBB2_6-.Ltmp2, $4  }
0x149: {  	[tilespmem:s24], [sflag:$0x3] =	stream.indirect.gather [hbm4b:s1+s19], $0x80, s18, s19, $0xb8;
	[tilespmem:$0x1E8C0] =	vst v63  }
0x14a: {  	_ =	swait.ge [sflag:s7], $0x1C00  }
0x14b: {  	[sflag:s7] =	ssyncset.done $0x0  }
0x14c: {  	s4 =	sadd.s32 $0x380, s4;
	[sflag:s7] =	ssyncadd.s32 $0xFFFFE400  }
0x14d: {  	[tilespmem:s26], [sflag:$0x4] =	stream.indirect.gather [hbm4b:s1+s19], $0x80, s4, s19, $0xb8;
	[tilespmem:$0x1E8C0] =	vst v63  }
0x14e: {  	_ =	swait.ge [sflag:s28], $0x1C00  }
0x14f: {  	[sflag:s28] =	ssyncset.done $0x0  }
0x150: {  	[sflag:s28] =	ssyncadd.s32 $0xFFFFE400  }
0x151: {  	[spmem:s2] =	stream.indirect.scatter.add.f32 [tilespmem:s20], [sflag:$0x5], $0x80, s8, s19, $0xb8;
	[tilespmem:$0x1E8C0] =	vst v63  }
0x152: {  	_ =	swait.ge [sflag:s29], $0x1C00  }
0x153: {  	[sflag:s29] =	ssyncset.done $0x0  }
0x154: {  	[sflag:s29] =	ssyncadd.s32 $0xFFFFE400  }
0x155: {  	[spmem:s2] =	stream.indirect.scatter.add.f32 [tilespmem:s22], [sflag:$0x6], $0x80, s9, s19, $0xb8;
	[tilespmem:$0x1E8C0] =	vst v63  }
0x156: {  	_ =	swait.ge [sflag:s30], $0x1C00  }
0x157: {  	[sflag:s30] =	ssyncset.done $0x0  }
0x158: {  	[sflag:s30] =	ssyncadd.s32 $0xFFFFE400  }
0x159: {  	[spmem:s2] =	stream.indirect.scatter.add.f32 [tilespmem:s24], [sflag:$0x7], $0x80, s10, s19, $0xb8;
	[tilespmem:$0x1E8C0] =	vst v63  }
0x15a: {  	_ =	swait.ge [sflag:s31], $0x1C00  }
0x15b: {  	[sflag:s31] =	ssyncset.done $0x0  }
0x15c: {  	[sflag:s31] =	ssyncadd.s32 $0xFFFFE400  }
0x15d: {  	[spmem:s2] =	stream.indirect.scatter.add.f32 [tilespmem:s26], [sflag:$0x8], $0x80, s11, s19, $0xb8;
	[tilespmem:$0x1E8C0] =	vst v63  }
0x15e: {  	_ =	swait.ge [sflag:s0], $0x1C00  }
0x15f: {  	[sflag:s0] =	ssyncset.done $0x0  }
0x160: {  	[sflag:s0] =	ssyncadd.s32 $0xFFFFE400  }
0x161: {  	_ =	swait.ge [sflag:s3], $0x1C00  }
0x162: {  	[sflag:s3] =	ssyncset.done $0x0  }
0x163: {  	[sflag:s3] =	ssyncadd.s32 $0xFFFFE400  }
0x164: {  	_ =	swait.ge [sflag:s6], $0x1C00  }
0x165: {  	[sflag:s6] =	ssyncset.done $0x0  }
0x166: {  	[sflag:s6] =	ssyncadd.s32 $0xFFFFE400  }
0x167: {  	_ =	swait.ge [sflag:s7], $0x1C00  }
0x168: {  	[sflag:s7] =	ssyncset.done $0x0  }
0x169: {  	[sflag:s7] =	ssyncadd.s32 $0xFFFFE400  }
0x16a: {  	[bflag:$0x0] =	sbarrier.arrive $0xFFFF  }
0x16b: {  	s16 =	rddreg [dreg:$0xc]  }
0x16c: {  	[hbm:s16], [sflag:s13] =	dma.local [spmem:s14], $0x2700  }
0x16d: {  	_ =	swait.ge [sflag:s17], $0x2700  }
0x16e: {  	[sflag:s17] =	ssyncset.done $0x0  }
0x16f: {  	s4 =	rddreg [dreg:$0xd];
	[sflag:s17] =	ssyncadd.s32 $0xFFFFD900  }
0x170: {  	[hbm:s4], [sflag:s13] =	dma.local @!p0 [spmem:s15], $0x100  }
0x171: {  	s4 =	simm.s32 @!p0 $0x9  }
0x172: {  	_ =	swait.ge @!p0 [sflag:s4], $0x100  }
0x173: {  	s12 =	sadd.s32 $0x1, s12;
	s18 =	rddreg [dreg:$0xe]  }
0x174: {  	p1 =	sne.s32 s12, s18  }
.Ltmp3:
0x175: {  	_ = 	snop;
	(pc) =	sbr.rel @p1 .LBB2_1-.Ltmp3, $3  }
0x176: {  	_ =	sdelay $0x1  }
0x177: {  	[sflag:s4] =	ssyncset.done @!p0 $0x0  }
0x178: {  	[sflag:s4] =	ssyncadd.s32 @!p0 $0xFFFFFF00  }
0x179: {  	_ =	sfence.sel $0x180000  }
0x17a: {  	[bflag:$0x0] =	sbarrier.arrive $0xFFFF  }
0x17b: {  	_ =	strace $0x9000004D  }
0x17c: {  	s0 =	stileid.u32;
	[bflag:$0x2] =	sbarrier.arrive $0xFFFF  }
0x17d: {  	p0 =	sne.s32 s0, $0x0;
	s0 =	rddreg [dreg:$0x3]  }
0x17e: {  	s0 =	sadd.s32 @!p0 $0x100000, s0  }
0x17f: {  	[sflag:s0] =	ssyncadd.tile.s32 @!p0 $0x1;
	_ =	shalt  }
.Lfunc_end2:
_tile_overlayer_lowered:
.L_overlay_start_2:
0x180: {  	(tag) =	ssettag $0x2  }
0x181: {  	s0 =	rddreg [dreg:$0x0];
	s2 =	stileid.u32  }
0x182: {  	s1 =	rddreg [dreg:$0x1];
	p0 =	sne.s32 s2, $0x0  }
0x183: {  	s3 =	rddreg [dreg:$0x2];
	[bflag:$0x3] =	sbarrier.arrive $0xFFFF;
	s2 =	simm.s32 @!p0 $0x1C09  }
0x184: {  	[timem:s3], [sflag:s2] =	dma.local @!p0 [hbm:s0], s1  }
0x185: {  	s0 =	simm.s32 @!p0 $0x9  }
0x186: {  	_ =	swait.ge @!p0 [sflag:s0], s1  }
0x187: {  	s1 =	ssub.s32 @!p0 $0x0, s1;
	[sflag:s0] =	ssyncset.done @!p0 $0x0  }
0x188: {  	[sflag:s0] =	ssyncadd.s32 @!p0 s1  }
0x189: {  	[bflag:$0x3] =	sbarrier.arrive $0xFFFF  }
0x18a: {  	_ =	shalt  }

// kernel: kernel.9.cloned.1.call-start
scs
__scs_entry_jumppad:
0x0: {  	(pc) =	sbr.rel $0x88, $3  }
0x1: {  	(tag) =	ssettag $0x0;
	lr =	simm.s32 $0x1  }
0x2: {  	[smem:$0x3F9A] =	sst lr;
	_ =	strace $0xD0000000  }
0x3: {  	_ = 	snop  }
0x4: {  	_ = 	snop  }
0x5: {  	_ = 	snop  }
0x6: {  	_ = 	snop  }
0x7: {  	_ = 	snop  }
__scs_overlays_trampoline_lowered:
0x8: {  	[smem:$0x3FA9] =	sst s0  }
0x9: {  	[smem:$0x3FAA] =	sst s1  }
0xa: {  	[smem:$0x3FAB] =	sst s2  }
0xb: {  	[smem:$0x3FAC] =	sst s3  }
0xc: {  	[smem:$0x3FAD] =	sst s4  }
0xd: {  	[smem:$0x3FAE] =	sst s5  }
0xe: {  	[smem:$0x3FAF] =	sst s6  }
0xf: {  	[smem:$0x3FB0] =	sst s7  }
0x10: {  	[smem:$0x3FB1] =	sst s8  }
0x11: {  	[smem:$0x3FB2] =	sst s9;
	s0 =	simm.s32 @!p0 $0x0  }
0x12: {  	s1 =	sld [smem:$0x3F98];
	s0 =	simm.s32 @p0 $0x1  }
0x13: {  	[smem:$0x3FB3] =	sst s0;
	s0 =	simm.s32 @!p1 $0x0  }
0x14: {  	s2 =	sld [smem:$0x3F97];
	s0 =	simm.s32 @p1 $0x1  }
0x15: {  	[smem:$0x3FB4] =	sst s0;
	s0 =	simm.s32 @!p2 $0x0  }
0x16: {  	s3 =	sld [smem:$0x3FDB];
	s0 =	simm.s32 @p2 $0x1  }
0x17: {  	s4 =	simm.s32 $0x1BF5;
	[smem:$0x3FB6] =	sst s0  }
0x18: {  	s0 =	sld [smem:$0x3F99];
	_ =	swait.ge [sflag:s4], $0x0  }
0x19: {  	s7 =	sld [smem:$0x3F9A]  }
0x1a: {  	s8 =	sadd.s32 $0xFFFFE003, lr  }
0x1b: {  	s9 =	sadd.s32 $0xFFFFFEF7, lr;
	s5 =	simm.s32 $0xFFFFFFFF;
	p2 =	slt.u32 s8, $0xFFFFF086  }
0x1c: {  	p1 =	slt.u32 s9, $0xF7A;
	s5 =	simm.s32 @!p2 $0x0  }
0x1d: {  	s5 =	simm.s32 @p1 $0x1;
	p0 =	seq.s32 s7, s2  }
0x1e: {  	s7 =	smul.u32 @!p0 $0xF7A, s2;
	p2 =	seq.s32 @!p0 s5, $0x0  }
0x1f: {  	s9 =	smul.u32 $0xF7A, s1;
	s8 =	simm.s32 @!p0 $0x1BF5;
	p2 =	por !p2, p0  }
0x20: {  	[sflag:s8] =	ssyncset.s32 @!p0 $0xFFFFF086;
	s6 =	sadd.s32 @!p0 s3, s7;
	s7 =	simm.s32 @!p0 $0x108  }
0x21: {  	s3 =	sadd.s32 s3, s9;
	s6 =	sadd.s32 @!p0 $0x88, s6;
	s7 =	simm.s32 @p2 $0x1082  }
0x22: {  	[simem:s7], [sflag:s8] =	dma.local @!p0 [hbm:s6], $0xF7A  }
0x23: {  	s9 =	sor.u32 $0xD0000000, s2;
	s6 =	simm.s32 $0x108;
	_ =	swait.ge @!p0 [sflag:s8], $0x0  }
0x24: {  	s3 =	sadd.s32 $0x88, s3;
	s6 =	simm.s32 @!p1 $0x1082;
	[sflag:s4] =	ssyncset.s32 $0xFFFFF086  }
0x25: {  	[simem:s6], [sflag:s4] =	dma.local [hbm:s3], $0xF7A  }
0x26: {  	[smem:$0x3F9A] =	sst s1;
	(tag) =	ssettag s2;
	_ =	strace s9  }
0x27: {  	s1 =	sld [smem:$0x3FAA]  }
0x28: {  	s2 =	sld [smem:$0x3FAB]  }
0x29: {  	s4 =	sld [smem:$0x3FAD]  }
0x2a: {  	p0 =	seq.s32 s5, $0x0;
	s5 =	sld [smem:$0x3FAE]  }
0x2b: {  	s6 =	sld [smem:$0x3FAF]  }
0x2c: {  	s7 =	sld [smem:$0x3FB0]  }
0x2d: {  	s3 =	simm.s32 $0x108;
	s8 =	sld [smem:$0x3FB1]  }
0x2e: {  	s3 =	simm.s32 @!p0 $0x1082;
	s9 =	sld [smem:$0x3FB2]  }
0x2f: {  	lr =	sadd.s32 s0, s3;
	s0 =	sld [smem:$0x3FA9]  }
0x30: {  	s3 =	sld [smem:$0x3FAC]  }
0x31: {  	[smem:$0x3FB5] =	sst s10  }
0x32: {  	s10 =	sld [smem:$0x3FB3];
	_ =	sdelay $0x3  }
0x33: {  	p0 =	seq.s32 s10, $0x1;
	s10 =	sld [smem:$0x3FB5];
	_ =	sdelay $0x3  }
0x34: {  	[smem:$0x3FB5] =	sst s10  }
0x35: {  	s10 =	sld [smem:$0x3FB4];
	_ =	sdelay $0x3  }
0x36: {  	p1 =	seq.s32 s10, $0x1;
	s10 =	sld [smem:$0x3FB5];
	_ =	sdelay $0x3  }
0x37: {  	[smem:$0x3FB5] =	sst s10  }
0x38: {  	s10 =	sld [smem:$0x3FB6]  }
0x39: {  	_ = 	snop;
	(pc) =	sbr.ind lr, $3  }
0x3a: {  	_ = 	snop  }
0x3b: {  	_ = 	snop  }
0x3c: {  	p2 =	seq.s32 s10, $0x1;
	s10 =	sld [smem:$0x3FB5]  }
0x3d: {  	_ =	shalt  }
0x3e: {  	_ =	shalt  }
0x3f: {  	_ =	shalt  }
0x40: {  	_ =	shalt  }
0x41: {  	_ =	shalt  }
0x42: {  	_ =	shalt  }
0x43: {  	_ =	shalt  }
0x44: {  	_ =	shalt  }
0x45: {  	_ =	shalt  }
0x46: {  	_ =	shalt  }
0x47: {  	_ =	shalt  }
0x48: {  	_ =	shalt  }
0x49: {  	_ =	shalt  }
0x4a: {  	_ =	shalt  }
0x4b: {  	_ =	shalt  }
0x4c: {  	_ =	shalt  }
0x4d: {  	_ =	shalt  }
0x4e: {  	_ =	shalt  }
0x4f: {  	_ =	shalt  }
0x50: {  	_ =	shalt  }
0x51: {  	_ =	shalt  }
0x52: {  	_ =	shalt  }
0x53: {  	_ =	shalt  }
0x54: {  	_ =	shalt  }
0x55: {  	_ =	shalt  }
0x56: {  	_ =	shalt  }
0x57: {  	_ =	shalt  }
0x58: {  	_ =	shalt  }
0x59: {  	_ =	shalt  }
0x5a: {  	_ =	shalt  }
0x5b: {  	_ =	shalt  }
0x5c: {  	_ =	shalt  }
0x5d: {  	_ =	shalt  }
0x5e: {  	_ =	shalt  }
0x5f: {  	_ =	shalt  }
0x60: {  	_ =	shalt  }
0x61: {  	_ =	shalt  }
0x62: {  	_ =	shalt  }
0x63: {  	_ =	shalt  }
0x64: {  	_ =	shalt  }
0x65: {  	_ =	shalt  }
0x66: {  	_ =	shalt  }
0x67: {  	_ =	shalt  }
0x68: {  	_ =	shalt  }
0x69: {  	_ =	shalt  }
0x6a: {  	_ =	shalt  }
0x6b: {  	_ =	shalt  }
0x6c: {  	_ =	shalt  }
0x6d: {  	_ =	shalt  }
0x6e: {  	_ =	shalt  }
0x6f: {  	_ =	shalt  }
0x70: {  	_ =	shalt  }
0x71: {  	_ =	shalt  }
0x72: {  	_ =	shalt  }
0x73: {  	_ =	shalt  }
0x74: {  	_ =	shalt  }
0x75: {  	_ =	shalt  }
0x76: {  	_ =	shalt  }
0x77: {  	_ =	shalt  }
0x78: {  	_ =	shalt  }
0x79: {  	_ =	shalt  }
0x7a: {  	_ =	shalt  }
0x7b: {  	_ =	shalt  }
0x7c: {  	_ =	shalt  }
0x7d: {  	_ =	shalt  }
0x7e: {  	_ =	shalt  }
0x7f: {  	_ =	shalt  }
0x80: {  	_ =	shalt  }
0x81: {  	_ =	shalt  }
0x82: {  	_ =	shalt  }
0x83: {  	_ =	shalt  }
0x84: {  	_ =	shalt  }
0x85: {  	_ =	shalt  }
0x86: {  	_ =	shalt  }
0x87: {  	_ =	shalt  }
.Lfunc_end0:
.L_simem_size_0:
called_computation_lowered:
.L_overlay_start_0:
0x88: {  	s2 =	sld [smem:$0x3FD9]  }
0x89: {  	s3 =	sld [smem:$0x3FFE];
	_ =	sdelay $0x1  }
0x8a: {  	s1 =	srdreg.scid  }
0x8b: {  	s0 =	sand.u32 $0x1, s1  }
0x8c: {  	s17 =	sshll.u32 s0, $0xA;
	s2 =	sadd.s32 s3, s2  }
0x8d: {  	s2 =	sadd.s32 s2, s17  }
0x8e: {  	[smem:$0x3FC1] =	sst s2  }
0x8f: {  	_ = 	snop  }
0x90: {  	s2 =	sld [smem:$0x3FD0];
	(tm) =	ssettm $0x1  }
0x91: {  	s18 =	sld [smem:$0x3FFB];
	_ =	sdelay $0x3  }
0x92: {  	_ =	strace s18  }
0x93: {  	s3 =	sld [smem:$0x3FFC];
	_ =	sdelay $0x3  }
0x94: {  	_ =	strace s3  }
0x95: {  	s3 =	sld [smem:$0x3FFD];
	_ =	sdelay $0x3  }
0x96: {  	_ =	strace s3  }
0x97: {  	_ =	strace $0x8FFFFFFF  }
0x98: {  	s19 =	sld [smem:$0x3FDB];
	_ =	sdelay $0x1  }
0x99: {  	s4 =	simm.s32 $_scs_section_size  }
0x9a: {  	s5 =	simm.s32 $_size__tile_overlayer_lowered;
	s6 =	simm.s32 $_tile_overlayer_lowered  }
0x9b: {  	s22 =	simm.s32 $0x1BFF;
	s21 =	sshll.u32 s6, $0x1;
	s3 =	sadd.s32 s4, s19  }
0x9c: {  	s7 =	simm.s32 $0x0;
	s20 =	sshll.u32 s5, $0x1;
	s5 =	sadd.s32 s21, s3  }
0x9d: {  	[timem:s7], [sflag:s22] =	dma.local [hbm:s5], s20  }
0x9e: {  	_ =	swait.ge [sflag:s22], s20  }
0x9f: {  	s4 =	ssub.s32 $0x0, s20;
	[sflag:s22] =	ssyncset.done $0x0  }
0xa0: {  	[sflag:s22] =	ssyncadd.s32 s4;
	_ =	sdelay $0x1  }
0xa1: {  	s23 =	simm.s32 $0x1B8B  }
0xa2: {  	_ =	swait.ge [sflag:s23], $0x1  }
0xa3: {  	[sflag:s23] =	ssyncset.done $0x0  }
0xa4: {  	s25 =	simm.s32 $0x1B8E;
	s24 =	sld [smem:$0x3FFE];
	[sflag:s23] =	ssyncadd.s32 $0xFFFFFFFF  }
0xa5: {  	s26 =	simm.s32 $execute0_lowered;
	[smem:$0x3FD2] =	sst s25  }
0xa6: {  	s5 =	sshll.u32 s26, $0x1;
	_ =	strace $0x80000046;
	[dreg:$0x1] =	wrdreg $0xFFFFFFFF  }
0xa7: {  	s28 =	simm.s32 $_size_execute0_lowered;
	s3 =	sadd.s32 s3, s5;
	[dreg:$0x0] =	wrdreg $0x0  }
0xa8: {  	s5 =	sshll.u32 s28, $0x1;
	[dreg:$0x2] =	wrdreg s3  }
0xa9: {  	[dreg:$0x3] =	wrdreg s5  }
0xaa: {  	[dreg:$0x4] =	wrdreg $0xC0  }
0xab: {  	_ =	task [dreg:s7], $0x5FFFF  }
0xac: {  	[dreg:$0x1] =	wrdreg $0xFFFFFFFF  }
0xad: {  	[dreg:$0x0] =	wrdreg $0x60  }
0xae: {  	[dreg:$0x2] =	wrdreg s2  }
0xaf: {  	[dreg:$0x3] =	wrdreg s24  }
0xb0: {  	[dreg:$0x4] =	wrdreg $0xB0000  }
0xb1: {  	[dreg:$0x5] =	wrdreg $0x9  }
0xb2: {  	_ =	task.clear_ibuf [dreg:s7], $0x6FFFF;
	_ =	strace $0x90000046  }
0xb3: {  	s29 =	simm.s32 $0x9;
	_ =	strace $0x80000048  }
0xb4: {  	_ =	swait.ge [sflag:s29], $0x1  }
0xb5: {  	[sflag:s29] =	ssyncadd.s32 $0xFFFFFFFF  }
0xb6: {  	_ =	strace $0x90000048  }
0xb7: {  	_ =	sfence  }
0xb8: {  	s30 =	sld [smem:$0x0];
	_ =	sdelay $0x2  }
0xb9: {  	s31 =	sshll.u32 s1, $0xD;
	s1 =	sshrl.u32 s1, $0x2  }
0xba: {  	s3 =	sand.u32 $0x4000, s31;
	s1 =	sadd.s32 s1, s30  }
0xbb: {  	s0 =	sor.u32 s3, s0;
	s1 =	sshll.u32 s1, $0x11  }
0xbc: {  	s0 =	sor.u32 s1, s0  }
0xbd: {  	s0 =	sadd.s32 $0x8F2B, s0  }
0xbe: {  	[sflag:s0] =	ssyncadd.remote.s32 $0x1  }
0xbf: {  	_ =	sfence.sel $0xFFFF  }
0xc0: {  	[dreg:$0x0] =	wrdreg $0xFFFFFFFF;
	(pc) =	sbr.abs _section_cstart, $3  }
0xc1: {  	[dreg:$0x1] =	wrdreg $0xFFFFFFFF  }
0xc2: {  	_ =	task.clear_ibuf [dreg:s7], $0x2FFFF;
	_ =	strace $0x9FFFFFFF  }
0xc3: {  	(tm) =	ssettm $0x7FFFFFFF  }
tec
execute0_lowered:
.L_overlay_start_1:
0x0: {  	(tag) =	ssettag $0x1  }
0x1: {  	s1 =	rddreg [dreg:$0x0]  }
0x2: {  	s0 =	rddreg [dreg:$0x1]  }
0x3: {  	s2 =	rddreg [dreg:$0x2]  }
0x4: {  	s3 =	srdreg.scid;
	s4 =	simm.s32 $0x0;
	s11 =	stileid.u32  }
0x5: {  	s28 =	simm.s32 $0x1;
	s29 =	simm.s32 $0x2;
	s30 =	simm.s32 $0x3  }
0x6: {  	s31 =	simm.s32 $0x4;
	s3 =	sand.u32 $0x1, s3;
	[smem:$0x7FF] =	sst s4  }
0x7: {  	s6 =	sadd.s32 $0x2400, s0;
	s7 =	sadd.s32 $0x1A400, s0;
	s5 =	sadd.s32 $0x32400, s0  }
0x8: {  	s9 =	smul.u32 $0x4E000, s11;
	s0 =	sadd.s32 $0x34C00, s0;
	s20 =	sadd.s32 $0x138000, s2  }
0x9: {  	s22 =	smul.u32 $0x13800, s11;
	p0 =	sne.s32 s11, $0xF;
	s17 =	sshll.u32 s3, $0x4  }
0xa: {  	_ =	strace $0x80000047;
	s8 =	ssub.s32 $0x2, s3;
	s3 =	smul.u32 $0x138800, s3  }
0xb: {  	[dreg:$0x7] =	wrdreg s20;
	s20 =	simm.s32 $0x4000;
	s4 =	sor.u32 s11, s17  }
0xc: {  	s10 =	sshrl.u32 s8, $0x1;
	s9 =	sshrl.u32 s9, $0x2;
	s17 =	simm.s32 $0x9  }
0xd: {  	s11 =	simm.s32 $0x3D80;
	s4 =	smul.u32 $0x6000, s4;
	s8 =	ssub.s32 s8, s10  }
0xe: {  	s9 =	sadd.s32 s9, s2;
	s23 =	sadd.s32 s22, s3;
	s3 =	sshrl.u32 s3, $0x3  }
0xf: {  	s22 =	simm.s32 $0x5C00;
	s10 =	simm.s32 $0x3D00;
	[dreg:$0x6] =	wrdreg s9  }
0x10: {  	s24 =	sshrl.u32 s23, $0x3;
	s3 =	sadd.s32 s0, s3;
	s26 =	smax.u32 s8, $0x1  }
0x11: {  	s23 =	simm.s32 $0x100;
	s8 =	simm.s32 $0x3C00;
	s4 =	sshrl.u32 s4, $0x3  }
0x12: {  	s0 =	sadd.s32 s0, s24;
	s25 =	sadd.s32 $0x27000, s3;
	[dreg:$0xe] =	wrdreg s26  }
0x13: {  	s24 =	simm.s32 $0x7800;
	s26 =	simm.s32 $0x9400;
	[dreg:$0xc] =	wrdreg s0  }
0x14: {  	s3 =	simm.s32 $0x6;
	s18 =	sadd.s32 s6, s4;
	[dreg:$0xd] =	wrdreg s25  }
0x15: {  	s19 =	sadd.s32 s7, s4;
	s21 =	sadd.s32 $0x400, s4;
	[dreg:$0x4] =	wrdreg s18  }
0x16: {  	s4 =	sadd.s32 $0x800, s4;
	[dreg:$0x5] =	wrdreg s19;
	s12 =	sadd.s32 s6, s21  }
0x17: {  	s25 =	simm.s32 $0x180;
	s9 =	sadd.s32 s7, s21;
	[dreg:$0x8] =	wrdreg s12  }
0x18: {  	s0 =	simm.s32 $0x5;
	s6 =	sadd.s32 s6, s4;
	[dreg:$0x9] =	wrdreg s9  }
0x19: {  	s4 =	sadd.s32 s7, s4;
	s19 =	simm.s32 $0x38;
	[dreg:$0xa] =	wrdreg s6  }
0x1a: {  	s21 =	simm.s32 $0x80;
	s7 =	simm.s32 $0x8;
	[dreg:$0xb] =	wrdreg s4  }
0x1b: {  	s6 =	simm.s32 $0x7;
	s9 =	simm.s32 $0x3C80;
	s12 =	simm.s32 $0x0  }
.LBB2_1:
0x1c: {  	s4 =	simm.s32 $0x0;
	s13 =	rddreg [dreg:$0x4]  }
0x1d: {  	[tilespmem:s4], [sflag:$0x9] =	stream.linear.gather [hbm4b:s13+s4], $0x1E00, $0x38;
	[tilespmem:$0x1E8C0] =	vst v63  }
0x1e: {  	_ =	swait.ge [sflag:s17], $0x1E00  }
0x1f: {  	[sflag:s17] =	ssyncset.done $0x0  }
0x20: {  	s14 =	simm.s32 $0x2000;
	s18 =	rddreg [dreg:$0x5];
	[sflag:s17] =	ssyncadd.s32 $0xFFFFE200  }
0x21: {  	[tilespmem:s14], [sflag:$0x9] =	stream.linear.gather [hbm4b:s18+s4], $0x1E00, $0x38;
	[tilespmem:$0x1E8C0] =	vst v63  }
0x22: {  	_ =	swait.ge [sflag:s17], $0x1E00  }
0x23: {  	[sflag:s17] =	ssyncset.done $0x0  }
0x24: {  	[sflag:s17] =	ssyncadd.s32 $0xFFFFE200  }
0x25: {  	[tilespmem:s20], [sflag:$0x1] =	stream.indirect.gather [hbm4b:s1+s19], $0x80, s4, s19, $0xb8;
	[tilespmem:$0x1E8C0] =	vst v63  }
0x26: {  	s15 =	stileid.u32  }
0x27: {  	[tilespmem:s22], [sflag:$0x2] =	stream.indirect.gather [hbm4b:s1+s19], $0x80, s21, s19, $0xb8;
	[tilespmem:$0x1E8C0] =	vst v63  }
0x28: {  	s16 =	rddreg [dreg:$0x6];
	s4 =	sshll.u32 s15, $0x6  }
0x29: {  	[tilespmem:s24], [sflag:$0x3] =	stream.indirect.gather [hbm4b:s1+s19], $0x80, s23, s19, $0xb8;
	[tilespmem:$0x1E8C0] =	vst v63  }
0x2a: {  	s14 =	sshrl.u32 s16, $0x3;
	s13 =	sor.u32 $0x1C09, s4  }
0x2b: {  	[tilespmem:s26], [sflag:$0x4] =	stream.indirect.gather [hbm4b:s1+s19], $0x80, s25, s19, $0xb8;
	[tilespmem:$0x1E8C0] =	vst v63  }
0x2c: {  	[spmem:s14], [sflag:s13] =	dma.local [hbm:s5], $0x2700  }
0x2d: {  	_ =	swait.ge [sflag:s17], $0x2700  }
0x2e: {  	[sflag:s17] =	ssyncset.done $0x0;
	s4 =	rddreg [dreg:$0x7]  }
0x2f: {  	[sflag:s17] =	ssyncadd.s32 $0xFFFFD900;
	s15 =	sshrl.u32 @!p0 s4, $0x3;
	s4 =	simm.s32 @!p0 $0x9  }
0x30: {  	[spmem:s15], [sflag:s13] =	dma.local @!p0 [hbm:s5], $0x180  }
0x31: {  	_ =	swait.ge @!p0 [sflag:s4], $0x180  }
0x32: {  	[sflag:s4] =	ssyncset.done @!p0 $0x0  }
0x33: {  	[sflag:s4] =	ssyncadd.s32 @!p0 $0xFFFFFE80  }
0x34: {  	[bflag:$0x0] =	sbarrier.arrive $0xFFFF  }
0x35: {  	_ =	swait.ge [sflag:s28], $0x1C00  }
0x36: {  	[sflag:s28] =	ssyncset.done $0x0  }
0x37: {  	s18 =	simm.s32 $0x2000;
	[sflag:s28] =	ssyncadd.s32 $0xFFFFE400  }
0x38: {  	[spmem:s2] =	stream.indirect.scatter.add.f32 [tilespmem:s20], [sflag:$0x5], $0x80, s18, s19, $0xb8;
	[tilespmem:$0x1E8C0] =	vst v63  }
0x39: {  	_ =	swait.ge [sflag:s29], $0x1C00  }
0x3a: {  	[sflag:s29] =	ssyncset.done $0x0  }
0x3b: {  	s16 =	simm.s32 $0x2080;
	[sflag:s29] =	ssyncadd.s32 $0xFFFFE400  }
0x3c: {  	[spmem:s2] =	stream.indirect.scatter.add.f32 [tilespmem:s22], [sflag:$0x6], $0x80, s16, s19, $0xb8;
	[tilespmem:$0x1E8C0] =	vst v63  }
0x3d: {  	_ =	swait.ge [sflag:s30], $0x1C00  }
0x3e: {  	[sflag:s30] =	ssyncset.done $0x0  }
0x3f: {  	s18 =	simm.s32 $0x2100;
	[sflag:s30] =	ssyncadd.s32 $0xFFFFE400  }
0x40: {  	[spmem:s2] =	stream.indirect.scatter.add.f32 [tilespmem:s24], [sflag:$0x7], $0x80, s18, s19, $0xb8;
	[tilespmem:$0x1E8C0] =	vst v63  }
0x41: {  	_ =	swait.ge [sflag:s31], $0x1C00  }
0x42: {  	[sflag:s31] =	ssyncset.done $0x0  }
0x43: {  	s16 =	simm.s32 $0x2180;
	[sflag:s31] =	ssyncadd.s32 $0xFFFFE400  }
0x44: {  	[spmem:s2] =	stream.indirect.scatter.add.f32 [tilespmem:s26], [sflag:$0x8], $0x80, s16, s19, $0xb8;
	[tilespmem:$0x1E8C0] =	vst v63  }
0x45: {  	_ =	swait.ge [sflag:s0], $0x1C00  }
0x46: {  	[sflag:s0] =	ssyncset.done $0x0  }
0x47: {  	s18 =	simm.s32 $0x200;
	[sflag:s0] =	ssyncadd.s32 $0xFFFFE400  }
0x48: {  	[tilespmem:s20], [sflag:$0x1] =	stream.indirect.gather [hbm4b:s1+s19], $0x80, s18, s19, $0xb8;
	[tilespmem:$0x1E8C0] =	vst v63  }
0x49: {  	_ =	swait.ge [sflag:s3], $0x1C00  }
0x4a: {  	[sflag:s3] =	ssyncset.done $0x0  }
0x4b: {  	s16 =	simm.s32 $0x280;
	[sflag:s3] =	ssyncadd.s32 $0xFFFFE400  }
0x4c: {  	[tilespmem:s22], [sflag:$0x2] =	stream.indirect.gather [hbm4b:s1+s19], $0x80, s16, s19, $0xb8;
	[tilespmem:$0x1E8C0] =	vst v63  }
0x4d: {  	_ =	swait.ge [sflag:s6], $0x1C00  }
0x4e: {  	[sflag:s6] =	ssyncset.done $0x0  }
0x4f: {  	s18 =	simm.s32 $0x300;
	[sflag:s6] =	ssyncadd.s32 $0xFFFFE400  }
0x50: {  	[tilespmem:s24], [sflag:$0x3] =	stream.indirect.gather [hbm4b:s1+s19], $0x80, s18, s19, $0xb8;
	[tilespmem:$0x1E8C0] =	vst v63  }
0x51: {  	_ =	swait.ge [sflag:s7], $0x1C00  }
0x52: {  	[sflag:s7] =	ssyncset.done $0x0  }
0x53: {  	s4 =	simm.s32 $0x380;
	s16 =	simm.s32 $0x800;
	[sflag:s7] =	ssyncadd.s32 $0xFFFFE400  }
.LBB2_2:
0x54: {  	[tilespmem:s26], [sflag:$0x4] =	stream.indirect.gather [hbm4b:s1+s19], $0x80, s4, s19, $0xb8;
	[tilespmem:$0x1E8C0] =	vst v63  }
0x55: {  	s4 =	smov.u32 s16  }
0x56: {  	p1 =	sne.s32 s16, $0x6800;
	s16 =	sadd.s32 $0x800, s16;
	_ =	swait.ge [sflag:s28], $0x1C00  }
0x57: {  	s4 =	sshra.s32 s4, $0x2;
	[sflag:s28] =	ssyncset.done $0x0  }
0x58: {  	s18 =	sadd.s32 $0x2000, s4;
	[sflag:s28] =	ssyncadd.s32 $0xFFFFE400  }
0x59: {  	[spmem:s2] =	stream.indirect.scatter.add.f32 [tilespmem:s20], [sflag:$0x5], $0x80, s18, s19, $0xb8;
	[tilespmem:$0x1E8C0] =	vst v63  }
0x5a: {  	_ =	swait.ge [sflag:s29], $0x1C00  }
0x5b: {  	[sflag:s29] =	ssyncset.done $0x0  }
0x5c: {  	s18 =	sadd.s32 $0x2080, s4;
	[sflag:s29] =	ssyncadd.s32 $0xFFFFE400  }
0x5d: {  	[spmem:s2] =	stream.indirect.scatter.add.f32 [tilespmem:s22], [sflag:$0x6], $0x80, s18, s19, $0xb8;
	[tilespmem:$0x1E8C0] =	vst v63  }
0x5e: {  	_ =	swait.ge [sflag:s30], $0x1C00  }
0x5f: {  	[sflag:s30] =	ssyncset.done $0x0  }
0x60: {  	s18 =	sadd.s32 $0x2100, s4;
	[sflag:s30] =	ssyncadd.s32 $0xFFFFE400  }
0x61: {  	[spmem:s2] =	stream.indirect.scatter.add.f32 [tilespmem:s24], [sflag:$0x7], $0x80, s18, s19, $0xb8;
	[tilespmem:$0x1E8C0] =	vst v63  }
0x62: {  	_ =	swait.ge [sflag:s31], $0x1C00  }
0x63: {  	[sflag:s31] =	ssyncset.done $0x0  }
0x64: {  	s18 =	sadd.s32 $0x2180, s4;
	[sflag:s31] =	ssyncadd.s32 $0xFFFFE400  }
0x65: {  	[spmem:s2] =	stream.indirect.scatter.add.f32 [tilespmem:s26], [sflag:$0x8], $0x80, s18, s19, $0xb8;
	[tilespmem:$0x1E8C0] =	vst v63  }
0x66: {  	_ =	swait.ge [sflag:s0], $0x1C00  }
0x67: {  	[sflag:s0] =	ssyncset.done $0x0  }
0x68: {  	s18 =	sadd.s32 $0x200, s4;
	[sflag:s0] =	ssyncadd.s32 $0xFFFFE400  }
0x69: {  	[tilespmem:s20], [sflag:$0x1] =	stream.indirect.gather [hbm4b:s1+s19], $0x80, s18, s19, $0xb8;
	[tilespmem:$0x1E8C0] =	vst v63  }
0x6a: {  	_ =	swait.ge [sflag:s3], $0x1C00  }
0x6b: {  	[sflag:s3] =	ssyncset.done $0x0  }
0x6c: {  	s18 =	sadd.s32 $0x280, s4;
	[sflag:s3] =	ssyncadd.s32 $0xFFFFE400  }
0x6d: {  	[tilespmem:s22], [sflag:$0x2] =	stream.indirect.gather [hbm4b:s1+s19], $0x80, s18, s19, $0xb8;
	[tilespmem:$0x1E8C0] =	vst v63  }
0x6e: {  	_ =	swait.ge [sflag:s6], $0x1C00  }
0x6f: {  	[sflag:s6] =	ssyncset.done $0x0  }
.Ltmp0:
0x70: {  	s18 =	sadd.s32 $0x300, s4;
	[sflag:s6] =	ssyncadd.s32 $0xFFFFE400;
	(pc) =	sbr.rel @p1 .LBB2_2-.Ltmp0, $4  }
0x71: {  	[tilespmem:s24], [sflag:$0x3] =	stream.indirect.gather [hbm4b:s1+s19], $0x80, s18, s19, $0xb8;
	[tilespmem:$0x1E8C0] =	vst v63  }
0x72: {  	_ =	swait.ge [sflag:s7], $0x1C00  }
0x73: {  	[sflag:s7] =	ssyncset.done $0x0  }
0x74: {  	s4 =	sadd.s32 $0x380, s4;
	[sflag:s7] =	ssyncadd.s32 $0xFFFFE400  }
0x75: {  	[tilespmem:s26], [sflag:$0x4] =	stream.indirect.gather [hbm4b:s1+s19], $0x80, s4, s19, $0xb8;
	[tilespmem:$0x1E8C0] =	vst v63  }
0x76: {  	_ =	swait.ge [sflag:s28], $0x1C00  }
0x77: {  	[sflag:s28] =	ssyncset.done $0x0  }
0x78: {  	[sflag:s28] =	ssyncadd.s32 $0xFFFFE400  }
0x79: {  	[spmem:s2] =	stream.indirect.scatter.add.f32 [tilespmem:s20], [sflag:$0x5], $0x80, s8, s19, $0xb8;
	[tilespmem:$0x1E8C0] =	vst v63  }
0x7a: {  	_ =	swait.ge [sflag:s29], $0x1C00  }
0x7b: {  	[sflag:s29] =	ssyncset.done $0x0  }
0x7c: {  	[sflag:s29] =	ssyncadd.s32 $0xFFFFE400  }
0x7d: {  	[spmem:s2] =	stream.indirect.scatter.add.f32 [tilespmem:s22], [sflag:$0x6], $0x80, s9, s19, $0xb8;
	[tilespmem:$0x1E8C0] =	vst v63  }
0x7e: {  	_ =	swait.ge [sflag:s30], $0x1C00  }
0x7f: {  	[sflag:s30] =	ssyncset.done $0x0  }
0x80: {  	[sflag:s30] =	ssyncadd.s32 $0xFFFFE400  }
0x81: {  	[spmem:s2] =	stream.indirect.scatter.add.f32 [tilespmem:s24], [sflag:$0x7], $0x80, s10, s19, $0xb8;
	[tilespmem:$0x1E8C0] =	vst v63  }
0x82: {  	_ =	swait.ge [sflag:s31], $0x1C00  }
0x83: {  	[sflag:s31] =	ssyncset.done $0x0  }
0x84: {  	[sflag:s31] =	ssyncadd.s32 $0xFFFFE400  }
0x85: {  	[spmem:s2] =	stream.indirect.scatter.add.f32 [tilespmem:s26], [sflag:$0x8], $0x80, s11, s19, $0xb8;
	[tilespmem:$0x1E8C0] =	vst v63  }
0x86: {  	_ =	swait.ge [sflag:s0], $0x1C00  }
0x87: {  	[sflag:s0] =	ssyncset.done $0x0  }
0x88: {  	[sflag:s0] =	ssyncadd.s32 $0xFFFFE400  }
0x89: {  	_ =	swait.ge [sflag:s3], $0x1C00  }
0x8a: {  	[sflag:s3] =	ssyncset.done $0x0  }
0x8b: {  	[sflag:s3] =	ssyncadd.s32 $0xFFFFE400  }
0x8c: {  	_ =	swait.ge [sflag:s6], $0x1C00  }
0x8d: {  	[sflag:s6] =	ssyncset.done $0x0  }
0x8e: {  	[sflag:s6] =	ssyncadd.s32 $0xFFFFE400  }
0x8f: {  	_ =	swait.ge [sflag:s7], $0x1C00  }
0x90: {  	[sflag:s7] =	ssyncset.done $0x0  }
0x91: {  	s4 =	simm.s32 $0x0;
	s16 =	rddreg [dreg:$0x8];
	[sflag:s7] =	ssyncadd.s32 $0xFFFFE400  }
0x92: {  	[tilespmem:s4], [sflag:$0x9] =	stream.linear.gather [hbm4b:s16+s4], $0x1E00, $0x38;
	[tilespmem:$0x1E8C0] =	vst v63  }
0x93: {  	_ =	swait.ge [sflag:s17], $0x1E00  }
0x94: {  	[sflag:s17] =	ssyncset.done $0x0  }
0x95: {  	s18 =	simm.s32 $0x2000;
	s16 =	rddreg [dreg:$0x9];
	[sflag:s17] =	ssyncadd.s32 $0xFFFFE200  }
0x96: {  	[tilespmem:s18], [sflag:$0x9] =	stream.linear.gather [hbm4b:s16+s4], $0x1E00, $0x38;
	[tilespmem:$0x1E8C0] =	vst v63  }
0x97: {  	_ =	swait.ge [sflag:s17], $0x1E00  }
0x98: {  	[sflag:s17] =	ssyncset.done $0x0  }
0x99: {  	[sflag:s17] =	ssyncadd.s32 $0xFFFFE200  }
0x9a: {  	[tilespmem:s20], [sflag:$0x1] =	stream.indirect.gather [hbm4b:s1+s19], $0x80, s4, s19, $0xb8;
	[tilespmem:$0x1E8C0] =	vst v63  }
0x9b: {  	_ = 	snop  }
0x9c: {  	[tilespmem:s22], [sflag:$0x2] =	stream.indirect.gather [hbm4b:s1+s19], $0x80, s21, s19, $0xb8;
	[tilespmem:$0x1E8C0] =	vst v63  }
0x9d: {  	_ = 	snop  }
0x9e: {  	[tilespmem:s24], [sflag:$0x3] =	stream.indirect.gather [hbm4b:s1+s19], $0x80, s23, s19, $0xb8;
	[tilespmem:$0x1E8C0] =	vst v63  }
0x9f: {  	_ = 	snop  }
0xa0: {  	[tilespmem:s26], [sflag:$0x4] =	stream.indirect.gather [hbm4b:s1+s19], $0x80, s25, s19, $0xb8;
	[tilespmem:$0x1E8C0] =	vst v63  }
0xa1: {  	_ =	swait.ge [sflag:s28], $0x1C00  }
0xa2: {  	[sflag:s28] =	ssyncset.done $0x0  }
0xa3: {  	s18 =	simm.s32 $0x2000;
	[sflag:s28] =	ssyncadd.s32 $0xFFFFE400  }
0xa4: {  	[spmem:s2] =	stream.indirect.scatter.add.f32 [tilespmem:s20], [sflag:$0x5], $0x80, s18, s19, $0xb8;
	[tilespmem:$0x1E8C0] =	vst v63  }
0xa5: {  	_ =	swait.ge [sflag:s29], $0x1C00  }
0xa6: {  	[sflag:s29] =	ssyncset.done $0x0  }
0xa7: {  	s16 =	simm.s32 $0x2080;
	[sflag:s29] =	ssyncadd.s32 $0xFFFFE400  }
0xa8: {  	[spmem:s2] =	stream.indirect.scatter.add.f32 [tilespmem:s22], [sflag:$0x6], $0x80, s16, s19, $0xb8;
	[tilespmem:$0x1E8C0] =	vst v63  }
0xa9: {  	_ =	swait.ge [sflag:s30], $0x1C00  }
0xaa: {  	[sflag:s30] =	ssyncset.done $0x0  }
0xab: {  	s18 =	simm.s32 $0x2100;
	[sflag:s30] =	ssyncadd.s32 $0xFFFFE400  }
0xac: {  	[spmem:s2] =	stream.indirect.scatter.add.f32 [tilespmem:s24], [sflag:$0x7], $0x80, s18, s19, $0xb8;
	[tilespmem:$0x1E8C0] =	vst v63  }
0xad: {  	_ =	swait.ge [sflag:s31], $0x1C00  }
0xae: {  	[sflag:s31] =	ssyncset.done $0x0  }
0xaf: {  	s16 =	simm.s32 $0x2180;
	[sflag:s31] =	ssyncadd.s32 $0xFFFFE400  }
0xb0: {  	[spmem:s2] =	stream.indirect.scatter.add.f32 [tilespmem:s26], [sflag:$0x8], $0x80, s16, s19, $0xb8;
	[tilespmem:$0x1E8C0] =	vst v63  }
0xb1: {  	_ =	swait.ge [sflag:s0], $0x1C00  }
0xb2: {  	[sflag:s0] =	ssyncset.done $0x0  }
0xb3: {  	s18 =	simm.s32 $0x200;
	[sflag:s0] =	ssyncadd.s32 $0xFFFFE400  }
0xb4: {  	[tilespmem:s20], [sflag:$0x1] =	stream.indirect.gather [hbm4b:s1+s19], $0x80, s18, s19, $0xb8;
	[tilespmem:$0x1E8C0] =	vst v63  }
0xb5: {  	_ =	swait.ge [sflag:s3], $0x1C00  }
0xb6: {  	[sflag:s3] =	ssyncset.done $0x0  }
0xb7: {  	s16 =	simm.s32 $0x280;
	[sflag:s3] =	ssyncadd.s32 $0xFFFFE400  }
0xb8: {  	[tilespmem:s22], [sflag:$0x2] =	stream.indirect.gather [hbm4b:s1+s19], $0x80, s16, s19, $0xb8;
	[tilespmem:$0x1E8C0] =	vst v63  }
0xb9: {  	_ =	swait.ge [sflag:s6], $0x1C00  }
0xba: {  	[sflag:s6] =	ssyncset.done $0x0  }
0xbb: {  	s18 =	simm.s32 $0x300;
	[sflag:s6] =	ssyncadd.s32 $0xFFFFE400  }
0xbc: {  	[tilespmem:s24], [sflag:$0x3] =	stream.indirect.gather [hbm4b:s1+s19], $0x80, s18, s19, $0xb8;
	[tilespmem:$0x1E8C0] =	vst v63  }
0xbd: {  	_ =	swait.ge [sflag:s7], $0x1C00  }
0xbe: {  	[sflag:s7] =	ssyncset.done $0x0  }
0xbf: {  	s4 =	simm.s32 $0x380;
	s16 =	simm.s32 $0x800;
	[sflag:s7] =	ssyncadd.s32 $0xFFFFE400  }
.LBB2_4:
0xc0: {  	[tilespmem:s26], [sflag:$0x4] =	stream.indirect.gather [hbm4b:s1+s19], $0x80, s4, s19, $0xb8;
	[tilespmem:$0x1E8C0] =	vst v63  }
0xc1: {  	s4 =	smov.u32 s16  }
0xc2: {  	p1 =	sne.s32 s16, $0x6800;
	s16 =	sadd.s32 $0x800, s16;
	_ =	swait.ge [sflag:s28], $0x1C00  }
0xc3: {  	s4 =	sshra.s32 s4, $0x2;
	[sflag:s28] =	ssyncset.done $0x0  }
0xc4: {  	s18 =	sadd.s32 $0x2000, s4;
	[sflag:s28] =	ssyncadd.s32 $0xFFFFE400  }
0xc5: {  	[spmem:s2] =	stream.indirect.scatter.add.f32 [tilespmem:s20], [sflag:$0x5], $0x80, s18, s19, $0xb8;
	[tilespmem:$0x1E8C0] =	vst v63  }
0xc6: {  	_ =	swait.ge [sflag:s29], $0x1C00  }
0xc7: {  	[sflag:s29] =	ssyncset.done $0x0  }
0xc8: {  	s18 =	sadd.s32 $0x2080, s4;
	[sflag:s29] =	ssyncadd.s32 $0xFFFFE400  }
0xc9: {  	[spmem:s2] =	stream.indirect.scatter.add.f32 [tilespmem:s22], [sflag:$0x6], $0x80, s18, s19, $0xb8;
	[tilespmem:$0x1E8C0] =	vst v63  }
0xca: {  	_ =	swait.ge [sflag:s30], $0x1C00  }
0xcb: {  	[sflag:s30] =	ssyncset.done $0x0  }
0xcc: {  	s18 =	sadd.s32 $0x2100, s4;
	[sflag:s30] =	ssyncadd.s32 $0xFFFFE400  }
0xcd: {  	[spmem:s2] =	stream.indirect.scatter.add.f32 [tilespmem:s24], [sflag:$0x7], $0x80, s18, s19, $0xb8;
	[tilespmem:$0x1E8C0] =	vst v63  }
0xce: {  	_ =	swait.ge [sflag:s31], $0x1C00  }
0xcf: {  	[sflag:s31] =	ssyncset.done $0x0  }
0xd0: {  	s18 =	sadd.s32 $0x2180, s4;
	[sflag:s31] =	ssyncadd.s32 $0xFFFFE400  }
0xd1: {  	[spmem:s2] =	stream.indirect.scatter.add.f32 [tilespmem:s26], [sflag:$0x8], $0x80, s18, s19, $0xb8;
	[tilespmem:$0x1E8C0] =	vst v63  }
0xd2: {  	_ =	swait.ge [sflag:s0], $0x1C00  }
0xd3: {  	[sflag:s0] =	ssyncset.done $0x0  }
0xd4: {  	s18 =	sadd.s32 $0x200, s4;
	[sflag:s0] =	ssyncadd.s32 $0xFFFFE400  }
0xd5: {  	[tilespmem:s20], [sflag:$0x1] =	stream.indirect.gather [hbm4b:s1+s19], $0x80, s18, s19, $0xb8;
	[tilespmem:$0x1E8C0] =	vst v63  }
0xd6: {  	_ =	swait.ge [sflag:s3], $0x1C00  }
0xd7: {  	[sflag:s3] =	ssyncset.done $0x0  }
0xd8: {  	s18 =	sadd.s32 $0x280, s4;
	[sflag:s3] =	ssyncadd.s32 $0xFFFFE400  }
0xd9: {  	[tilespmem:s22], [sflag:$0x2] =	stream.indirect.gather [hbm4b:s1+s19], $0x80, s18, s19, $0xb8;
	[tilespmem:$0x1E8C0] =	vst v63  }
0xda: {  	_ =	swait.ge [sflag:s6], $0x1C00  }
0xdb: {  	[sflag:s6] =	ssyncset.done $0x0  }
.Ltmp1:
0xdc: {  	s18 =	sadd.s32 $0x300, s4;
	[sflag:s6] =	ssyncadd.s32 $0xFFFFE400;
	(pc) =	sbr.rel @p1 .LBB2_4-.Ltmp1, $4  }
0xdd: {  	[tilespmem:s24], [sflag:$0x3] =	stream.indirect.gather [hbm4b:s1+s19], $0x80, s18, s19, $0xb8;
	[tilespmem:$0x1E8C0] =	vst v63  }
0xde: {  	_ =	swait.ge [sflag:s7], $0x1C00  }
0xdf: {  	[sflag:s7] =	ssyncset.done $0x0  }
0xe0: {  	s4 =	sadd.s32 $0x380, s4;
	[sflag:s7] =	ssyncadd.s32 $0xFFFFE400  }
0xe1: {  	[tilespmem:s26], [sflag:$0x4] =	stream.indirect.gather [hbm4b:s1+s19], $0x80, s4, s19, $0xb8;
	[tilespmem:$0x1E8C0] =	vst v63  }
0xe2: {  	_ =	swait.ge [sflag:s28], $0x1C00  }
0xe3: {  	[sflag:s28] =	ssyncset.done $0x0  }
0xe4: {  	[sflag:s28] =	ssyncadd.s32 $0xFFFFE400  }
0xe5: {  	[spmem:s2] =	stream.indirect.scatter.add.f32 [tilespmem:s20], [sflag:$0x5], $0x80, s8, s19, $0xb8;
	[tilespmem:$0x1E8C0] =	vst v63  }
0xe6: {  	_ =	swait.ge [sflag:s29], $0x1C00  }
0xe7: {  	[sflag:s29] =	ssyncset.done $0x0  }
0xe8: {  	[sflag:s29] =	ssyncadd.s32 $0xFFFFE400  }
0xe9: {  	[spmem:s2] =	stream.indirect.scatter.add.f32 [tilespmem:s22], [sflag:$0x6], $0x80, s9, s19, $0xb8;
	[tilespmem:$0x1E8C0] =	vst v63  }
0xea: {  	_ =	swait.ge [sflag:s30], $0x1C00  }
0xeb: {  	[sflag:s30] =	ssyncset.done $0x0  }
0xec: {  	[sflag:s30] =	ssyncadd.s32 $0xFFFFE400  }
0xed: {  	[spmem:s2] =	stream.indirect.scatter.add.f32 [tilespmem:s24], [sflag:$0x7], $0x80, s10, s19, $0xb8;
	[tilespmem:$0x1E8C0] =	vst v63  }
0xee: {  	_ =	swait.ge [sflag:s31], $0x1C00  }
0xef: {  	[sflag:s31] =	ssyncset.done $0x0  }
0xf0: {  	[sflag:s31] =	ssyncadd.s32 $0xFFFFE400  }
0xf1: {  	[spmem:s2] =	stream.indirect.scatter.add.f32 [tilespmem:s26], [sflag:$0x8], $0x80, s11, s19, $0xb8;
	[tilespmem:$0x1E8C0] =	vst v63  }
0xf2: {  	_ =	swait.ge [sflag:s0], $0x1C00  }
0xf3: {  	[sflag:s0] =	ssyncset.done $0x0  }
0xf4: {  	[sflag:s0] =	ssyncadd.s32 $0xFFFFE400  }
0xf5: {  	_ =	swait.ge [sflag:s3], $0x1C00  }
0xf6: {  	[sflag:s3] =	ssyncset.done $0x0  }
0xf7: {  	[sflag:s3] =	ssyncadd.s32 $0xFFFFE400  }
0xf8: {  	_ =	swait.ge [sflag:s6], $0x1C00  }
0xf9: {  	[sflag:s6] =	ssyncset.done $0x0  }
0xfa: {  	[sflag:s6] =	ssyncadd.s32 $0xFFFFE400  }
0xfb: {  	_ =	swait.ge [sflag:s7], $0x1C00  }
0xfc: {  	[sflag:s7] =	ssyncset.done $0x0  }
0xfd: {  	s4 =	simm.s32 $0x0;
	s16 =	rddreg [dreg:$0xa];
	[sflag:s7] =	ssyncadd.s32 $0xFFFFE400  }
0xfe: {  	[tilespmem:s4], [sflag:$0x9] =	stream.linear.gather [hbm4b:s16+s4], $0x1E00, $0x38;
	[tilespmem:$0x1E8C0] =	vst v63  }
0xff: {  	_ =	swait.ge [sflag:s17], $0x1E00  }
0x100: {  	[sflag:s17] =	ssyncset.done $0x0  }
0x101: {  	s18 =	simm.s32 $0x2000;
	s16 =	rddreg [dreg:$0xb];
	[sflag:s17] =	ssyncadd.s32 $0xFFFFE200  }
0x102: {  	[tilespmem:s18], [sflag:$0x9] =	stream.linear.gather [hbm4b:s16+s4], $0x1E00, $0x38;
	[tilespmem:$0x1E8C0] =	vst v63  }
0x103: {  	_ =	swait.ge [sflag:s17], $0x1E00  }
0x104: {  	[sflag:s17] =	ssyncset.done $0x0  }
0x105: {  	[sflag:s17] =	ssyncadd.s32 $0xFFFFE200  }
0x106: {  	[tilespmem:s20], [sflag:$0x1] =	stream.indirect.gather [hbm4b:s1+s19], $0x80, s4, s19, $0xb8;
	[tilespmem:$0x1E8C0] =	vst v63  }
0x107: {  	_ = 	snop  }
0x108: {  	[tilespmem:s22], [sflag:$0x2] =	stream.indirect.gather [hbm4b:s1+s19], $0x80, s21, s19, $0xb8;
	[tilespmem:$0x1E8C0] =	vst v63  }
0x109: {  	_ = 	snop  }
0x10a: {  	[tilespmem:s24], [sflag:$0x3] =	stream.indirect.gather [hbm4b:s1+s19], $0x80, s23, s19, $0xb8;
	[tilespmem:$0x1E8C0] =	vst v63  }
0x10b: {  	_ = 	snop  }
0x10c: {  	[tilespmem:s26], [sflag:$0x4] =	stream.indirect.gather [hbm4b:s1+s19], $0x80, s25, s19, $0xb8;
	[tilespmem:$0x1E8C0] =	vst v63  }
0x10d: {  	_ =	swait.ge [sflag:s28], $0x1C00  }
0x10e: {  	[sflag:s28] =	ssyncset.done $0x0  }
0x10f: {  	s18 =	simm.s32 $0x2000;
	[sflag:s28] =	ssyncadd.s32 $0xFFFFE400  }
0x110: {  	[spmem:s2] =	stream.indirect.scatter.add.f32 [tilespmem:s20], [sflag:$0x5], $0x80, s18, s19, $0xb8;
	[tilespmem:$0x1E8C0] =	vst v63  }
0x111: {  	_ =	swait.ge [sflag:s29], $0x1C00  }
0x112: {  	[sflag:s29] =	ssyncset.done $0x0  }
0x113: {  	s16 =	simm.s32 $0x2080;
	[sflag:s29] =	ssyncadd.s32 $0xFFFFE400  }
0x114: {  	[spmem:s2] =	stream.indirect.scatter.add.f32 [tilespmem:s22], [sflag:$0x6], $0x80, s16, s19, $0xb8;
	[tilespmem:$0x1E8C0] =	vst v63  }
0x115: {  	_ =	swait.ge [sflag:s30], $0x1C00  }
0x116: {  	[sflag:s30] =	ssyncset.done $0x0  }
0x117: {  	s18 =	simm.s32 $0x2100;
	[sflag:s30] =	ssyncadd.s32 $0xFFFFE400  }
0x118: {  	[spmem:s2] =	stream.indirect.scatter.add.f32 [tilespmem:s24], [sflag:$0x7], $0x80, s18, s19, $0xb8;
	[tilespmem:$0x1E8C0] =	vst v63  }
0x119: {  	_ =	swait.ge [sflag:s31], $0x1C00  }
0x11a: {  	[sflag:s31] =	ssyncset.done $0x0  }
0x11b: {  	s16 =	simm.s32 $0x2180;
	[sflag:s31] =	ssyncadd.s32 $0xFFFFE400  }
0x11c: {  	[spmem:s2] =	stream.indirect.scatter.add.f32 [tilespmem:s26], [sflag:$0x8], $0x80, s16, s19, $0xb8;
	[tilespmem:$0x1E8C0] =	vst v63  }
0x11d: {  	_ =	swait.ge [sflag:s0], $0x1C00  }
0x11e: {  	[sflag:s0] =	ssyncset.done $0x0  }
0x11f: {  	s18 =	simm.s32 $0x200;
	[sflag:s0] =	ssyncadd.s32 $0xFFFFE400  }
0x120: {  	[tilespmem:s20], [sflag:$0x1] =	stream.indirect.gather [hbm4b:s1+s19], $0x80, s18, s19, $0xb8;
	[tilespmem:$0x1E8C0] =	vst v63  }
0x121: {  	_ =	swait.ge [sflag:s3], $0x1C00  }
0x122: {  	[sflag:s3] =	ssyncset.done $0x0  }
0x123: {  	s16 =	simm.s32 $0x280;
	[sflag:s3] =	ssyncadd.s32 $0xFFFFE400  }
0x124: {  	[tilespmem:s22], [sflag:$0x2] =	stream.indirect.gather [hbm4b:s1+s19], $0x80, s16, s19, $0xb8;
	[tilespmem:$0x1E8C0] =	vst v63  }
0x125: {  	_ =	swait.ge [sflag:s6], $0x1C00  }
0x126: {  	[sflag:s6] =	ssyncset.done $0x0  }
0x127: {  	s18 =	simm.s32 $0x300;
	[sflag:s6] =	ssyncadd.s32 $0xFFFFE400  }
0x128: {  	[tilespmem:s24], [sflag:$0x3] =	stream.indirect.gather [hbm4b:s1+s19], $0x80, s18, s19, $0xb8;
	[tilespmem:$0x1E8C0] =	vst v63  }
0x129: {  	_ =	swait.ge [sflag:s7], $0x1C00  }
0x12a: {  	[sflag:s7] =	ssyncset.done $0x0  }
0x12b: {  	s4 =	simm.s32 $0x380;
	s16 =	simm.s32 $0x800;
	[sflag:s7] =	ssyncadd.s32 $0xFFFFE400  }
.LBB2_6:
0x12c: {  	[tilespmem:s26], [sflag:$0x4] =	stream.indirect.gather [hbm4b:s1+s19], $0x80, s4, s19, $0xb8;
	[tilespmem:$0x1E8C0] =	vst v63  }
0x12d: {  	s4 =	smov.u32 s16  }
0x12e: {  	p1 =	sne.s32 s16, $0x6800;
	s16 =	sadd.s32 $0x800, s16;
	_ =	swait.ge [sflag:s28], $0x1C00  }
0x12f: {  	s4 =	sshra.s32 s4, $0x2;
	[sflag:s28] =	ssyncset.done $0x0  }
0x130: {  	s18 =	sadd.s32 $0x2000, s4;
	[sflag:s28] =	ssyncadd.s32 $0xFFFFE400  }
0x131: {  	[spmem:s2] =	stream.indirect.scatter.add.f32 [tilespmem:s20], [sflag:$0x5], $0x80, s18, s19, $0xb8;
	[tilespmem:$0x1E8C0] =	vst v63  }
0x132: {  	_ =	swait.ge [sflag:s29], $0x1C00  }
0x133: {  	[sflag:s29] =	ssyncset.done $0x0  }
0x134: {  	s18 =	sadd.s32 $0x2080, s4;
	[sflag:s29] =	ssyncadd.s32 $0xFFFFE400  }
0x135: {  	[spmem:s2] =	stream.indirect.scatter.add.f32 [tilespmem:s22], [sflag:$0x6], $0x80, s18, s19, $0xb8;
	[tilespmem:$0x1E8C0] =	vst v63  }
0x136: {  	_ =	swait.ge [sflag:s30], $0x1C00  }
0x137: {  	[sflag:s30] =	ssyncset.done $0x0  }
0x138: {  	s18 =	sadd.s32 $0x2100, s4;
	[sflag:s30] =	ssyncadd.s32 $0xFFFFE400  }
0x139: {  	[spmem:s2] =	stream.indirect.scatter.add.f32 [tilespmem:s24], [sflag:$0x7], $0x80, s18, s19, $0xb8;
	[tilespmem:$0x1E8C0] =	vst v63  }
0x13a: {  	_ =	swait.ge [sflag:s31], $0x1C00  }
0x13b: {  	[sflag:s31] =	ssyncset.done $0x0  }
0x13c: {  	s18 =	sadd.s32 $0x2180, s4;
	[sflag:s31] =	ssyncadd.s32 $0xFFFFE400  }
0x13d: {  	[spmem:s2] =	stream.indirect.scatter.add.f32 [tilespmem:s26], [sflag:$0x8], $0x80, s18, s19, $0xb8;
	[tilespmem:$0x1E8C0] =	vst v63  }
0x13e: {  	_ =	swait.ge [sflag:s0], $0x1C00  }
0x13f: {  	[sflag:s0] =	ssyncset.done $0x0  }
0x140: {  	s18 =	sadd.s32 $0x200, s4;
	[sflag:s0] =	ssyncadd.s32 $0xFFFFE400  }
0x141: {  	[tilespmem:s20], [sflag:$0x1] =	stream.indirect.gather [hbm4b:s1+s19], $0x80, s18, s19, $0xb8;
	[tilespmem:$0x1E8C0] =	vst v63  }
0x142: {  	_ =	swait.ge [sflag:s3], $0x1C00  }
0x143: {  	[sflag:s3] =	ssyncset.done $0x0  }
0x144: {  	s18 =	sadd.s32 $0x280, s4;
	[sflag:s3] =	ssyncadd.s32 $0xFFFFE400  }
0x145: {  	[tilespmem:s22], [sflag:$0x2] =	stream.indirect.gather [hbm4b:s1+s19], $0x80, s18, s19, $0xb8;
	[tilespmem:$0x1E8C0] =	vst v63  }
0x146: {  	_ =	swait.ge [sflag:s6], $0x1C00  }
0x147: {  	[sflag:s6] =	ssyncset.done $0x0  }
.Ltmp2:
0x148: {  	s18 =	sadd.s32 $0x300, s4;
	[sflag:s6] =	ssyncadd.s32 $0xFFFFE400;
	(pc) =	sbr.rel @p1 .LBB2_6-.Ltmp2, $4  }
0x149: {  	[tilespmem:s24], [sflag:$0x3] =	stream.indirect.gather [hbm4b:s1+s19], $0x80, s18, s19, $0xb8;
	[tilespmem:$0x1E8C0] =	vst v63  }
0x14a: {  	_ =	swait.ge [sflag:s7], $0x1C00  }
0x14b: {  	[sflag:s7] =	ssyncset.done $0x0  }
0x14c: {  	s4 =	sadd.s32 $0x380, s4;
	[sflag:s7] =	ssyncadd.s32 $0xFFFFE400  }
0x14d: {  	[tilespmem:s26], [sflag:$0x4] =	stream.indirect.gather [hbm4b:s1+s19], $0x80, s4, s19, $0xb8;
	[tilespmem:$0x1E8C0] =	vst v63  }
0x14e: {  	_ =	swait.ge [sflag:s28], $0x1C00  }
0x14f: {  	[sflag:s28] =	ssyncset.done $0x0  }
0x150: {  	[sflag:s28] =	ssyncadd.s32 $0xFFFFE400  }
0x151: {  	[spmem:s2] =	stream.indirect.scatter.add.f32 [tilespmem:s20], [sflag:$0x5], $0x80, s8, s19, $0xb8;
	[tilespmem:$0x1E8C0] =	vst v63  }
0x152: {  	_ =	swait.ge [sflag:s29], $0x1C00  }
0x153: {  	[sflag:s29] =	ssyncset.done $0x0  }
0x154: {  	[sflag:s29] =	ssyncadd.s32 $0xFFFFE400  }
0x155: {  	[spmem:s2] =	stream.indirect.scatter.add.f32 [tilespmem:s22], [sflag:$0x6], $0x80, s9, s19, $0xb8;
	[tilespmem:$0x1E8C0] =	vst v63  }
0x156: {  	_ =	swait.ge [sflag:s30], $0x1C00  }
0x157: {  	[sflag:s30] =	ssyncset.done $0x0  }
0x158: {  	[sflag:s30] =	ssyncadd.s32 $0xFFFFE400  }
0x159: {  	[spmem:s2] =	stream.indirect.scatter.add.f32 [tilespmem:s24], [sflag:$0x7], $0x80, s10, s19, $0xb8;
	[tilespmem:$0x1E8C0] =	vst v63  }
0x15a: {  	_ =	swait.ge [sflag:s31], $0x1C00  }
0x15b: {  	[sflag:s31] =	ssyncset.done $0x0  }
0x15c: {  	[sflag:s31] =	ssyncadd.s32 $0xFFFFE400  }
0x15d: {  	[spmem:s2] =	stream.indirect.scatter.add.f32 [tilespmem:s26], [sflag:$0x8], $0x80, s11, s19, $0xb8;
	[tilespmem:$0x1E8C0] =	vst v63  }
0x15e: {  	_ =	swait.ge [sflag:s0], $0x1C00  }
0x15f: {  	[sflag:s0] =	ssyncset.done $0x0  }
0x160: {  	[sflag:s0] =	ssyncadd.s32 $0xFFFFE400  }
0x161: {  	_ =	swait.ge [sflag:s3], $0x1C00  }
0x162: {  	[sflag:s3] =	ssyncset.done $0x0  }
0x163: {  	[sflag:s3] =	ssyncadd.s32 $0xFFFFE400  }
0x164: {  	_ =	swait.ge [sflag:s6], $0x1C00  }
0x165: {  	[sflag:s6] =	ssyncset.done $0x0  }
0x166: {  	[sflag:s6] =	ssyncadd.s32 $0xFFFFE400  }
0x167: {  	_ =	swait.ge [sflag:s7], $0x1C00  }
0x168: {  	[sflag:s7] =	ssyncset.done $0x0  }
0x169: {  	[sflag:s7] =	ssyncadd.s32 $0xFFFFE400  }
0x16a: {  	[bflag:$0x0] =	sbarrier.arrive $0xFFFF  }
0x16b: {  	s16 =	rddreg [dreg:$0xc]  }
0x16c: {  	[hbm:s16], [sflag:s13] =	dma.local [spmem:s14], $0x2700  }
0x16d: {  	_ =	swait.ge [sflag:s17], $0x2700  }
0x16e: {  	[sflag:s17] =	ssyncset.done $0x0  }
0x16f: {  	s4 =	rddreg [dreg:$0xd];
	[sflag:s17] =	ssyncadd.s32 $0xFFFFD900  }
0x170: {  	[hbm:s4], [sflag:s13] =	dma.local @!p0 [spmem:s15], $0x100  }
0x171: {  	s4 =	simm.s32 @!p0 $0x9  }
0x172: {  	_ =	swait.ge @!p0 [sflag:s4], $0x100  }
0x173: {  	s12 =	sadd.s32 $0x1, s12;
	s18 =	rddreg [dreg:$0xe]  }
0x174: {  	p1 =	sne.s32 s12, s18  }
.Ltmp3:
0x175: {  	_ = 	snop;
	(pc) =	sbr.rel @p1 .LBB2_1-.Ltmp3, $3  }
0x176: {  	_ =	sdelay $0x1  }
0x177: {  	[sflag:s4] =	ssyncset.done @!p0 $0x0  }
0x178: {  	[sflag:s4] =	ssyncadd.s32 @!p0 $0xFFFFFF00  }
0x179: {  	_ =	sfence.sel $0x180000  }
0x17a: {  	[bflag:$0x0] =	sbarrier.arrive $0xFFFF  }
0x17b: {  	_ =	strace $0x90000047  }
0x17c: {  	s0 =	stileid.u32;
	[bflag:$0x2] =	sbarrier.arrive $0xFFFF  }
0x17d: {  	p0 =	sne.s32 s0, $0x0;
	s0 =	rddreg [dreg:$0x3]  }
0x17e: {  	s0 =	sadd.s32 @!p0 $0x100000, s0  }
0x17f: {  	[sflag:s0] =	ssyncadd.tile.s32 @!p0 $0x1;
	_ =	shalt  }
.Lfunc_end2:
_tile_overlayer_lowered:
.L_overlay_start_2:
0x180: {  	(tag) =	ssettag $0x2  }
0x181: {  	s0 =	rddreg [dreg:$0x0];
	s2 =	stileid.u32  }
0x182: {  	s1 =	rddreg [dreg:$0x1];
	p0 =	sne.s32 s2, $0x0  }
0x183: {  	s3 =	rddreg [dreg:$0x2];
	[bflag:$0x3] =	sbarrier.arrive $0xFFFF;
	s2 =	simm.s32 @!p0 $0x1C09  }
0x184: {  	[timem:s3], [sflag:s2] =	dma.local @!p0 [hbm:s0], s1  }
0x185: {  	s0 =	simm.s32 @!p0 $0x9  }
0x186: {  	_ =	swait.ge @!p0 [sflag:s0], s1  }
0x187: {  	s1 =	ssub.s32 @!p0 $0x0, s1;
	[sflag:s0] =	ssyncset.done @!p0 $0x0  }
0x188: {  	[sflag:s0] =	ssyncadd.s32 @!p0 s1  }
0x189: {  	[bflag:$0x3] =	sbarrier.arrive $0xFFFF  }
0x18a: {  	_ =	shalt  }

</sc_bundles>
